<compile_context>
chip_gen: v7x
topology: tpu7x:2x2x1
jax: 0.10.2.dev20260603
libtpu: 0.0.44.dev20260713+nightly
codegen_flags: <defaults>
</compile_context>

<pallas_src>
import functools

import jax
import jax.numpy as jnp
from jax import lax
from jax.experimental import pallas as pl
from jax.experimental.pallas import tpu as pltpu
from jax.experimental.pallas import tpu_sc as plsc

_N_WORKERS = 32
_LANE = 128
_SUB = 8


@functools.lru_cache(maxsize=None)
def _make_gather(hist: int, batch: int, dim: int):
    bw = batch // _N_WORKERS
    assert bw == _LANE
    td = dim // _SUB
    n_groups = hist // 2
    pitch = _LANE + 1
    mesh = plsc.VectorSubcoreMesh(core_axis_name="c", subcore_axis_name="s")

    @functools.partial(
        pl.kernel,
        mesh=mesh,
        out_type=jax.ShapeDtypeStruct(
            (hist, td, _N_WORKERS, _SUB, _LANE), jnp.float32
        ),
        scratch_types=[
            pltpu.VMEM((hist, bw), jnp.int32),
            pltpu.VMEM((bw, dim), jnp.float32),
            pltpu.VMEM((bw, dim), jnp.float32),
            pltpu.VMEM((td, _SUB, pitch), jnp.float32),
            pltpu.VMEM((td, _SUB, pitch), jnp.float32),
        ]
        + [pltpu.SemaphoreType.DMA] * 5,
        compiler_params=pltpu.CompilerParams(
            use_tc_tiling_on_sc=False, needs_layout_passes=False
        ),
    )
    def gather_kernel(ids_hbm, table_hbm, out_hbm, idx_v, rows0, rows1,
                      tr0, tr1, sem_i, g0, g1, o0, o1):
        wid = lax.axis_index("s") * 2 + lax.axis_index("c")
        b0 = wid * bw

        lane = lax.iota(jnp.int32, 16)
        td_lo, di_lo = lane // _SUB, lane % _SUB
        td_hi = td_lo + 16 // _SUB

        def transpose(rows, tr):
            for r in range(bw):
                rv = jnp.full((16,), r, jnp.int32)
                plsc.store_scatter(tr, [td_lo, di_lo, rv], rows[r, 0:16])
                plsc.store_scatter(tr, [td_hi, di_lo, rv], rows[r, 16:32])

        def gather_copy(h, rows, sem):
            return pltpu.make_async_copy(
                table_hbm.at[idx_v.at[h]], rows, sem
            )

        def out_copy(h, tr, sem):
            return pltpu.make_async_copy(
                tr.at[:, :, 0:bw], out_hbm.at[h, :, wid, :, :], sem
            )

        pltpu.make_async_copy(
            ids_hbm.at[:, pl.ds(b0, bw)], idx_v, sem_i
        ).start()
        pltpu.make_async_copy(
            ids_hbm.at[:, pl.ds(b0, bw)], idx_v, sem_i
        ).wait()
        gather_copy(0, rows0, g0).start()

        def group(g, carry):
            h0 = 2 * g
            h1 = h0 + 1
            gather_copy(h0, rows0, g0).wait()
            gather_copy(h1, rows1, g1).start()

            @pl.when(g > 0)
            def _():
                out_copy(h0, tr0, o0).wait()

            transpose(rows0, tr0)
            out_copy(h0, tr0, o0).start()

            @pl.when(g < n_groups - 1)
            def _():
                gather_copy(h0 + 2, rows0, g0).start()

            gather_copy(h1, rows1, g1).wait()

            @pl.when(g > 0)
            def _():
                out_copy(h1, tr1, o1).wait()

            transpose(rows1, tr1)
            out_copy(h1, tr1, o1).start()
            return carry

        lax.fori_loop(0, n_groups, group, 0)
        out_copy(hist - 2, tr0, o0).wait()
        out_copy(hist - 1, tr1, o1).wait()

    return gather_kernel


def kernel(input_ids, table):
    batch, hist = input_ids.shape
    dim = table.shape[1]
    ids_t = jnp.transpose(input_ids).astype(jnp.int32)
    out_tiles = _make_gather(hist, batch, dim)(ids_t, table)
    return jnp.transpose(out_tiles, (2, 4, 0, 1, 3)).reshape(batch, hist, dim)

# --- scband reference (transcript-rebuilt; emitter-appended) ---
"""Pipeline reference for scband-text-encoder-74534862455255 (READ-ONLY COPY).

The authoritative reference and input builder live on the scoring server;
editing this copy changes nothing except your own understanding.
"""

import jax, jax.numpy as jnp
import numpy as np

VOCAB_SIZE = 1000000
EMBED_DIM = 32
BATCH = 4096
HIST_LEN = 200


def setup_inputs(seed: int = 0) -> dict:
    key = jax.random.key(seed)
    k_idx, k_tab = jax.random.split(key)
    input_ids = jax.random.randint(k_idx, (BATCH, HIST_LEN), 0, VOCAB_SIZE, dtype=jnp.int64 if jax.config.read('jax_enable_x64') else jnp.int32)
    table = jax.random.normal(k_tab, (VOCAB_SIZE, EMBED_DIM), dtype=jnp.float32)
    return {"input_ids": input_ids, "table": table}


def reference(input_ids, table):
    # torch.nn.Embedding forward == row gather from the embedding table
    E = jnp.take(table, input_ids, axis=0)
    return E

if __name__ == "__main__":
    import jax
    _d = setup_inputs()
    print(jax.jit(kernel)(*tuple(_d.values())))

</pallas_src>

<mosaic_0001>
#map = affine_map<(d0, d1) -> (0, 0)>
#map1 = affine_map<(d0, d1) -> (0, 0, 0, 0, 0)>
module attributes {stable_mosaic.version = 14 : i64} {
  func.func @gather_kernel(%arg0: i32, %arg1: i32, %arg2: memref<200x4096xi32, #tpu.memory_space<hbm>>, %arg3: memref<1000000x32xf32, #tpu.memory_space<hbm>>, %arg4: memref<200x4x32x8x128xf32, #tpu.memory_space<hbm>>, %arg5: memref<200x128xi32, #tpu.memory_space<vmem>>, %arg6: memref<128x32xf32, #tpu.memory_space<vmem>>, %arg7: memref<128x32xf32, #tpu.memory_space<vmem>>, %arg8: memref<4x8x129xf32, #tpu.memory_space<vmem>>, %arg9: memref<4x8x129xf32, #tpu.memory_space<vmem>>, %arg10: memref<!tpu.dma_semaphore, #tpu.memory_space<semaphore_mem>>, %arg11: memref<!tpu.dma_semaphore, #tpu.memory_space<semaphore_mem>>, %arg12: memref<!tpu.dma_semaphore, #tpu.memory_space<semaphore_mem>>, %arg13: memref<!tpu.dma_semaphore, #tpu.memory_space<semaphore_mem>>, %arg14: memref<!tpu.dma_semaphore, #tpu.memory_space<semaphore_mem>>) attributes {dimension_semantics = [#tpu.dimension_semantics<core_parallel>, #tpu.dimension_semantics<subcore_parallel>], iteration_bounds = array<i64: 2, 16>, scalar_prefetch = 0 : i64, scratch_operands = 10 : i64, tpu.core_type = #tpu.core_type<sc_vector_subcore>, window_params = [{transform_indices = #map}, {transform_indices = #map}, {transform_indices = #map1}]} {
    %mul3A = arith.constant 2 : i32
    %mul3A_0 = arith.muli %arg1, %mul3A : i32
    %add3A = arith.addi %mul3A_0, %arg0 : i32
    %mul3A_1 = arith.constant 128 : i32
    %mul3A_2 = arith.muli %add3A, %mul3A_1 : i32
    %iota3A = tpu.iota {dimensions = array<i32: 0>} : vector<16xi32>
    %jit3A = arith.constant 8 : i32
    %div3A = vector.broadcast %jit3A : i32 to vector<16xi32>
    %div3A_3 = arith.divsi %iota3A, %div3A : vector<16xi32>
    %sign3A = arith.constant 0 : i32
    %sign3A_4 = vector.broadcast %sign3A : i32 to vector<16xi32>
    %sign3A_5 = arith.cmpi sgt, %iota3A, %sign3A_4 : vector<16xi32>
    %sign3A_6 = arith.extui %sign3A_5 : vector<16xi1> to vector<16xi32>
    %sign3A_7 = arith.constant 0 : i32
    %sign3A_8 = vector.broadcast %sign3A_7 : i32 to vector<16xi32>
    %sign3A_9 = arith.cmpi slt, %iota3A, %sign3A_8 : vector<16xi32>
    %sign3A_10 = arith.extui %sign3A_9 : vector<16xi1> to vector<16xi32>
    %sign3A_11 = arith.subi %sign3A_6, %sign3A_10 : vector<16xi32>
    %sign3A_12 = arith.constant 0 : i32
    %sign3A_13 = arith.cmpi sgt, %jit3A, %sign3A_12 : i32
    %sign3A_14 = arith.extui %sign3A_13 : i1 to i32
    %sign3A_15 = arith.constant 0 : i32
    %sign3A_16 = arith.cmpi slt, %jit3A, %sign3A_15 : i32
    %sign3A_17 = arith.extui %sign3A_16 : i1 to i32
    %sign3A_18 = arith.subi %sign3A_14, %sign3A_17 : i32
    %ne3A = vector.broadcast %sign3A_18 : i32 to vector<16xi32>
    %ne3A_19 = arith.cmpi ne, %sign3A_11, %ne3A : vector<16xi32>
    %rem3A = vector.broadcast %jit3A : i32 to vector<16xi32>
    %rem3A_20 = arith.remsi %iota3A, %rem3A : vector<16xi32>
    %ne3A_21 = arith.constant 0 : i32
    %ne3A_22 = vector.broadcast %ne3A_21 : i32 to vector<16xi32>
    %ne3A_23 = arith.cmpi ne, %rem3A_20, %ne3A_22 : vector<16xi32>
    %and3A = arith.andi %ne3A_19, %ne3A_23 : vector<16xi1>
    %sub3A = arith.constant 1 : i32
    %sub3A_24 = vector.broadcast %sub3A : i32 to vector<16xi32>
    %sub3A_25 = arith.subi %div3A_3, %sub3A_24 : vector<16xi32>
    %select_n3A = arith.select %and3A, %sub3A_25, %div3A_3 : vector<16xi1>, vector<16xi32>
    %jit3A_26 = arith.constant 8 : i32
    %eq3A = arith.constant 0 : i32
    %eq3A_27 = arith.cmpi eq, %jit3A_26, %eq3A : i32
    %jit3A_28 = arith.constant 1 : i32
    %select_n3A_29 = arith.select %eq3A_27, %jit3A_28, %jit3A_26 : i32
    %rem3A_30 = vector.broadcast %select_n3A_29 : i32 to vector<16xi32>
    %rem3A_31 = arith.remsi %iota3A, %rem3A_30 : vector<16xi32>
    %ne3A_32 = arith.constant 0 : i32
    %ne3A_33 = vector.broadcast %ne3A_32 : i32 to vector<16xi32>
    %ne3A_34 = arith.cmpi ne, %rem3A_31, %ne3A_33 : vector<16xi32>
    %lt3A = arith.constant 0 : i32
    %lt3A_35 = vector.broadcast %lt3A : i32 to vector<16xi32>
    %lt3A_36 = arith.cmpi slt, %rem3A_31, %lt3A_35 : vector<16xi32>
    %lt3A_37 = arith.constant 0 : i32
    %lt3A_38 = arith.cmpi slt, %select_n3A_29, %lt3A_37 : i32
    %ne3A_39 = vector.broadcast %lt3A_38 : i1 to vector<16xi1>
    %ne3A_40 = vector.broadcast %ne3A_39 : vector<16xi1> to vector<16xi1>
    %ne3A_41 = arith.xori %lt3A_36, %ne3A_40 : vector<16xi1>
    %and3A_42 = arith.andi %ne3A_41, %ne3A_34 : vector<16xi1>
    %add3A_43 = vector.broadcast %select_n3A_29 : i32 to vector<16xi32>
    %add3A_44 = arith.addi %rem3A_31, %add3A_43 : vector<16xi32>
    %select_n3A_45 = arith.select %and3A_42, %add3A_44, %rem3A_31 : vector<16xi1>, vector<16xi32>
    %add3A_46 = arith.constant 2 : i32
    %add3A_47 = vector.broadcast %add3A_46 : i32 to vector<16xi32>
    %add3A_48 = arith.addi %select_n3A, %add3A_47 : vector<16xi32>
    %dma_start3A = arith.constant 0 : i32
    %dma_start3A_49 = tpu.memref_slice %arg2[%dma_start3A, %mul3A_2] : memref<200x4096xi32, #tpu.memory_space<hbm>> -> memref<200x128xi32, #tpu.memory_space<hbm>>
    %dma_start3A_50 = arith.constant 0 : i32
    %dma_start3A_51 = tpu.memref_slice %arg2[%dma_start3A_50, %mul3A_2] : memref<200x4096xi32, #tpu.memory_space<hbm>> -> memref<200x128xi32, #tpu.memory_space<hbm>>
    tpu.enqueue_dma source(%dma_start3A_51 : memref<200x128xi32, #tpu.memory_space<hbm>>) target(%arg5 : memref<200x128xi32, #tpu.memory_space<vmem>>) target_semaphore(%arg10 : memref<!tpu.dma_semaphore, #tpu.memory_space<semaphore_mem>>)
    %dma_wait3A = arith.constant 0 : i32
    %dma_wait3A_52 = tpu.memref_slice %arg2[%dma_wait3A, %mul3A_2] : memref<200x4096xi32, #tpu.memory_space<hbm>> -> memref<200x128xi32, #tpu.memory_space<hbm>>
    %dma_wait3A_53 = arith.constant 0 : i32
    %dma_wait3A_54 = tpu.memref_slice %arg2[%dma_wait3A_53, %mul3A_2] : memref<200x4096xi32, #tpu.memory_space<hbm>> -> memref<200x128xi32, #tpu.memory_space<hbm>>
    tpu.wait_dma2 semaphore(%arg10 : memref<!tpu.dma_semaphore, #tpu.memory_space<semaphore_mem>>) src(%dma_wait3A_54 : memref<200x128xi32, #tpu.memory_space<hbm>>) dst(%arg5 : memref<200x128xi32, #tpu.memory_space<vmem>>)
    %dma_start3A_55 = arith.constant 0 : i32
    %dma_start3A_56 = arith.constant 0 : i32
    %dma_start3A_57 = tpu.memref_slice %arg5[%dma_start3A_55, %dma_start3A_56] : memref<200x128xi32, #tpu.memory_space<vmem>> -> memref<1x128xi32, #tpu.memory_space<vmem>>
    %dma_start3A_58 = tpu.memref_squeeze %dma_start3A_57 : memref<1x128xi32, #tpu.memory_space<vmem>> -> memref<128xi32, #tpu.memory_space<vmem>>
    %dma_start3A_59 = arith.constant 0 : i32
    %dma_start3A_60 = arith.constant 0 : i32
    %dma_start3A_61 = tpu.memref_slice %arg3[%dma_start3A_59, %dma_start3A_60] : memref<1000000x32xf32, #tpu.memory_space<hbm>> -> memref<1000000x32xf32, #tpu.memory_space<hbm>>
    tpu.enqueue_indirect_dma source(%dma_start3A_61 : memref<1000000x32xf32, #tpu.memory_space<hbm>>) target(%arg6 : memref<128x32xf32, #tpu.memory_space<vmem>>) offsets(%dma_start3A_58 : memref<128xi32, #tpu.memory_space<vmem>>) semaphore(%arg11 : memref<!tpu.dma_semaphore, #tpu.memory_space<semaphore_mem>>)
    %scan3A = arith.constant 0 : i32
    %scan3A_62 = arith.constant 0 : i32
    %scan3A_63 = arith.constant 100 : i32
    %scan3A_64 = arith.addi %scan3A_62, %scan3A_63 : i32
    %scan3A_65 = arith.constant 1 : i32
    scf.for %scan3A_105 = %scan3A_62 to %scan3A_64 step %scan3A_65  : i32 {
      %mul3A_106 = arith.constant 2 : i32
      %mul3A_107 = arith.muli %mul3A_106, %scan3A_105 : i32
      %add3A_108 = arith.constant 1 : i32
      %add3A_109 = arith.addi %mul3A_107, %add3A_108 : i32
      %dma_wait3A_110 = arith.constant 0 : i32
      %dma_wait3A_111 = tpu.memref_slice %arg5[%mul3A_107, %dma_wait3A_110] : memref<200x128xi32, #tpu.memory_space<vmem>> -> memref<1x128xi32, #tpu.memory_space<vmem>>
      %dma_wait3A_112 = tpu.memref_squeeze %dma_wait3A_111 : memref<1x128xi32, #tpu.memory_space<vmem>> -> memref<128xi32, #tpu.memory_space<vmem>>
      %dma_wait3A_113 = arith.constant 0 : i32
      %dma_wait3A_114 = arith.constant 0 : i32
      %dma_wait3A_115 = tpu.memref_slice %arg3[%dma_wait3A_113, %dma_wait3A_114] : memref<1000000x32xf32, #tpu.memory_space<hbm>> -> memref<1000000x32xf32, #tpu.memory_space<hbm>>
      tpu.wait_indirect_dma semaphore(%arg11 : memref<!tpu.dma_semaphore, #tpu.memory_space<semaphore_mem>>) src(%dma_wait3A_115 : memref<1000000x32xf32, #tpu.memory_space<hbm>>) dst(%arg6 : memref<128x32xf32, #tpu.memory_space<vmem>>)
      %dma_start3A_116 = arith.constant 0 : i32
      %dma_start3A_117 = tpu.memref_slice %arg5[%add3A_109, %dma_start3A_116] : memref<200x128xi32, #tpu.memory_space<vmem>> -> memref<1x128xi32, #tpu.memory_space<vmem>>
      %dma_start3A_118 = tpu.memref_squeeze %dma_start3A_117 : memref<1x128xi32, #tpu.memory_space<vmem>> -> memref<128xi32, #tpu.memory_space<vmem>>
      %dma_start3A_119 = arith.constant 0 : i32
      %dma_start3A_120 = arith.constant 0 : i32
      %dma_start3A_121 = tpu.memref_slice %arg3[%dma_start3A_119, %dma_start3A_120] : memref<1000000x32xf32, #tpu.memory_space<hbm>> -> memref<1000000x32xf32, #tpu.memory_space<hbm>>
      tpu.enqueue_indirect_dma source(%dma_start3A_121 : memref<1000000x32xf32, #tpu.memory_space<hbm>>) target(%arg7 : memref<128x32xf32, #tpu.memory_space<vmem>>) offsets(%dma_start3A_118 : memref<128xi32, #tpu.memory_space<vmem>>) semaphore(%arg12 : memref<!tpu.dma_semaphore, #tpu.memory_space<semaphore_mem>>)
      %gt3A = arith.constant 0 : i32
      %gt3A_122 = arith.cmpi sgt, %scan3A_105, %gt3A : i32
      %convert_element_type3A = arith.extui %gt3A_122 : i1 to i32
      %cond3A = arith.constant 0 : i32
      %cond3A_123 = arith.cmpi ne, %convert_element_type3A, %cond3A : i32
      scf.if %cond3A_123 {
        %dma_wait3A_2734 = arith.constant 0 : i32
        %dma_wait3A_2735 = arith.constant 0 : i32
        %dma_wait3A_2736 = arith.constant 0 : i32
        %dma_wait3A_2737 = tpu.memref_slice %arg8[%dma_wait3A_2734, %dma_wait3A_2735, %dma_wait3A_2736] : memref<4x8x129xf32, #tpu.memory_space<vmem>> -> memref<4x8x128xf32, #tpu.memory_space<vmem>>
        %dma_wait3A_2738 = arith.constant 0 : i32
        %dma_wait3A_2739 = arith.constant 0 : i32
        %dma_wait3A_2740 = arith.constant 0 : i32
        %dma_wait3A_2741 = tpu.memref_slice %arg4[%mul3A_107, %dma_wait3A_2738, %add3A, %dma_wait3A_2739, %dma_wait3A_2740] : memref<200x4x32x8x128xf32, #tpu.memory_space<hbm>> -> memref<1x4x1x8x128xf32, #tpu.memory_space<hbm>>
        %dma_wait3A_2742 = tpu.memref_squeeze %dma_wait3A_2741 : memref<1x4x1x8x128xf32, #tpu.memory_space<hbm>> -> memref<4x8x128xf32, #tpu.memory_space<hbm>>
        %dma_wait3A_2743 = arith.constant 0 : i32
        %dma_wait3A_2744 = arith.constant 0 : i32
        %dma_wait3A_2745 = arith.constant 0 : i32
        %dma_wait3A_2746 = tpu.memref_slice %arg4[%mul3A_107, %dma_wait3A_2743, %add3A, %dma_wait3A_2744, %dma_wait3A_2745] : memref<200x4x32x8x128xf32, #tpu.memory_space<hbm>> -> memref<1x4x1x8x128xf32, #tpu.memory_space<hbm>>
        %dma_wait3A_2747 = tpu.memref_squeeze %dma_wait3A_2746 : memref<1x4x1x8x128xf32, #tpu.memory_space<hbm>> -> memref<4x8x128xf32, #tpu.memory_space<hbm>>
        %dma_wait3A_2748 = arith.constant 0 : i32
        %dma_wait3A_2749 = arith.constant 0 : i32
        %dma_wait3A_2750 = arith.constant 0 : i32
        %dma_wait3A_2751 = tpu.memref_slice %arg8[%dma_wait3A_2748, %dma_wait3A_2749, %dma_wait3A_2750] : memref<4x8x129xf32, #tpu.memory_space<vmem>> -> memref<4x8x128xf32, #tpu.memory_space<vmem>>
        tpu.wait_dma2 semaphore(%arg13 : memref<!tpu.dma_semaphore, #tpu.memory_space<semaphore_mem>>) src(%dma_wait3A_2751 : memref<4x8x128xf32, #tpu.memory_space<vmem>>) dst(%dma_wait3A_2747 : memref<4x8x128xf32, #tpu.memory_space<hbm>>)
      } else {
      }
      %broadcast_in_dim3A = arith.constant 0 : i32
      %broadcast_in_dim3A_124 = vector.broadcast %broadcast_in_dim3A : i32 to vector<16xi32>
      %get3A = arith.constant 0 : i32
      %get3A_125 = arith.index_cast %get3A : i32 to index
      %get3A_126 = arith.constant 0 : index
      %get3A_127 = tpu.vector_load %arg6[%get3A_125, %get3A_126] {strides = array<i32>} : memref<128x32xf32, #tpu.memory_space<vmem>>, vector<16xf32>,
      tpu.vector_store_idx %arg8[%select_n3A, %select_n3A_45, %broadcast_in_dim3A_124], %get3A_127 : memref<4x8x129xf32, #tpu.memory_space<vmem>>[vector<16xi32>, vector<16xi32>, vector<16xi32>], vector<16xf32>,
      %get3A_128 = arith.constant 0 : i32
      %get3A_129 = arith.index_cast %get3A_128 : i32 to index
      %get3A_130 = arith.constant 16 : index
      %get3A_131 = tpu.vector_load %arg6[%get3A_129, %get3A_130] {strides = array<i32>} : memref<128x32xf32, #tpu.memory_space<vmem>>, vector<16xf32>,
      tpu.vector_store_idx %arg8[%add3A_48, %select_n3A_45, %broadcast_in_dim3A_124], %get3A_131 : memref<4x8x129xf32, #tpu.memory_space<vmem>>[vector<16xi32>, vector<16xi32>, vector<16xi32>], vector<16xf32>,
      %broadcast_in_dim3A_132 = arith.constant 1 : i32
      %broadcast_in_dim3A_133 = vector.broadcast %broadcast_in_dim3A_132 : i32 to vector<16xi32>
      %get3A_134 = arith.constant 1 : i32
      %get3A_135 = arith.index_cast %get3A_134 : i32 to index
      %get3A_136 = arith.constant 0 : index
      %get3A_137 = tpu.vector_load %arg6[%get3A_135, %get3A_136] {strides = array<i32>} : memref<128x32xf32, #tpu.memory_space<vmem>>, vector<16xf32>,
      tpu.vector_store_idx %arg8[%select_n3A, %select_n3A_45, %broadcast_in_dim3A_133], %get3A_137 : memref<4x8x129xf32, #tpu.memory_space<vmem>>[vector<16xi32>, vector<16xi32>, vector<16xi32>], vector<16xf32>,
      %get3A_138 = arith.constant 1 : i32
      %get3A_139 = arith.index_cast %get3A_138 : i32 to index
      %get3A_140 = arith.constant 16 : index
      %get3A_141 = tpu.vector_load %arg6[%get3A_139, %get3A_140] {strides = array<i32>} : memref<128x32xf32, #tpu.memory_space<vmem>>, vector<16xf32>,
      tpu.vector_store_idx %arg8[%add3A_48, %select_n3A_45, %broadcast_in_dim3A_133], %get3A_141 : memref<4x8x129xf32, #tpu.memory_space<vmem>>[vector<16xi32>, vector<16xi32>, vector<16xi32>], vector<16xf32>,
      %broadcast_in_dim3A_142 = arith.constant 2 : i32
      %broadcast_in_dim3A_143 = vector.broadcast %broadcast_in_dim3A_142 : i32 to vector<16xi32>
      %get3A_144 = arith.constant 2 : i32
      %get3A_145 = arith.index_cast %get3A_144 : i32 to index
      %get3A_146 = arith.constant 0 : index
      %get3A_147 = tpu.vector_load %arg6[%get3A_145, %get3A_146] {strides = array<i32>} : memref<128x32xf32, #tpu.memory_space<vmem>>, vector<16xf32>,
      tpu.vector_store_idx %arg8[%select_n3A, %select_n3A_45, %broadcast_in_dim3A_143], %get3A_147 : memref<4x8x129xf32, #tpu.memory_space<vmem>>[vector<16xi32>, vector<16xi32>, vector<16xi32>], vector<16xf32>,
      %get3A_148 = arith.constant 2 : i32
      %get3A_149 = arith.index_cast %get3A_148 : i32 to index
      %get3A_150 = arith.constant 16 : index
      %get3A_151 = tpu.vector_load %arg6[%get3A_149, %get3A_150] {strides = array<i32>} : memref<128x32xf32, #tpu.memory_space<vmem>>, vector<16xf32>,
      tpu.vector_store_idx %arg8[%add3A_48, %select_n3A_45, %broadcast_in_dim3A_143], %get3A_151 : memref<4x8x129xf32, #tpu.memory_space<vmem>>[vector<16xi32>, vector<16xi32>, vector<16xi32>], vector<16xf32>,
      %broadcast_in_dim3A_152 = arith.constant 3 : i32
      %broadcast_in_dim3A_153 = vector.broadcast %broadcast_in_dim3A_152 : i32 to vector<16xi32>
      %get3A_154 = arith.constant 3 : i32
      %get3A_155 = arith.index_cast %get3A_154 : i32 to index
      %get3A_156 = arith.constant 0 : index
      %get3A_157 = tpu.vector_load %arg6[%get3A_155, %get3A_156] {strides = array<i32>} : memref<128x32xf32, #tpu.memory_space<vmem>>, vector<16xf32>,
      tpu.vector_store_idx %arg8[%select_n3A, %select_n3A_45, %broadcast_in_dim3A_153], %get3A_157 : memref<4x8x129xf32, #tpu.memory_space<vmem>>[vector<16xi32>, vector<16xi32>, vector<16xi32>], vector<16xf32>,
      %get3A_158 = arith.constant 3 : i32
      %get3A_159 = arith.index_cast %get3A_158 : i32 to index
      %get3A_160 = arith.constant 16 : index
      %get3A_161 = tpu.vector_load %arg6[%get3A_159, %get3A_160] {strides = array<i32>} : memref<128x32xf32, #tpu.memory_space<vmem>>, vector<16xf32>,
      tpu.vector_store_idx %arg8[%add3A_48, %select_n3A_45, %broadcast_in_dim3A_153], %get3A_161 : memref<4x8x129xf32, #tpu.memory_space<vmem>>[vector<16xi32>, vector<16xi32>, vector<16xi32>], vector<16xf32>,
      %broadcast_in_dim3A_162 = arith.constant 4 : i32
      %broadcast_in_dim3A_163 = vector.broadcast %broadcast_in_dim3A_162 : i32 to vector<16xi32>
      %get3A_164 = arith.constant 4 : i32
      %get3A_165 = arith.index_cast %get3A_164 : i32 to index
      %get3A_166 = arith.constant 0 : index
      %get3A_167 = tpu.vector_load %arg6[%get3A_165, %get3A_166] {strides = array<i32>} : memref<128x32xf32, #tpu.memory_space<vmem>>, vector<16xf32>,
      tpu.vector_store_idx %arg8[%select_n3A, %select_n3A_45, %broadcast_in_dim3A_163], %get3A_167 : memref<4x8x129xf32, #tpu.memory_space<vmem>>[vector<16xi32>, vector<16xi32>, vector<16xi32>], vector<16xf32>,
      %get3A_168 = arith.constant 4 : i32
      %get3A_169 = arith.index_cast %get3A_168 : i32 to index
      %get3A_170 = arith.constant 16 : index
      %get3A_171 = tpu.vector_load %arg6[%get3A_169, %get3A_170] {strides = array<i32>} : memref<128x32xf32, #tpu.memory_space<vmem>>, vector<16xf32>,
      tpu.vector_store_idx %arg8[%add3A_48, %select_n3A_45, %broadcast_in_dim3A_163], %get3A_171 : memref<4x8x129xf32, #tpu.memory_space<vmem>>[vector<16xi32>, vector<16xi32>, vector<16xi32>], vector<16xf32>,
      %broadcast_in_dim3A_172 = arith.constant 5 : i32
      %broadcast_in_dim3A_173 = vector.broadcast %broadcast_in_dim3A_172 : i32 to vector<16xi32>
      %get3A_174 = arith.constant 5 : i32
      %get3A_175 = arith.index_cast %get3A_174 : i32 to index
      %get3A_176 = arith.constant 0 : index
      %get3A_177 = tpu.vector_load %arg6[%get3A_175, %get3A_176] {strides = array<i32>} : memref<128x32xf32, #tpu.memory_space<vmem>>, vector<16xf32>,
      tpu.vector_store_idx %arg8[%select_n3A, %select_n3A_45, %broadcast_in_dim3A_173], %get3A_177 : memref<4x8x129xf32, #tpu.memory_space<vmem>>[vector<16xi32>, vector<16xi32>, vector<16xi32>], vector<16xf32>,
      %get3A_178 = arith.constant 5 : i32
      %get3A_179 = arith.index_cast %get3A_178 : i32 to index
      %get3A_180 = arith.constant 16 : index
      %get3A_181 = tpu.vector_load %arg6[%get3A_179, %get3A_180] {strides = array<i32>} : memref<128x32xf32, #tpu.memory_space<vmem>>, vector<16xf32>,
      tpu.vector_store_idx %arg8[%add3A_48, %select_n3A_45, %broadcast_in_dim3A_173], %get3A_181 : memref<4x8x129xf32, #tpu.memory_space<vmem>>[vector<16xi32>, vector<16xi32>, vector<16xi32>], vector<16xf32>,
      %broadcast_in_dim3A_182 = arith.constant 6 : i32
      %broadcast_in_dim3A_183 = vector.broadcast %broadcast_in_dim3A_182 : i32 to vector<16xi32>
      %get3A_184 = arith.constant 6 : i32
      %get3A_185 = arith.index_cast %get3A_184 : i32 to index
      %get3A_186 = arith.constant 0 : index
      %get3A_187 = tpu.vector_load %arg6[%get3A_185, %get3A_186] {strides = array<i32>} : memref<128x32xf32, #tpu.memory_space<vmem>>, vector<16xf32>,
      tpu.vector_store_idx %arg8[%select_n3A, %select_n3A_45, %broadcast_in_dim3A_183], %get3A_187 : memref<4x8x129xf32, #tpu.memory_space<vmem>>[vector<16xi32>, vector<16xi32>, vector<16xi32>], vector<16xf32>,
      %get3A_188 = arith.constant 6 : i32
      %get3A_189 = arith.index_cast %get3A_188 : i32 to index
      %get3A_190 = arith.constant 16 : index
      %get3A_191 = tpu.vector_load %arg6[%get3A_189, %get3A_190] {strides = array<i32>} : memref<128x32xf32, #tpu.memory_space<vmem>>, vector<16xf32>,
      tpu.vector_store_idx %arg8[%add3A_48, %select_n3A_45, %broadcast_in_dim3A_183], %get3A_191 : memref<4x8x129xf32, #tpu.memory_space<vmem>>[vector<16xi32>, vector<16xi32>, vector<16xi32>], vector<16xf32>,
      %broadcast_in_dim3A_192 = arith.constant 7 : i32
      %broadcast_in_dim3A_193 = vector.broadcast %broadcast_in_dim3A_192 : i32 to vector<16xi32>
      %get3A_194 = arith.constant 7 : i32
      %get3A_195 = arith.index_cast %get3A_194 : i32 to index
      %get3A_196 = arith.constant 0 : index
      %get3A_197 = tpu.vector_load %arg6[%get3A_195, %get3A_196] {strides = array<i32>} : memref<128x32xf32, #tpu.memory_space<vmem>>, vector<16xf32>,
      tpu.vector_store_idx %arg8[%select_n3A, %select_n3A_45, %broadcast_in_dim3A_193], %get3A_197 : memref<4x8x129xf32, #tpu.memory_space<vmem>>[vector<16xi32>, vector<16xi32>, vector<16xi32>], vector<16xf32>,
      %get3A_198 = arith.constant 7 : i32
      %get3A_199 = arith.index_cast %get3A_198 : i32 to index
      %get3A_200 = arith.constant 16 : index
      %get3A_201 = tpu.vector_load %arg6[%get3A_199, %get3A_200] {strides = array<i32>} : memref<128x32xf32, #tpu.memory_space<vmem>>, vector<16xf32>,
      tpu.vector_store_idx %arg8[%add3A_48, %select_n3A_45, %broadcast_in_dim3A_193], %get3A_201 : memref<4x8x129xf32, #tpu.memory_space<vmem>>[vector<16xi32>, vector<16xi32>, vector<16xi32>], vector<16xf32>,
      %broadcast_in_dim3A_202 = arith.constant 8 : i32
      %broadcast_in_dim3A_203 = vector.broadcast %broadcast_in_dim3A_202 : i32 to vector<16xi32>
      %get3A_204 = arith.constant 8 : i32
      %get3A_205 = arith.index_cast %get3A_204 : i32 to index
      %get3A_206 = arith.constant 0 : index
      %get3A_207 = tpu.vector_load %arg6[%get3A_205, %get3A_206] {strides = array<i32>} : memref<128x32xf32, #tpu.memory_space<vmem>>, vector<16xf32>,
      tpu.vector_store_idx %arg8[%select_n3A, %select_n3A_45, %broadcast_in_dim3A_203], %get3A_207 : memref<4x8x129xf32, #tpu.memory_space<vmem>>[vector<16xi32>, vector<16xi32>, vector<16xi32>], vector<16xf32>,
      %get3A_208 = arith.constant 8 : i32
      %get3A_209 = arith.index_cast %get3A_208 : i32 to index
      %get3A_210 = arith.constant 16 : index
      %get3A_211 = tpu.vector_load %arg6[%get3A_209, %get3A_210] {strides = array<i32>} : memref<128x32xf32, #tpu.memory_space<vmem>>, vector<16xf32>,
      tpu.vector_store_idx %arg8[%add3A_48, %select_n3A_45, %broadcast_in_dim3A_203], %get3A_211 : memref<4x8x129xf32, #tpu.memory_space<vmem>>[vector<16xi32>, vector<16xi32>, vector<16xi32>], vector<16xf32>,
      %broadcast_in_dim3A_212 = arith.constant 9 : i32
      %broadcast_in_dim3A_213 = vector.broadcast %broadcast_in_dim3A_212 : i32 to vector<16xi32>
      %get3A_214 = arith.constant 9 : i32
      %get3A_215 = arith.index_cast %get3A_214 : i32 to index
      %get3A_216 = arith.constant 0 : index
      %get3A_217 = tpu.vector_load %arg6[%get3A_215, %get3A_216] {strides = array<i32>} : memref<128x32xf32, #tpu.memory_space<vmem>>, vector<16xf32>,
      tpu.vector_store_idx %arg8[%select_n3A, %select_n3A_45, %broadcast_in_dim3A_213], %get3A_217 : memref<4x8x129xf32, #tpu.memory_space<vmem>>[vector<16xi32>, vector<16xi32>, vector<16xi32>], vector<16xf32>,
      %get3A_218 = arith.constant 9 : i32
      %get3A_219 = arith.index_cast %get3A_218 : i32 to index
      %get3A_220 = arith.constant 16 : index
      %get3A_221 = tpu.vector_load %arg6[%get3A_219, %get3A_220] {strides = array<i32>} : memref<128x32xf32, #tpu.memory_space<vmem>>, vector<16xf32>,
      tpu.vector_store_idx %arg8[%add3A_48, %select_n3A_45, %broadcast_in_dim3A_213], %get3A_221 : memref<4x8x129xf32, #tpu.memory_space<vmem>>[vector<16xi32>, vector<16xi32>, vector<16xi32>], vector<16xf32>,
      %broadcast_in_dim3A_222 = arith.constant 10 : i32
      %broadcast_in_dim3A_223 = vector.broadcast %broadcast_in_dim3A_222 : i32 to vector<16xi32>
      %get3A_224 = arith.constant 10 : i32
      %get3A_225 = arith.index_cast %get3A_224 : i32 to index
      %get3A_226 = arith.constant 0 : index
      %get3A_227 = tpu.vector_load %arg6[%get3A_225, %get3A_226] {strides = array<i32>} : memref<128x32xf32, #tpu.memory_space<vmem>>, vector<16xf32>,
      tpu.vector_store_idx %arg8[%select_n3A, %select_n3A_45, %broadcast_in_dim3A_223], %get3A_227 : memref<4x8x129xf32, #tpu.memory_space<vmem>>[vector<16xi32>, vector<16xi32>, vector<16xi32>], vector<16xf32>,
      %get3A_228 = arith.constant 10 : i32
      %get3A_229 = arith.index_cast %get3A_228 : i32 to index
      %get3A_230 = arith.constant 16 : index
      %get3A_231 = tpu.vector_load %arg6[%get3A_229, %get3A_230] {strides = array<i32>} : memref<128x32xf32, #tpu.memory_space<vmem>>, vector<16xf32>,
      tpu.vector_store_idx %arg8[%add3A_48, %select_n3A_45, %broadcast_in_dim3A_223], %get3A_231 : memref<4x8x129xf32, #tpu.memory_space<vmem>>[vector<16xi32>, vector<16xi32>, vector<16xi32>], vector<16xf32>,
      %broadcast_in_dim3A_232 = arith.constant 11 : i32
      %broadcast_in_dim3A_233 = vector.broadcast %broadcast_in_dim3A_232 : i32 to vector<16xi32>
      %get3A_234 = arith.constant 11 : i32
      %get3A_235 = arith.index_cast %get3A_234 : i32 to index
      %get3A_236 = arith.constant 0 : index
      %get3A_237 = tpu.vector_load %arg6[%get3A_235, %get3A_236] {strides = array<i32>} : memref<128x32xf32, #tpu.memory_space<vmem>>, vector<16xf32>,
      tpu.vector_store_idx %arg8[%select_n3A, %select_n3A_45, %broadcast_in_dim3A_233], %get3A_237 : memref<4x8x129xf32, #tpu.memory_space<vmem>>[vector<16xi32>, vector<16xi32>, vector<16xi32>], vector<16xf32>,
      %get3A_238 = arith.constant 11 : i32
      %get3A_239 = arith.index_cast %get3A_238 : i32 to index
      %get3A_240 = arith.constant 16 : index
      %get3A_241 = tpu.vector_load %arg6[%get3A_239, %get3A_240] {strides = array<i32>} : memref<128x32xf32, #tpu.memory_space<vmem>>, vector<16xf32>,
      tpu.vector_store_idx %arg8[%add3A_48, %select_n3A_45, %broadcast_in_dim3A_233], %get3A_241 : memref<4x8x129xf32, #tpu.memory_space<vmem>>[vector<16xi32>, vector<16xi32>, vector<16xi32>], vector<16xf32>,
      %broadcast_in_dim3A_242 = arith.constant 12 : i32
      %broadcast_in_dim3A_243 = vector.broadcast %broadcast_in_dim3A_242 : i32 to vector<16xi32>
      %get3A_244 = arith.constant 12 : i32
      %get3A_245 = arith.index_cast %get3A_244 : i32 to index
      %get3A_246 = arith.constant 0 : index
      %get3A_247 = tpu.vector_load %arg6[%get3A_245, %get3A_246] {strides = array<i32>} : memref<128x32xf32, #tpu.memory_space<vmem>>, vector<16xf32>,
      tpu.vector_store_idx %arg8[%select_n3A, %select_n3A_45, %broadcast_in_dim3A_243], %get3A_247 : memref<4x8x129xf32, #tpu.memory_space<vmem>>[vector<16xi32>, vector<16xi32>, vector<16xi32>], vector<16xf32>,
      %get3A_248 = arith.constant 12 : i32
      %get3A_249 = arith.index_cast %get3A_248 : i32 to index
      %get3A_250 = arith.constant 16 : index
      %get3A_251 = tpu.vector_load %arg6[%get3A_249, %get3A_250] {strides = array<i32>} : memref<128x32xf32, #tpu.memory_space<vmem>>, vector<16xf32>,
      tpu.vector_store_idx %arg8[%add3A_48, %select_n3A_45, %broadcast_in_dim3A_243], %get3A_251 : memref<4x8x129xf32, #tpu.memory_space<vmem>>[vector<16xi32>, vector<16xi32>, vector<16xi32>], vector<16xf32>,
      %broadcast_in_dim3A_252 = arith.constant 13 : i32
      %broadcast_in_dim3A_253 = vector.broadcast %broadcast_in_dim3A_252 : i32 to vector<16xi32>
      %get3A_254 = arith.constant 13 : i32
      %get3A_255 = arith.index_cast %get3A_254 : i32 to index
      %get3A_256 = arith.constant 0 : index
      %get3A_257 = tpu.vector_load %arg6[%get3A_255, %get3A_256] {strides = array<i32>} : memref<128x32xf32, #tpu.memory_space<vmem>>, vector<16xf32>,
      tpu.vector_store_idx %arg8[%select_n3A, %select_n3A_45, %broadcast_in_dim3A_253], %get3A_257 : memref<4x8x129xf32, #tpu.memory_space<vmem>>[vector<16xi32>, vector<16xi32>, vector<16xi32>], vector<16xf32>,
      %get3A_258 = arith.constant 13 : i32
      %get3A_259 = arith.index_cast %get3A_258 : i32 to index
      %get3A_260 = arith.constant 16 : index
      %get3A_261 = tpu.vector_load %arg6[%get3A_259, %get3A_260] {strides = array<i32>} : memref<128x32xf32, #tpu.memory_space<vmem>>, vector<16xf32>,
      tpu.vector_store_idx %arg8[%add3A_48, %select_n3A_45, %broadcast_in_dim3A_253], %get3A_261 : memref<4x8x129xf32, #tpu.memory_space<vmem>>[vector<16xi32>, vector<16xi32>, vector<16xi32>], vector<16xf32>,
      %broadcast_in_dim3A_262 = arith.constant 14 : i32
      %broadcast_in_dim3A_263 = vector.broadcast %broadcast_in_dim3A_262 : i32 to vector<16xi32>
      %get3A_264 = arith.constant 14 : i32
      %get3A_265 = arith.index_cast %get3A_264 : i32 to index
      %get3A_266 = arith.constant 0 : index
      %get3A_267 = tpu.vector_load %arg6[%get3A_265, %get3A_266] {strides = array<i32>} : memref<128x32xf32, #tpu.memory_space<vmem>>, vector<16xf32>,
      tpu.vector_store_idx %arg8[%select_n3A, %select_n3A_45, %broadcast_in_dim3A_263], %get3A_267 : memref<4x8x129xf32, #tpu.memory_space<vmem>>[vector<16xi32>, vector<16xi32>, vector<16xi32>], vector<16xf32>,
      %get3A_268 = arith.constant 14 : i32
      %get3A_269 = arith.index_cast %get3A_268 : i32 to index
      %get3A_270 = arith.constant 16 : index
      %get3A_271 = tpu.vector_load %arg6[%get3A_269, %get3A_270] {strides = array<i32>} : memref<128x32xf32, #tpu.memory_space<vmem>>, vector<16xf32>,
      tpu.vector_store_idx %arg8[%add3A_48, %select_n3A_45, %broadcast_in_dim3A_263], %get3A_271 : memref<4x8x129xf32, #tpu.memory_space<vmem>>[vector<16xi32>, vector<16xi32>, vector<16xi32>], vector<16xf32>,
      %broadcast_in_dim3A_272 = arith.constant 15 : i32
      %broadcast_in_dim3A_273 = vector.broadcast %broadcast_in_dim3A_272 : i32 to vector<16xi32>
      %get3A_274 = arith.constant 15 : i32
      %get3A_275 = arith.index_cast %get3A_274 : i32 to index
      %get3A_276 = arith.constant 0 : index
      %get3A_277 = tpu.vector_load %arg6[%get3A_275, %get3A_276] {strides = array<i32>} : memref<128x32xf32, #tpu.memory_space<vmem>>, vector<16xf32>,
      tpu.vector_store_idx %arg8[%select_n3A, %select_n3A_45, %broadcast_in_dim3A_273], %get3A_277 : memref<4x8x129xf32, #tpu.memory_space<vmem>>[vector<16xi32>, vector<16xi32>, vector<16xi32>], vector<16xf32>,
      %get3A_278 = arith.constant 15 : i32
      %get3A_279 = arith.index_cast %get3A_278 : i32 to index
      %get3A_280 = arith.constant 16 : index
      %get3A_281 = tpu.vector_load %arg6[%get3A_279, %get3A_280] {strides = array<i32>} : memref<128x32xf32, #tpu.memory_space<vmem>>, vector<16xf32>,
      tpu.vector_store_idx %arg8[%add3A_48, %select_n3A_45, %broadcast_in_dim3A_273], %get3A_281 : memref<4x8x129xf32, #tpu.memory_space<vmem>>[vector<16xi32>, vector<16xi32>, vector<16xi32>], vector<16xf32>,
      %broadcast_in_dim3A_282 = arith.constant 16 : i32
      %broadcast_in_dim3A_283 = vector.broadcast %broadcast_in_dim3A_282 : i32 to vector<16xi32>
      %get3A_284 = arith.constant 16 : i32
      %get3A_285 = arith.index_cast %get3A_284 : i32 to index
      %get3A_286 = arith.constant 0 : index
      %get3A_287 = tpu.vector_load %arg6[%get3A_285, %get3A_286] {strides = array<i32>} : memref<128x32xf32, #tpu.memory_space<vmem>>, vector<16xf32>,
      tpu.vector_store_idx %arg8[%select_n3A, %select_n3A_45, %broadcast_in_dim3A_283], %get3A_287 : memref<4x8x129xf32, #tpu.memory_space<vmem>>[vector<16xi32>, vector<16xi32>, vector<16xi32>], vector<16xf32>,
      %get3A_288 = arith.constant 16 : i32
      %get3A_289 = arith.index_cast %get3A_288 : i32 to index
      %get3A_290 = arith.constant 16 : index
      %get3A_291 = tpu.vector_load %arg6[%get3A_289, %get3A_290] {strides = array<i32>} : memref<128x32xf32, #tpu.memory_space<vmem>>, vector<16xf32>,
      tpu.vector_store_idx %arg8[%add3A_48, %select_n3A_45, %broadcast_in_dim3A_283], %get3A_291 : memref<4x8x129xf32, #tpu.memory_space<vmem>>[vector<16xi32>, vector<16xi32>, vector<16xi32>], vector<16xf32>,
      %broadcast_in_dim3A_292 = arith.constant 17 : i32
      %broadcast_in_dim3A_293 = vector.broadcast %broadcast_in_dim3A_292 : i32 to vector<16xi32>
      %get3A_294 = arith.constant 17 : i32
      %get3A_295 = arith.index_cast %get3A_294 : i32 to index
      %get3A_296 = arith.constant 0 : index
      %get3A_297 = tpu.vector_load %arg6[%get3A_295, %get3A_296] {strides = array<i32>} : memref<128x32xf32, #tpu.memory_space<vmem>>, vector<16xf32>,
      tpu.vector_store_idx %arg8[%select_n3A, %select_n3A_45, %broadcast_in_dim3A_293], %get3A_297 : memref<4x8x129xf32, #tpu.memory_space<vmem>>[vector<16xi32>, vector<16xi32>, vector<16xi32>], vector<16xf32>,
      %get3A_298 = arith.constant 17 : i32
      %get3A_299 = arith.index_cast %get3A_298 : i32 to index
      %get3A_300 = arith.constant 16 : index
      %get3A_301 = tpu.vector_load %arg6[%get3A_299, %get3A_300] {strides = array<i32>} : memref<128x32xf32, #tpu.memory_space<vmem>>, vector<16xf32>,
      tpu.vector_store_idx %arg8[%add3A_48, %select_n3A_45, %broadcast_in_dim3A_293], %get3A_301 : memref<4x8x129xf32, #tpu.memory_space<vmem>>[vector<16xi32>, vector<16xi32>, vector<16xi32>], vector<16xf32>,
      %broadcast_in_dim3A_302 = arith.constant 18 : i32
      %broadcast_in_dim3A_303 = vector.broadcast %broadcast_in_dim3A_302 : i32 to vector<16xi32>
      %get3A_304 = arith.constant 18 : i32
      %get3A_305 = arith.index_cast %get3A_304 : i32 to index
      %get3A_306 = arith.constant 0 : index
      %get3A_307 = tpu.vector_load %arg6[%get3A_305, %get3A_306] {strides = array<i32>} : memref<128x32xf32, #tpu.memory_space<vmem>>, vector<16xf32>,
      tpu.vector_store_idx %arg8[%select_n3A, %select_n3A_45, %broadcast_in_dim3A_303], %get3A_307 : memref<4x8x129xf32, #tpu.memory_space<vmem>>[vector<16xi32>, vector<16xi32>, vector<16xi32>], vector<16xf32>,
      %get3A_308 = arith.constant 18 : i32
      %get3A_309 = arith.index_cast %get3A_308 : i32 to index
      %get3A_310 = arith.constant 16 : index
      %get3A_311 = tpu.vector_load %arg6[%get3A_309, %get3A_310] {strides = array<i32>} : memref<128x32xf32, #tpu.memory_space<vmem>>, vector<16xf32>,
      tpu.vector_store_idx %arg8[%add3A_48, %select_n3A_45, %broadcast_in_dim3A_303], %get3A_311 : memref<4x8x129xf32, #tpu.memory_space<vmem>>[vector<16xi32>, vector<16xi32>, vector<16xi32>], vector<16xf32>,
      %broadcast_in_dim3A_312 = arith.constant 19 : i32
      %broadcast_in_dim3A_313 = vector.broadcast %broadcast_in_dim3A_312 : i32 to vector<16xi32>
      %get3A_314 = arith.constant 19 : i32
      %get3A_315 = arith.index_cast %get3A_314 : i32 to index
      %get3A_316 = arith.constant 0 : index
      %get3A_317 = tpu.vector_load %arg6[%get3A_315, %get3A_316] {strides = array<i32>} : memref<128x32xf32, #tpu.memory_space<vmem>>, vector<16xf32>,
      tpu.vector_store_idx %arg8[%select_n3A, %select_n3A_45, %broadcast_in_dim3A_313], %get3A_317 : memref<4x8x129xf32, #tpu.memory_space<vmem>>[vector<16xi32>, vector<16xi32>, vector<16xi32>], vector<16xf32>,
      %get3A_318 = arith.constant 19 : i32
      %get3A_319 = arith.index_cast %get3A_318 : i32 to index
      %get3A_320 = arith.constant 16 : index
      %get3A_321 = tpu.vector_load %arg6[%get3A_319, %get3A_320] {strides = array<i32>} : memref<128x32xf32, #tpu.memory_space<vmem>>, vector<16xf32>,
      tpu.vector_store_idx %arg8[%add3A_48, %select_n3A_45, %broadcast_in_dim3A_313], %get3A_321 : memref<4x8x129xf32, #tpu.memory_space<vmem>>[vector<16xi32>, vector<16xi32>, vector<16xi32>], vector<16xf32>,
      %broadcast_in_dim3A_322 = arith.constant 20 : i32
      %broadcast_in_dim3A_323 = vector.broadcast %broadcast_in_dim3A_322 : i32 to vector<16xi32>
      %get3A_324 = arith.constant 20 : i32
      %get3A_325 = arith.index_cast %get3A_324 : i32 to index
      %get3A_326 = arith.constant 0 : index
      %get3A_327 = tpu.vector_load %arg6[%get3A_325, %get3A_326] {strides = array<i32>} : memref<128x32xf32, #tpu.memory_space<vmem>>, vector<16xf32>,
      tpu.vector_store_idx %arg8[%select_n3A, %select_n3A_45, %broadcast_in_dim3A_323], %get3A_327 : memref<4x8x129xf32, #tpu.memory_space<vmem>>[vector<16xi32>, vector<16xi32>, vector<16xi32>], vector<16xf32>,
      %get3A_328 = arith.constant 20 : i32
      %get3A_329 = arith.index_cast %get3A_328 : i32 to index
      %get3A_330 = arith.constant 16 : index
      %get3A_331 = tpu.vector_load %arg6[%get3A_329, %get3A_330] {strides = array<i32>} : memref<128x32xf32, #tpu.memory_space<vmem>>, vector<16xf32>,
      tpu.vector_store_idx %arg8[%add3A_48, %select_n3A_45, %broadcast_in_dim3A_323], %get3A_331 : memref<4x8x129xf32, #tpu.memory_space<vmem>>[vector<16xi32>, vector<16xi32>, vector<16xi32>], vector<16xf32>,
      %broadcast_in_dim3A_332 = arith.constant 21 : i32
      %broadcast_in_dim3A_333 = vector.broadcast %broadcast_in_dim3A_332 : i32 to vector<16xi32>
      %get3A_334 = arith.constant 21 : i32
      %get3A_335 = arith.index_cast %get3A_334 : i32 to index
      %get3A_336 = arith.constant 0 : index
      %get3A_337 = tpu.vector_load %arg6[%get3A_335, %get3A_336] {strides = array<i32>} : memref<128x32xf32, #tpu.memory_space<vmem>>, vector<16xf32>,
      tpu.vector_store_idx %arg8[%select_n3A, %select_n3A_45, %broadcast_in_dim3A_333], %get3A_337 : memref<4x8x129xf32, #tpu.memory_space<vmem>>[vector<16xi32>, vector<16xi32>, vector<16xi32>], vector<16xf32>,
      %get3A_338 = arith.constant 21 : i32
      %get3A_339 = arith.index_cast %get3A_338 : i32 to index
      %get3A_340 = arith.constant 16 : index
      %get3A_341 = tpu.vector_load %arg6[%get3A_339, %get3A_340] {strides = array<i32>} : memref<128x32xf32, #tpu.memory_space<vmem>>, vector<16xf32>,
      tpu.vector_store_idx %arg8[%add3A_48, %select_n3A_45, %broadcast_in_dim3A_333], %get3A_341 : memref<4x8x129xf32, #tpu.memory_space<vmem>>[vector<16xi32>, vector<16xi32>, vector<16xi32>], vector<16xf32>,
      %broadcast_in_dim3A_342 = arith.constant 22 : i32
      %broadcast_in_dim3A_343 = vector.broadcast %broadcast_in_dim3A_342 : i32 to vector<16xi32>
      %get3A_344 = arith.constant 22 : i32
      %get3A_345 = arith.index_cast %get3A_344 : i32 to index
      %get3A_346 = arith.constant 0 : index
      %get3A_347 = tpu.vector_load %arg6[%get3A_345, %get3A_346] {strides = array<i32>} : memref<128x32xf32, #tpu.memory_space<vmem>>, vector<16xf32>,
      tpu.vector_store_idx %arg8[%select_n3A, %select_n3A_45, %broadcast_in_dim3A_343], %get3A_347 : memref<4x8x129xf32, #tpu.memory_space<vmem>>[vector<16xi32>, vector<16xi32>, vector<16xi32>], vector<16xf32>,
      %get3A_348 = arith.constant 22 : i32
      %get3A_349 = arith.index_cast %get3A_348 : i32 to index
      %get3A_350 = arith.constant 16 : index
      %get3A_351 = tpu.vector_load %arg6[%get3A_349, %get3A_350] {strides = array<i32>} : memref<128x32xf32, #tpu.memory_space<vmem>>, vector<16xf32>,
      tpu.vector_store_idx %arg8[%add3A_48, %select_n3A_45, %broadcast_in_dim3A_343], %get3A_351 : memref<4x8x129xf32, #tpu.memory_space<vmem>>[vector<16xi32>, vector<16xi32>, vector<16xi32>], vector<16xf32>,
      %broadcast_in_dim3A_352 = arith.constant 23 : i32
      %broadcast_in_dim3A_353 = vector.broadcast %broadcast_in_dim3A_352 : i32 to vector<16xi32>
      %get3A_354 = arith.constant 23 : i32
      %get3A_355 = arith.index_cast %get3A_354 : i32 to index
      %get3A_356 = arith.constant 0 : index
      %get3A_357 = tpu.vector_load %arg6[%get3A_355, %get3A_356] {strides = array<i32>} : memref<128x32xf32, #tpu.memory_space<vmem>>, vector<16xf32>,
      tpu.vector_store_idx %arg8[%select_n3A, %select_n3A_45, %broadcast_in_dim3A_353], %get3A_357 : memref<4x8x129xf32, #tpu.memory_space<vmem>>[vector<16xi32>, vector<16xi32>, vector<16xi32>], vector<16xf32>,
      %get3A_358 = arith.constant 23 : i32
      %get3A_359 = arith.index_cast %get3A_358 : i32 to index
      %get3A_360 = arith.constant 16 : index
      %get3A_361 = tpu.vector_load %arg6[%get3A_359, %get3A_360] {strides = array<i32>} : memref<128x32xf32, #tpu.memory_space<vmem>>, vector<16xf32>,
      tpu.vector_store_idx %arg8[%add3A_48, %select_n3A_45, %broadcast_in_dim3A_353], %get3A_361 : memref<4x8x129xf32, #tpu.memory_space<vmem>>[vector<16xi32>, vector<16xi32>, vector<16xi32>], vector<16xf32>,
      %broadcast_in_dim3A_362 = arith.constant 24 : i32
      %broadcast_in_dim3A_363 = vector.broadcast %broadcast_in_dim3A_362 : i32 to vector<16xi32>
      %get3A_364 = arith.constant 24 : i32
      %get3A_365 = arith.index_cast %get3A_364 : i32 to index
      %get3A_366 = arith.constant 0 : index
      %get3A_367 = tpu.vector_load %arg6[%get3A_365, %get3A_366] {strides = array<i32>} : memref<128x32xf32, #tpu.memory_space<vmem>>, vector<16xf32>,
      tpu.vector_store_idx %arg8[%select_n3A, %select_n3A_45, %broadcast_in_dim3A_363], %get3A_367 : memref<4x8x129xf32, #tpu.memory_space<vmem>>[vector<16xi32>, vector<16xi32>, vector<16xi32>], vector<16xf32>,
      %get3A_368 = arith.constant 24 : i32
      %get3A_369 = arith.index_cast %get3A_368 : i32 to index
      %get3A_370 = arith.constant 16 : index
      %get3A_371 = tpu.vector_load %arg6[%get3A_369, %get3A_370] {strides = array<i32>} : memref<128x32xf32, #tpu.memory_space<vmem>>, vector<16xf32>,
      tpu.vector_store_idx %arg8[%add3A_48, %select_n3A_45, %broadcast_in_dim3A_363], %get3A_371 : memref<4x8x129xf32, #tpu.memory_space<vmem>>[vector<16xi32>, vector<16xi32>, vector<16xi32>], vector<16xf32>,
      %broadcast_in_dim3A_372 = arith.constant 25 : i32
      %broadcast_in_dim3A_373 = vector.broadcast %broadcast_in_dim3A_372 : i32 to vector<16xi32>
      %get3A_374 = arith.constant 25 : i32
      %get3A_375 = arith.index_cast %get3A_374 : i32 to index
      %get3A_376 = arith.constant 0 : index
      %get3A_377 = tpu.vector_load %arg6[%get3A_375, %get3A_376] {strides = array<i32>} : memref<128x32xf32, #tpu.memory_space<vmem>>, vector<16xf32>,
      tpu.vector_store_idx %arg8[%select_n3A, %select_n3A_45, %broadcast_in_dim3A_373], %get3A_377 : memref<4x8x129xf32, #tpu.memory_space<vmem>>[vector<16xi32>, vector<16xi32>, vector<16xi32>], vector<16xf32>,
      %get3A_378 = arith.constant 25 : i32
      %get3A_379 = arith.index_cast %get3A_378 : i32 to index
      %get3A_380 = arith.constant 16 : index
      %get3A_381 = tpu.vector_load %arg6[%get3A_379, %get3A_380] {strides = array<i32>} : memref<128x32xf32, #tpu.memory_space<vmem>>, vector<16xf32>,
      tpu.vector_store_idx %arg8[%add3A_48, %select_n3A_45, %broadcast_in_dim3A_373], %get3A_381 : memref<4x8x129xf32, #tpu.memory_space<vmem>>[vector<16xi32>, vector<16xi32>, vector<16xi32>], vector<16xf32>,
      %broadcast_in_dim3A_382 = arith.constant 26 : i32
      %broadcast_in_dim3A_383 = vector.broadcast %broadcast_in_dim3A_382 : i32 to vector<16xi32>
      %get3A_384 = arith.constant 26 : i32
      %get3A_385 = arith.index_cast %get3A_384 : i32 to index
      %get3A_386 = arith.constant 0 : index
      %get3A_387 = tpu.vector_load %arg6[%get3A_385, %get3A_386] {strides = array<i32>} : memref<128x32xf32, #tpu.memory_space<vmem>>, vector<16xf32>,
      tpu.vector_store_idx %arg8[%select_n3A, %select_n3A_45, %broadcast_in_dim3A_383], %get3A_387 : memref<4x8x129xf32, #tpu.memory_space<vmem>>[vector<16xi32>, vector<16xi32>, vector<16xi32>], vector<16xf32>,
      %get3A_388 = arith.constant 26 : i32
      %get3A_389 = arith.index_cast %get3A_388 : i32 to index
      %get3A_390 = arith.constant 16 : index
      %get3A_391 = tpu.vector_load %arg6[%get3A_389, %get3A_390] {strides = array<i32>} : memref<128x32xf32, #tpu.memory_space<vmem>>, vector<16xf32>,
      tpu.vector_store_idx %arg8[%add3A_48, %select_n3A_45, %broadcast_in_dim3A_383], %get3A_391 : memref<4x8x129xf32, #tpu.memory_space<vmem>>[vector<16xi32>, vector<16xi32>, vector<16xi32>], vector<16xf32>,
      %broadcast_in_dim3A_392 = arith.constant 27 : i32
      %broadcast_in_dim3A_393 = vector.broadcast %broadcast_in_dim3A_392 : i32 to vector<16xi32>
      %get3A_394 = arith.constant 27 : i32
      %get3A_395 = arith.index_cast %get3A_394 : i32 to index
      %get3A_396 = arith.constant 0 : index
      %get3A_397 = tpu.vector_load %arg6[%get3A_395, %get3A_396] {strides = array<i32>} : memref<128x32xf32, #tpu.memory_space<vmem>>, vector<16xf32>,
      tpu.vector_store_idx %arg8[%select_n3A, %select_n3A_45, %broadcast_in_dim3A_393], %get3A_397 : memref<4x8x129xf32, #tpu.memory_space<vmem>>[vector<16xi32>, vector<16xi32>, vector<16xi32>], vector<16xf32>,
      %get3A_398 = arith.constant 27 : i32
      %get3A_399 = arith.index_cast %get3A_398 : i32 to index
      %get3A_400 = arith.constant 16 : index
      %get3A_401 = tpu.vector_load %arg6[%get3A_399, %get3A_400] {strides = array<i32>} : memref<128x32xf32, #tpu.memory_space<vmem>>, vector<16xf32>,
      tpu.vector_store_idx %arg8[%add3A_48, %select_n3A_45, %broadcast_in_dim3A_393], %get3A_401 : memref<4x8x129xf32, #tpu.memory_space<vmem>>[vector<16xi32>, vector<16xi32>, vector<16xi32>], vector<16xf32>,
      %broadcast_in_dim3A_402 = arith.constant 28 : i32
      %broadcast_in_dim3A_403 = vector.broadcast %broadcast_in_dim3A_402 : i32 to vector<16xi32>
      %get3A_404 = arith.constant 28 : i32
      %get3A_405 = arith.index_cast %get3A_404 : i32 to index
      %get3A_406 = arith.constant 0 : index
      %get3A_407 = tpu.vector_load %arg6[%get3A_405, %get3A_406] {strides = array<i32>} : memref<128x32xf32, #tpu.memory_space<vmem>>, vector<16xf32>,
      tpu.vector_store_idx %arg8[%select_n3A, %select_n3A_45, %broadcast_in_dim3A_403], %get3A_407 : memref<4x8x129xf32, #tpu.memory_space<vmem>>[vector<16xi32>, vector<16xi32>, vector<16xi32>], vector<16xf32>,
      %get3A_408 = arith.constant 28 : i32
      %get3A_409 = arith.index_cast %get3A_408 : i32 to index
      %get3A_410 = arith.constant 16 : index
      %get3A_411 = tpu.vector_load %arg6[%get3A_409, %get3A_410] {strides = array<i32>} : memref<128x32xf32, #tpu.memory_space<vmem>>, vector<16xf32>,
      tpu.vector_store_idx %arg8[%add3A_48, %select_n3A_45, %broadcast_in_dim3A_403], %get3A_411 : memref<4x8x129xf32, #tpu.memory_space<vmem>>[vector<16xi32>, vector<16xi32>, vector<16xi32>], vector<16xf32>,
      %broadcast_in_dim3A_412 = arith.constant 29 : i32
      %broadcast_in_dim3A_413 = vector.broadcast %broadcast_in_dim3A_412 : i32 to vector<16xi32>
      %get3A_414 = arith.constant 29 : i32
      %get3A_415 = arith.index_cast %get3A_414 : i32 to index
      %get3A_416 = arith.constant 0 : index
      %get3A_417 = tpu.vector_load %arg6[%get3A_415, %get3A_416] {strides = array<i32>} : memref<128x32xf32, #tpu.memory_space<vmem>>, vector<16xf32>,
      tpu.vector_store_idx %arg8[%select_n3A, %select_n3A_45, %broadcast_in_dim3A_413], %get3A_417 : memref<4x8x129xf32, #tpu.memory_space<vmem>>[vector<16xi32>, vector<16xi32>, vector<16xi32>], vector<16xf32>,
      %get3A_418 = arith.constant 29 : i32
      %get3A_419 = arith.index_cast %get3A_418 : i32 to index
      %get3A_420 = arith.constant 16 : index
      %get3A_421 = tpu.vector_load %arg6[%get3A_419, %get3A_420] {strides = array<i32>} : memref<128x32xf32, #tpu.memory_space<vmem>>, vector<16xf32>,
      tpu.vector_store_idx %arg8[%add3A_48, %select_n3A_45, %broadcast_in_dim3A_413], %get3A_421 : memref<4x8x129xf32, #tpu.memory_space<vmem>>[vector<16xi32>, vector<16xi32>, vector<16xi32>], vector<16xf32>,
      %broadcast_in_dim3A_422 = arith.constant 30 : i32
      %broadcast_in_dim3A_423 = vector.broadcast %broadcast_in_dim3A_422 : i32 to vector<16xi32>
      %get3A_424 = arith.constant 30 : i32
      %get3A_425 = arith.index_cast %get3A_424 : i32 to index
      %get3A_426 = arith.constant 0 : index
      %get3A_427 = tpu.vector_load %arg6[%get3A_425, %get3A_426] {strides = array<i32>} : memref<128x32xf32, #tpu.memory_space<vmem>>, vector<16xf32>,
      tpu.vector_store_idx %arg8[%select_n3A, %select_n3A_45, %broadcast_in_dim3A_423], %get3A_427 : memref<4x8x129xf32, #tpu.memory_space<vmem>>[vector<16xi32>, vector<16xi32>, vector<16xi32>], vector<16xf32>,
      %get3A_428 = arith.constant 30 : i32
      %get3A_429 = arith.index_cast %get3A_428 : i32 to index
      %get3A_430 = arith.constant 16 : index
      %get3A_431 = tpu.vector_load %arg6[%get3A_429, %get3A_430] {strides = array<i32>} : memref<128x32xf32, #tpu.memory_space<vmem>>, vector<16xf32>,
      tpu.vector_store_idx %arg8[%add3A_48, %select_n3A_45, %broadcast_in_dim3A_423], %get3A_431 : memref<4x8x129xf32, #tpu.memory_space<vmem>>[vector<16xi32>, vector<16xi32>, vector<16xi32>], vector<16xf32>,
      %broadcast_in_dim3A_432 = arith.constant 31 : i32
      %broadcast_in_dim3A_433 = vector.broadcast %broadcast_in_dim3A_432 : i32 to vector<16xi32>
      %get3A_434 = arith.constant 31 : i32
      %get3A_435 = arith.index_cast %get3A_434 : i32 to index
      %get3A_436 = arith.constant 0 : index
      %get3A_437 = tpu.vector_load %arg6[%get3A_435, %get3A_436] {strides = array<i32>} : memref<128x32xf32, #tpu.memory_space<vmem>>, vector<16xf32>,
      tpu.vector_store_idx %arg8[%select_n3A, %select_n3A_45, %broadcast_in_dim3A_433], %get3A_437 : memref<4x8x129xf32, #tpu.memory_space<vmem>>[vector<16xi32>, vector<16xi32>, vector<16xi32>], vector<16xf32>,
      %get3A_438 = arith.constant 31 : i32
      %get3A_439 = arith.index_cast %get3A_438 : i32 to index
      %get3A_440 = arith.constant 16 : index
      %get3A_441 = tpu.vector_load %arg6[%get3A_439, %get3A_440] {strides = array<i32>} : memref<128x32xf32, #tpu.memory_space<vmem>>, vector<16xf32>,
      tpu.vector_store_idx %arg8[%add3A_48, %select_n3A_45, %broadcast_in_dim3A_433], %get3A_441 : memref<4x8x129xf32, #tpu.memory_space<vmem>>[vector<16xi32>, vector<16xi32>, vector<16xi32>], vector<16xf32>,
      %broadcast_in_dim3A_442 = arith.constant 32 : i32
      %broadcast_in_dim3A_443 = vector.broadcast %broadcast_in_dim3A_442 : i32 to vector<16xi32>
      %get3A_444 = arith.constant 32 : i32
      %get3A_445 = arith.index_cast %get3A_444 : i32 to index
      %get3A_446 = arith.constant 0 : index
      %get3A_447 = tpu.vector_load %arg6[%get3A_445, %get3A_446] {strides = array<i32>} : memref<128x32xf32, #tpu.memory_space<vmem>>, vector<16xf32>,
      tpu.vector_store_idx %arg8[%select_n3A, %select_n3A_45, %broadcast_in_dim3A_443], %get3A_447 : memref<4x8x129xf32, #tpu.memory_space<vmem>>[vector<16xi32>, vector<16xi32>, vector<16xi32>], vector<16xf32>,
      %get3A_448 = arith.constant 32 : i32
      %get3A_449 = arith.index_cast %get3A_448 : i32 to index
      %get3A_450 = arith.constant 16 : index
      %get3A_451 = tpu.vector_load %arg6[%get3A_449, %get3A_450] {strides = array<i32>} : memref<128x32xf32, #tpu.memory_space<vmem>>, vector<16xf32>,
      tpu.vector_store_idx %arg8[%add3A_48, %select_n3A_45, %broadcast_in_dim3A_443], %get3A_451 : memref<4x8x129xf32, #tpu.memory_space<vmem>>[vector<16xi32>, vector<16xi32>, vector<16xi32>], vector<16xf32>,
      %broadcast_in_dim3A_452 = arith.constant 33 : i32
      %broadcast_in_dim3A_453 = vector.broadcast %broadcast_in_dim3A_452 : i32 to vector<16xi32>
      %get3A_454 = arith.constant 33 : i32
      %get3A_455 = arith.index_cast %get3A_454 : i32 to index
      %get3A_456 = arith.constant 0 : index
      %get3A_457 = tpu.vector_load %arg6[%get3A_455, %get3A_456] {strides = array<i32>} : memref<128x32xf32, #tpu.memory_space<vmem>>, vector<16xf32>,
      tpu.vector_store_idx %arg8[%select_n3A, %select_n3A_45, %broadcast_in_dim3A_453], %get3A_457 : memref<4x8x129xf32, #tpu.memory_space<vmem>>[vector<16xi32>, vector<16xi32>, vector<16xi32>], vector<16xf32>,
      %get3A_458 = arith.constant 33 : i32
      %get3A_459 = arith.index_cast %get3A_458 : i32 to index
      %get3A_460 = arith.constant 16 : index
      %get3A_461 = tpu.vector_load %arg6[%get3A_459, %get3A_460] {strides = array<i32>} : memref<128x32xf32, #tpu.memory_space<vmem>>, vector<16xf32>,
      tpu.vector_store_idx %arg8[%add3A_48, %select_n3A_45, %broadcast_in_dim3A_453], %get3A_461 : memref<4x8x129xf32, #tpu.memory_space<vmem>>[vector<16xi32>, vector<16xi32>, vector<16xi32>], vector<16xf32>,
      %broadcast_in_dim3A_462 = arith.constant 34 : i32
      %broadcast_in_dim3A_463 = vector.broadcast %broadcast_in_dim3A_462 : i32 to vector<16xi32>
      %get3A_464 = arith.constant 34 : i32
      %get3A_465 = arith.index_cast %get3A_464 : i32 to index
      %get3A_466 = arith.constant 0 : index
      %get3A_467 = tpu.vector_load %arg6[%get3A_465, %get3A_466] {strides = array<i32>} : memref<128x32xf32, #tpu.memory_space<vmem>>, vector<16xf32>,
      tpu.vector_store_idx %arg8[%select_n3A, %select_n3A_45, %broadcast_in_dim3A_463], %get3A_467 : memref<4x8x129xf32, #tpu.memory_space<vmem>>[vector<16xi32>, vector<16xi32>, vector<16xi32>], vector<16xf32>,
      %get3A_468 = arith.constant 34 : i32
      %get3A_469 = arith.index_cast %get3A_468 : i32 to index
      %get3A_470 = arith.constant 16 : index
      %get3A_471 = tpu.vector_load %arg6[%get3A_469, %get3A_470] {strides = array<i32>} : memref<128x32xf32, #tpu.memory_space<vmem>>, vector<16xf32>,
      tpu.vector_store_idx %arg8[%add3A_48, %select_n3A_45, %broadcast_in_dim3A_463], %get3A_471 : memref<4x8x129xf32, #tpu.memory_space<vmem>>[vector<16xi32>, vector<16xi32>, vector<16xi32>], vector<16xf32>,
      %broadcast_in_dim3A_472 = arith.constant 35 : i32
      %broadcast_in_dim3A_473 = vector.broadcast %broadcast_in_dim3A_472 : i32 to vector<16xi32>
      %get3A_474 = arith.constant 35 : i32
      %get3A_475 = arith.index_cast %get3A_474 : i32 to index
      %get3A_476 = arith.constant 0 : index
      %get3A_477 = tpu.vector_load %arg6[%get3A_475, %get3A_476] {strides = array<i32>} : memref<128x32xf32, #tpu.memory_space<vmem>>, vector<16xf32>,
      tpu.vector_store_idx %arg8[%select_n3A, %select_n3A_45, %broadcast_in_dim3A_473], %get3A_477 : memref<4x8x129xf32, #tpu.memory_space<vmem>>[vector<16xi32>, vector<16xi32>, vector<16xi32>], vector<16xf32>,
      %get3A_478 = arith.constant 35 : i32
      %get3A_479 = arith.index_cast %get3A_478 : i32 to index
      %get3A_480 = arith.constant 16 : index
      %get3A_481 = tpu.vector_load %arg6[%get3A_479, %get3A_480] {strides = array<i32>} : memref<128x32xf32, #tpu.memory_space<vmem>>, vector<16xf32>,
      tpu.vector_store_idx %arg8[%add3A_48, %select_n3A_45, %broadcast_in_dim3A_473], %get3A_481 : memref<4x8x129xf32, #tpu.memory_space<vmem>>[vector<16xi32>, vector<16xi32>, vector<16xi32>], vector<16xf32>,
      %broadcast_in_dim3A_482 = arith.constant 36 : i32
      %broadcast_in_dim3A_483 = vector.broadcast %broadcast_in_dim3A_482 : i32 to vector<16xi32>
      %get3A_484 = arith.constant 36 : i32
      %get3A_485 = arith.index_cast %get3A_484 : i32 to index
      %get3A_486 = arith.constant 0 : index
      %get3A_487 = tpu.vector_load %arg6[%get3A_485, %get3A_486] {strides = array<i32>} : memref<128x32xf32, #tpu.memory_space<vmem>>, vector<16xf32>,
      tpu.vector_store_idx %arg8[%select_n3A, %select_n3A_45, %broadcast_in_dim3A_483], %get3A_487 : memref<4x8x129xf32, #tpu.memory_space<vmem>>[vector<16xi32>, vector<16xi32>, vector<16xi32>], vector<16xf32>,
      %get3A_488 = arith.constant 36 : i32
      %get3A_489 = arith.index_cast %get3A_488 : i32 to index
      %get3A_490 = arith.constant 16 : index
      %get3A_491 = tpu.vector_load %arg6[%get3A_489, %get3A_490] {strides = array<i32>} : memref<128x32xf32, #tpu.memory_space<vmem>>, vector<16xf32>,
      tpu.vector_store_idx %arg8[%add3A_48, %select_n3A_45, %broadcast_in_dim3A_483], %get3A_491 : memref<4x8x129xf32, #tpu.memory_space<vmem>>[vector<16xi32>, vector<16xi32>, vector<16xi32>], vector<16xf32>,
      %broadcast_in_dim3A_492 = arith.constant 37 : i32
      %broadcast_in_dim3A_493 = vector.broadcast %broadcast_in_dim3A_492 : i32 to vector<16xi32>
      %get3A_494 = arith.constant 37 : i32
      %get3A_495 = arith.index_cast %get3A_494 : i32 to index
      %get3A_496 = arith.constant 0 : index
      %get3A_497 = tpu.vector_load %arg6[%get3A_495, %get3A_496] {strides = array<i32>} : memref<128x32xf32, #tpu.memory_space<vmem>>, vector<16xf32>,
      tpu.vector_store_idx %arg8[%select_n3A, %select_n3A_45, %broadcast_in_dim3A_493], %get3A_497 : memref<4x8x129xf32, #tpu.memory_space<vmem>>[vector<16xi32>, vector<16xi32>, vector<16xi32>], vector<16xf32>,
      %get3A_498 = arith.constant 37 : i32
      %get3A_499 = arith.index_cast %get3A_498 : i32 to index
      %get3A_500 = arith.constant 16 : index
      %get3A_501 = tpu.vector_load %arg6[%get3A_499, %get3A_500] {strides = array<i32>} : memref<128x32xf32, #tpu.memory_space<vmem>>, vector<16xf32>,
      tpu.vector_store_idx %arg8[%add3A_48, %select_n3A_45, %broadcast_in_dim3A_493], %get3A_501 : memref<4x8x129xf32, #tpu.memory_space<vmem>>[vector<16xi32>, vector<16xi32>, vector<16xi32>], vector<16xf32>,
      %broadcast_in_dim3A_502 = arith.constant 38 : i32
      %broadcast_in_dim3A_503 = vector.broadcast %broadcast_in_dim3A_502 : i32 to vector<16xi32>
      %get3A_504 = arith.constant 38 : i32
      %get3A_505 = arith.index_cast %get3A_504 : i32 to index
      %get3A_506 = arith.constant 0 : index
      %get3A_507 = tpu.vector_load %arg6[%get3A_505, %get3A_506] {strides = array<i32>} : memref<128x32xf32, #tpu.memory_space<vmem>>, vector<16xf32>,
      tpu.vector_store_idx %arg8[%select_n3A, %select_n3A_45, %broadcast_in_dim3A_503], %get3A_507 : memref<4x8x129xf32, #tpu.memory_space<vmem>>[vector<16xi32>, vector<16xi32>, vector<16xi32>], vector<16xf32>,
      %get3A_508 = arith.constant 38 : i32
      %get3A_509 = arith.index_cast %get3A_508 : i32 to index
      %get3A_510 = arith.constant 16 : index
      %get3A_511 = tpu.vector_load %arg6[%get3A_509, %get3A_510] {strides = array<i32>} : memref<128x32xf32, #tpu.memory_space<vmem>>, vector<16xf32>,
      tpu.vector_store_idx %arg8[%add3A_48, %select_n3A_45, %broadcast_in_dim3A_503], %get3A_511 : memref<4x8x129xf32, #tpu.memory_space<vmem>>[vector<16xi32>, vector<16xi32>, vector<16xi32>], vector<16xf32>,
      %broadcast_in_dim3A_512 = arith.constant 39 : i32
      %broadcast_in_dim3A_513 = vector.broadcast %broadcast_in_dim3A_512 : i32 to vector<16xi32>
      %get3A_514 = arith.constant 39 : i32
      %get3A_515 = arith.index_cast %get3A_514 : i32 to index
      %get3A_516 = arith.constant 0 : index
      %get3A_517 = tpu.vector_load %arg6[%get3A_515, %get3A_516] {strides = array<i32>} : memref<128x32xf32, #tpu.memory_space<vmem>>, vector<16xf32>,
      tpu.vector_store_idx %arg8[%select_n3A, %select_n3A_45, %broadcast_in_dim3A_513], %get3A_517 : memref<4x8x129xf32, #tpu.memory_space<vmem>>[vector<16xi32>, vector<16xi32>, vector<16xi32>], vector<16xf32>,
      %get3A_518 = arith.constant 39 : i32
      %get3A_519 = arith.index_cast %get3A_518 : i32 to index
      %get3A_520 = arith.constant 16 : index
      %get3A_521 = tpu.vector_load %arg6[%get3A_519, %get3A_520] {strides = array<i32>} : memref<128x32xf32, #tpu.memory_space<vmem>>, vector<16xf32>,
      tpu.vector_store_idx %arg8[%add3A_48, %select_n3A_45, %broadcast_in_dim3A_513], %get3A_521 : memref<4x8x129xf32, #tpu.memory_space<vmem>>[vector<16xi32>, vector<16xi32>, vector<16xi32>], vector<16xf32>,
      %broadcast_in_dim3A_522 = arith.constant 40 : i32
      %broadcast_in_dim3A_523 = vector.broadcast %broadcast_in_dim3A_522 : i32 to vector<16xi32>
      %get3A_524 = arith.constant 40 : i32
      %get3A_525 = arith.index_cast %get3A_524 : i32 to index
      %get3A_526 = arith.constant 0 : index
      %get3A_527 = tpu.vector_load %arg6[%get3A_525, %get3A_526] {strides = array<i32>} : memref<128x32xf32, #tpu.memory_space<vmem>>, vector<16xf32>,
      tpu.vector_store_idx %arg8[%select_n3A, %select_n3A_45, %broadcast_in_dim3A_523], %get3A_527 : memref<4x8x129xf32, #tpu.memory_space<vmem>>[vector<16xi32>, vector<16xi32>, vector<16xi32>], vector<16xf32>,
      %get3A_528 = arith.constant 40 : i32
      %get3A_529 = arith.index_cast %get3A_528 : i32 to index
      %get3A_530 = arith.constant 16 : index
      %get3A_531 = tpu.vector_load %arg6[%get3A_529, %get3A_530] {strides = array<i32>} : memref<128x32xf32, #tpu.memory_space<vmem>>, vector<16xf32>,
      tpu.vector_store_idx %arg8[%add3A_48, %select_n3A_45, %broadcast_in_dim3A_523], %get3A_531 : memref<4x8x129xf32, #tpu.memory_space<vmem>>[vector<16xi32>, vector<16xi32>, vector<16xi32>], vector<16xf32>,
      %broadcast_in_dim3A_532 = arith.constant 41 : i32
      %broadcast_in_dim3A_533 = vector.broadcast %broadcast_in_dim3A_532 : i32 to vector<16xi32>
      %get3A_534 = arith.constant 41 : i32
      %get3A_535 = arith.index_cast %get3A_534 : i32 to index
      %get3A_536 = arith.constant 0 : index
      %get3A_537 = tpu.vector_load %arg6[%get3A_535, %get3A_536] {strides = array<i32>} : memref<128x32xf32, #tpu.memory_space<vmem>>, vector<16xf32>,
      tpu.vector_store_idx %arg8[%select_n3A, %select_n3A_45, %broadcast_in_dim3A_533], %get3A_537 : memref<4x8x129xf32, #tpu.memory_space<vmem>>[vector<16xi32>, vector<16xi32>, vector<16xi32>], vector<16xf32>,
      %get3A_538 = arith.constant 41 : i32
      %get3A_539 = arith.index_cast %get3A_538 : i32 to index
      %get3A_540 = arith.constant 16 : index
      %get3A_541 = tpu.vector_load %arg6[%get3A_539, %get3A_540] {strides = array<i32>} : memref<128x32xf32, #tpu.memory_space<vmem>>, vector<16xf32>,
      tpu.vector_store_idx %arg8[%add3A_48, %select_n3A_45, %broadcast_in_dim3A_533], %get3A_541 : memref<4x8x129xf32, #tpu.memory_space<vmem>>[vector<16xi32>, vector<16xi32>, vector<16xi32>], vector<16xf32>,
      %broadcast_in_dim3A_542 = arith.constant 42 : i32
      %broadcast_in_dim3A_543 = vector.broadcast %broadcast_in_dim3A_542 : i32 to vector<16xi32>
      %get3A_544 = arith.constant 42 : i32
      %get3A_545 = arith.index_cast %get3A_544 : i32 to index
      %get3A_546 = arith.constant 0 : index
      %get3A_547 = tpu.vector_load %arg6[%get3A_545, %get3A_546] {strides = array<i32>} : memref<128x32xf32, #tpu.memory_space<vmem>>, vector<16xf32>,
      tpu.vector_store_idx %arg8[%select_n3A, %select_n3A_45, %broadcast_in_dim3A_543], %get3A_547 : memref<4x8x129xf32, #tpu.memory_space<vmem>>[vector<16xi32>, vector<16xi32>, vector<16xi32>], vector<16xf32>,
      %get3A_548 = arith.constant 42 : i32
      %get3A_549 = arith.index_cast %get3A_548 : i32 to index
      %get3A_550 = arith.constant 16 : index
      %get3A_551 = tpu.vector_load %arg6[%get3A_549, %get3A_550] {strides = array<i32>} : memref<128x32xf32, #tpu.memory_space<vmem>>, vector<16xf32>,
      tpu.vector_store_idx %arg8[%add3A_48, %select_n3A_45, %broadcast_in_dim3A_543], %get3A_551 : memref<4x8x129xf32, #tpu.memory_space<vmem>>[vector<16xi32>, vector<16xi32>, vector<16xi32>], vector<16xf32>,
      %broadcast_in_dim3A_552 = arith.constant 43 : i32
      %broadcast_in_dim3A_553 = vector.broadcast %broadcast_in_dim3A_552 : i32 to vector<16xi32>
      %get3A_554 = arith.constant 43 : i32
      %get3A_555 = arith.index_cast %get3A_554 : i32 to index
      %get3A_556 = arith.constant 0 : index
      %get3A_557 = tpu.vector_load %arg6[%get3A_555, %get3A_556] {strides = array<i32>} : memref<128x32xf32, #tpu.memory_space<vmem>>, vector<16xf32>,
      tpu.vector_store_idx %arg8[%select_n3A, %select_n3A_45, %broadcast_in_dim3A_553], %get3A_557 : memref<4x8x129xf32, #tpu.memory_space<vmem>>[vector<16xi32>, vector<16xi32>, vector<16xi32>], vector<16xf32>,
      %get3A_558 = arith.constant 43 : i32
      %get3A_559 = arith.index_cast %get3A_558 : i32 to index
      %get3A_560 = arith.constant 16 : index
      %get3A_561 = tpu.vector_load %arg6[%get3A_559, %get3A_560] {strides = array<i32>} : memref<128x32xf32, #tpu.memory_space<vmem>>, vector<16xf32>,
      tpu.vector_store_idx %arg8[%add3A_48, %select_n3A_45, %broadcast_in_dim3A_553], %get3A_561 : memref<4x8x129xf32, #tpu.memory_space<vmem>>[vector<16xi32>, vector<16xi32>, vector<16xi32>], vector<16xf32>,
      %broadcast_in_dim3A_562 = arith.constant 44 : i32
      %broadcast_in_dim3A_563 = vector.broadcast %broadcast_in_dim3A_562 : i32 to vector<16xi32>
      %get3A_564 = arith.constant 44 : i32
      %get3A_565 = arith.index_cast %get3A_564 : i32 to index
      %get3A_566 = arith.constant 0 : index
      %get3A_567 = tpu.vector_load %arg6[%get3A_565, %get3A_566] {strides = array<i32>} : memref<128x32xf32, #tpu.memory_space<vmem>>, vector<16xf32>,
      tpu.vector_store_idx %arg8[%select_n3A, %select_n3A_45, %broadcast_in_dim3A_563], %get3A_567 : memref<4x8x129xf32, #tpu.memory_space<vmem>>[vector<16xi32>, vector<16xi32>, vector<16xi32>], vector<16xf32>,
      %get3A_568 = arith.constant 44 : i32
      %get3A_569 = arith.index_cast %get3A_568 : i32 to index
      %get3A_570 = arith.constant 16 : index
      %get3A_571 = tpu.vector_load %arg6[%get3A_569, %get3A_570] {strides = array<i32>} : memref<128x32xf32, #tpu.memory_space<vmem>>, vector<16xf32>,
      tpu.vector_store_idx %arg8[%add3A_48, %select_n3A_45, %broadcast_in_dim3A_563], %get3A_571 : memref<4x8x129xf32, #tpu.memory_space<vmem>>[vector<16xi32>, vector<16xi32>, vector<16xi32>], vector<16xf32>,
      %broadcast_in_dim3A_572 = arith.constant 45 : i32
      %broadcast_in_dim3A_573 = vector.broadcast %broadcast_in_dim3A_572 : i32 to vector<16xi32>
      %get3A_574 = arith.constant 45 : i32
      %get3A_575 = arith.index_cast %get3A_574 : i32 to index
      %get3A_576 = arith.constant 0 : index
      %get3A_577 = tpu.vector_load %arg6[%get3A_575, %get3A_576] {strides = array<i32>} : memref<128x32xf32, #tpu.memory_space<vmem>>, vector<16xf32>,
      tpu.vector_store_idx %arg8[%select_n3A, %select_n3A_45, %broadcast_in_dim3A_573], %get3A_577 : memref<4x8x129xf32, #tpu.memory_space<vmem>>[vector<16xi32>, vector<16xi32>, vector<16xi32>], vector<16xf32>,
      %get3A_578 = arith.constant 45 : i32
      %get3A_579 = arith.index_cast %get3A_578 : i32 to index
      %get3A_580 = arith.constant 16 : index
      %get3A_581 = tpu.vector_load %arg6[%get3A_579, %get3A_580] {strides = array<i32>} : memref<128x32xf32, #tpu.memory_space<vmem>>, vector<16xf32>,
      tpu.vector_store_idx %arg8[%add3A_48, %select_n3A_45, %broadcast_in_dim3A_573], %get3A_581 : memref<4x8x129xf32, #tpu.memory_space<vmem>>[vector<16xi32>, vector<16xi32>, vector<16xi32>], vector<16xf32>,
      %broadcast_in_dim3A_582 = arith.constant 46 : i32
      %broadcast_in_dim3A_583 = vector.broadcast %broadcast_in_dim3A_582 : i32 to vector<16xi32>
      %get3A_584 = arith.constant 46 : i32
      %get3A_585 = arith.index_cast %get3A_584 : i32 to index
      %get3A_586 = arith.constant 0 : index
      %get3A_587 = tpu.vector_load %arg6[%get3A_585, %get3A_586] {strides = array<i32>} : memref<128x32xf32, #tpu.memory_space<vmem>>, vector<16xf32>,
      tpu.vector_store_idx %arg8[%select_n3A, %select_n3A_45, %broadcast_in_dim3A_583], %get3A_587 : memref<4x8x129xf32, #tpu.memory_space<vmem>>[vector<16xi32>, vector<16xi32>, vector<16xi32>], vector<16xf32>,
      %get3A_588 = arith.constant 46 : i32
      %get3A_589 = arith.index_cast %get3A_588 : i32 to index
      %get3A_590 = arith.constant 16 : index
      %get3A_591 = tpu.vector_load %arg6[%get3A_589, %get3A_590] {strides = array<i32>} : memref<128x32xf32, #tpu.memory_space<vmem>>, vector<16xf32>,
      tpu.vector_store_idx %arg8[%add3A_48, %select_n3A_45, %broadcast_in_dim3A_583], %get3A_591 : memref<4x8x129xf32, #tpu.memory_space<vmem>>[vector<16xi32>, vector<16xi32>, vector<16xi32>], vector<16xf32>,
      %broadcast_in_dim3A_592 = arith.constant 47 : i32
      %broadcast_in_dim3A_593 = vector.broadcast %broadcast_in_dim3A_592 : i32 to vector<16xi32>
      %get3A_594 = arith.constant 47 : i32
      %get3A_595 = arith.index_cast %get3A_594 : i32 to index
      %get3A_596 = arith.constant 0 : index
      %get3A_597 = tpu.vector_load %arg6[%get3A_595, %get3A_596] {strides = array<i32>} : memref<128x32xf32, #tpu.memory_space<vmem>>, vector<16xf32>,
      tpu.vector_store_idx %arg8[%select_n3A, %select_n3A_45, %broadcast_in_dim3A_593], %get3A_597 : memref<4x8x129xf32, #tpu.memory_space<vmem>>[vector<16xi32>, vector<16xi32>, vector<16xi32>], vector<16xf32>,
      %get3A_598 = arith.constant 47 : i32
      %get3A_599 = arith.index_cast %get3A_598 : i32 to index
      %get3A_600 = arith.constant 16 : index
      %get3A_601 = tpu.vector_load %arg6[%get3A_599, %get3A_600] {strides = array<i32>} : memref<128x32xf32, #tpu.memory_space<vmem>>, vector<16xf32>,
      tpu.vector_store_idx %arg8[%add3A_48, %select_n3A_45, %broadcast_in_dim3A_593], %get3A_601 : memref<4x8x129xf32, #tpu.memory_space<vmem>>[vector<16xi32>, vector<16xi32>, vector<16xi32>], vector<16xf32>,
      %broadcast_in_dim3A_602 = arith.constant 48 : i32
      %broadcast_in_dim3A_603 = vector.broadcast %broadcast_in_dim3A_602 : i32 to vector<16xi32>
      %get3A_604 = arith.constant 48 : i32
      %get3A_605 = arith.index_cast %get3A_604 : i32 to index
      %get3A_606 = arith.constant 0 : index
      %get3A_607 = tpu.vector_load %arg6[%get3A_605, %get3A_606] {strides = array<i32>} : memref<128x32xf32, #tpu.memory_space<vmem>>, vector<16xf32>,
      tpu.vector_store_idx %arg8[%select_n3A, %select_n3A_45, %broadcast_in_dim3A_603], %get3A_607 : memref<4x8x129xf32, #tpu.memory_space<vmem>>[vector<16xi32>, vector<16xi32>, vector<16xi32>], vector<16xf32>,
      %get3A_608 = arith.constant 48 : i32
      %get3A_609 = arith.index_cast %get3A_608 : i32 to index
      %get3A_610 = arith.constant 16 : index
      %get3A_611 = tpu.vector_load %arg6[%get3A_609, %get3A_610] {strides = array<i32>} : memref<128x32xf32, #tpu.memory_space<vmem>>, vector<16xf32>,
      tpu.vector_store_idx %arg8[%add3A_48, %select_n3A_45, %broadcast_in_dim3A_603], %get3A_611 : memref<4x8x129xf32, #tpu.memory_space<vmem>>[vector<16xi32>, vector<16xi32>, vector<16xi32>], vector<16xf32>,
      %broadcast_in_dim3A_612 = arith.constant 49 : i32
      %broadcast_in_dim3A_613 = vector.broadcast %broadcast_in_dim3A_612 : i32 to vector<16xi32>
      %get3A_614 = arith.constant 49 : i32
      %get3A_615 = arith.index_cast %get3A_614 : i32 to index
      %get3A_616 = arith.constant 0 : index
      %get3A_617 = tpu.vector_load %arg6[%get3A_615, %get3A_616] {strides = array<i32>} : memref<128x32xf32, #tpu.memory_space<vmem>>, vector<16xf32>,
      tpu.vector_store_idx %arg8[%select_n3A, %select_n3A_45, %broadcast_in_dim3A_613], %get3A_617 : memref<4x8x129xf32, #tpu.memory_space<vmem>>[vector<16xi32>, vector<16xi32>, vector<16xi32>], vector<16xf32>,
      %get3A_618 = arith.constant 49 : i32
      %get3A_619 = arith.index_cast %get3A_618 : i32 to index
      %get3A_620 = arith.constant 16 : index
      %get3A_621 = tpu.vector_load %arg6[%get3A_619, %get3A_620] {strides = array<i32>} : memref<128x32xf32, #tpu.memory_space<vmem>>, vector<16xf32>,
      tpu.vector_store_idx %arg8[%add3A_48, %select_n3A_45, %broadcast_in_dim3A_613], %get3A_621 : memref<4x8x129xf32, #tpu.memory_space<vmem>>[vector<16xi32>, vector<16xi32>, vector<16xi32>], vector<16xf32>,
      %broadcast_in_dim3A_622 = arith.constant 50 : i32
      %broadcast_in_dim3A_623 = vector.broadcast %broadcast_in_dim3A_622 : i32 to vector<16xi32>
      %get3A_624 = arith.constant 50 : i32
      %get3A_625 = arith.index_cast %get3A_624 : i32 to index
      %get3A_626 = arith.constant 0 : index
      %get3A_627 = tpu.vector_load %arg6[%get3A_625, %get3A_626] {strides = array<i32>} : memref<128x32xf32, #tpu.memory_space<vmem>>, vector<16xf32>,
      tpu.vector_store_idx %arg8[%select_n3A, %select_n3A_45, %broadcast_in_dim3A_623], %get3A_627 : memref<4x8x129xf32, #tpu.memory_space<vmem>>[vector<16xi32>, vector<16xi32>, vector<16xi32>], vector<16xf32>,
      %get3A_628 = arith.constant 50 : i32
      %get3A_629 = arith.index_cast %get3A_628 : i32 to index
      %get3A_630 = arith.constant 16 : index
      %get3A_631 = tpu.vector_load %arg6[%get3A_629, %get3A_630] {strides = array<i32>} : memref<128x32xf32, #tpu.memory_space<vmem>>, vector<16xf32>,
      tpu.vector_store_idx %arg8[%add3A_48, %select_n3A_45, %broadcast_in_dim3A_623], %get3A_631 : memref<4x8x129xf32, #tpu.memory_space<vmem>>[vector<16xi32>, vector<16xi32>, vector<16xi32>], vector<16xf32>,
      %broadcast_in_dim3A_632 = arith.constant 51 : i32
      %broadcast_in_dim3A_633 = vector.broadcast %broadcast_in_dim3A_632 : i32 to vector<16xi32>
      %get3A_634 = arith.constant 51 : i32
      %get3A_635 = arith.index_cast %get3A_634 : i32 to index
      %get3A_636 = arith.constant 0 : index
      %get3A_637 = tpu.vector_load %arg6[%get3A_635, %get3A_636] {strides = array<i32>} : memref<128x32xf32, #tpu.memory_space<vmem>>, vector<16xf32>,
      tpu.vector_store_idx %arg8[%select_n3A, %select_n3A_45, %broadcast_in_dim3A_633], %get3A_637 : memref<4x8x129xf32, #tpu.memory_space<vmem>>[vector<16xi32>, vector<16xi32>, vector<16xi32>], vector<16xf32>,
      %get3A_638 = arith.constant 51 : i32
      %get3A_639 = arith.index_cast %get3A_638 : i32 to index
      %get3A_640 = arith.constant 16 : index
      %get3A_641 = tpu.vector_load %arg6[%get3A_639, %get3A_640] {strides = array<i32>} : memref<128x32xf32, #tpu.memory_space<vmem>>, vector<16xf32>,
      tpu.vector_store_idx %arg8[%add3A_48, %select_n3A_45, %broadcast_in_dim3A_633], %get3A_641 : memref<4x8x129xf32, #tpu.memory_space<vmem>>[vector<16xi32>, vector<16xi32>, vector<16xi32>], vector<16xf32>,
      %broadcast_in_dim3A_642 = arith.constant 52 : i32
      %broadcast_in_dim3A_643 = vector.broadcast %broadcast_in_dim3A_642 : i32 to vector<16xi32>
      %get3A_644 = arith.constant 52 : i32
      %get3A_645 = arith.index_cast %get3A_644 : i32 to index
      %get3A_646 = arith.constant 0 : index
      %get3A_647 = tpu.vector_load %arg6[%get3A_645, %get3A_646] {strides = array<i32>} : memref<128x32xf32, #tpu.memory_space<vmem>>, vector<16xf32>,
      tpu.vector_store_idx %arg8[%select_n3A, %select_n3A_45, %broadcast_in_dim3A_643], %get3A_647 : memref<4x8x129xf32, #tpu.memory_space<vmem>>[vector<16xi32>, vector<16xi32>, vector<16xi32>], vector<16xf32>,
      %get3A_648 = arith.constant 52 : i32
      %get3A_649 = arith.index_cast %get3A_648 : i32 to index
      %get3A_650 = arith.constant 16 : index
      %get3A_651 = tpu.vector_load %arg6[%get3A_649, %get3A_650] {strides = array<i32>} : memref<128x32xf32, #tpu.memory_space<vmem>>, vector<16xf32>,
      tpu.vector_store_idx %arg8[%add3A_48, %select_n3A_45, %broadcast_in_dim3A_643], %get3A_651 : memref<4x8x129xf32, #tpu.memory_space<vmem>>[vector<16xi32>, vector<16xi32>, vector<16xi32>], vector<16xf32>,
      %broadcast_in_dim3A_652 = arith.constant 53 : i32
      %broadcast_in_dim3A_653 = vector.broadcast %broadcast_in_dim3A_652 : i32 to vector<16xi32>
      %get3A_654 = arith.constant 53 : i32
      %get3A_655 = arith.index_cast %get3A_654 : i32 to index
      %get3A_656 = arith.constant 0 : index
      %get3A_657 = tpu.vector_load %arg6[%get3A_655, %get3A_656] {strides = array<i32>} : memref<128x32xf32, #tpu.memory_space<vmem>>, vector<16xf32>,
      tpu.vector_store_idx %arg8[%select_n3A, %select_n3A_45, %broadcast_in_dim3A_653], %get3A_657 : memref<4x8x129xf32, #tpu.memory_space<vmem>>[vector<16xi32>, vector<16xi32>, vector<16xi32>], vector<16xf32>,
      %get3A_658 = arith.constant 53 : i32
      %get3A_659 = arith.index_cast %get3A_658 : i32 to index
      %get3A_660 = arith.constant 16 : index
      %get3A_661 = tpu.vector_load %arg6[%get3A_659, %get3A_660] {strides = array<i32>} : memref<128x32xf32, #tpu.memory_space<vmem>>, vector<16xf32>,
      tpu.vector_store_idx %arg8[%add3A_48, %select_n3A_45, %broadcast_in_dim3A_653], %get3A_661 : memref<4x8x129xf32, #tpu.memory_space<vmem>>[vector<16xi32>, vector<16xi32>, vector<16xi32>], vector<16xf32>,
      %broadcast_in_dim3A_662 = arith.constant 54 : i32
      %broadcast_in_dim3A_663 = vector.broadcast %broadcast_in_dim3A_662 : i32 to vector<16xi32>
      %get3A_664 = arith.constant 54 : i32
      %get3A_665 = arith.index_cast %get3A_664 : i32 to index
      %get3A_666 = arith.constant 0 : index
      %get3A_667 = tpu.vector_load %arg6[%get3A_665, %get3A_666] {strides = array<i32>} : memref<128x32xf32, #tpu.memory_space<vmem>>, vector<16xf32>,
      tpu.vector_store_idx %arg8[%select_n3A, %select_n3A_45, %broadcast_in_dim3A_663], %get3A_667 : memref<4x8x129xf32, #tpu.memory_space<vmem>>[vector<16xi32>, vector<16xi32>, vector<16xi32>], vector<16xf32>,
      %get3A_668 = arith.constant 54 : i32
      %get3A_669 = arith.index_cast %get3A_668 : i32 to index
      %get3A_670 = arith.constant 16 : index
      %get3A_671 = tpu.vector_load %arg6[%get3A_669, %get3A_670] {strides = array<i32>} : memref<128x32xf32, #tpu.memory_space<vmem>>, vector<16xf32>,
      tpu.vector_store_idx %arg8[%add3A_48, %select_n3A_45, %broadcast_in_dim3A_663], %get3A_671 : memref<4x8x129xf32, #tpu.memory_space<vmem>>[vector<16xi32>, vector<16xi32>, vector<16xi32>], vector<16xf32>,
      %broadcast_in_dim3A_672 = arith.constant 55 : i32
      %broadcast_in_dim3A_673 = vector.broadcast %broadcast_in_dim3A_672 : i32 to vector<16xi32>
      %get3A_674 = arith.constant 55 : i32
      %get3A_675 = arith.index_cast %get3A_674 : i32 to index
      %get3A_676 = arith.constant 0 : index
      %get3A_677 = tpu.vector_load %arg6[%get3A_675, %get3A_676] {strides = array<i32>} : memref<128x32xf32, #tpu.memory_space<vmem>>, vector<16xf32>,
      tpu.vector_store_idx %arg8[%select_n3A, %select_n3A_45, %broadcast_in_dim3A_673], %get3A_677 : memref<4x8x129xf32, #tpu.memory_space<vmem>>[vector<16xi32>, vector<16xi32>, vector<16xi32>], vector<16xf32>,
      %get3A_678 = arith.constant 55 : i32
      %get3A_679 = arith.index_cast %get3A_678 : i32 to index
      %get3A_680 = arith.constant 16 : index
      %get3A_681 = tpu.vector_load %arg6[%get3A_679, %get3A_680] {strides = array<i32>} : memref<128x32xf32, #tpu.memory_space<vmem>>, vector<16xf32>,
      tpu.vector_store_idx %arg8[%add3A_48, %select_n3A_45, %broadcast_in_dim3A_673], %get3A_681 : memref<4x8x129xf32, #tpu.memory_space<vmem>>[vector<16xi32>, vector<16xi32>, vector<16xi32>], vector<16xf32>,
      %broadcast_in_dim3A_682 = arith.constant 56 : i32
      %broadcast_in_dim3A_683 = vector.broadcast %broadcast_in_dim3A_682 : i32 to vector<16xi32>
      %get3A_684 = arith.constant 56 : i32
      %get3A_685 = arith.index_cast %get3A_684 : i32 to index
      %get3A_686 = arith.constant 0 : index
      %get3A_687 = tpu.vector_load %arg6[%get3A_685, %get3A_686] {strides = array<i32>} : memref<128x32xf32, #tpu.memory_space<vmem>>, vector<16xf32>,
      tpu.vector_store_idx %arg8[%select_n3A, %select_n3A_45, %broadcast_in_dim3A_683], %get3A_687 : memref<4x8x129xf32, #tpu.memory_space<vmem>>[vector<16xi32>, vector<16xi32>, vector<16xi32>], vector<16xf32>,
      %get3A_688 = arith.constant 56 : i32
      %get3A_689 = arith.index_cast %get3A_688 : i32 to index
      %get3A_690 = arith.constant 16 : index
      %get3A_691 = tpu.vector_load %arg6[%get3A_689, %get3A_690] {strides = array<i32>} : memref<128x32xf32, #tpu.memory_space<vmem>>, vector<16xf32>,
      tpu.vector_store_idx %arg8[%add3A_48, %select_n3A_45, %broadcast_in_dim3A_683], %get3A_691 : memref<4x8x129xf32, #tpu.memory_space<vmem>>[vector<16xi32>, vector<16xi32>, vector<16xi32>], vector<16xf32>,
      %broadcast_in_dim3A_692 = arith.constant 57 : i32
      %broadcast_in_dim3A_693 = vector.broadcast %broadcast_in_dim3A_692 : i32 to vector<16xi32>
      %get3A_694 = arith.constant 57 : i32
      %get3A_695 = arith.index_cast %get3A_694 : i32 to index
      %get3A_696 = arith.constant 0 : index
      %get3A_697 = tpu.vector_load %arg6[%get3A_695, %get3A_696] {strides = array<i32>} : memref<128x32xf32, #tpu.memory_space<vmem>>, vector<16xf32>,
      tpu.vector_store_idx %arg8[%select_n3A, %select_n3A_45, %broadcast_in_dim3A_693], %get3A_697 : memref<4x8x129xf32, #tpu.memory_space<vmem>>[vector<16xi32>, vector<16xi32>, vector<16xi32>], vector<16xf32>,
      %get3A_698 = arith.constant 57 : i32
      %get3A_699 = arith.index_cast %get3A_698 : i32 to index
      %get3A_700 = arith.constant 16 : index
      %get3A_701 = tpu.vector_load %arg6[%get3A_699, %get3A_700] {strides = array<i32>} : memref<128x32xf32, #tpu.memory_space<vmem>>, vector<16xf32>,
      tpu.vector_store_idx %arg8[%add3A_48, %select_n3A_45, %broadcast_in_dim3A_693], %get3A_701 : memref<4x8x129xf32, #tpu.memory_space<vmem>>[vector<16xi32>, vector<16xi32>, vector<16xi32>], vector<16xf32>,
      %broadcast_in_dim3A_702 = arith.constant 58 : i32
      %broadcast_in_dim3A_703 = vector.broadcast %broadcast_in_dim3A_702 : i32 to vector<16xi32>
      %get3A_704 = arith.constant 58 : i32
      %get3A_705 = arith.index_cast %get3A_704 : i32 to index
      %get3A_706 = arith.constant 0 : index
      %get3A_707 = tpu.vector_load %arg6[%get3A_705, %get3A_706] {strides = array<i32>} : memref<128x32xf32, #tpu.memory_space<vmem>>, vector<16xf32>,
      tpu.vector_store_idx %arg8[%select_n3A, %select_n3A_45, %broadcast_in_dim3A_703], %get3A_707 : memref<4x8x129xf32, #tpu.memory_space<vmem>>[vector<16xi32>, vector<16xi32>, vector<16xi32>], vector<16xf32>,
      %get3A_708 = arith.constant 58 : i32
      %get3A_709 = arith.index_cast %get3A_708 : i32 to index
      %get3A_710 = arith.constant 16 : index
      %get3A_711 = tpu.vector_load %arg6[%get3A_709, %get3A_710] {strides = array<i32>} : memref<128x32xf32, #tpu.memory_space<vmem>>, vector<16xf32>,
      tpu.vector_store_idx %arg8[%add3A_48, %select_n3A_45, %broadcast_in_dim3A_703], %get3A_711 : memref<4x8x129xf32, #tpu.memory_space<vmem>>[vector<16xi32>, vector<16xi32>, vector<16xi32>], vector<16xf32>,
      %broadcast_in_dim3A_712 = arith.constant 59 : i32
      %broadcast_in_dim3A_713 = vector.broadcast %broadcast_in_dim3A_712 : i32 to vector<16xi32>
      %get3A_714 = arith.constant 59 : i32
      %get3A_715 = arith.index_cast %get3A_714 : i32 to index
      %get3A_716 = arith.constant 0 : index
      %get3A_717 = tpu.vector_load %arg6[%get3A_715, %get3A_716] {strides = array<i32>} : memref<128x32xf32, #tpu.memory_space<vmem>>, vector<16xf32>,
      tpu.vector_store_idx %arg8[%select_n3A, %select_n3A_45, %broadcast_in_dim3A_713], %get3A_717 : memref<4x8x129xf32, #tpu.memory_space<vmem>>[vector<16xi32>, vector<16xi32>, vector<16xi32>], vector<16xf32>,
      %get3A_718 = arith.constant 59 : i32
      %get3A_719 = arith.index_cast %get3A_718 : i32 to index
      %get3A_720 = arith.constant 16 : index
      %get3A_721 = tpu.vector_load %arg6[%get3A_719, %get3A_720] {strides = array<i32>} : memref<128x32xf32, #tpu.memory_space<vmem>>, vector<16xf32>,
      tpu.vector_store_idx %arg8[%add3A_48, %select_n3A_45, %broadcast_in_dim3A_713], %get3A_721 : memref<4x8x129xf32, #tpu.memory_space<vmem>>[vector<16xi32>, vector<16xi32>, vector<16xi32>], vector<16xf32>,
      %broadcast_in_dim3A_722 = arith.constant 60 : i32
      %broadcast_in_dim3A_723 = vector.broadcast %broadcast_in_dim3A_722 : i32 to vector<16xi32>
      %get3A_724 = arith.constant 60 : i32
      %get3A_725 = arith.index_cast %get3A_724 : i32 to index
      %get3A_726 = arith.constant 0 : index
      %get3A_727 = tpu.vector_load %arg6[%get3A_725, %get3A_726] {strides = array<i32>} : memref<128x32xf32, #tpu.memory_space<vmem>>, vector<16xf32>,
      tpu.vector_store_idx %arg8[%select_n3A, %select_n3A_45, %broadcast_in_dim3A_723], %get3A_727 : memref<4x8x129xf32, #tpu.memory_space<vmem>>[vector<16xi32>, vector<16xi32>, vector<16xi32>], vector<16xf32>,
      %get3A_728 = arith.constant 60 : i32
      %get3A_729 = arith.index_cast %get3A_728 : i32 to index
      %get3A_730 = arith.constant 16 : index
      %get3A_731 = tpu.vector_load %arg6[%get3A_729, %get3A_730] {strides = array<i32>} : memref<128x32xf32, #tpu.memory_space<vmem>>, vector<16xf32>,
      tpu.vector_store_idx %arg8[%add3A_48, %select_n3A_45, %broadcast_in_dim3A_723], %get3A_731 : memref<4x8x129xf32, #tpu.memory_space<vmem>>[vector<16xi32>, vector<16xi32>, vector<16xi32>], vector<16xf32>,
      %broadcast_in_dim3A_732 = arith.constant 61 : i32
      %broadcast_in_dim3A_733 = vector.broadcast %broadcast_in_dim3A_732 : i32 to vector<16xi32>
      %get3A_734 = arith.constant 61 : i32
      %get3A_735 = arith.index_cast %get3A_734 : i32 to index
      %get3A_736 = arith.constant 0 : index
      %get3A_737 = tpu.vector_load %arg6[%get3A_735, %get3A_736] {strides = array<i32>} : memref<128x32xf32, #tpu.memory_space<vmem>>, vector<16xf32>,
      tpu.vector_store_idx %arg8[%select_n3A, %select_n3A_45, %broadcast_in_dim3A_733], %get3A_737 : memref<4x8x129xf32, #tpu.memory_space<vmem>>[vector<16xi32>, vector<16xi32>, vector<16xi32>], vector<16xf32>,
      %get3A_738 = arith.constant 61 : i32
      %get3A_739 = arith.index_cast %get3A_738 : i32 to index
      %get3A_740 = arith.constant 16 : index
      %get3A_741 = tpu.vector_load %arg6[%get3A_739, %get3A_740] {strides = array<i32>} : memref<128x32xf32, #tpu.memory_space<vmem>>, vector<16xf32>,
      tpu.vector_store_idx %arg8[%add3A_48, %select_n3A_45, %broadcast_in_dim3A_733], %get3A_741 : memref<4x8x129xf32, #tpu.memory_space<vmem>>[vector<16xi32>, vector<16xi32>, vector<16xi32>], vector<16xf32>,
      %broadcast_in_dim3A_742 = arith.constant 62 : i32
      %broadcast_in_dim3A_743 = vector.broadcast %broadcast_in_dim3A_742 : i32 to vector<16xi32>
      %get3A_744 = arith.constant 62 : i32
      %get3A_745 = arith.index_cast %get3A_744 : i32 to index
      %get3A_746 = arith.constant 0 : index
      %get3A_747 = tpu.vector_load %arg6[%get3A_745, %get3A_746] {strides = array<i32>} : memref<128x32xf32, #tpu.memory_space<vmem>>, vector<16xf32>,
      tpu.vector_store_idx %arg8[%select_n3A, %select_n3A_45, %broadcast_in_dim3A_743], %get3A_747 : memref<4x8x129xf32, #tpu.memory_space<vmem>>[vector<16xi32>, vector<16xi32>, vector<16xi32>], vector<16xf32>,
      %get3A_748 = arith.constant 62 : i32
      %get3A_749 = arith.index_cast %get3A_748 : i32 to index
      %get3A_750 = arith.constant 16 : index
      %get3A_751 = tpu.vector_load %arg6[%get3A_749, %get3A_750] {strides = array<i32>} : memref<128x32xf32, #tpu.memory_space<vmem>>, vector<16xf32>,
      tpu.vector_store_idx %arg8[%add3A_48, %select_n3A_45, %broadcast_in_dim3A_743], %get3A_751 : memref<4x8x129xf32, #tpu.memory_space<vmem>>[vector<16xi32>, vector<16xi32>, vector<16xi32>], vector<16xf32>,
      %broadcast_in_dim3A_752 = arith.constant 63 : i32
      %broadcast_in_dim3A_753 = vector.broadcast %broadcast_in_dim3A_752 : i32 to vector<16xi32>
      %get3A_754 = arith.constant 63 : i32
      %get3A_755 = arith.index_cast %get3A_754 : i32 to index
      %get3A_756 = arith.constant 0 : index
      %get3A_757 = tpu.vector_load %arg6[%get3A_755, %get3A_756] {strides = array<i32>} : memref<128x32xf32, #tpu.memory_space<vmem>>, vector<16xf32>,
      tpu.vector_store_idx %arg8[%select_n3A, %select_n3A_45, %broadcast_in_dim3A_753], %get3A_757 : memref<4x8x129xf32, #tpu.memory_space<vmem>>[vector<16xi32>, vector<16xi32>, vector<16xi32>], vector<16xf32>,
      %get3A_758 = arith.constant 63 : i32
      %get3A_759 = arith.index_cast %get3A_758 : i32 to index
      %get3A_760 = arith.constant 16 : index
      %get3A_761 = tpu.vector_load %arg6[%get3A_759, %get3A_760] {strides = array<i32>} : memref<128x32xf32, #tpu.memory_space<vmem>>, vector<16xf32>,
      tpu.vector_store_idx %arg8[%add3A_48, %select_n3A_45, %broadcast_in_dim3A_753], %get3A_761 : memref<4x8x129xf32, #tpu.memory_space<vmem>>[vector<16xi32>, vector<16xi32>, vector<16xi32>], vector<16xf32>,
      %broadcast_in_dim3A_762 = arith.constant 64 : i32
      %broadcast_in_dim3A_763 = vector.broadcast %broadcast_in_dim3A_762 : i32 to vector<16xi32>
      %get3A_764 = arith.constant 64 : i32
      %get3A_765 = arith.index_cast %get3A_764 : i32 to index
      %get3A_766 = arith.constant 0 : index
      %get3A_767 = tpu.vector_load %arg6[%get3A_765, %get3A_766] {strides = array<i32>} : memref<128x32xf32, #tpu.memory_space<vmem>>, vector<16xf32>,
      tpu.vector_store_idx %arg8[%select_n3A, %select_n3A_45, %broadcast_in_dim3A_763], %get3A_767 : memref<4x8x129xf32, #tpu.memory_space<vmem>>[vector<16xi32>, vector<16xi32>, vector<16xi32>], vector<16xf32>,
      %get3A_768 = arith.constant 64 : i32
      %get3A_769 = arith.index_cast %get3A_768 : i32 to index
      %get3A_770 = arith.constant 16 : index
      %get3A_771 = tpu.vector_load %arg6[%get3A_769, %get3A_770] {strides = array<i32>} : memref<128x32xf32, #tpu.memory_space<vmem>>, vector<16xf32>,
      tpu.vector_store_idx %arg8[%add3A_48, %select_n3A_45, %broadcast_in_dim3A_763], %get3A_771 : memref<4x8x129xf32, #tpu.memory_space<vmem>>[vector<16xi32>, vector<16xi32>, vector<16xi32>], vector<16xf32>,
      %broadcast_in_dim3A_772 = arith.constant 65 : i32
      %broadcast_in_dim3A_773 = vector.broadcast %broadcast_in_dim3A_772 : i32 to vector<16xi32>
      %get3A_774 = arith.constant 65 : i32
      %get3A_775 = arith.index_cast %get3A_774 : i32 to index
      %get3A_776 = arith.constant 0 : index
      %get3A_777 = tpu.vector_load %arg6[%get3A_775, %get3A_776] {strides = array<i32>} : memref<128x32xf32, #tpu.memory_space<vmem>>, vector<16xf32>,
      tpu.vector_store_idx %arg8[%select_n3A, %select_n3A_45, %broadcast_in_dim3A_773], %get3A_777 : memref<4x8x129xf32, #tpu.memory_space<vmem>>[vector<16xi32>, vector<16xi32>, vector<16xi32>], vector<16xf32>,
      %get3A_778 = arith.constant 65 : i32
      %get3A_779 = arith.index_cast %get3A_778 : i32 to index
      %get3A_780 = arith.constant 16 : index
      %get3A_781 = tpu.vector_load %arg6[%get3A_779, %get3A_780] {strides = array<i32>} : memref<128x32xf32, #tpu.memory_space<vmem>>, vector<16xf32>,
      tpu.vector_store_idx %arg8[%add3A_48, %select_n3A_45, %broadcast_in_dim3A_773], %get3A_781 : memref<4x8x129xf32, #tpu.memory_space<vmem>>[vector<16xi32>, vector<16xi32>, vector<16xi32>], vector<16xf32>,
      %broadcast_in_dim3A_782 = arith.constant 66 : i32
      %broadcast_in_dim3A_783 = vector.broadcast %broadcast_in_dim3A_782 : i32 to vector<16xi32>
      %get3A_784 = arith.constant 66 : i32
      %get3A_785 = arith.index_cast %get3A_784 : i32 to index
      %get3A_786 = arith.constant 0 : index
      %get3A_787 = tpu.vector_load %arg6[%get3A_785, %get3A_786] {strides = array<i32>} : memref<128x32xf32, #tpu.memory_space<vmem>>, vector<16xf32>,
      tpu.vector_store_idx %arg8[%select_n3A, %select_n3A_45, %broadcast_in_dim3A_783], %get3A_787 : memref<4x8x129xf32, #tpu.memory_space<vmem>>[vector<16xi32>, vector<16xi32>, vector<16xi32>], vector<16xf32>,
      %get3A_788 = arith.constant 66 : i32
      %get3A_789 = arith.index_cast %get3A_788 : i32 to index
      %get3A_790 = arith.constant 16 : index
      %get3A_791 = tpu.vector_load %arg6[%get3A_789, %get3A_790] {strides = array<i32>} : memref<128x32xf32, #tpu.memory_space<vmem>>, vector<16xf32>,
      tpu.vector_store_idx %arg8[%add3A_48, %select_n3A_45, %broadcast_in_dim3A_783], %get3A_791 : memref<4x8x129xf32, #tpu.memory_space<vmem>>[vector<16xi32>, vector<16xi32>, vector<16xi32>], vector<16xf32>,
      %broadcast_in_dim3A_792 = arith.constant 67 : i32
      %broadcast_in_dim3A_793 = vector.broadcast %broadcast_in_dim3A_792 : i32 to vector<16xi32>
      %get3A_794 = arith.constant 67 : i32
      %get3A_795 = arith.index_cast %get3A_794 : i32 to index
      %get3A_796 = arith.constant 0 : index
      %get3A_797 = tpu.vector_load %arg6[%get3A_795, %get3A_796] {strides = array<i32>} : memref<128x32xf32, #tpu.memory_space<vmem>>, vector<16xf32>,
      tpu.vector_store_idx %arg8[%select_n3A, %select_n3A_45, %broadcast_in_dim3A_793], %get3A_797 : memref<4x8x129xf32, #tpu.memory_space<vmem>>[vector<16xi32>, vector<16xi32>, vector<16xi32>], vector<16xf32>,
      %get3A_798 = arith.constant 67 : i32
      %get3A_799 = arith.index_cast %get3A_798 : i32 to index
      %get3A_800 = arith.constant 16 : index
      %get3A_801 = tpu.vector_load %arg6[%get3A_799, %get3A_800] {strides = array<i32>} : memref<128x32xf32, #tpu.memory_space<vmem>>, vector<16xf32>,
      tpu.vector_store_idx %arg8[%add3A_48, %select_n3A_45, %broadcast_in_dim3A_793], %get3A_801 : memref<4x8x129xf32, #tpu.memory_space<vmem>>[vector<16xi32>, vector<16xi32>, vector<16xi32>], vector<16xf32>,
      %broadcast_in_dim3A_802 = arith.constant 68 : i32
      %broadcast_in_dim3A_803 = vector.broadcast %broadcast_in_dim3A_802 : i32 to vector<16xi32>
      %get3A_804 = arith.constant 68 : i32
      %get3A_805 = arith.index_cast %get3A_804 : i32 to index
      %get3A_806 = arith.constant 0 : index
      %get3A_807 = tpu.vector_load %arg6[%get3A_805, %get3A_806] {strides = array<i32>} : memref<128x32xf32, #tpu.memory_space<vmem>>, vector<16xf32>,
      tpu.vector_store_idx %arg8[%select_n3A, %select_n3A_45, %broadcast_in_dim3A_803], %get3A_807 : memref<4x8x129xf32, #tpu.memory_space<vmem>>[vector<16xi32>, vector<16xi32>, vector<16xi32>], vector<16xf32>,
      %get3A_808 = arith.constant 68 : i32
      %get3A_809 = arith.index_cast %get3A_808 : i32 to index
      %get3A_810 = arith.constant 16 : index
      %get3A_811 = tpu.vector_load %arg6[%get3A_809, %get3A_810] {strides = array<i32>} : memref<128x32xf32, #tpu.memory_space<vmem>>, vector<16xf32>,
      tpu.vector_store_idx %arg8[%add3A_48, %select_n3A_45, %broadcast_in_dim3A_803], %get3A_811 : memref<4x8x129xf32, #tpu.memory_space<vmem>>[vector<16xi32>, vector<16xi32>, vector<16xi32>], vector<16xf32>,
      %broadcast_in_dim3A_812 = arith.constant 69 : i32
      %broadcast_in_dim3A_813 = vector.broadcast %broadcast_in_dim3A_812 : i32 to vector<16xi32>
      %get3A_814 = arith.constant 69 : i32
      %get3A_815 = arith.index_cast %get3A_814 : i32 to index
      %get3A_816 = arith.constant 0 : index
      %get3A_817 = tpu.vector_load %arg6[%get3A_815, %get3A_816] {strides = array<i32>} : memref<128x32xf32, #tpu.memory_space<vmem>>, vector<16xf32>,
      tpu.vector_store_idx %arg8[%select_n3A, %select_n3A_45, %broadcast_in_dim3A_813], %get3A_817 : memref<4x8x129xf32, #tpu.memory_space<vmem>>[vector<16xi32>, vector<16xi32>, vector<16xi32>], vector<16xf32>,
      %get3A_818 = arith.constant 69 : i32
      %get3A_819 = arith.index_cast %get3A_818 : i32 to index
      %get3A_820 = arith.constant 16 : index
      %get3A_821 = tpu.vector_load %arg6[%get3A_819, %get3A_820] {strides = array<i32>} : memref<128x32xf32, #tpu.memory_space<vmem>>, vector<16xf32>,
      tpu.vector_store_idx %arg8[%add3A_48, %select_n3A_45, %broadcast_in_dim3A_813], %get3A_821 : memref<4x8x129xf32, #tpu.memory_space<vmem>>[vector<16xi32>, vector<16xi32>, vector<16xi32>], vector<16xf32>,
      %broadcast_in_dim3A_822 = arith.constant 70 : i32
      %broadcast_in_dim3A_823 = vector.broadcast %broadcast_in_dim3A_822 : i32 to vector<16xi32>
      %get3A_824 = arith.constant 70 : i32
      %get3A_825 = arith.index_cast %get3A_824 : i32 to index
      %get3A_826 = arith.constant 0 : index
      %get3A_827 = tpu.vector_load %arg6[%get3A_825, %get3A_826] {strides = array<i32>} : memref<128x32xf32, #tpu.memory_space<vmem>>, vector<16xf32>,
      tpu.vector_store_idx %arg8[%select_n3A, %select_n3A_45, %broadcast_in_dim3A_823], %get3A_827 : memref<4x8x129xf32, #tpu.memory_space<vmem>>[vector<16xi32>, vector<16xi32>, vector<16xi32>], vector<16xf32>,
      %get3A_828 = arith.constant 70 : i32
      %get3A_829 = arith.index_cast %get3A_828 : i32 to index
      %get3A_830 = arith.constant 16 : index
      %get3A_831 = tpu.vector_load %arg6[%get3A_829, %get3A_830] {strides = array<i32>} : memref<128x32xf32, #tpu.memory_space<vmem>>, vector<16xf32>,
      tpu.vector_store_idx %arg8[%add3A_48, %select_n3A_45, %broadcast_in_dim3A_823], %get3A_831 : memref<4x8x129xf32, #tpu.memory_space<vmem>>[vector<16xi32>, vector<16xi32>, vector<16xi32>], vector<16xf32>,
      %broadcast_in_dim3A_832 = arith.constant 71 : i32
      %broadcast_in_dim3A_833 = vector.broadcast %broadcast_in_dim3A_832 : i32 to vector<16xi32>
      %get3A_834 = arith.constant 71 : i32
      %get3A_835 = arith.index_cast %get3A_834 : i32 to index
      %get3A_836 = arith.constant 0 : index
      %get3A_837 = tpu.vector_load %arg6[%get3A_835, %get3A_836] {strides = array<i32>} : memref<128x32xf32, #tpu.memory_space<vmem>>, vector<16xf32>,
      tpu.vector_store_idx %arg8[%select_n3A, %select_n3A_45, %broadcast_in_dim3A_833], %get3A_837 : memref<4x8x129xf32, #tpu.memory_space<vmem>>[vector<16xi32>, vector<16xi32>, vector<16xi32>], vector<16xf32>,
      %get3A_838 = arith.constant 71 : i32
      %get3A_839 = arith.index_cast %get3A_838 : i32 to index
      %get3A_840 = arith.constant 16 : index
      %get3A_841 = tpu.vector_load %arg6[%get3A_839, %get3A_840] {strides = array<i32>} : memref<128x32xf32, #tpu.memory_space<vmem>>, vector<16xf32>,
      tpu.vector_store_idx %arg8[%add3A_48, %select_n3A_45, %broadcast_in_dim3A_833], %get3A_841 : memref<4x8x129xf32, #tpu.memory_space<vmem>>[vector<16xi32>, vector<16xi32>, vector<16xi32>], vector<16xf32>,
      %broadcast_in_dim3A_842 = arith.constant 72 : i32
      %broadcast_in_dim3A_843 = vector.broadcast %broadcast_in_dim3A_842 : i32 to vector<16xi32>
      %get3A_844 = arith.constant 72 : i32
      %get3A_845 = arith.index_cast %get3A_844 : i32 to index
      %get3A_846 = arith.constant 0 : index
      %get3A_847 = tpu.vector_load %arg6[%get3A_845, %get3A_846] {strides = array<i32>} : memref<128x32xf32, #tpu.memory_space<vmem>>, vector<16xf32>,
      tpu.vector_store_idx %arg8[%select_n3A, %select_n3A_45, %broadcast_in_dim3A_843], %get3A_847 : memref<4x8x129xf32, #tpu.memory_space<vmem>>[vector<16xi32>, vector<16xi32>, vector<16xi32>], vector<16xf32>,
      %get3A_848 = arith.constant 72 : i32
      %get3A_849 = arith.index_cast %get3A_848 : i32 to index
      %get3A_850 = arith.constant 16 : index
      %get3A_851 = tpu.vector_load %arg6[%get3A_849, %get3A_850] {strides = array<i32>} : memref<128x32xf32, #tpu.memory_space<vmem>>, vector<16xf32>,
      tpu.vector_store_idx %arg8[%add3A_48, %select_n3A_45, %broadcast_in_dim3A_843], %get3A_851 : memref<4x8x129xf32, #tpu.memory_space<vmem>>[vector<16xi32>, vector<16xi32>, vector<16xi32>], vector<16xf32>,
      %broadcast_in_dim3A_852 = arith.constant 73 : i32
      %broadcast_in_dim3A_853 = vector.broadcast %broadcast_in_dim3A_852 : i32 to vector<16xi32>
      %get3A_854 = arith.constant 73 : i32
      %get3A_855 = arith.index_cast %get3A_854 : i32 to index
      %get3A_856 = arith.constant 0 : index
      %get3A_857 = tpu.vector_load %arg6[%get3A_855, %get3A_856] {strides = array<i32>} : memref<128x32xf32, #tpu.memory_space<vmem>>, vector<16xf32>,
      tpu.vector_store_idx %arg8[%select_n3A, %select_n3A_45, %broadcast_in_dim3A_853], %get3A_857 : memref<4x8x129xf32, #tpu.memory_space<vmem>>[vector<16xi32>, vector<16xi32>, vector<16xi32>], vector<16xf32>,
      %get3A_858 = arith.constant 73 : i32
      %get3A_859 = arith.index_cast %get3A_858 : i32 to index
      %get3A_860 = arith.constant 16 : index
      %get3A_861 = tpu.vector_load %arg6[%get3A_859, %get3A_860] {strides = array<i32>} : memref<128x32xf32, #tpu.memory_space<vmem>>, vector<16xf32>,
      tpu.vector_store_idx %arg8[%add3A_48, %select_n3A_45, %broadcast_in_dim3A_853], %get3A_861 : memref<4x8x129xf32, #tpu.memory_space<vmem>>[vector<16xi32>, vector<16xi32>, vector<16xi32>], vector<16xf32>,
      %broadcast_in_dim3A_862 = arith.constant 74 : i32
      %broadcast_in_dim3A_863 = vector.broadcast %broadcast_in_dim3A_862 : i32 to vector<16xi32>
      %get3A_864 = arith.constant 74 : i32
      %get3A_865 = arith.index_cast %get3A_864 : i32 to index
      %get3A_866 = arith.constant 0 : index
      %get3A_867 = tpu.vector_load %arg6[%get3A_865, %get3A_866] {strides = array<i32>} : memref<128x32xf32, #tpu.memory_space<vmem>>, vector<16xf32>,
      tpu.vector_store_idx %arg8[%select_n3A, %select_n3A_45, %broadcast_in_dim3A_863], %get3A_867 : memref<4x8x129xf32, #tpu.memory_space<vmem>>[vector<16xi32>, vector<16xi32>, vector<16xi32>], vector<16xf32>,
      %get3A_868 = arith.constant 74 : i32
      %get3A_869 = arith.index_cast %get3A_868 : i32 to index
      %get3A_870 = arith.constant 16 : index
      %get3A_871 = tpu.vector_load %arg6[%get3A_869, %get3A_870] {strides = array<i32>} : memref<128x32xf32, #tpu.memory_space<vmem>>, vector<16xf32>,
      tpu.vector_store_idx %arg8[%add3A_48, %select_n3A_45, %broadcast_in_dim3A_863], %get3A_871 : memref<4x8x129xf32, #tpu.memory_space<vmem>>[vector<16xi32>, vector<16xi32>, vector<16xi32>], vector<16xf32>,
      %broadcast_in_dim3A_872 = arith.constant 75 : i32
      %broadcast_in_dim3A_873 = vector.broadcast %broadcast_in_dim3A_872 : i32 to vector<16xi32>
      %get3A_874 = arith.constant 75 : i32
      %get3A_875 = arith.index_cast %get3A_874 : i32 to index
      %get3A_876 = arith.constant 0 : index
      %get3A_877 = tpu.vector_load %arg6[%get3A_875, %get3A_876] {strides = array<i32>} : memref<128x32xf32, #tpu.memory_space<vmem>>, vector<16xf32>,
      tpu.vector_store_idx %arg8[%select_n3A, %select_n3A_45, %broadcast_in_dim3A_873], %get3A_877 : memref<4x8x129xf32, #tpu.memory_space<vmem>>[vector<16xi32>, vector<16xi32>, vector<16xi32>], vector<16xf32>,
      %get3A_878 = arith.constant 75 : i32
      %get3A_879 = arith.index_cast %get3A_878 : i32 to index
      %get3A_880 = arith.constant 16 : index
      %get3A_881 = tpu.vector_load %arg6[%get3A_879, %get3A_880] {strides = array<i32>} : memref<128x32xf32, #tpu.memory_space<vmem>>, vector<16xf32>,
      tpu.vector_store_idx %arg8[%add3A_48, %select_n3A_45, %broadcast_in_dim3A_873], %get3A_881 : memref<4x8x129xf32, #tpu.memory_space<vmem>>[vector<16xi32>, vector<16xi32>, vector<16xi32>], vector<16xf32>,
      %broadcast_in_dim3A_882 = arith.constant 76 : i32
      %broadcast_in_dim3A_883 = vector.broadcast %broadcast_in_dim3A_882 : i32 to vector<16xi32>
      %get3A_884 = arith.constant 76 : i32
      %get3A_885 = arith.index_cast %get3A_884 : i32 to index
      %get3A_886 = arith.constant 0 : index
      %get3A_887 = tpu.vector_load %arg6[%get3A_885, %get3A_886] {strides = array<i32>} : memref<128x32xf32, #tpu.memory_space<vmem>>, vector<16xf32>,
      tpu.vector_store_idx %arg8[%select_n3A, %select_n3A_45, %broadcast_in_dim3A_883], %get3A_887 : memref<4x8x129xf32, #tpu.memory_space<vmem>>[vector<16xi32>, vector<16xi32>, vector<16xi32>], vector<16xf32>,
      %get3A_888 = arith.constant 76 : i32
      %get3A_889 = arith.index_cast %get3A_888 : i32 to index
      %get3A_890 = arith.constant 16 : index
      %get3A_891 = tpu.vector_load %arg6[%get3A_889, %get3A_890] {strides = array<i32>} : memref<128x32xf32, #tpu.memory_space<vmem>>, vector<16xf32>,
      tpu.vector_store_idx %arg8[%add3A_48, %select_n3A_45, %broadcast_in_dim3A_883], %get3A_891 : memref<4x8x129xf32, #tpu.memory_space<vmem>>[vector<16xi32>, vector<16xi32>, vector<16xi32>], vector<16xf32>,
      %broadcast_in_dim3A_892 = arith.constant 77 : i32
      %broadcast_in_dim3A_893 = vector.broadcast %broadcast_in_dim3A_892 : i32 to vector<16xi32>
      %get3A_894 = arith.constant 77 : i32
      %get3A_895 = arith.index_cast %get3A_894 : i32 to index
      %get3A_896 = arith.constant 0 : index
      %get3A_897 = tpu.vector_load %arg6[%get3A_895, %get3A_896] {strides = array<i32>} : memref<128x32xf32, #tpu.memory_space<vmem>>, vector<16xf32>,
      tpu.vector_store_idx %arg8[%select_n3A, %select_n3A_45, %broadcast_in_dim3A_893], %get3A_897 : memref<4x8x129xf32, #tpu.memory_space<vmem>>[vector<16xi32>, vector<16xi32>, vector<16xi32>], vector<16xf32>,
      %get3A_898 = arith.constant 77 : i32
      %get3A_899 = arith.index_cast %get3A_898 : i32 to index
      %get3A_900 = arith.constant 16 : index
      %get3A_901 = tpu.vector_load %arg6[%get3A_899, %get3A_900] {strides = array<i32>} : memref<128x32xf32, #tpu.memory_space<vmem>>, vector<16xf32>,
      tpu.vector_store_idx %arg8[%add3A_48, %select_n3A_45, %broadcast_in_dim3A_893], %get3A_901 : memref<4x8x129xf32, #tpu.memory_space<vmem>>[vector<16xi32>, vector<16xi32>, vector<16xi32>], vector<16xf32>,
      %broadcast_in_dim3A_902 = arith.constant 78 : i32
      %broadcast_in_dim3A_903 = vector.broadcast %broadcast_in_dim3A_902 : i32 to vector<16xi32>
      %get3A_904 = arith.constant 78 : i32
      %get3A_905 = arith.index_cast %get3A_904 : i32 to index
      %get3A_906 = arith.constant 0 : index
      %get3A_907 = tpu.vector_load %arg6[%get3A_905, %get3A_906] {strides = array<i32>} : memref<128x32xf32, #tpu.memory_space<vmem>>, vector<16xf32>,
      tpu.vector_store_idx %arg8[%select_n3A, %select_n3A_45, %broadcast_in_dim3A_903], %get3A_907 : memref<4x8x129xf32, #tpu.memory_space<vmem>>[vector<16xi32>, vector<16xi32>, vector<16xi32>], vector<16xf32>,
      %get3A_908 = arith.constant 78 : i32
      %get3A_909 = arith.index_cast %get3A_908 : i32 to index
      %get3A_910 = arith.constant 16 : index
      %get3A_911 = tpu.vector_load %arg6[%get3A_909, %get3A_910] {strides = array<i32>} : memref<128x32xf32, #tpu.memory_space<vmem>>, vector<16xf32>,
      tpu.vector_store_idx %arg8[%add3A_48, %select_n3A_45, %broadcast_in_dim3A_903], %get3A_911 : memref<4x8x129xf32, #tpu.memory_space<vmem>>[vector<16xi32>, vector<16xi32>, vector<16xi32>], vector<16xf32>,
      %broadcast_in_dim3A_912 = arith.constant 79 : i32
      %broadcast_in_dim3A_913 = vector.broadcast %broadcast_in_dim3A_912 : i32 to vector<16xi32>
      %get3A_914 = arith.constant 79 : i32
      %get3A_915 = arith.index_cast %get3A_914 : i32 to index
      %get3A_916 = arith.constant 0 : index
      %get3A_917 = tpu.vector_load %arg6[%get3A_915, %get3A_916] {strides = array<i32>} : memref<128x32xf32, #tpu.memory_space<vmem>>, vector<16xf32>,
      tpu.vector_store_idx %arg8[%select_n3A, %select_n3A_45, %broadcast_in_dim3A_913], %get3A_917 : memref<4x8x129xf32, #tpu.memory_space<vmem>>[vector<16xi32>, vector<16xi32>, vector<16xi32>], vector<16xf32>,
      %get3A_918 = arith.constant 79 : i32
      %get3A_919 = arith.index_cast %get3A_918 : i32 to index
      %get3A_920 = arith.constant 16 : index
      %get3A_921 = tpu.vector_load %arg6[%get3A_919, %get3A_920] {strides = array<i32>} : memref<128x32xf32, #tpu.memory_space<vmem>>, vector<16xf32>,
      tpu.vector_store_idx %arg8[%add3A_48, %select_n3A_45, %broadcast_in_dim3A_913], %get3A_921 : memref<4x8x129xf32, #tpu.memory_space<vmem>>[vector<16xi32>, vector<16xi32>, vector<16xi32>], vector<16xf32>,
      %broadcast_in_dim3A_922 = arith.constant 80 : i32
      %broadcast_in_dim3A_923 = vector.broadcast %broadcast_in_dim3A_922 : i32 to vector<16xi32>
      %get3A_924 = arith.constant 80 : i32
      %get3A_925 = arith.index_cast %get3A_924 : i32 to index
      %get3A_926 = arith.constant 0 : index
      %get3A_927 = tpu.vector_load %arg6[%get3A_925, %get3A_926] {strides = array<i32>} : memref<128x32xf32, #tpu.memory_space<vmem>>, vector<16xf32>,
      tpu.vector_store_idx %arg8[%select_n3A, %select_n3A_45, %broadcast_in_dim3A_923], %get3A_927 : memref<4x8x129xf32, #tpu.memory_space<vmem>>[vector<16xi32>, vector<16xi32>, vector<16xi32>], vector<16xf32>,
      %get3A_928 = arith.constant 80 : i32
      %get3A_929 = arith.index_cast %get3A_928 : i32 to index
      %get3A_930 = arith.constant 16 : index
      %get3A_931 = tpu.vector_load %arg6[%get3A_929, %get3A_930] {strides = array<i32>} : memref<128x32xf32, #tpu.memory_space<vmem>>, vector<16xf32>,
      tpu.vector_store_idx %arg8[%add3A_48, %select_n3A_45, %broadcast_in_dim3A_923], %get3A_931 : memref<4x8x129xf32, #tpu.memory_space<vmem>>[vector<16xi32>, vector<16xi32>, vector<16xi32>], vector<16xf32>,
      %broadcast_in_dim3A_932 = arith.constant 81 : i32
      %broadcast_in_dim3A_933 = vector.broadcast %broadcast_in_dim3A_932 : i32 to vector<16xi32>
      %get3A_934 = arith.constant 81 : i32
      %get3A_935 = arith.index_cast %get3A_934 : i32 to index
      %get3A_936 = arith.constant 0 : index
      %get3A_937 = tpu.vector_load %arg6[%get3A_935, %get3A_936] {strides = array<i32>} : memref<128x32xf32, #tpu.memory_space<vmem>>, vector<16xf32>,
      tpu.vector_store_idx %arg8[%select_n3A, %select_n3A_45, %broadcast_in_dim3A_933], %get3A_937 : memref<4x8x129xf32, #tpu.memory_space<vmem>>[vector<16xi32>, vector<16xi32>, vector<16xi32>], vector<16xf32>,
      %get3A_938 = arith.constant 81 : i32
      %get3A_939 = arith.index_cast %get3A_938 : i32 to index
      %get3A_940 = arith.constant 16 : index
      %get3A_941 = tpu.vector_load %arg6[%get3A_939, %get3A_940] {strides = array<i32>} : memref<128x32xf32, #tpu.memory_space<vmem>>, vector<16xf32>,
      tpu.vector_store_idx %arg8[%add3A_48, %select_n3A_45, %broadcast_in_dim3A_933], %get3A_941 : memref<4x8x129xf32, #tpu.memory_space<vmem>>[vector<16xi32>, vector<16xi32>, vector<16xi32>], vector<16xf32>,
      %broadcast_in_dim3A_942 = arith.constant 82 : i32
      %broadcast_in_dim3A_943 = vector.broadcast %broadcast_in_dim3A_942 : i32 to vector<16xi32>
      %get3A_944 = arith.constant 82 : i32
      %get3A_945 = arith.index_cast %get3A_944 : i32 to index
      %get3A_946 = arith.constant 0 : index
      %get3A_947 = tpu.vector_load %arg6[%get3A_945, %get3A_946] {strides = array<i32>} : memref<128x32xf32, #tpu.memory_space<vmem>>, vector<16xf32>,
      tpu.vector_store_idx %arg8[%select_n3A, %select_n3A_45, %broadcast_in_dim3A_943], %get3A_947 : memref<4x8x129xf32, #tpu.memory_space<vmem>>[vector<16xi32>, vector<16xi32>, vector<16xi32>], vector<16xf32>,
      %get3A_948 = arith.constant 82 : i32
      %get3A_949 = arith.index_cast %get3A_948 : i32 to index
      %get3A_950 = arith.constant 16 : index
      %get3A_951 = tpu.vector_load %arg6[%get3A_949, %get3A_950] {strides = array<i32>} : memref<128x32xf32, #tpu.memory_space<vmem>>, vector<16xf32>,
      tpu.vector_store_idx %arg8[%add3A_48, %select_n3A_45, %broadcast_in_dim3A_943], %get3A_951 : memref<4x8x129xf32, #tpu.memory_space<vmem>>[vector<16xi32>, vector<16xi32>, vector<16xi32>], vector<16xf32>,
      %broadcast_in_dim3A_952 = arith.constant 83 : i32
      %broadcast_in_dim3A_953 = vector.broadcast %broadcast_in_dim3A_952 : i32 to vector<16xi32>
      %get3A_954 = arith.constant 83 : i32
      %get3A_955 = arith.index_cast %get3A_954 : i32 to index
      %get3A_956 = arith.constant 0 : index
      %get3A_957 = tpu.vector_load %arg6[%get3A_955, %get3A_956] {strides = array<i32>} : memref<128x32xf32, #tpu.memory_space<vmem>>, vector<16xf32>,
      tpu.vector_store_idx %arg8[%select_n3A, %select_n3A_45, %broadcast_in_dim3A_953], %get3A_957 : memref<4x8x129xf32, #tpu.memory_space<vmem>>[vector<16xi32>, vector<16xi32>, vector<16xi32>], vector<16xf32>,
      %get3A_958 = arith.constant 83 : i32
      %get3A_959 = arith.index_cast %get3A_958 : i32 to index
      %get3A_960 = arith.constant 16 : index
      %get3A_961 = tpu.vector_load %arg6[%get3A_959, %get3A_960] {strides = array<i32>} : memref<128x32xf32, #tpu.memory_space<vmem>>, vector<16xf32>,
      tpu.vector_store_idx %arg8[%add3A_48, %select_n3A_45, %broadcast_in_dim3A_953], %get3A_961 : memref<4x8x129xf32, #tpu.memory_space<vmem>>[vector<16xi32>, vector<16xi32>, vector<16xi32>], vector<16xf32>,
      %broadcast_in_dim3A_962 = arith.constant 84 : i32
      %broadcast_in_dim3A_963 = vector.broadcast %broadcast_in_dim3A_962 : i32 to vector<16xi32>
      %get3A_964 = arith.constant 84 : i32
      %get3A_965 = arith.index_cast %get3A_964 : i32 to index
      %get3A_966 = arith.constant 0 : index
      %get3A_967 = tpu.vector_load %arg6[%get3A_965, %get3A_966] {strides = array<i32>} : memref<128x32xf32, #tpu.memory_space<vmem>>, vector<16xf32>,
      tpu.vector_store_idx %arg8[%select_n3A, %select_n3A_45, %broadcast_in_dim3A_963], %get3A_967 : memref<4x8x129xf32, #tpu.memory_space<vmem>>[vector<16xi32>, vector<16xi32>, vector<16xi32>], vector<16xf32>,
      %get3A_968 = arith.constant 84 : i32
      %get3A_969 = arith.index_cast %get3A_968 : i32 to index
      %get3A_970 = arith.constant 16 : index
      %get3A_971 = tpu.vector_load %arg6[%get3A_969, %get3A_970] {strides = array<i32>} : memref<128x32xf32, #tpu.memory_space<vmem>>, vector<16xf32>,
      tpu.vector_store_idx %arg8[%add3A_48, %select_n3A_45, %broadcast_in_dim3A_963], %get3A_971 : memref<4x8x129xf32, #tpu.memory_space<vmem>>[vector<16xi32>, vector<16xi32>, vector<16xi32>], vector<16xf32>,
      %broadcast_in_dim3A_972 = arith.constant 85 : i32
      %broadcast_in_dim3A_973 = vector.broadcast %broadcast_in_dim3A_972 : i32 to vector<16xi32>
      %get3A_974 = arith.constant 85 : i32
      %get3A_975 = arith.index_cast %get3A_974 : i32 to index
      %get3A_976 = arith.constant 0 : index
      %get3A_977 = tpu.vector_load %arg6[%get3A_975, %get3A_976] {strides = array<i32>} : memref<128x32xf32, #tpu.memory_space<vmem>>, vector<16xf32>,
      tpu.vector_store_idx %arg8[%select_n3A, %select_n3A_45, %broadcast_in_dim3A_973], %get3A_977 : memref<4x8x129xf32, #tpu.memory_space<vmem>>[vector<16xi32>, vector<16xi32>, vector<16xi32>], vector<16xf32>,
      %get3A_978 = arith.constant 85 : i32
      %get3A_979 = arith.index_cast %get3A_978 : i32 to index
      %get3A_980 = arith.constant 16 : index
      %get3A_981 = tpu.vector_load %arg6[%get3A_979, %get3A_980] {strides = array<i32>} : memref<128x32xf32, #tpu.memory_space<vmem>>, vector<16xf32>,
      tpu.vector_store_idx %arg8[%add3A_48, %select_n3A_45, %broadcast_in_dim3A_973], %get3A_981 : memref<4x8x129xf32, #tpu.memory_space<vmem>>[vector<16xi32>, vector<16xi32>, vector<16xi32>], vector<16xf32>,
      %broadcast_in_dim3A_982 = arith.constant 86 : i32
      %broadcast_in_dim3A_983 = vector.broadcast %broadcast_in_dim3A_982 : i32 to vector<16xi32>
      %get3A_984 = arith.constant 86 : i32
      %get3A_985 = arith.index_cast %get3A_984 : i32 to index
      %get3A_986 = arith.constant 0 : index
      %get3A_987 = tpu.vector_load %arg6[%get3A_985, %get3A_986] {strides = array<i32>} : memref<128x32xf32, #tpu.memory_space<vmem>>, vector<16xf32>,
      tpu.vector_store_idx %arg8[%select_n3A, %select_n3A_45, %broadcast_in_dim3A_983], %get3A_987 : memref<4x8x129xf32, #tpu.memory_space<vmem>>[vector<16xi32>, vector<16xi32>, vector<16xi32>], vector<16xf32>,
      %get3A_988 = arith.constant 86 : i32
      %get3A_989 = arith.index_cast %get3A_988 : i32 to index
      %get3A_990 = arith.constant 16 : index
      %get3A_991 = tpu.vector_load %arg6[%get3A_989, %get3A_990] {strides = array<i32>} : memref<128x32xf32, #tpu.memory_space<vmem>>, vector<16xf32>,
      tpu.vector_store_idx %arg8[%add3A_48, %select_n3A_45, %broadcast_in_dim3A_983], %get3A_991 : memref<4x8x129xf32, #tpu.memory_space<vmem>>[vector<16xi32>, vector<16xi32>, vector<16xi32>], vector<16xf32>,
      %broadcast_in_dim3A_992 = arith.constant 87 : i32
      %broadcast_in_dim3A_993 = vector.broadcast %broadcast_in_dim3A_992 : i32 to vector<16xi32>
      %get3A_994 = arith.constant 87 : i32
      %get3A_995 = arith.index_cast %get3A_994 : i32 to index
      %get3A_996 = arith.constant 0 : index
      %get3A_997 = tpu.vector_load %arg6[%get3A_995, %get3A_996] {strides = array<i32>} : memref<128x32xf32, #tpu.memory_space<vmem>>, vector<16xf32>,
      tpu.vector_store_idx %arg8[%select_n3A, %select_n3A_45, %broadcast_in_dim3A_993], %get3A_997 : memref<4x8x129xf32, #tpu.memory_space<vmem>>[vector<16xi32>, vector<16xi32>, vector<16xi32>], vector<16xf32>,
      %get3A_998 = arith.constant 87 : i32
      %get3A_999 = arith.index_cast %get3A_998 : i32 to index
      %get3A_1000 = arith.constant 16 : index
      %get3A_1001 = tpu.vector_load %arg6[%get3A_999, %get3A_1000] {strides = array<i32>} : memref<128x32xf32, #tpu.memory_space<vmem>>, vector<16xf32>,
      tpu.vector_store_idx %arg8[%add3A_48, %select_n3A_45, %broadcast_in_dim3A_993], %get3A_1001 : memref<4x8x129xf32, #tpu.memory_space<vmem>>[vector<16xi32>, vector<16xi32>, vector<16xi32>], vector<16xf32>,
      %broadcast_in_dim3A_1002 = arith.constant 88 : i32
      %broadcast_in_dim3A_1003 = vector.broadcast %broadcast_in_dim3A_1002 : i32 to vector<16xi32>
      %get3A_1004 = arith.constant 88 : i32
      %get3A_1005 = arith.index_cast %get3A_1004 : i32 to index
      %get3A_1006 = arith.constant 0 : index
      %get3A_1007 = tpu.vector_load %arg6[%get3A_1005, %get3A_1006] {strides = array<i32>} : memref<128x32xf32, #tpu.memory_space<vmem>>, vector<16xf32>,
      tpu.vector_store_idx %arg8[%select_n3A, %select_n3A_45, %broadcast_in_dim3A_1003], %get3A_1007 : memref<4x8x129xf32, #tpu.memory_space<vmem>>[vector<16xi32>, vector<16xi32>, vector<16xi32>], vector<16xf32>,
      %get3A_1008 = arith.constant 88 : i32
      %get3A_1009 = arith.index_cast %get3A_1008 : i32 to index
      %get3A_1010 = arith.constant 16 : index
      %get3A_1011 = tpu.vector_load %arg6[%get3A_1009, %get3A_1010] {strides = array<i32>} : memref<128x32xf32, #tpu.memory_space<vmem>>, vector<16xf32>,
      tpu.vector_store_idx %arg8[%add3A_48, %select_n3A_45, %broadcast_in_dim3A_1003], %get3A_1011 : memref<4x8x129xf32, #tpu.memory_space<vmem>>[vector<16xi32>, vector<16xi32>, vector<16xi32>], vector<16xf32>,
      %broadcast_in_dim3A_1012 = arith.constant 89 : i32
      %broadcast_in_dim3A_1013 = vector.broadcast %broadcast_in_dim3A_1012 : i32 to vector<16xi32>
      %get3A_1014 = arith.constant 89 : i32
      %get3A_1015 = arith.index_cast %get3A_1014 : i32 to index
      %get3A_1016 = arith.constant 0 : index
      %get3A_1017 = tpu.vector_load %arg6[%get3A_1015, %get3A_1016] {strides = array<i32>} : memref<128x32xf32, #tpu.memory_space<vmem>>, vector<16xf32>,
      tpu.vector_store_idx %arg8[%select_n3A, %select_n3A_45, %broadcast_in_dim3A_1013], %get3A_1017 : memref<4x8x129xf32, #tpu.memory_space<vmem>>[vector<16xi32>, vector<16xi32>, vector<16xi32>], vector<16xf32>,
      %get3A_1018 = arith.constant 89 : i32
      %get3A_1019 = arith.index_cast %get3A_1018 : i32 to index
      %get3A_1020 = arith.constant 16 : index
      %get3A_1021 = tpu.vector_load %arg6[%get3A_1019, %get3A_1020] {strides = array<i32>} : memref<128x32xf32, #tpu.memory_space<vmem>>, vector<16xf32>,
      tpu.vector_store_idx %arg8[%add3A_48, %select_n3A_45, %broadcast_in_dim3A_1013], %get3A_1021 : memref<4x8x129xf32, #tpu.memory_space<vmem>>[vector<16xi32>, vector<16xi32>, vector<16xi32>], vector<16xf32>,
      %broadcast_in_dim3A_1022 = arith.constant 90 : i32
      %broadcast_in_dim3A_1023 = vector.broadcast %broadcast_in_dim3A_1022 : i32 to vector<16xi32>
      %get3A_1024 = arith.constant 90 : i32
      %get3A_1025 = arith.index_cast %get3A_1024 : i32 to index
      %get3A_1026 = arith.constant 0 : index
      %get3A_1027 = tpu.vector_load %arg6[%get3A_1025, %get3A_1026] {strides = array<i32>} : memref<128x32xf32, #tpu.memory_space<vmem>>, vector<16xf32>,
      tpu.vector_store_idx %arg8[%select_n3A, %select_n3A_45, %broadcast_in_dim3A_1023], %get3A_1027 : memref<4x8x129xf32, #tpu.memory_space<vmem>>[vector<16xi32>, vector<16xi32>, vector<16xi32>], vector<16xf32>,
      %get3A_1028 = arith.constant 90 : i32
      %get3A_1029 = arith.index_cast %get3A_1028 : i32 to index
      %get3A_1030 = arith.constant 16 : index
      %get3A_1031 = tpu.vector_load %arg6[%get3A_1029, %get3A_1030] {strides = array<i32>} : memref<128x32xf32, #tpu.memory_space<vmem>>, vector<16xf32>,
      tpu.vector_store_idx %arg8[%add3A_48, %select_n3A_45, %broadcast_in_dim3A_1023], %get3A_1031 : memref<4x8x129xf32, #tpu.memory_space<vmem>>[vector<16xi32>, vector<16xi32>, vector<16xi32>], vector<16xf32>,
      %broadcast_in_dim3A_1032 = arith.constant 91 : i32
      %broadcast_in_dim3A_1033 = vector.broadcast %broadcast_in_dim3A_1032 : i32 to vector<16xi32>
      %get3A_1034 = arith.constant 91 : i32
      %get3A_1035 = arith.index_cast %get3A_1034 : i32 to index
      %get3A_1036 = arith.constant 0 : index
      %get3A_1037 = tpu.vector_load %arg6[%get3A_1035, %get3A_1036] {strides = array<i32>} : memref<128x32xf32, #tpu.memory_space<vmem>>, vector<16xf32>,
      tpu.vector_store_idx %arg8[%select_n3A, %select_n3A_45, %broadcast_in_dim3A_1033], %get3A_1037 : memref<4x8x129xf32, #tpu.memory_space<vmem>>[vector<16xi32>, vector<16xi32>, vector<16xi32>], vector<16xf32>,
      %get3A_1038 = arith.constant 91 : i32
      %get3A_1039 = arith.index_cast %get3A_1038 : i32 to index
      %get3A_1040 = arith.constant 16 : index
      %get3A_1041 = tpu.vector_load %arg6[%get3A_1039, %get3A_1040] {strides = array<i32>} : memref<128x32xf32, #tpu.memory_space<vmem>>, vector<16xf32>,
      tpu.vector_store_idx %arg8[%add3A_48, %select_n3A_45, %broadcast_in_dim3A_1033], %get3A_1041 : memref<4x8x129xf32, #tpu.memory_space<vmem>>[vector<16xi32>, vector<16xi32>, vector<16xi32>], vector<16xf32>,
      %broadcast_in_dim3A_1042 = arith.constant 92 : i32
      %broadcast_in_dim3A_1043 = vector.broadcast %broadcast_in_dim3A_1042 : i32 to vector<16xi32>
      %get3A_1044 = arith.constant 92 : i32
      %get3A_1045 = arith.index_cast %get3A_1044 : i32 to index
      %get3A_1046 = arith.constant 0 : index
      %get3A_1047 = tpu.vector_load %arg6[%get3A_1045, %get3A_1046] {strides = array<i32>} : memref<128x32xf32, #tpu.memory_space<vmem>>, vector<16xf32>,
      tpu.vector_store_idx %arg8[%select_n3A, %select_n3A_45, %broadcast_in_dim3A_1043], %get3A_1047 : memref<4x8x129xf32, #tpu.memory_space<vmem>>[vector<16xi32>, vector<16xi32>, vector<16xi32>], vector<16xf32>,
      %get3A_1048 = arith.constant 92 : i32
      %get3A_1049 = arith.index_cast %get3A_1048 : i32 to index
      %get3A_1050 = arith.constant 16 : index
      %get3A_1051 = tpu.vector_load %arg6[%get3A_1049, %get3A_1050] {strides = array<i32>} : memref<128x32xf32, #tpu.memory_space<vmem>>, vector<16xf32>,
      tpu.vector_store_idx %arg8[%add3A_48, %select_n3A_45, %broadcast_in_dim3A_1043], %get3A_1051 : memref<4x8x129xf32, #tpu.memory_space<vmem>>[vector<16xi32>, vector<16xi32>, vector<16xi32>], vector<16xf32>,
      %broadcast_in_dim3A_1052 = arith.constant 93 : i32
      %broadcast_in_dim3A_1053 = vector.broadcast %broadcast_in_dim3A_1052 : i32 to vector<16xi32>
      %get3A_1054 = arith.constant 93 : i32
      %get3A_1055 = arith.index_cast %get3A_1054 : i32 to index
      %get3A_1056 = arith.constant 0 : index
      %get3A_1057 = tpu.vector_load %arg6[%get3A_1055, %get3A_1056] {strides = array<i32>} : memref<128x32xf32, #tpu.memory_space<vmem>>, vector<16xf32>,
      tpu.vector_store_idx %arg8[%select_n3A, %select_n3A_45, %broadcast_in_dim3A_1053], %get3A_1057 : memref<4x8x129xf32, #tpu.memory_space<vmem>>[vector<16xi32>, vector<16xi32>, vector<16xi32>], vector<16xf32>,
      %get3A_1058 = arith.constant 93 : i32
      %get3A_1059 = arith.index_cast %get3A_1058 : i32 to index
      %get3A_1060 = arith.constant 16 : index
      %get3A_1061 = tpu.vector_load %arg6[%get3A_1059, %get3A_1060] {strides = array<i32>} : memref<128x32xf32, #tpu.memory_space<vmem>>, vector<16xf32>,
      tpu.vector_store_idx %arg8[%add3A_48, %select_n3A_45, %broadcast_in_dim3A_1053], %get3A_1061 : memref<4x8x129xf32, #tpu.memory_space<vmem>>[vector<16xi32>, vector<16xi32>, vector<16xi32>], vector<16xf32>,
      %broadcast_in_dim3A_1062 = arith.constant 94 : i32
      %broadcast_in_dim3A_1063 = vector.broadcast %broadcast_in_dim3A_1062 : i32 to vector<16xi32>
      %get3A_1064 = arith.constant 94 : i32
      %get3A_1065 = arith.index_cast %get3A_1064 : i32 to index
      %get3A_1066 = arith.constant 0 : index
      %get3A_1067 = tpu.vector_load %arg6[%get3A_1065, %get3A_1066] {strides = array<i32>} : memref<128x32xf32, #tpu.memory_space<vmem>>, vector<16xf32>,
      tpu.vector_store_idx %arg8[%select_n3A, %select_n3A_45, %broadcast_in_dim3A_1063], %get3A_1067 : memref<4x8x129xf32, #tpu.memory_space<vmem>>[vector<16xi32>, vector<16xi32>, vector<16xi32>], vector<16xf32>,
      %get3A_1068 = arith.constant 94 : i32
      %get3A_1069 = arith.index_cast %get3A_1068 : i32 to index
      %get3A_1070 = arith.constant 16 : index
      %get3A_1071 = tpu.vector_load %arg6[%get3A_1069, %get3A_1070] {strides = array<i32>} : memref<128x32xf32, #tpu.memory_space<vmem>>, vector<16xf32>,
      tpu.vector_store_idx %arg8[%add3A_48, %select_n3A_45, %broadcast_in_dim3A_1063], %get3A_1071 : memref<4x8x129xf32, #tpu.memory_space<vmem>>[vector<16xi32>, vector<16xi32>, vector<16xi32>], vector<16xf32>,
      %broadcast_in_dim3A_1072 = arith.constant 95 : i32
      %broadcast_in_dim3A_1073 = vector.broadcast %broadcast_in_dim3A_1072 : i32 to vector<16xi32>
      %get3A_1074 = arith.constant 95 : i32
      %get3A_1075 = arith.index_cast %get3A_1074 : i32 to index
      %get3A_1076 = arith.constant 0 : index
      %get3A_1077 = tpu.vector_load %arg6[%get3A_1075, %get3A_1076] {strides = array<i32>} : memref<128x32xf32, #tpu.memory_space<vmem>>, vector<16xf32>,
      tpu.vector_store_idx %arg8[%select_n3A, %select_n3A_45, %broadcast_in_dim3A_1073], %get3A_1077 : memref<4x8x129xf32, #tpu.memory_space<vmem>>[vector<16xi32>, vector<16xi32>, vector<16xi32>], vector<16xf32>,
      %get3A_1078 = arith.constant 95 : i32
      %get3A_1079 = arith.index_cast %get3A_1078 : i32 to index
      %get3A_1080 = arith.constant 16 : index
      %get3A_1081 = tpu.vector_load %arg6[%get3A_1079, %get3A_1080] {strides = array<i32>} : memref<128x32xf32, #tpu.memory_space<vmem>>, vector<16xf32>,
      tpu.vector_store_idx %arg8[%add3A_48, %select_n3A_45, %broadcast_in_dim3A_1073], %get3A_1081 : memref<4x8x129xf32, #tpu.memory_space<vmem>>[vector<16xi32>, vector<16xi32>, vector<16xi32>], vector<16xf32>,
      %broadcast_in_dim3A_1082 = arith.constant 96 : i32
      %broadcast_in_dim3A_1083 = vector.broadcast %broadcast_in_dim3A_1082 : i32 to vector<16xi32>
      %get3A_1084 = arith.constant 96 : i32
      %get3A_1085 = arith.index_cast %get3A_1084 : i32 to index
      %get3A_1086 = arith.constant 0 : index
      %get3A_1087 = tpu.vector_load %arg6[%get3A_1085, %get3A_1086] {strides = array<i32>} : memref<128x32xf32, #tpu.memory_space<vmem>>, vector<16xf32>,
      tpu.vector_store_idx %arg8[%select_n3A, %select_n3A_45, %broadcast_in_dim3A_1083], %get3A_1087 : memref<4x8x129xf32, #tpu.memory_space<vmem>>[vector<16xi32>, vector<16xi32>, vector<16xi32>], vector<16xf32>,
      %get3A_1088 = arith.constant 96 : i32
      %get3A_1089 = arith.index_cast %get3A_1088 : i32 to index
      %get3A_1090 = arith.constant 16 : index
      %get3A_1091 = tpu.vector_load %arg6[%get3A_1089, %get3A_1090] {strides = array<i32>} : memref<128x32xf32, #tpu.memory_space<vmem>>, vector<16xf32>,
      tpu.vector_store_idx %arg8[%add3A_48, %select_n3A_45, %broadcast_in_dim3A_1083], %get3A_1091 : memref<4x8x129xf32, #tpu.memory_space<vmem>>[vector<16xi32>, vector<16xi32>, vector<16xi32>], vector<16xf32>,
      %broadcast_in_dim3A_1092 = arith.constant 97 : i32
      %broadcast_in_dim3A_1093 = vector.broadcast %broadcast_in_dim3A_1092 : i32 to vector<16xi32>
      %get3A_1094 = arith.constant 97 : i32
      %get3A_1095 = arith.index_cast %get3A_1094 : i32 to index
      %get3A_1096 = arith.constant 0 : index
      %get3A_1097 = tpu.vector_load %arg6[%get3A_1095, %get3A_1096] {strides = array<i32>} : memref<128x32xf32, #tpu.memory_space<vmem>>, vector<16xf32>,
      tpu.vector_store_idx %arg8[%select_n3A, %select_n3A_45, %broadcast_in_dim3A_1093], %get3A_1097 : memref<4x8x129xf32, #tpu.memory_space<vmem>>[vector<16xi32>, vector<16xi32>, vector<16xi32>], vector<16xf32>,
      %get3A_1098 = arith.constant 97 : i32
      %get3A_1099 = arith.index_cast %get3A_1098 : i32 to index
      %get3A_1100 = arith.constant 16 : index
      %get3A_1101 = tpu.vector_load %arg6[%get3A_1099, %get3A_1100] {strides = array<i32>} : memref<128x32xf32, #tpu.memory_space<vmem>>, vector<16xf32>,
      tpu.vector_store_idx %arg8[%add3A_48, %select_n3A_45, %broadcast_in_dim3A_1093], %get3A_1101 : memref<4x8x129xf32, #tpu.memory_space<vmem>>[vector<16xi32>, vector<16xi32>, vector<16xi32>], vector<16xf32>,
      %broadcast_in_dim3A_1102 = arith.constant 98 : i32
      %broadcast_in_dim3A_1103 = vector.broadcast %broadcast_in_dim3A_1102 : i32 to vector<16xi32>
      %get3A_1104 = arith.constant 98 : i32
      %get3A_1105 = arith.index_cast %get3A_1104 : i32 to index
      %get3A_1106 = arith.constant 0 : index
      %get3A_1107 = tpu.vector_load %arg6[%get3A_1105, %get3A_1106] {strides = array<i32>} : memref<128x32xf32, #tpu.memory_space<vmem>>, vector<16xf32>,
      tpu.vector_store_idx %arg8[%select_n3A, %select_n3A_45, %broadcast_in_dim3A_1103], %get3A_1107 : memref<4x8x129xf32, #tpu.memory_space<vmem>>[vector<16xi32>, vector<16xi32>, vector<16xi32>], vector<16xf32>,
      %get3A_1108 = arith.constant 98 : i32
      %get3A_1109 = arith.index_cast %get3A_1108 : i32 to index
      %get3A_1110 = arith.constant 16 : index
      %get3A_1111 = tpu.vector_load %arg6[%get3A_1109, %get3A_1110] {strides = array<i32>} : memref<128x32xf32, #tpu.memory_space<vmem>>, vector<16xf32>,
      tpu.vector_store_idx %arg8[%add3A_48, %select_n3A_45, %broadcast_in_dim3A_1103], %get3A_1111 : memref<4x8x129xf32, #tpu.memory_space<vmem>>[vector<16xi32>, vector<16xi32>, vector<16xi32>], vector<16xf32>,
      %broadcast_in_dim3A_1112 = arith.constant 99 : i32
      %broadcast_in_dim3A_1113 = vector.broadcast %broadcast_in_dim3A_1112 : i32 to vector<16xi32>
      %get3A_1114 = arith.constant 99 : i32
      %get3A_1115 = arith.index_cast %get3A_1114 : i32 to index
      %get3A_1116 = arith.constant 0 : index
      %get3A_1117 = tpu.vector_load %arg6[%get3A_1115, %get3A_1116] {strides = array<i32>} : memref<128x32xf32, #tpu.memory_space<vmem>>, vector<16xf32>,
      tpu.vector_store_idx %arg8[%select_n3A, %select_n3A_45, %broadcast_in_dim3A_1113], %get3A_1117 : memref<4x8x129xf32, #tpu.memory_space<vmem>>[vector<16xi32>, vector<16xi32>, vector<16xi32>], vector<16xf32>,
      %get3A_1118 = arith.constant 99 : i32
      %get3A_1119 = arith.index_cast %get3A_1118 : i32 to index
      %get3A_1120 = arith.constant 16 : index
      %get3A_1121 = tpu.vector_load %arg6[%get3A_1119, %get3A_1120] {strides = array<i32>} : memref<128x32xf32, #tpu.memory_space<vmem>>, vector<16xf32>,
      tpu.vector_store_idx %arg8[%add3A_48, %select_n3A_45, %broadcast_in_dim3A_1113], %get3A_1121 : memref<4x8x129xf32, #tpu.memory_space<vmem>>[vector<16xi32>, vector<16xi32>, vector<16xi32>], vector<16xf32>,
      %broadcast_in_dim3A_1122 = arith.constant 100 : i32
      %broadcast_in_dim3A_1123 = vector.broadcast %broadcast_in_dim3A_1122 : i32 to vector<16xi32>
      %get3A_1124 = arith.constant 100 : i32
      %get3A_1125 = arith.index_cast %get3A_1124 : i32 to index
      %get3A_1126 = arith.constant 0 : index
      %get3A_1127 = tpu.vector_load %arg6[%get3A_1125, %get3A_1126] {strides = array<i32>} : memref<128x32xf32, #tpu.memory_space<vmem>>, vector<16xf32>,
      tpu.vector_store_idx %arg8[%select_n3A, %select_n3A_45, %broadcast_in_dim3A_1123], %get3A_1127 : memref<4x8x129xf32, #tpu.memory_space<vmem>>[vector<16xi32>, vector<16xi32>, vector<16xi32>], vector<16xf32>,
      %get3A_1128 = arith.constant 100 : i32
      %get3A_1129 = arith.index_cast %get3A_1128 : i32 to index
      %get3A_1130 = arith.constant 16 : index
      %get3A_1131 = tpu.vector_load %arg6[%get3A_1129, %get3A_1130] {strides = array<i32>} : memref<128x32xf32, #tpu.memory_space<vmem>>, vector<16xf32>,
      tpu.vector_store_idx %arg8[%add3A_48, %select_n3A_45, %broadcast_in_dim3A_1123], %get3A_1131 : memref<4x8x129xf32, #tpu.memory_space<vmem>>[vector<16xi32>, vector<16xi32>, vector<16xi32>], vector<16xf32>,
      %broadcast_in_dim3A_1132 = arith.constant 101 : i32
      %broadcast_in_dim3A_1133 = vector.broadcast %broadcast_in_dim3A_1132 : i32 to vector<16xi32>
      %get3A_1134 = arith.constant 101 : i32
      %get3A_1135 = arith.index_cast %get3A_1134 : i32 to index
      %get3A_1136 = arith.constant 0 : index
      %get3A_1137 = tpu.vector_load %arg6[%get3A_1135, %get3A_1136] {strides = array<i32>} : memref<128x32xf32, #tpu.memory_space<vmem>>, vector<16xf32>,
      tpu.vector_store_idx %arg8[%select_n3A, %select_n3A_45, %broadcast_in_dim3A_1133], %get3A_1137 : memref<4x8x129xf32, #tpu.memory_space<vmem>>[vector<16xi32>, vector<16xi32>, vector<16xi32>], vector<16xf32>,
      %get3A_1138 = arith.constant 101 : i32
      %get3A_1139 = arith.index_cast %get3A_1138 : i32 to index
      %get3A_1140 = arith.constant 16 : index
      %get3A_1141 = tpu.vector_load %arg6[%get3A_1139, %get3A_1140] {strides = array<i32>} : memref<128x32xf32, #tpu.memory_space<vmem>>, vector<16xf32>,
      tpu.vector_store_idx %arg8[%add3A_48, %select_n3A_45, %broadcast_in_dim3A_1133], %get3A_1141 : memref<4x8x129xf32, #tpu.memory_space<vmem>>[vector<16xi32>, vector<16xi32>, vector<16xi32>], vector<16xf32>,
      %broadcast_in_dim3A_1142 = arith.constant 102 : i32
      %broadcast_in_dim3A_1143 = vector.broadcast %broadcast_in_dim3A_1142 : i32 to vector<16xi32>
      %get3A_1144 = arith.constant 102 : i32
      %get3A_1145 = arith.index_cast %get3A_1144 : i32 to index
      %get3A_1146 = arith.constant 0 : index
      %get3A_1147 = tpu.vector_load %arg6[%get3A_1145, %get3A_1146] {strides = array<i32>} : memref<128x32xf32, #tpu.memory_space<vmem>>, vector<16xf32>,
      tpu.vector_store_idx %arg8[%select_n3A, %select_n3A_45, %broadcast_in_dim3A_1143], %get3A_1147 : memref<4x8x129xf32, #tpu.memory_space<vmem>>[vector<16xi32>, vector<16xi32>, vector<16xi32>], vector<16xf32>,
      %get3A_1148 = arith.constant 102 : i32
      %get3A_1149 = arith.index_cast %get3A_1148 : i32 to index
      %get3A_1150 = arith.constant 16 : index
      %get3A_1151 = tpu.vector_load %arg6[%get3A_1149, %get3A_1150] {strides = array<i32>} : memref<128x32xf32, #tpu.memory_space<vmem>>, vector<16xf32>,
      tpu.vector_store_idx %arg8[%add3A_48, %select_n3A_45, %broadcast_in_dim3A_1143], %get3A_1151 : memref<4x8x129xf32, #tpu.memory_space<vmem>>[vector<16xi32>, vector<16xi32>, vector<16xi32>], vector<16xf32>,
      %broadcast_in_dim3A_1152 = arith.constant 103 : i32
      %broadcast_in_dim3A_1153 = vector.broadcast %broadcast_in_dim3A_1152 : i32 to vector<16xi32>
      %get3A_1154 = arith.constant 103 : i32
      %get3A_1155 = arith.index_cast %get3A_1154 : i32 to index
      %get3A_1156 = arith.constant 0 : index
      %get3A_1157 = tpu.vector_load %arg6[%get3A_1155, %get3A_1156] {strides = array<i32>} : memref<128x32xf32, #tpu.memory_space<vmem>>, vector<16xf32>,
      tpu.vector_store_idx %arg8[%select_n3A, %select_n3A_45, %broadcast_in_dim3A_1153], %get3A_1157 : memref<4x8x129xf32, #tpu.memory_space<vmem>>[vector<16xi32>, vector<16xi32>, vector<16xi32>], vector<16xf32>,
      %get3A_1158 = arith.constant 103 : i32
      %get3A_1159 = arith.index_cast %get3A_1158 : i32 to index
      %get3A_1160 = arith.constant 16 : index
      %get3A_1161 = tpu.vector_load %arg6[%get3A_1159, %get3A_1160] {strides = array<i32>} : memref<128x32xf32, #tpu.memory_space<vmem>>, vector<16xf32>,
      tpu.vector_store_idx %arg8[%add3A_48, %select_n3A_45, %broadcast_in_dim3A_1153], %get3A_1161 : memref<4x8x129xf32, #tpu.memory_space<vmem>>[vector<16xi32>, vector<16xi32>, vector<16xi32>], vector<16xf32>,
      %broadcast_in_dim3A_1162 = arith.constant 104 : i32
      %broadcast_in_dim3A_1163 = vector.broadcast %broadcast_in_dim3A_1162 : i32 to vector<16xi32>
      %get3A_1164 = arith.constant 104 : i32
      %get3A_1165 = arith.index_cast %get3A_1164 : i32 to index
      %get3A_1166 = arith.constant 0 : index
      %get3A_1167 = tpu.vector_load %arg6[%get3A_1165, %get3A_1166] {strides = array<i32>} : memref<128x32xf32, #tpu.memory_space<vmem>>, vector<16xf32>,
      tpu.vector_store_idx %arg8[%select_n3A, %select_n3A_45, %broadcast_in_dim3A_1163], %get3A_1167 : memref<4x8x129xf32, #tpu.memory_space<vmem>>[vector<16xi32>, vector<16xi32>, vector<16xi32>], vector<16xf32>,
      %get3A_1168 = arith.constant 104 : i32
      %get3A_1169 = arith.index_cast %get3A_1168 : i32 to index
      %get3A_1170 = arith.constant 16 : index
      %get3A_1171 = tpu.vector_load %arg6[%get3A_1169, %get3A_1170] {strides = array<i32>} : memref<128x32xf32, #tpu.memory_space<vmem>>, vector<16xf32>,
      tpu.vector_store_idx %arg8[%add3A_48, %select_n3A_45, %broadcast_in_dim3A_1163], %get3A_1171 : memref<4x8x129xf32, #tpu.memory_space<vmem>>[vector<16xi32>, vector<16xi32>, vector<16xi32>], vector<16xf32>,
      %broadcast_in_dim3A_1172 = arith.constant 105 : i32
      %broadcast_in_dim3A_1173 = vector.broadcast %broadcast_in_dim3A_1172 : i32 to vector<16xi32>
      %get3A_1174 = arith.constant 105 : i32
      %get3A_1175 = arith.index_cast %get3A_1174 : i32 to index
      %get3A_1176 = arith.constant 0 : index
      %get3A_1177 = tpu.vector_load %arg6[%get3A_1175, %get3A_1176] {strides = array<i32>} : memref<128x32xf32, #tpu.memory_space<vmem>>, vector<16xf32>,
      tpu.vector_store_idx %arg8[%select_n3A, %select_n3A_45, %broadcast_in_dim3A_1173], %get3A_1177 : memref<4x8x129xf32, #tpu.memory_space<vmem>>[vector<16xi32>, vector<16xi32>, vector<16xi32>], vector<16xf32>,
      %get3A_1178 = arith.constant 105 : i32
      %get3A_1179 = arith.index_cast %get3A_1178 : i32 to index
      %get3A_1180 = arith.constant 16 : index
      %get3A_1181 = tpu.vector_load %arg6[%get3A_1179, %get3A_1180] {strides = array<i32>} : memref<128x32xf32, #tpu.memory_space<vmem>>, vector<16xf32>,
      tpu.vector_store_idx %arg8[%add3A_48, %select_n3A_45, %broadcast_in_dim3A_1173], %get3A_1181 : memref<4x8x129xf32, #tpu.memory_space<vmem>>[vector<16xi32>, vector<16xi32>, vector<16xi32>], vector<16xf32>,
      %broadcast_in_dim3A_1182 = arith.constant 106 : i32
      %broadcast_in_dim3A_1183 = vector.broadcast %broadcast_in_dim3A_1182 : i32 to vector<16xi32>
      %get3A_1184 = arith.constant 106 : i32
      %get3A_1185 = arith.index_cast %get3A_1184 : i32 to index
      %get3A_1186 = arith.constant 0 : index
      %get3A_1187 = tpu.vector_load %arg6[%get3A_1185, %get3A_1186] {strides = array<i32>} : memref<128x32xf32, #tpu.memory_space<vmem>>, vector<16xf32>,
      tpu.vector_store_idx %arg8[%select_n3A, %select_n3A_45, %broadcast_in_dim3A_1183], %get3A_1187 : memref<4x8x129xf32, #tpu.memory_space<vmem>>[vector<16xi32>, vector<16xi32>, vector<16xi32>], vector<16xf32>,
      %get3A_1188 = arith.constant 106 : i32
      %get3A_1189 = arith.index_cast %get3A_1188 : i32 to index
      %get3A_1190 = arith.constant 16 : index
      %get3A_1191 = tpu.vector_load %arg6[%get3A_1189, %get3A_1190] {strides = array<i32>} : memref<128x32xf32, #tpu.memory_space<vmem>>, vector<16xf32>,
      tpu.vector_store_idx %arg8[%add3A_48, %select_n3A_45, %broadcast_in_dim3A_1183], %get3A_1191 : memref<4x8x129xf32, #tpu.memory_space<vmem>>[vector<16xi32>, vector<16xi32>, vector<16xi32>], vector<16xf32>,
      %broadcast_in_dim3A_1192 = arith.constant 107 : i32
      %broadcast_in_dim3A_1193 = vector.broadcast %broadcast_in_dim3A_1192 : i32 to vector<16xi32>
      %get3A_1194 = arith.constant 107 : i32
      %get3A_1195 = arith.index_cast %get3A_1194 : i32 to index
      %get3A_1196 = arith.constant 0 : index
      %get3A_1197 = tpu.vector_load %arg6[%get3A_1195, %get3A_1196] {strides = array<i32>} : memref<128x32xf32, #tpu.memory_space<vmem>>, vector<16xf32>,
      tpu.vector_store_idx %arg8[%select_n3A, %select_n3A_45, %broadcast_in_dim3A_1193], %get3A_1197 : memref<4x8x129xf32, #tpu.memory_space<vmem>>[vector<16xi32>, vector<16xi32>, vector<16xi32>], vector<16xf32>,
      %get3A_1198 = arith.constant 107 : i32
      %get3A_1199 = arith.index_cast %get3A_1198 : i32 to index
      %get3A_1200 = arith.constant 16 : index
      %get3A_1201 = tpu.vector_load %arg6[%get3A_1199, %get3A_1200] {strides = array<i32>} : memref<128x32xf32, #tpu.memory_space<vmem>>, vector<16xf32>,
      tpu.vector_store_idx %arg8[%add3A_48, %select_n3A_45, %broadcast_in_dim3A_1193], %get3A_1201 : memref<4x8x129xf32, #tpu.memory_space<vmem>>[vector<16xi32>, vector<16xi32>, vector<16xi32>], vector<16xf32>,
      %broadcast_in_dim3A_1202 = arith.constant 108 : i32
      %broadcast_in_dim3A_1203 = vector.broadcast %broadcast_in_dim3A_1202 : i32 to vector<16xi32>
      %get3A_1204 = arith.constant 108 : i32
      %get3A_1205 = arith.index_cast %get3A_1204 : i32 to index
      %get3A_1206 = arith.constant 0 : index
      %get3A_1207 = tpu.vector_load %arg6[%get3A_1205, %get3A_1206] {strides = array<i32>} : memref<128x32xf32, #tpu.memory_space<vmem>>, vector<16xf32>,
      tpu.vector_store_idx %arg8[%select_n3A, %select_n3A_45, %broadcast_in_dim3A_1203], %get3A_1207 : memref<4x8x129xf32, #tpu.memory_space<vmem>>[vector<16xi32>, vector<16xi32>, vector<16xi32>], vector<16xf32>,
      %get3A_1208 = arith.constant 108 : i32
      %get3A_1209 = arith.index_cast %get3A_1208 : i32 to index
      %get3A_1210 = arith.constant 16 : index
      %get3A_1211 = tpu.vector_load %arg6[%get3A_1209, %get3A_1210] {strides = array<i32>} : memref<128x32xf32, #tpu.memory_space<vmem>>, vector<16xf32>,
      tpu.vector_store_idx %arg8[%add3A_48, %select_n3A_45, %broadcast_in_dim3A_1203], %get3A_1211 : memref<4x8x129xf32, #tpu.memory_space<vmem>>[vector<16xi32>, vector<16xi32>, vector<16xi32>], vector<16xf32>,
      %broadcast_in_dim3A_1212 = arith.constant 109 : i32
      %broadcast_in_dim3A_1213 = vector.broadcast %broadcast_in_dim3A_1212 : i32 to vector<16xi32>
      %get3A_1214 = arith.constant 109 : i32
      %get3A_1215 = arith.index_cast %get3A_1214 : i32 to index
      %get3A_1216 = arith.constant 0 : index
      %get3A_1217 = tpu.vector_load %arg6[%get3A_1215, %get3A_1216] {strides = array<i32>} : memref<128x32xf32, #tpu.memory_space<vmem>>, vector<16xf32>,
      tpu.vector_store_idx %arg8[%select_n3A, %select_n3A_45, %broadcast_in_dim3A_1213], %get3A_1217 : memref<4x8x129xf32, #tpu.memory_space<vmem>>[vector<16xi32>, vector<16xi32>, vector<16xi32>], vector<16xf32>,
      %get3A_1218 = arith.constant 109 : i32
      %get3A_1219 = arith.index_cast %get3A_1218 : i32 to index
      %get3A_1220 = arith.constant 16 : index
      %get3A_1221 = tpu.vector_load %arg6[%get3A_1219, %get3A_1220] {strides = array<i32>} : memref<128x32xf32, #tpu.memory_space<vmem>>, vector<16xf32>,
      tpu.vector_store_idx %arg8[%add3A_48, %select_n3A_45, %broadcast_in_dim3A_1213], %get3A_1221 : memref<4x8x129xf32, #tpu.memory_space<vmem>>[vector<16xi32>, vector<16xi32>, vector<16xi32>], vector<16xf32>,
      %broadcast_in_dim3A_1222 = arith.constant 110 : i32
      %broadcast_in_dim3A_1223 = vector.broadcast %broadcast_in_dim3A_1222 : i32 to vector<16xi32>
      %get3A_1224 = arith.constant 110 : i32
      %get3A_1225 = arith.index_cast %get3A_1224 : i32 to index
      %get3A_1226 = arith.constant 0 : index
      %get3A_1227 = tpu.vector_load %arg6[%get3A_1225, %get3A_1226] {strides = array<i32>} : memref<128x32xf32, #tpu.memory_space<vmem>>, vector<16xf32>,
      tpu.vector_store_idx %arg8[%select_n3A, %select_n3A_45, %broadcast_in_dim3A_1223], %get3A_1227 : memref<4x8x129xf32, #tpu.memory_space<vmem>>[vector<16xi32>, vector<16xi32>, vector<16xi32>], vector<16xf32>,
      %get3A_1228 = arith.constant 110 : i32
      %get3A_1229 = arith.index_cast %get3A_1228 : i32 to index
      %get3A_1230 = arith.constant 16 : index
      %get3A_1231 = tpu.vector_load %arg6[%get3A_1229, %get3A_1230] {strides = array<i32>} : memref<128x32xf32, #tpu.memory_space<vmem>>, vector<16xf32>,
      tpu.vector_store_idx %arg8[%add3A_48, %select_n3A_45, %broadcast_in_dim3A_1223], %get3A_1231 : memref<4x8x129xf32, #tpu.memory_space<vmem>>[vector<16xi32>, vector<16xi32>, vector<16xi32>], vector<16xf32>,
      %broadcast_in_dim3A_1232 = arith.constant 111 : i32
      %broadcast_in_dim3A_1233 = vector.broadcast %broadcast_in_dim3A_1232 : i32 to vector<16xi32>
      %get3A_1234 = arith.constant 111 : i32
      %get3A_1235 = arith.index_cast %get3A_1234 : i32 to index
      %get3A_1236 = arith.constant 0 : index
      %get3A_1237 = tpu.vector_load %arg6[%get3A_1235, %get3A_1236] {strides = array<i32>} : memref<128x32xf32, #tpu.memory_space<vmem>>, vector<16xf32>,
      tpu.vector_store_idx %arg8[%select_n3A, %select_n3A_45, %broadcast_in_dim3A_1233], %get3A_1237 : memref<4x8x129xf32, #tpu.memory_space<vmem>>[vector<16xi32>, vector<16xi32>, vector<16xi32>], vector<16xf32>,
      %get3A_1238 = arith.constant 111 : i32
      %get3A_1239 = arith.index_cast %get3A_1238 : i32 to index
      %get3A_1240 = arith.constant 16 : index
      %get3A_1241 = tpu.vector_load %arg6[%get3A_1239, %get3A_1240] {strides = array<i32>} : memref<128x32xf32, #tpu.memory_space<vmem>>, vector<16xf32>,
      tpu.vector_store_idx %arg8[%add3A_48, %select_n3A_45, %broadcast_in_dim3A_1233], %get3A_1241 : memref<4x8x129xf32, #tpu.memory_space<vmem>>[vector<16xi32>, vector<16xi32>, vector<16xi32>], vector<16xf32>,
      %broadcast_in_dim3A_1242 = arith.constant 112 : i32
      %broadcast_in_dim3A_1243 = vector.broadcast %broadcast_in_dim3A_1242 : i32 to vector<16xi32>
      %get3A_1244 = arith.constant 112 : i32
      %get3A_1245 = arith.index_cast %get3A_1244 : i32 to index
      %get3A_1246 = arith.constant 0 : index
      %get3A_1247 = tpu.vector_load %arg6[%get3A_1245, %get3A_1246] {strides = array<i32>} : memref<128x32xf32, #tpu.memory_space<vmem>>, vector<16xf32>,
      tpu.vector_store_idx %arg8[%select_n3A, %select_n3A_45, %broadcast_in_dim3A_1243], %get3A_1247 : memref<4x8x129xf32, #tpu.memory_space<vmem>>[vector<16xi32>, vector<16xi32>, vector<16xi32>], vector<16xf32>,
      %get3A_1248 = arith.constant 112 : i32
      %get3A_1249 = arith.index_cast %get3A_1248 : i32 to index
      %get3A_1250 = arith.constant 16 : index
      %get3A_1251 = tpu.vector_load %arg6[%get3A_1249, %get3A_1250] {strides = array<i32>} : memref<128x32xf32, #tpu.memory_space<vmem>>, vector<16xf32>,
      tpu.vector_store_idx %arg8[%add3A_48, %select_n3A_45, %broadcast_in_dim3A_1243], %get3A_1251 : memref<4x8x129xf32, #tpu.memory_space<vmem>>[vector<16xi32>, vector<16xi32>, vector<16xi32>], vector<16xf32>,
      %broadcast_in_dim3A_1252 = arith.constant 113 : i32
      %broadcast_in_dim3A_1253 = vector.broadcast %broadcast_in_dim3A_1252 : i32 to vector<16xi32>
      %get3A_1254 = arith.constant 113 : i32
      %get3A_1255 = arith.index_cast %get3A_1254 : i32 to index
      %get3A_1256 = arith.constant 0 : index
      %get3A_1257 = tpu.vector_load %arg6[%get3A_1255, %get3A_1256] {strides = array<i32>} : memref<128x32xf32, #tpu.memory_space<vmem>>, vector<16xf32>,
      tpu.vector_store_idx %arg8[%select_n3A, %select_n3A_45, %broadcast_in_dim3A_1253], %get3A_1257 : memref<4x8x129xf32, #tpu.memory_space<vmem>>[vector<16xi32>, vector<16xi32>, vector<16xi32>], vector<16xf32>,
      %get3A_1258 = arith.constant 113 : i32
      %get3A_1259 = arith.index_cast %get3A_1258 : i32 to index
      %get3A_1260 = arith.constant 16 : index
      %get3A_1261 = tpu.vector_load %arg6[%get3A_1259, %get3A_1260] {strides = array<i32>} : memref<128x32xf32, #tpu.memory_space<vmem>>, vector<16xf32>,
      tpu.vector_store_idx %arg8[%add3A_48, %select_n3A_45, %broadcast_in_dim3A_1253], %get3A_1261 : memref<4x8x129xf32, #tpu.memory_space<vmem>>[vector<16xi32>, vector<16xi32>, vector<16xi32>], vector<16xf32>,
      %broadcast_in_dim3A_1262 = arith.constant 114 : i32
      %broadcast_in_dim3A_1263 = vector.broadcast %broadcast_in_dim3A_1262 : i32 to vector<16xi32>
      %get3A_1264 = arith.constant 114 : i32
      %get3A_1265 = arith.index_cast %get3A_1264 : i32 to index
      %get3A_1266 = arith.constant 0 : index
      %get3A_1267 = tpu.vector_load %arg6[%get3A_1265, %get3A_1266] {strides = array<i32>} : memref<128x32xf32, #tpu.memory_space<vmem>>, vector<16xf32>,
      tpu.vector_store_idx %arg8[%select_n3A, %select_n3A_45, %broadcast_in_dim3A_1263], %get3A_1267 : memref<4x8x129xf32, #tpu.memory_space<vmem>>[vector<16xi32>, vector<16xi32>, vector<16xi32>], vector<16xf32>,
      %get3A_1268 = arith.constant 114 : i32
      %get3A_1269 = arith.index_cast %get3A_1268 : i32 to index
      %get3A_1270 = arith.constant 16 : index
      %get3A_1271 = tpu.vector_load %arg6[%get3A_1269, %get3A_1270] {strides = array<i32>} : memref<128x32xf32, #tpu.memory_space<vmem>>, vector<16xf32>,
      tpu.vector_store_idx %arg8[%add3A_48, %select_n3A_45, %broadcast_in_dim3A_1263], %get3A_1271 : memref<4x8x129xf32, #tpu.memory_space<vmem>>[vector<16xi32>, vector<16xi32>, vector<16xi32>], vector<16xf32>,
      %broadcast_in_dim3A_1272 = arith.constant 115 : i32
      %broadcast_in_dim3A_1273 = vector.broadcast %broadcast_in_dim3A_1272 : i32 to vector<16xi32>
      %get3A_1274 = arith.constant 115 : i32
      %get3A_1275 = arith.index_cast %get3A_1274 : i32 to index
      %get3A_1276 = arith.constant 0 : index
      %get3A_1277 = tpu.vector_load %arg6[%get3A_1275, %get3A_1276] {strides = array<i32>} : memref<128x32xf32, #tpu.memory_space<vmem>>, vector<16xf32>,
      tpu.vector_store_idx %arg8[%select_n3A, %select_n3A_45, %broadcast_in_dim3A_1273], %get3A_1277 : memref<4x8x129xf32, #tpu.memory_space<vmem>>[vector<16xi32>, vector<16xi32>, vector<16xi32>], vector<16xf32>,
      %get3A_1278 = arith.constant 115 : i32
      %get3A_1279 = arith.index_cast %get3A_1278 : i32 to index
      %get3A_1280 = arith.constant 16 : index
      %get3A_1281 = tpu.vector_load %arg6[%get3A_1279, %get3A_1280] {strides = array<i32>} : memref<128x32xf32, #tpu.memory_space<vmem>>, vector<16xf32>,
      tpu.vector_store_idx %arg8[%add3A_48, %select_n3A_45, %broadcast_in_dim3A_1273], %get3A_1281 : memref<4x8x129xf32, #tpu.memory_space<vmem>>[vector<16xi32>, vector<16xi32>, vector<16xi32>], vector<16xf32>,
      %broadcast_in_dim3A_1282 = arith.constant 116 : i32
      %broadcast_in_dim3A_1283 = vector.broadcast %broadcast_in_dim3A_1282 : i32 to vector<16xi32>
      %get3A_1284 = arith.constant 116 : i32
      %get3A_1285 = arith.index_cast %get3A_1284 : i32 to index
      %get3A_1286 = arith.constant 0 : index
      %get3A_1287 = tpu.vector_load %arg6[%get3A_1285, %get3A_1286] {strides = array<i32>} : memref<128x32xf32, #tpu.memory_space<vmem>>, vector<16xf32>,
      tpu.vector_store_idx %arg8[%select_n3A, %select_n3A_45, %broadcast_in_dim3A_1283], %get3A_1287 : memref<4x8x129xf32, #tpu.memory_space<vmem>>[vector<16xi32>, vector<16xi32>, vector<16xi32>], vector<16xf32>,
      %get3A_1288 = arith.constant 116 : i32
      %get3A_1289 = arith.index_cast %get3A_1288 : i32 to index
      %get3A_1290 = arith.constant 16 : index
      %get3A_1291 = tpu.vector_load %arg6[%get3A_1289, %get3A_1290] {strides = array<i32>} : memref<128x32xf32, #tpu.memory_space<vmem>>, vector<16xf32>,
      tpu.vector_store_idx %arg8[%add3A_48, %select_n3A_45, %broadcast_in_dim3A_1283], %get3A_1291 : memref<4x8x129xf32, #tpu.memory_space<vmem>>[vector<16xi32>, vector<16xi32>, vector<16xi32>], vector<16xf32>,
      %broadcast_in_dim3A_1292 = arith.constant 117 : i32
      %broadcast_in_dim3A_1293 = vector.broadcast %broadcast_in_dim3A_1292 : i32 to vector<16xi32>
      %get3A_1294 = arith.constant 117 : i32
      %get3A_1295 = arith.index_cast %get3A_1294 : i32 to index
      %get3A_1296 = arith.constant 0 : index
      %get3A_1297 = tpu.vector_load %arg6[%get3A_1295, %get3A_1296] {strides = array<i32>} : memref<128x32xf32, #tpu.memory_space<vmem>>, vector<16xf32>,
      tpu.vector_store_idx %arg8[%select_n3A, %select_n3A_45, %broadcast_in_dim3A_1293], %get3A_1297 : memref<4x8x129xf32, #tpu.memory_space<vmem>>[vector<16xi32>, vector<16xi32>, vector<16xi32>], vector<16xf32>,
      %get3A_1298 = arith.constant 117 : i32
      %get3A_1299 = arith.index_cast %get3A_1298 : i32 to index
      %get3A_1300 = arith.constant 16 : index
      %get3A_1301 = tpu.vector_load %arg6[%get3A_1299, %get3A_1300] {strides = array<i32>} : memref<128x32xf32, #tpu.memory_space<vmem>>, vector<16xf32>,
      tpu.vector_store_idx %arg8[%add3A_48, %select_n3A_45, %broadcast_in_dim3A_1293], %get3A_1301 : memref<4x8x129xf32, #tpu.memory_space<vmem>>[vector<16xi32>, vector<16xi32>, vector<16xi32>], vector<16xf32>,
      %broadcast_in_dim3A_1302 = arith.constant 118 : i32
      %broadcast_in_dim3A_1303 = vector.broadcast %broadcast_in_dim3A_1302 : i32 to vector<16xi32>
      %get3A_1304 = arith.constant 118 : i32
      %get3A_1305 = arith.index_cast %get3A_1304 : i32 to index
      %get3A_1306 = arith.constant 0 : index
      %get3A_1307 = tpu.vector_load %arg6[%get3A_1305, %get3A_1306] {strides = array<i32>} : memref<128x32xf32, #tpu.memory_space<vmem>>, vector<16xf32>,
      tpu.vector_store_idx %arg8[%select_n3A, %select_n3A_45, %broadcast_in_dim3A_1303], %get3A_1307 : memref<4x8x129xf32, #tpu.memory_space<vmem>>[vector<16xi32>, vector<16xi32>, vector<16xi32>], vector<16xf32>,
      %get3A_1308 = arith.constant 118 : i32
      %get3A_1309 = arith.index_cast %get3A_1308 : i32 to index
      %get3A_1310 = arith.constant 16 : index
      %get3A_1311 = tpu.vector_load %arg6[%get3A_1309, %get3A_1310] {strides = array<i32>} : memref<128x32xf32, #tpu.memory_space<vmem>>, vector<16xf32>,
      tpu.vector_store_idx %arg8[%add3A_48, %select_n3A_45, %broadcast_in_dim3A_1303], %get3A_1311 : memref<4x8x129xf32, #tpu.memory_space<vmem>>[vector<16xi32>, vector<16xi32>, vector<16xi32>], vector<16xf32>,
      %broadcast_in_dim3A_1312 = arith.constant 119 : i32
      %broadcast_in_dim3A_1313 = vector.broadcast %broadcast_in_dim3A_1312 : i32 to vector<16xi32>
      %get3A_1314 = arith.constant 119 : i32
      %get3A_1315 = arith.index_cast %get3A_1314 : i32 to index
      %get3A_1316 = arith.constant 0 : index
      %get3A_1317 = tpu.vector_load %arg6[%get3A_1315, %get3A_1316] {strides = array<i32>} : memref<128x32xf32, #tpu.memory_space<vmem>>, vector<16xf32>,
      tpu.vector_store_idx %arg8[%select_n3A, %select_n3A_45, %broadcast_in_dim3A_1313], %get3A_1317 : memref<4x8x129xf32, #tpu.memory_space<vmem>>[vector<16xi32>, vector<16xi32>, vector<16xi32>], vector<16xf32>,
      %get3A_1318 = arith.constant 119 : i32
      %get3A_1319 = arith.index_cast %get3A_1318 : i32 to index
      %get3A_1320 = arith.constant 16 : index
      %get3A_1321 = tpu.vector_load %arg6[%get3A_1319, %get3A_1320] {strides = array<i32>} : memref<128x32xf32, #tpu.memory_space<vmem>>, vector<16xf32>,
      tpu.vector_store_idx %arg8[%add3A_48, %select_n3A_45, %broadcast_in_dim3A_1313], %get3A_1321 : memref<4x8x129xf32, #tpu.memory_space<vmem>>[vector<16xi32>, vector<16xi32>, vector<16xi32>], vector<16xf32>,
      %broadcast_in_dim3A_1322 = arith.constant 120 : i32
      %broadcast_in_dim3A_1323 = vector.broadcast %broadcast_in_dim3A_1322 : i32 to vector<16xi32>
      %get3A_1324 = arith.constant 120 : i32
      %get3A_1325 = arith.index_cast %get3A_1324 : i32 to index
      %get3A_1326 = arith.constant 0 : index
      %get3A_1327 = tpu.vector_load %arg6[%get3A_1325, %get3A_1326] {strides = array<i32>} : memref<128x32xf32, #tpu.memory_space<vmem>>, vector<16xf32>,
      tpu.vector_store_idx %arg8[%select_n3A, %select_n3A_45, %broadcast_in_dim3A_1323], %get3A_1327 : memref<4x8x129xf32, #tpu.memory_space<vmem>>[vector<16xi32>, vector<16xi32>, vector<16xi32>], vector<16xf32>,
      %get3A_1328 = arith.constant 120 : i32
      %get3A_1329 = arith.index_cast %get3A_1328 : i32 to index
      %get3A_1330 = arith.constant 16 : index
      %get3A_1331 = tpu.vector_load %arg6[%get3A_1329, %get3A_1330] {strides = array<i32>} : memref<128x32xf32, #tpu.memory_space<vmem>>, vector<16xf32>,
      tpu.vector_store_idx %arg8[%add3A_48, %select_n3A_45, %broadcast_in_dim3A_1323], %get3A_1331 : memref<4x8x129xf32, #tpu.memory_space<vmem>>[vector<16xi32>, vector<16xi32>, vector<16xi32>], vector<16xf32>,
      %broadcast_in_dim3A_1332 = arith.constant 121 : i32
      %broadcast_in_dim3A_1333 = vector.broadcast %broadcast_in_dim3A_1332 : i32 to vector<16xi32>
      %get3A_1334 = arith.constant 121 : i32
      %get3A_1335 = arith.index_cast %get3A_1334 : i32 to index
      %get3A_1336 = arith.constant 0 : index
      %get3A_1337 = tpu.vector_load %arg6[%get3A_1335, %get3A_1336] {strides = array<i32>} : memref<128x32xf32, #tpu.memory_space<vmem>>, vector<16xf32>,
      tpu.vector_store_idx %arg8[%select_n3A, %select_n3A_45, %broadcast_in_dim3A_1333], %get3A_1337 : memref<4x8x129xf32, #tpu.memory_space<vmem>>[vector<16xi32>, vector<16xi32>, vector<16xi32>], vector<16xf32>,
      %get3A_1338 = arith.constant 121 : i32
      %get3A_1339 = arith.index_cast %get3A_1338 : i32 to index
      %get3A_1340 = arith.constant 16 : index
      %get3A_1341 = tpu.vector_load %arg6[%get3A_1339, %get3A_1340] {strides = array<i32>} : memref<128x32xf32, #tpu.memory_space<vmem>>, vector<16xf32>,
      tpu.vector_store_idx %arg8[%add3A_48, %select_n3A_45, %broadcast_in_dim3A_1333], %get3A_1341 : memref<4x8x129xf32, #tpu.memory_space<vmem>>[vector<16xi32>, vector<16xi32>, vector<16xi32>], vector<16xf32>,
      %broadcast_in_dim3A_1342 = arith.constant 122 : i32
      %broadcast_in_dim3A_1343 = vector.broadcast %broadcast_in_dim3A_1342 : i32 to vector<16xi32>
      %get3A_1344 = arith.constant 122 : i32
      %get3A_1345 = arith.index_cast %get3A_1344 : i32 to index
      %get3A_1346 = arith.constant 0 : index
      %get3A_1347 = tpu.vector_load %arg6[%get3A_1345, %get3A_1346] {strides = array<i32>} : memref<128x32xf32, #tpu.memory_space<vmem>>, vector<16xf32>,
      tpu.vector_store_idx %arg8[%select_n3A, %select_n3A_45, %broadcast_in_dim3A_1343], %get3A_1347 : memref<4x8x129xf32, #tpu.memory_space<vmem>>[vector<16xi32>, vector<16xi32>, vector<16xi32>], vector<16xf32>,
      %get3A_1348 = arith.constant 122 : i32
      %get3A_1349 = arith.index_cast %get3A_1348 : i32 to index
      %get3A_1350 = arith.constant 16 : index
      %get3A_1351 = tpu.vector_load %arg6[%get3A_1349, %get3A_1350] {strides = array<i32>} : memref<128x32xf32, #tpu.memory_space<vmem>>, vector<16xf32>,
      tpu.vector_store_idx %arg8[%add3A_48, %select_n3A_45, %broadcast_in_dim3A_1343], %get3A_1351 : memref<4x8x129xf32, #tpu.memory_space<vmem>>[vector<16xi32>, vector<16xi32>, vector<16xi32>], vector<16xf32>,
      %broadcast_in_dim3A_1352 = arith.constant 123 : i32
      %broadcast_in_dim3A_1353 = vector.broadcast %broadcast_in_dim3A_1352 : i32 to vector<16xi32>
      %get3A_1354 = arith.constant 123 : i32
      %get3A_1355 = arith.index_cast %get3A_1354 : i32 to index
      %get3A_1356 = arith.constant 0 : index
      %get3A_1357 = tpu.vector_load %arg6[%get3A_1355, %get3A_1356] {strides = array<i32>} : memref<128x32xf32, #tpu.memory_space<vmem>>, vector<16xf32>,
      tpu.vector_store_idx %arg8[%select_n3A, %select_n3A_45, %broadcast_in_dim3A_1353], %get3A_1357 : memref<4x8x129xf32, #tpu.memory_space<vmem>>[vector<16xi32>, vector<16xi32>, vector<16xi32>], vector<16xf32>,
      %get3A_1358 = arith.constant 123 : i32
      %get3A_1359 = arith.index_cast %get3A_1358 : i32 to index
      %get3A_1360 = arith.constant 16 : index
      %get3A_1361 = tpu.vector_load %arg6[%get3A_1359, %get3A_1360] {strides = array<i32>} : memref<128x32xf32, #tpu.memory_space<vmem>>, vector<16xf32>,
      tpu.vector_store_idx %arg8[%add3A_48, %select_n3A_45, %broadcast_in_dim3A_1353], %get3A_1361 : memref<4x8x129xf32, #tpu.memory_space<vmem>>[vector<16xi32>, vector<16xi32>, vector<16xi32>], vector<16xf32>,
      %broadcast_in_dim3A_1362 = arith.constant 124 : i32
      %broadcast_in_dim3A_1363 = vector.broadcast %broadcast_in_dim3A_1362 : i32 to vector<16xi32>
      %get3A_1364 = arith.constant 124 : i32
      %get3A_1365 = arith.index_cast %get3A_1364 : i32 to index
      %get3A_1366 = arith.constant 0 : index
      %get3A_1367 = tpu.vector_load %arg6[%get3A_1365, %get3A_1366] {strides = array<i32>} : memref<128x32xf32, #tpu.memory_space<vmem>>, vector<16xf32>,
      tpu.vector_store_idx %arg8[%select_n3A, %select_n3A_45, %broadcast_in_dim3A_1363], %get3A_1367 : memref<4x8x129xf32, #tpu.memory_space<vmem>>[vector<16xi32>, vector<16xi32>, vector<16xi32>], vector<16xf32>,
      %get3A_1368 = arith.constant 124 : i32
      %get3A_1369 = arith.index_cast %get3A_1368 : i32 to index
      %get3A_1370 = arith.constant 16 : index
      %get3A_1371 = tpu.vector_load %arg6[%get3A_1369, %get3A_1370] {strides = array<i32>} : memref<128x32xf32, #tpu.memory_space<vmem>>, vector<16xf32>,
      tpu.vector_store_idx %arg8[%add3A_48, %select_n3A_45, %broadcast_in_dim3A_1363], %get3A_1371 : memref<4x8x129xf32, #tpu.memory_space<vmem>>[vector<16xi32>, vector<16xi32>, vector<16xi32>], vector<16xf32>,
      %broadcast_in_dim3A_1372 = arith.constant 125 : i32
      %broadcast_in_dim3A_1373 = vector.broadcast %broadcast_in_dim3A_1372 : i32 to vector<16xi32>
      %get3A_1374 = arith.constant 125 : i32
      %get3A_1375 = arith.index_cast %get3A_1374 : i32 to index
      %get3A_1376 = arith.constant 0 : index
      %get3A_1377 = tpu.vector_load %arg6[%get3A_1375, %get3A_1376] {strides = array<i32>} : memref<128x32xf32, #tpu.memory_space<vmem>>, vector<16xf32>,
      tpu.vector_store_idx %arg8[%select_n3A, %select_n3A_45, %broadcast_in_dim3A_1373], %get3A_1377 : memref<4x8x129xf32, #tpu.memory_space<vmem>>[vector<16xi32>, vector<16xi32>, vector<16xi32>], vector<16xf32>,
      %get3A_1378 = arith.constant 125 : i32
      %get3A_1379 = arith.index_cast %get3A_1378 : i32 to index
      %get3A_1380 = arith.constant 16 : index
      %get3A_1381 = tpu.vector_load %arg6[%get3A_1379, %get3A_1380] {strides = array<i32>} : memref<128x32xf32, #tpu.memory_space<vmem>>, vector<16xf32>,
      tpu.vector_store_idx %arg8[%add3A_48, %select_n3A_45, %broadcast_in_dim3A_1373], %get3A_1381 : memref<4x8x129xf32, #tpu.memory_space<vmem>>[vector<16xi32>, vector<16xi32>, vector<16xi32>], vector<16xf32>,
      %broadcast_in_dim3A_1382 = arith.constant 126 : i32
      %broadcast_in_dim3A_1383 = vector.broadcast %broadcast_in_dim3A_1382 : i32 to vector<16xi32>
      %get3A_1384 = arith.constant 126 : i32
      %get3A_1385 = arith.index_cast %get3A_1384 : i32 to index
      %get3A_1386 = arith.constant 0 : index
      %get3A_1387 = tpu.vector_load %arg6[%get3A_1385, %get3A_1386] {strides = array<i32>} : memref<128x32xf32, #tpu.memory_space<vmem>>, vector<16xf32>,
      tpu.vector_store_idx %arg8[%select_n3A, %select_n3A_45, %broadcast_in_dim3A_1383], %get3A_1387 : memref<4x8x129xf32, #tpu.memory_space<vmem>>[vector<16xi32>, vector<16xi32>, vector<16xi32>], vector<16xf32>,
      %get3A_1388 = arith.constant 126 : i32
      %get3A_1389 = arith.index_cast %get3A_1388 : i32 to index
      %get3A_1390 = arith.constant 16 : index
      %get3A_1391 = tpu.vector_load %arg6[%get3A_1389, %get3A_1390] {strides = array<i32>} : memref<128x32xf32, #tpu.memory_space<vmem>>, vector<16xf32>,
      tpu.vector_store_idx %arg8[%add3A_48, %select_n3A_45, %broadcast_in_dim3A_1383], %get3A_1391 : memref<4x8x129xf32, #tpu.memory_space<vmem>>[vector<16xi32>, vector<16xi32>, vector<16xi32>], vector<16xf32>,
      %broadcast_in_dim3A_1392 = arith.constant 127 : i32
      %broadcast_in_dim3A_1393 = vector.broadcast %broadcast_in_dim3A_1392 : i32 to vector<16xi32>
      %get3A_1394 = arith.constant 127 : i32
      %get3A_1395 = arith.index_cast %get3A_1394 : i32 to index
      %get3A_1396 = arith.constant 0 : index
      %get3A_1397 = tpu.vector_load %arg6[%get3A_1395, %get3A_1396] {strides = array<i32>} : memref<128x32xf32, #tpu.memory_space<vmem>>, vector<16xf32>,
      tpu.vector_store_idx %arg8[%select_n3A, %select_n3A_45, %broadcast_in_dim3A_1393], %get3A_1397 : memref<4x8x129xf32, #tpu.memory_space<vmem>>[vector<16xi32>, vector<16xi32>, vector<16xi32>], vector<16xf32>,
      %get3A_1398 = arith.constant 127 : i32
      %get3A_1399 = arith.index_cast %get3A_1398 : i32 to index
      %get3A_1400 = arith.constant 16 : index
      %get3A_1401 = tpu.vector_load %arg6[%get3A_1399, %get3A_1400] {strides = array<i32>} : memref<128x32xf32, #tpu.memory_space<vmem>>, vector<16xf32>,
      tpu.vector_store_idx %arg8[%add3A_48, %select_n3A_45, %broadcast_in_dim3A_1393], %get3A_1401 : memref<4x8x129xf32, #tpu.memory_space<vmem>>[vector<16xi32>, vector<16xi32>, vector<16xi32>], vector<16xf32>,
      %dma_start3A_1402 = arith.constant 0 : i32
      %dma_start3A_1403 = arith.constant 0 : i32
      %dma_start3A_1404 = arith.constant 0 : i32
      %dma_start3A_1405 = tpu.memref_slice %arg8[%dma_start3A_1402, %dma_start3A_1403, %dma_start3A_1404] : memref<4x8x129xf32, #tpu.memory_space<vmem>> -> memref<4x8x128xf32, #tpu.memory_space<vmem>>
      %dma_start3A_1406 = arith.constant 0 : i32
      %dma_start3A_1407 = arith.constant 0 : i32
      %dma_start3A_1408 = arith.constant 0 : i32
      %dma_start3A_1409 = tpu.memref_slice %arg4[%mul3A_107, %dma_start3A_1406, %add3A, %dma_start3A_1407, %dma_start3A_1408] : memref<200x4x32x8x128xf32, #tpu.memory_space<hbm>> -> memref<1x4x1x8x128xf32, #tpu.memory_space<hbm>>
      %dma_start3A_1410 = tpu.memref_squeeze %dma_start3A_1409 : memref<1x4x1x8x128xf32, #tpu.memory_space<hbm>> -> memref<4x8x128xf32, #tpu.memory_space<hbm>>
      %dma_start3A_1411 = arith.constant 0 : i32
      %dma_start3A_1412 = arith.constant 0 : i32
      %dma_start3A_1413 = arith.constant 0 : i32
      %dma_start3A_1414 = tpu.memref_slice %arg4[%mul3A_107, %dma_start3A_1411, %add3A, %dma_start3A_1412, %dma_start3A_1413] : memref<200x4x32x8x128xf32, #tpu.memory_space<hbm>> -> memref<1x4x1x8x128xf32, #tpu.memory_space<hbm>>
      %dma_start3A_1415 = tpu.memref_squeeze %dma_start3A_1414 : memref<1x4x1x8x128xf32, #tpu.memory_space<hbm>> -> memref<4x8x128xf32, #tpu.memory_space<hbm>>
      %dma_start3A_1416 = arith.constant 0 : i32
      %dma_start3A_1417 = arith.constant 0 : i32
      %dma_start3A_1418 = arith.constant 0 : i32
      %dma_start3A_1419 = tpu.memref_slice %arg8[%dma_start3A_1416, %dma_start3A_1417, %dma_start3A_1418] : memref<4x8x129xf32, #tpu.memory_space<vmem>> -> memref<4x8x128xf32, #tpu.memory_space<vmem>>
      tpu.enqueue_dma source(%dma_start3A_1419 : memref<4x8x128xf32, #tpu.memory_space<vmem>>) target(%dma_start3A_1415 : memref<4x8x128xf32, #tpu.memory_space<hbm>>) target_semaphore(%arg13 : memref<!tpu.dma_semaphore, #tpu.memory_space<semaphore_mem>>)
      %lt3A_1420 = arith.constant 99 : i32
      %lt3A_1421 = arith.cmpi slt, %scan3A_105, %lt3A_1420 : i32
      %convert_element_type3A_1422 = arith.extui %lt3A_1421 : i1 to i32
      %cond3A_1423 = arith.constant 0 : i32
      %cond3A_1424 = arith.cmpi ne, %convert_element_type3A_1422, %cond3A_1423 : i32
      scf.if %cond3A_1424 {
        %add3A_2734 = arith.constant 2 : i32
        %add3A_2735 = arith.addi %mul3A_107, %add3A_2734 : i32
        %dma_start3A_2736 = arith.constant 0 : i32
        %dma_start3A_2737 = tpu.memref_slice %arg5[%add3A_2735, %dma_start3A_2736] : memref<200x128xi32, #tpu.memory_space<vmem>> -> memref<1x128xi32, #tpu.memory_space<vmem>>
        %dma_start3A_2738 = tpu.memref_squeeze %dma_start3A_2737 : memref<1x128xi32, #tpu.memory_space<vmem>> -> memref<128xi32, #tpu.memory_space<vmem>>
        %dma_start3A_2739 = arith.constant 0 : i32
        %dma_start3A_2740 = arith.constant 0 : i32
        %dma_start3A_2741 = tpu.memref_slice %arg3[%dma_start3A_2739, %dma_start3A_2740] : memref<1000000x32xf32, #tpu.memory_space<hbm>> -> memref<1000000x32xf32, #tpu.memory_space<hbm>>
        tpu.enqueue_indirect_dma source(%dma_start3A_2741 : memref<1000000x32xf32, #tpu.memory_space<hbm>>) target(%arg6 : memref<128x32xf32, #tpu.memory_space<vmem>>) offsets(%dma_start3A_2738 : memref<128xi32, #tpu.memory_space<vmem>>) semaphore(%arg11 : memref<!tpu.dma_semaphore, #tpu.memory_space<semaphore_mem>>)
      } else {
      }
      %dma_wait3A_1425 = arith.constant 0 : i32
      %dma_wait3A_1426 = tpu.memref_slice %arg5[%add3A_109, %dma_wait3A_1425] : memref<200x128xi32, #tpu.memory_space<vmem>> -> memref<1x128xi32, #tpu.memory_space<vmem>>
      %dma_wait3A_1427 = tpu.memref_squeeze %dma_wait3A_1426 : memref<1x128xi32, #tpu.memory_space<vmem>> -> memref<128xi32, #tpu.memory_space<vmem>>
      %dma_wait3A_1428 = arith.constant 0 : i32
      %dma_wait3A_1429 = arith.constant 0 : i32
      %dma_wait3A_1430 = tpu.memref_slice %arg3[%dma_wait3A_1428, %dma_wait3A_1429] : memref<1000000x32xf32, #tpu.memory_space<hbm>> -> memref<1000000x32xf32, #tpu.memory_space<hbm>>
      tpu.wait_indirect_dma semaphore(%arg12 : memref<!tpu.dma_semaphore, #tpu.memory_space<semaphore_mem>>) src(%dma_wait3A_1430 : memref<1000000x32xf32, #tpu.memory_space<hbm>>) dst(%arg7 : memref<128x32xf32, #tpu.memory_space<vmem>>)
      %gt3A_1431 = arith.constant 0 : i32
      %gt3A_1432 = arith.cmpi sgt, %scan3A_105, %gt3A_1431 : i32
      %convert_element_type3A_1433 = arith.extui %gt3A_1432 : i1 to i32
      %cond3A_1434 = arith.constant 0 : i32
      %cond3A_1435 = arith.cmpi ne, %convert_element_type3A_1433, %cond3A_1434 : i32
      scf.if %cond3A_1435 {
        %dma_wait3A_2734 = arith.constant 0 : i32
        %dma_wait3A_2735 = arith.constant 0 : i32
        %dma_wait3A_2736 = arith.constant 0 : i32
        %dma_wait3A_2737 = tpu.memref_slice %arg9[%dma_wait3A_2734, %dma_wait3A_2735, %dma_wait3A_2736] : memref<4x8x129xf32, #tpu.memory_space<vmem>> -> memref<4x8x128xf32, #tpu.memory_space<vmem>>
        %dma_wait3A_2738 = arith.constant 0 : i32
        %dma_wait3A_2739 = arith.constant 0 : i32
        %dma_wait3A_2740 = arith.constant 0 : i32
        %dma_wait3A_2741 = tpu.memref_slice %arg4[%add3A_109, %dma_wait3A_2738, %add3A, %dma_wait3A_2739, %dma_wait3A_2740] : memref<200x4x32x8x128xf32, #tpu.memory_space<hbm>> -> memref<1x4x1x8x128xf32, #tpu.memory_space<hbm>>
        %dma_wait3A_2742 = tpu.memref_squeeze %dma_wait3A_2741 : memref<1x4x1x8x128xf32, #tpu.memory_space<hbm>> -> memref<4x8x128xf32, #tpu.memory_space<hbm>>
        %dma_wait3A_2743 = arith.constant 0 : i32
        %dma_wait3A_2744 = arith.constant 0 : i32
        %dma_wait3A_2745 = arith.constant 0 : i32
        %dma_wait3A_2746 = tpu.memref_slice %arg4[%add3A_109, %dma_wait3A_2743, %add3A, %dma_wait3A_2744, %dma_wait3A_2745] : memref<200x4x32x8x128xf32, #tpu.memory_space<hbm>> -> memref<1x4x1x8x128xf32, #tpu.memory_space<hbm>>
        %dma_wait3A_2747 = tpu.memref_squeeze %dma_wait3A_2746 : memref<1x4x1x8x128xf32, #tpu.memory_space<hbm>> -> memref<4x8x128xf32, #tpu.memory_space<hbm>>
        %dma_wait3A_2748 = arith.constant 0 : i32
        %dma_wait3A_2749 = arith.constant 0 : i32
        %dma_wait3A_2750 = arith.constant 0 : i32
        %dma_wait3A_2751 = tpu.memref_slice %arg9[%dma_wait3A_2748, %dma_wait3A_2749, %dma_wait3A_2750] : memref<4x8x129xf32, #tpu.memory_space<vmem>> -> memref<4x8x128xf32, #tpu.memory_space<vmem>>
        tpu.wait_dma2 semaphore(%arg14 : memref<!tpu.dma_semaphore, #tpu.memory_space<semaphore_mem>>) src(%dma_wait3A_2751 : memref<4x8x128xf32, #tpu.memory_space<vmem>>) dst(%dma_wait3A_2747 : memref<4x8x128xf32, #tpu.memory_space<hbm>>)
      } else {
      }
      %broadcast_in_dim3A_1436 = arith.constant 0 : i32
      %broadcast_in_dim3A_1437 = vector.broadcast %broadcast_in_dim3A_1436 : i32 to vector<16xi32>
      %get3A_1438 = arith.constant 0 : i32
      %get3A_1439 = arith.index_cast %get3A_1438 : i32 to index
      %get3A_1440 = arith.constant 0 : index
      %get3A_1441 = tpu.vector_load %arg7[%get3A_1439, %get3A_1440] {strides = array<i32>} : memref<128x32xf32, #tpu.memory_space<vmem>>, vector<16xf32>,
      tpu.vector_store_idx %arg9[%select_n3A, %select_n3A_45, %broadcast_in_dim3A_1437], %get3A_1441 : memref<4x8x129xf32, #tpu.memory_space<vmem>>[vector<16xi32>, vector<16xi32>, vector<16xi32>], vector<16xf32>,
      %get3A_1442 = arith.constant 0 : i32
      %get3A_1443 = arith.index_cast %get3A_1442 : i32 to index
      %get3A_1444 = arith.constant 16 : index
      %get3A_1445 = tpu.vector_load %arg7[%get3A_1443, %get3A_1444] {strides = array<i32>} : memref<128x32xf32, #tpu.memory_space<vmem>>, vector<16xf32>,
      tpu.vector_store_idx %arg9[%add3A_48, %select_n3A_45, %broadcast_in_dim3A_1437], %get3A_1445 : memref<4x8x129xf32, #tpu.memory_space<vmem>>[vector<16xi32>, vector<16xi32>, vector<16xi32>], vector<16xf32>,
      %broadcast_in_dim3A_1446 = arith.constant 1 : i32
      %broadcast_in_dim3A_1447 = vector.broadcast %broadcast_in_dim3A_1446 : i32 to vector<16xi32>
      %get3A_1448 = arith.constant 1 : i32
      %get3A_1449 = arith.index_cast %get3A_1448 : i32 to index
      %get3A_1450 = arith.constant 0 : index
      %get3A_1451 = tpu.vector_load %arg7[%get3A_1449, %get3A_1450] {strides = array<i32>} : memref<128x32xf32, #tpu.memory_space<vmem>>, vector<16xf32>,
      tpu.vector_store_idx %arg9[%select_n3A, %select_n3A_45, %broadcast_in_dim3A_1447], %get3A_1451 : memref<4x8x129xf32, #tpu.memory_space<vmem>>[vector<16xi32>, vector<16xi32>, vector<16xi32>], vector<16xf32>,
      %get3A_1452 = arith.constant 1 : i32
      %get3A_1453 = arith.index_cast %get3A_1452 : i32 to index
      %get3A_1454 = arith.constant 16 : index
      %get3A_1455 = tpu.vector_load %arg7[%get3A_1453, %get3A_1454] {strides = array<i32>} : memref<128x32xf32, #tpu.memory_space<vmem>>, vector<16xf32>,
      tpu.vector_store_idx %arg9[%add3A_48, %select_n3A_45, %broadcast_in_dim3A_1447], %get3A_1455 : memref<4x8x129xf32, #tpu.memory_space<vmem>>[vector<16xi32>, vector<16xi32>, vector<16xi32>], vector<16xf32>,
      %broadcast_in_dim3A_1456 = arith.constant 2 : i32
      %broadcast_in_dim3A_1457 = vector.broadcast %broadcast_in_dim3A_1456 : i32 to vector<16xi32>
      %get3A_1458 = arith.constant 2 : i32
      %get3A_1459 = arith.index_cast %get3A_1458 : i32 to index
      %get3A_1460 = arith.constant 0 : index
      %get3A_1461 = tpu.vector_load %arg7[%get3A_1459, %get3A_1460] {strides = array<i32>} : memref<128x32xf32, #tpu.memory_space<vmem>>, vector<16xf32>,
      tpu.vector_store_idx %arg9[%select_n3A, %select_n3A_45, %broadcast_in_dim3A_1457], %get3A_1461 : memref<4x8x129xf32, #tpu.memory_space<vmem>>[vector<16xi32>, vector<16xi32>, vector<16xi32>], vector<16xf32>,
      %get3A_1462 = arith.constant 2 : i32
      %get3A_1463 = arith.index_cast %get3A_1462 : i32 to index
      %get3A_1464 = arith.constant 16 : index
      %get3A_1465 = tpu.vector_load %arg7[%get3A_1463, %get3A_1464] {strides = array<i32>} : memref<128x32xf32, #tpu.memory_space<vmem>>, vector<16xf32>,
      tpu.vector_store_idx %arg9[%add3A_48, %select_n3A_45, %broadcast_in_dim3A_1457], %get3A_1465 : memref<4x8x129xf32, #tpu.memory_space<vmem>>[vector<16xi32>, vector<16xi32>, vector<16xi32>], vector<16xf32>,
      %broadcast_in_dim3A_1466 = arith.constant 3 : i32
      %broadcast_in_dim3A_1467 = vector.broadcast %broadcast_in_dim3A_1466 : i32 to vector<16xi32>
      %get3A_1468 = arith.constant 3 : i32
      %get3A_1469 = arith.index_cast %get3A_1468 : i32 to index
      %get3A_1470 = arith.constant 0 : index
      %get3A_1471 = tpu.vector_load %arg7[%get3A_1469, %get3A_1470] {strides = array<i32>} : memref<128x32xf32, #tpu.memory_space<vmem>>, vector<16xf32>,
      tpu.vector_store_idx %arg9[%select_n3A, %select_n3A_45, %broadcast_in_dim3A_1467], %get3A_1471 : memref<4x8x129xf32, #tpu.memory_space<vmem>>[vector<16xi32>, vector<16xi32>, vector<16xi32>], vector<16xf32>,
      %get3A_1472 = arith.constant 3 : i32
      %get3A_1473 = arith.index_cast %get3A_1472 : i32 to index
      %get3A_1474 = arith.constant 16 : index
      %get3A_1475 = tpu.vector_load %arg7[%get3A_1473, %get3A_1474] {strides = array<i32>} : memref<128x32xf32, #tpu.memory_space<vmem>>, vector<16xf32>,
      tpu.vector_store_idx %arg9[%add3A_48, %select_n3A_45, %broadcast_in_dim3A_1467], %get3A_1475 : memref<4x8x129xf32, #tpu.memory_space<vmem>>[vector<16xi32>, vector<16xi32>, vector<16xi32>], vector<16xf32>,
      %broadcast_in_dim3A_1476 = arith.constant 4 : i32
      %broadcast_in_dim3A_1477 = vector.broadcast %broadcast_in_dim3A_1476 : i32 to vector<16xi32>
      %get3A_1478 = arith.constant 4 : i32
      %get3A_1479 = arith.index_cast %get3A_1478 : i32 to index
      %get3A_1480 = arith.constant 0 : index
      %get3A_1481 = tpu.vector_load %arg7[%get3A_1479, %get3A_1480] {strides = array<i32>} : memref<128x32xf32, #tpu.memory_space<vmem>>, vector<16xf32>,
      tpu.vector_store_idx %arg9[%select_n3A, %select_n3A_45, %broadcast_in_dim3A_1477], %get3A_1481 : memref<4x8x129xf32, #tpu.memory_space<vmem>>[vector<16xi32>, vector<16xi32>, vector<16xi32>], vector<16xf32>,
      %get3A_1482 = arith.constant 4 : i32
      %get3A_1483 = arith.index_cast %get3A_1482 : i32 to index
      %get3A_1484 = arith.constant 16 : index
      %get3A_1485 = tpu.vector_load %arg7[%get3A_1483, %get3A_1484] {strides = array<i32>} : memref<128x32xf32, #tpu.memory_space<vmem>>, vector<16xf32>,
      tpu.vector_store_idx %arg9[%add3A_48, %select_n3A_45, %broadcast_in_dim3A_1477], %get3A_1485 : memref<4x8x129xf32, #tpu.memory_space<vmem>>[vector<16xi32>, vector<16xi32>, vector<16xi32>], vector<16xf32>,
      %broadcast_in_dim3A_1486 = arith.constant 5 : i32
      %broadcast_in_dim3A_1487 = vector.broadcast %broadcast_in_dim3A_1486 : i32 to vector<16xi32>
      %get3A_1488 = arith.constant 5 : i32
      %get3A_1489 = arith.index_cast %get3A_1488 : i32 to index
      %get3A_1490 = arith.constant 0 : index
      %get3A_1491 = tpu.vector_load %arg7[%get3A_1489, %get3A_1490] {strides = array<i32>} : memref<128x32xf32, #tpu.memory_space<vmem>>, vector<16xf32>,
      tpu.vector_store_idx %arg9[%select_n3A, %select_n3A_45, %broadcast_in_dim3A_1487], %get3A_1491 : memref<4x8x129xf32, #tpu.memory_space<vmem>>[vector<16xi32>, vector<16xi32>, vector<16xi32>], vector<16xf32>,
      %get3A_1492 = arith.constant 5 : i32
      %get3A_1493 = arith.index_cast %get3A_1492 : i32 to index
      %get3A_1494 = arith.constant 16 : index
      %get3A_1495 = tpu.vector_load %arg7[%get3A_1493, %get3A_1494] {strides = array<i32>} : memref<128x32xf32, #tpu.memory_space<vmem>>, vector<16xf32>,
      tpu.vector_store_idx %arg9[%add3A_48, %select_n3A_45, %broadcast_in_dim3A_1487], %get3A_1495 : memref<4x8x129xf32, #tpu.memory_space<vmem>>[vector<16xi32>, vector<16xi32>, vector<16xi32>], vector<16xf32>,
      %broadcast_in_dim3A_1496 = arith.constant 6 : i32
      %broadcast_in_dim3A_1497 = vector.broadcast %broadcast_in_dim3A_1496 : i32 to vector<16xi32>
      %get3A_1498 = arith.constant 6 : i32
      %get3A_1499 = arith.index_cast %get3A_1498 : i32 to index
      %get3A_1500 = arith.constant 0 : index
      %get3A_1501 = tpu.vector_load %arg7[%get3A_1499, %get3A_1500] {strides = array<i32>} : memref<128x32xf32, #tpu.memory_space<vmem>>, vector<16xf32>,
      tpu.vector_store_idx %arg9[%select_n3A, %select_n3A_45, %broadcast_in_dim3A_1497], %get3A_1501 : memref<4x8x129xf32, #tpu.memory_space<vmem>>[vector<16xi32>, vector<16xi32>, vector<16xi32>], vector<16xf32>,
      %get3A_1502 = arith.constant 6 : i32
      %get3A_1503 = arith.index_cast %get3A_1502 : i32 to index
      %get3A_1504 = arith.constant 16 : index
      %get3A_1505 = tpu.vector_load %arg7[%get3A_1503, %get3A_1504] {strides = array<i32>} : memref<128x32xf32, #tpu.memory_space<vmem>>, vector<16xf32>,
      tpu.vector_store_idx %arg9[%add3A_48, %select_n3A_45, %broadcast_in_dim3A_1497], %get3A_1505 : memref<4x8x129xf32, #tpu.memory_space<vmem>>[vector<16xi32>, vector<16xi32>, vector<16xi32>], vector<16xf32>,
      %broadcast_in_dim3A_1506 = arith.constant 7 : i32
      %broadcast_in_dim3A_1507 = vector.broadcast %broadcast_in_dim3A_1506 : i32 to vector<16xi32>
      %get3A_1508 = arith.constant 7 : i32
      %get3A_1509 = arith.index_cast %get3A_1508 : i32 to index
      %get3A_1510 = arith.constant 0 : index
      %get3A_1511 = tpu.vector_load %arg7[%get3A_1509, %get3A_1510] {strides = array<i32>} : memref<128x32xf32, #tpu.memory_space<vmem>>, vector<16xf32>,
      tpu.vector_store_idx %arg9[%select_n3A, %select_n3A_45, %broadcast_in_dim3A_1507], %get3A_1511 : memref<4x8x129xf32, #tpu.memory_space<vmem>>[vector<16xi32>, vector<16xi32>, vector<16xi32>], vector<16xf32>,
      %get3A_1512 = arith.constant 7 : i32
      %get3A_1513 = arith.index_cast %get3A_1512 : i32 to index
      %get3A_1514 = arith.constant 16 : index
      %get3A_1515 = tpu.vector_load %arg7[%get3A_1513, %get3A_1514] {strides = array<i32>} : memref<128x32xf32, #tpu.memory_space<vmem>>, vector<16xf32>,
      tpu.vector_store_idx %arg9[%add3A_48, %select_n3A_45, %broadcast_in_dim3A_1507], %get3A_1515 : memref<4x8x129xf32, #tpu.memory_space<vmem>>[vector<16xi32>, vector<16xi32>, vector<16xi32>], vector<16xf32>,
      %broadcast_in_dim3A_1516 = arith.constant 8 : i32
      %broadcast_in_dim3A_1517 = vector.broadcast %broadcast_in_dim3A_1516 : i32 to vector<16xi32>
      %get3A_1518 = arith.constant 8 : i32
      %get3A_1519 = arith.index_cast %get3A_1518 : i32 to index
      %get3A_1520 = arith.constant 0 : index
      %get3A_1521 = tpu.vector_load %arg7[%get3A_1519, %get3A_1520] {strides = array<i32>} : memref<128x32xf32, #tpu.memory_space<vmem>>, vector<16xf32>,
      tpu.vector_store_idx %arg9[%select_n3A, %select_n3A_45, %broadcast_in_dim3A_1517], %get3A_1521 : memref<4x8x129xf32, #tpu.memory_space<vmem>>[vector<16xi32>, vector<16xi32>, vector<16xi32>], vector<16xf32>,
      %get3A_1522 = arith.constant 8 : i32
      %get3A_1523 = arith.index_cast %get3A_1522 : i32 to index
      %get3A_1524 = arith.constant 16 : index
      %get3A_1525 = tpu.vector_load %arg7[%get3A_1523, %get3A_1524] {strides = array<i32>} : memref<128x32xf32, #tpu.memory_space<vmem>>, vector<16xf32>,
      tpu.vector_store_idx %arg9[%add3A_48, %select_n3A_45, %broadcast_in_dim3A_1517], %get3A_1525 : memref<4x8x129xf32, #tpu.memory_space<vmem>>[vector<16xi32>, vector<16xi32>, vector<16xi32>], vector<16xf32>,
      %broadcast_in_dim3A_1526 = arith.constant 9 : i32
      %broadcast_in_dim3A_1527 = vector.broadcast %broadcast_in_dim3A_1526 : i32 to vector<16xi32>
      %get3A_1528 = arith.constant 9 : i32
      %get3A_1529 = arith.index_cast %get3A_1528 : i32 to index
      %get3A_1530 = arith.constant 0 : index
      %get3A_1531 = tpu.vector_load %arg7[%get3A_1529, %get3A_1530] {strides = array<i32>} : memref<128x32xf32, #tpu.memory_space<vmem>>, vector<16xf32>,
      tpu.vector_store_idx %arg9[%select_n3A, %select_n3A_45, %broadcast_in_dim3A_1527], %get3A_1531 : memref<4x8x129xf32, #tpu.memory_space<vmem>>[vector<16xi32>, vector<16xi32>, vector<16xi32>], vector<16xf32>,
      %get3A_1532 = arith.constant 9 : i32
      %get3A_1533 = arith.index_cast %get3A_1532 : i32 to index
      %get3A_1534 = arith.constant 16 : index
      %get3A_1535 = tpu.vector_load %arg7[%get3A_1533, %get3A_1534] {strides = array<i32>} : memref<128x32xf32, #tpu.memory_space<vmem>>, vector<16xf32>,
      tpu.vector_store_idx %arg9[%add3A_48, %select_n3A_45, %broadcast_in_dim3A_1527], %get3A_1535 : memref<4x8x129xf32, #tpu.memory_space<vmem>>[vector<16xi32>, vector<16xi32>, vector<16xi32>], vector<16xf32>,
      %broadcast_in_dim3A_1536 = arith.constant 10 : i32
      %broadcast_in_dim3A_1537 = vector.broadcast %broadcast_in_dim3A_1536 : i32 to vector<16xi32>
      %get3A_1538 = arith.constant 10 : i32
      %get3A_1539 = arith.index_cast %get3A_1538 : i32 to index
      %get3A_1540 = arith.constant 0 : index
      %get3A_1541 = tpu.vector_load %arg7[%get3A_1539, %get3A_1540] {strides = array<i32>} : memref<128x32xf32, #tpu.memory_space<vmem>>, vector<16xf32>,
      tpu.vector_store_idx %arg9[%select_n3A, %select_n3A_45, %broadcast_in_dim3A_1537], %get3A_1541 : memref<4x8x129xf32, #tpu.memory_space<vmem>>[vector<16xi32>, vector<16xi32>, vector<16xi32>], vector<16xf32>,
      %get3A_1542 = arith.constant 10 : i32
      %get3A_1543 = arith.index_cast %get3A_1542 : i32 to index
      %get3A_1544 = arith.constant 16 : index
      %get3A_1545 = tpu.vector_load %arg7[%get3A_1543, %get3A_1544] {strides = array<i32>} : memref<128x32xf32, #tpu.memory_space<vmem>>, vector<16xf32>,
      tpu.vector_store_idx %arg9[%add3A_48, %select_n3A_45, %broadcast_in_dim3A_1537], %get3A_1545 : memref<4x8x129xf32, #tpu.memory_space<vmem>>[vector<16xi32>, vector<16xi32>, vector<16xi32>], vector<16xf32>,
      %broadcast_in_dim3A_1546 = arith.constant 11 : i32
      %broadcast_in_dim3A_1547 = vector.broadcast %broadcast_in_dim3A_1546 : i32 to vector<16xi32>
      %get3A_1548 = arith.constant 11 : i32
      %get3A_1549 = arith.index_cast %get3A_1548 : i32 to index
      %get3A_1550 = arith.constant 0 : index
      %get3A_1551 = tpu.vector_load %arg7[%get3A_1549, %get3A_1550] {strides = array<i32>} : memref<128x32xf32, #tpu.memory_space<vmem>>, vector<16xf32>,
      tpu.vector_store_idx %arg9[%select_n3A, %select_n3A_45, %broadcast_in_dim3A_1547], %get3A_1551 : memref<4x8x129xf32, #tpu.memory_space<vmem>>[vector<16xi32>, vector<16xi32>, vector<16xi32>], vector<16xf32>,
      %get3A_1552 = arith.constant 11 : i32
      %get3A_1553 = arith.index_cast %get3A_1552 : i32 to index
      %get3A_1554 = arith.constant 16 : index
      %get3A_1555 = tpu.vector_load %arg7[%get3A_1553, %get3A_1554] {strides = array<i32>} : memref<128x32xf32, #tpu.memory_space<vmem>>, vector<16xf32>,
      tpu.vector_store_idx %arg9[%add3A_48, %select_n3A_45, %broadcast_in_dim3A_1547], %get3A_1555 : memref<4x8x129xf32, #tpu.memory_space<vmem>>[vector<16xi32>, vector<16xi32>, vector<16xi32>], vector<16xf32>,
      %broadcast_in_dim3A_1556 = arith.constant 12 : i32
      %broadcast_in_dim3A_1557 = vector.broadcast %broadcast_in_dim3A_1556 : i32 to vector<16xi32>
      %get3A_1558 = arith.constant 12 : i32
      %get3A_1559 = arith.index_cast %get3A_1558 : i32 to index
      %get3A_1560 = arith.constant 0 : index
      %get3A_1561 = tpu.vector_load %arg7[%get3A_1559, %get3A_1560] {strides = array<i32>} : memref<128x32xf32, #tpu.memory_space<vmem>>, vector<16xf32>,
      tpu.vector_store_idx %arg9[%select_n3A, %select_n3A_45, %broadcast_in_dim3A_1557], %get3A_1561 : memref<4x8x129xf32, #tpu.memory_space<vmem>>[vector<16xi32>, vector<16xi32>, vector<16xi32>], vector<16xf32>,
      %get3A_1562 = arith.constant 12 : i32
      %get3A_1563 = arith.index_cast %get3A_1562 : i32 to index
      %get3A_1564 = arith.constant 16 : index
      %get3A_1565 = tpu.vector_load %arg7[%get3A_1563, %get3A_1564] {strides = array<i32>} : memref<128x32xf32, #tpu.memory_space<vmem>>, vector<16xf32>,
      tpu.vector_store_idx %arg9[%add3A_48, %select_n3A_45, %broadcast_in_dim3A_1557], %get3A_1565 : memref<4x8x129xf32, #tpu.memory_space<vmem>>[vector<16xi32>, vector<16xi32>, vector<16xi32>], vector<16xf32>,
      %broadcast_in_dim3A_1566 = arith.constant 13 : i32
      %broadcast_in_dim3A_1567 = vector.broadcast %broadcast_in_dim3A_1566 : i32 to vector<16xi32>
      %get3A_1568 = arith.constant 13 : i32
      %get3A_1569 = arith.index_cast %get3A_1568 : i32 to index
      %get3A_1570 = arith.constant 0 : index
      %get3A_1571 = tpu.vector_load %arg7[%get3A_1569, %get3A_1570] {strides = array<i32>} : memref<128x32xf32, #tpu.memory_space<vmem>>, vector<16xf32>,
      tpu.vector_store_idx %arg9[%select_n3A, %select_n3A_45, %broadcast_in_dim3A_1567], %get3A_1571 : memref<4x8x129xf32, #tpu.memory_space<vmem>>[vector<16xi32>, vector<16xi32>, vector<16xi32>], vector<16xf32>,
      %get3A_1572 = arith.constant 13 : i32
      %get3A_1573 = arith.index_cast %get3A_1572 : i32 to index
      %get3A_1574 = arith.constant 16 : index
      %get3A_1575 = tpu.vector_load %arg7[%get3A_1573, %get3A_1574] {strides = array<i32>} : memref<128x32xf32, #tpu.memory_space<vmem>>, vector<16xf32>,
      tpu.vector_store_idx %arg9[%add3A_48, %select_n3A_45, %broadcast_in_dim3A_1567], %get3A_1575 : memref<4x8x129xf32, #tpu.memory_space<vmem>>[vector<16xi32>, vector<16xi32>, vector<16xi32>], vector<16xf32>,
      %broadcast_in_dim3A_1576 = arith.constant 14 : i32
      %broadcast_in_dim3A_1577 = vector.broadcast %broadcast_in_dim3A_1576 : i32 to vector<16xi32>
      %get3A_1578 = arith.constant 14 : i32
      %get3A_1579 = arith.index_cast %get3A_1578 : i32 to index
      %get3A_1580 = arith.constant 0 : index
      %get3A_1581 = tpu.vector_load %arg7[%get3A_1579, %get3A_1580] {strides = array<i32>} : memref<128x32xf32, #tpu.memory_space<vmem>>, vector<16xf32>,
      tpu.vector_store_idx %arg9[%select_n3A, %select_n3A_45, %broadcast_in_dim3A_1577], %get3A_1581 : memref<4x8x129xf32, #tpu.memory_space<vmem>>[vector<16xi32>, vector<16xi32>, vector<16xi32>], vector<16xf32>,
      %get3A_1582 = arith.constant 14 : i32
      %get3A_1583 = arith.index_cast %get3A_1582 : i32 to index
      %get3A_1584 = arith.constant 16 : index
      %get3A_1585 = tpu.vector_load %arg7[%get3A_1583, %get3A_1584] {strides = array<i32>} : memref<128x32xf32, #tpu.memory_space<vmem>>, vector<16xf32>,
      tpu.vector_store_idx %arg9[%add3A_48, %select_n3A_45, %broadcast_in_dim3A_1577], %get3A_1585 : memref<4x8x129xf32, #tpu.memory_space<vmem>>[vector<16xi32>, vector<16xi32>, vector<16xi32>], vector<16xf32>,
      %broadcast_in_dim3A_1586 = arith.constant 15 : i32
      %broadcast_in_dim3A_1587 = vector.broadcast %broadcast_in_dim3A_1586 : i32 to vector<16xi32>
      %get3A_1588 = arith.constant 15 : i32
      %get3A_1589 = arith.index_cast %get3A_1588 : i32 to index
      %get3A_1590 = arith.constant 0 : index
      %get3A_1591 = tpu.vector_load %arg7[%get3A_1589, %get3A_1590] {strides = array<i32>} : memref<128x32xf32, #tpu.memory_space<vmem>>, vector<16xf32>,
      tpu.vector_store_idx %arg9[%select_n3A, %select_n3A_45, %broadcast_in_dim3A_1587], %get3A_1591 : memref<4x8x129xf32, #tpu.memory_space<vmem>>[vector<16xi32>, vector<16xi32>, vector<16xi32>], vector<16xf32>,
      %get3A_1592 = arith.constant 15 : i32
      %get3A_1593 = arith.index_cast %get3A_1592 : i32 to index
      %get3A_1594 = arith.constant 16 : index
      %get3A_1595 = tpu.vector_load %arg7[%get3A_1593, %get3A_1594] {strides = array<i32>} : memref<128x32xf32, #tpu.memory_space<vmem>>, vector<16xf32>,
      tpu.vector_store_idx %arg9[%add3A_48, %select_n3A_45, %broadcast_in_dim3A_1587], %get3A_1595 : memref<4x8x129xf32, #tpu.memory_space<vmem>>[vector<16xi32>, vector<16xi32>, vector<16xi32>], vector<16xf32>,
      %broadcast_in_dim3A_1596 = arith.constant 16 : i32
      %broadcast_in_dim3A_1597 = vector.broadcast %broadcast_in_dim3A_1596 : i32 to vector<16xi32>
      %get3A_1598 = arith.constant 16 : i32
      %get3A_1599 = arith.index_cast %get3A_1598 : i32 to index
      %get3A_1600 = arith.constant 0 : index
      %get3A_1601 = tpu.vector_load %arg7[%get3A_1599, %get3A_1600] {strides = array<i32>} : memref<128x32xf32, #tpu.memory_space<vmem>>, vector<16xf32>,
      tpu.vector_store_idx %arg9[%select_n3A, %select_n3A_45, %broadcast_in_dim3A_1597], %get3A_1601 : memref<4x8x129xf32, #tpu.memory_space<vmem>>[vector<16xi32>, vector<16xi32>, vector<16xi32>], vector<16xf32>,
      %get3A_1602 = arith.constant 16 : i32
      %get3A_1603 = arith.index_cast %get3A_1602 : i32 to index
      %get3A_1604 = arith.constant 16 : index
      %get3A_1605 = tpu.vector_load %arg7[%get3A_1603, %get3A_1604] {strides = array<i32>} : memref<128x32xf32, #tpu.memory_space<vmem>>, vector<16xf32>,
      tpu.vector_store_idx %arg9[%add3A_48, %select_n3A_45, %broadcast_in_dim3A_1597], %get3A_1605 : memref<4x8x129xf32, #tpu.memory_space<vmem>>[vector<16xi32>, vector<16xi32>, vector<16xi32>], vector<16xf32>,
      %broadcast_in_dim3A_1606 = arith.constant 17 : i32
      %broadcast_in_dim3A_1607 = vector.broadcast %broadcast_in_dim3A_1606 : i32 to vector<16xi32>
      %get3A_1608 = arith.constant 17 : i32
      %get3A_1609 = arith.index_cast %get3A_1608 : i32 to index
      %get3A_1610 = arith.constant 0 : index
      %get3A_1611 = tpu.vector_load %arg7[%get3A_1609, %get3A_1610] {strides = array<i32>} : memref<128x32xf32, #tpu.memory_space<vmem>>, vector<16xf32>,
      tpu.vector_store_idx %arg9[%select_n3A, %select_n3A_45, %broadcast_in_dim3A_1607], %get3A_1611 : memref<4x8x129xf32, #tpu.memory_space<vmem>>[vector<16xi32>, vector<16xi32>, vector<16xi32>], vector<16xf32>,
      %get3A_1612 = arith.constant 17 : i32
      %get3A_1613 = arith.index_cast %get3A_1612 : i32 to index
      %get3A_1614 = arith.constant 16 : index
      %get3A_1615 = tpu.vector_load %arg7[%get3A_1613, %get3A_1614] {strides = array<i32>} : memref<128x32xf32, #tpu.memory_space<vmem>>, vector<16xf32>,
      tpu.vector_store_idx %arg9[%add3A_48, %select_n3A_45, %broadcast_in_dim3A_1607], %get3A_1615 : memref<4x8x129xf32, #tpu.memory_space<vmem>>[vector<16xi32>, vector<16xi32>, vector<16xi32>], vector<16xf32>,
      %broadcast_in_dim3A_1616 = arith.constant 18 : i32
      %broadcast_in_dim3A_1617 = vector.broadcast %broadcast_in_dim3A_1616 : i32 to vector<16xi32>
      %get3A_1618 = arith.constant 18 : i32
      %get3A_1619 = arith.index_cast %get3A_1618 : i32 to index
      %get3A_1620 = arith.constant 0 : index
      %get3A_1621 = tpu.vector_load %arg7[%get3A_1619, %get3A_1620] {strides = array<i32>} : memref<128x32xf32, #tpu.memory_space<vmem>>, vector<16xf32>,
      tpu.vector_store_idx %arg9[%select_n3A, %select_n3A_45, %broadcast_in_dim3A_1617], %get3A_1621 : memref<4x8x129xf32, #tpu.memory_space<vmem>>[vector<16xi32>, vector<16xi32>, vector<16xi32>], vector<16xf32>,
      %get3A_1622 = arith.constant 18 : i32
      %get3A_1623 = arith.index_cast %get3A_1622 : i32 to index
      %get3A_1624 = arith.constant 16 : index
      %get3A_1625 = tpu.vector_load %arg7[%get3A_1623, %get3A_1624] {strides = array<i32>} : memref<128x32xf32, #tpu.memory_space<vmem>>, vector<16xf32>,
      tpu.vector_store_idx %arg9[%add3A_48, %select_n3A_45, %broadcast_in_dim3A_1617], %get3A_1625 : memref<4x8x129xf32, #tpu.memory_space<vmem>>[vector<16xi32>, vector<16xi32>, vector<16xi32>], vector<16xf32>,
      %broadcast_in_dim3A_1626 = arith.constant 19 : i32
      %broadcast_in_dim3A_1627 = vector.broadcast %broadcast_in_dim3A_1626 : i32 to vector<16xi32>
      %get3A_1628 = arith.constant 19 : i32
      %get3A_1629 = arith.index_cast %get3A_1628 : i32 to index
      %get3A_1630 = arith.constant 0 : index
      %get3A_1631 = tpu.vector_load %arg7[%get3A_1629, %get3A_1630] {strides = array<i32>} : memref<128x32xf32, #tpu.memory_space<vmem>>, vector<16xf32>,
      tpu.vector_store_idx %arg9[%select_n3A, %select_n3A_45, %broadcast_in_dim3A_1627], %get3A_1631 : memref<4x8x129xf32, #tpu.memory_space<vmem>>[vector<16xi32>, vector<16xi32>, vector<16xi32>], vector<16xf32>,
      %get3A_1632 = arith.constant 19 : i32
      %get3A_1633 = arith.index_cast %get3A_1632 : i32 to index
      %get3A_1634 = arith.constant 16 : index
      %get3A_1635 = tpu.vector_load %arg7[%get3A_1633, %get3A_1634] {strides = array<i32>} : memref<128x32xf32, #tpu.memory_space<vmem>>, vector<16xf32>,
      tpu.vector_store_idx %arg9[%add3A_48, %select_n3A_45, %broadcast_in_dim3A_1627], %get3A_1635 : memref<4x8x129xf32, #tpu.memory_space<vmem>>[vector<16xi32>, vector<16xi32>, vector<16xi32>], vector<16xf32>,
      %broadcast_in_dim3A_1636 = arith.constant 20 : i32
      %broadcast_in_dim3A_1637 = vector.broadcast %broadcast_in_dim3A_1636 : i32 to vector<16xi32>
      %get3A_1638 = arith.constant 20 : i32
      %get3A_1639 = arith.index_cast %get3A_1638 : i32 to index
      %get3A_1640 = arith.constant 0 : index
      %get3A_1641 = tpu.vector_load %arg7[%get3A_1639, %get3A_1640] {strides = array<i32>} : memref<128x32xf32, #tpu.memory_space<vmem>>, vector<16xf32>,
      tpu.vector_store_idx %arg9[%select_n3A, %select_n3A_45, %broadcast_in_dim3A_1637], %get3A_1641 : memref<4x8x129xf32, #tpu.memory_space<vmem>>[vector<16xi32>, vector<16xi32>, vector<16xi32>], vector<16xf32>,
      %get3A_1642 = arith.constant 20 : i32
      %get3A_1643 = arith.index_cast %get3A_1642 : i32 to index
      %get3A_1644 = arith.constant 16 : index
      %get3A_1645 = tpu.vector_load %arg7[%get3A_1643, %get3A_1644] {strides = array<i32>} : memref<128x32xf32, #tpu.memory_space<vmem>>, vector<16xf32>,
      tpu.vector_store_idx %arg9[%add3A_48, %select_n3A_45, %broadcast_in_dim3A_1637], %get3A_1645 : memref<4x8x129xf32, #tpu.memory_space<vmem>>[vector<16xi32>, vector<16xi32>, vector<16xi32>], vector<16xf32>,
      %broadcast_in_dim3A_1646 = arith.constant 21 : i32
      %broadcast_in_dim3A_1647 = vector.broadcast %broadcast_in_dim3A_1646 : i32 to vector<16xi32>
      %get3A_1648 = arith.constant 21 : i32
      %get3A_1649 = arith.index_cast %get3A_1648 : i32 to index
      %get3A_1650 = arith.constant 0 : index
      %get3A_1651 = tpu.vector_load %arg7[%get3A_1649, %get3A_1650] {strides = array<i32>} : memref<128x32xf32, #tpu.memory_space<vmem>>, vector<16xf32>,
      tpu.vector_store_idx %arg9[%select_n3A, %select_n3A_45, %broadcast_in_dim3A_1647], %get3A_1651 : memref<4x8x129xf32, #tpu.memory_space<vmem>>[vector<16xi32>, vector<16xi32>, vector<16xi32>], vector<16xf32>,
      %get3A_1652 = arith.constant 21 : i32
      %get3A_1653 = arith.index_cast %get3A_1652 : i32 to index
      %get3A_1654 = arith.constant 16 : index
      %get3A_1655 = tpu.vector_load %arg7[%get3A_1653, %get3A_1654] {strides = array<i32>} : memref<128x32xf32, #tpu.memory_space<vmem>>, vector<16xf32>,
      tpu.vector_store_idx %arg9[%add3A_48, %select_n3A_45, %broadcast_in_dim3A_1647], %get3A_1655 : memref<4x8x129xf32, #tpu.memory_space<vmem>>[vector<16xi32>, vector<16xi32>, vector<16xi32>], vector<16xf32>,
      %broadcast_in_dim3A_1656 = arith.constant 22 : i32
      %broadcast_in_dim3A_1657 = vector.broadcast %broadcast_in_dim3A_1656 : i32 to vector<16xi32>
      %get3A_1658 = arith.constant 22 : i32
      %get3A_1659 = arith.index_cast %get3A_1658 : i32 to index
      %get3A_1660 = arith.constant 0 : index
      %get3A_1661 = tpu.vector_load %arg7[%get3A_1659, %get3A_1660] {strides = array<i32>} : memref<128x32xf32, #tpu.memory_space<vmem>>, vector<16xf32>,
      tpu.vector_store_idx %arg9[%select_n3A, %select_n3A_45, %broadcast_in_dim3A_1657], %get3A_1661 : memref<4x8x129xf32, #tpu.memory_space<vmem>>[vector<16xi32>, vector<16xi32>, vector<16xi32>], vector<16xf32>,
      %get3A_1662 = arith.constant 22 : i32
      %get3A_1663 = arith.index_cast %get3A_1662 : i32 to index
      %get3A_1664 = arith.constant 16 : index
      %get3A_1665 = tpu.vector_load %arg7[%get3A_1663, %get3A_1664] {strides = array<i32>} : memref<128x32xf32, #tpu.memory_space<vmem>>, vector<16xf32>,
      tpu.vector_store_idx %arg9[%add3A_48, %select_n3A_45, %broadcast_in_dim3A_1657], %get3A_1665 : memref<4x8x129xf32, #tpu.memory_space<vmem>>[vector<16xi32>, vector<16xi32>, vector<16xi32>], vector<16xf32>,
      %broadcast_in_dim3A_1666 = arith.constant 23 : i32
      %broadcast_in_dim3A_1667 = vector.broadcast %broadcast_in_dim3A_1666 : i32 to vector<16xi32>
      %get3A_1668 = arith.constant 23 : i32
      %get3A_1669 = arith.index_cast %get3A_1668 : i32 to index
      %get3A_1670 = arith.constant 0 : index
      %get3A_1671 = tpu.vector_load %arg7[%get3A_1669, %get3A_1670] {strides = array<i32>} : memref<128x32xf32, #tpu.memory_space<vmem>>, vector<16xf32>,
      tpu.vector_store_idx %arg9[%select_n3A, %select_n3A_45, %broadcast_in_dim3A_1667], %get3A_1671 : memref<4x8x129xf32, #tpu.memory_space<vmem>>[vector<16xi32>, vector<16xi32>, vector<16xi32>], vector<16xf32>,
      %get3A_1672 = arith.constant 23 : i32
      %get3A_1673 = arith.index_cast %get3A_1672 : i32 to index
      %get3A_1674 = arith.constant 16 : index
      %get3A_1675 = tpu.vector_load %arg7[%get3A_1673, %get3A_1674] {strides = array<i32>} : memref<128x32xf32, #tpu.memory_space<vmem>>, vector<16xf32>,
      tpu.vector_store_idx %arg9[%add3A_48, %select_n3A_45, %broadcast_in_dim3A_1667], %get3A_1675 : memref<4x8x129xf32, #tpu.memory_space<vmem>>[vector<16xi32>, vector<16xi32>, vector<16xi32>], vector<16xf32>,
      %broadcast_in_dim3A_1676 = arith.constant 24 : i32
      %broadcast_in_dim3A_1677 = vector.broadcast %broadcast_in_dim3A_1676 : i32 to vector<16xi32>
      %get3A_1678 = arith.constant 24 : i32
      %get3A_1679 = arith.index_cast %get3A_1678 : i32 to index
      %get3A_1680 = arith.constant 0 : index
      %get3A_1681 = tpu.vector_load %arg7[%get3A_1679, %get3A_1680] {strides = array<i32>} : memref<128x32xf32, #tpu.memory_space<vmem>>, vector<16xf32>,
      tpu.vector_store_idx %arg9[%select_n3A, %select_n3A_45, %broadcast_in_dim3A_1677], %get3A_1681 : memref<4x8x129xf32, #tpu.memory_space<vmem>>[vector<16xi32>, vector<16xi32>, vector<16xi32>], vector<16xf32>,
      %get3A_1682 = arith.constant 24 : i32
      %get3A_1683 = arith.index_cast %get3A_1682 : i32 to index
      %get3A_1684 = arith.constant 16 : index
      %get3A_1685 = tpu.vector_load %arg7[%get3A_1683, %get3A_1684] {strides = array<i32>} : memref<128x32xf32, #tpu.memory_space<vmem>>, vector<16xf32>,
      tpu.vector_store_idx %arg9[%add3A_48, %select_n3A_45, %broadcast_in_dim3A_1677], %get3A_1685 : memref<4x8x129xf32, #tpu.memory_space<vmem>>[vector<16xi32>, vector<16xi32>, vector<16xi32>], vector<16xf32>,
      %broadcast_in_dim3A_1686 = arith.constant 25 : i32
      %broadcast_in_dim3A_1687 = vector.broadcast %broadcast_in_dim3A_1686 : i32 to vector<16xi32>
      %get3A_1688 = arith.constant 25 : i32
      %get3A_1689 = arith.index_cast %get3A_1688 : i32 to index
      %get3A_1690 = arith.constant 0 : index
      %get3A_1691 = tpu.vector_load %arg7[%get3A_1689, %get3A_1690] {strides = array<i32>} : memref<128x32xf32, #tpu.memory_space<vmem>>, vector<16xf32>,
      tpu.vector_store_idx %arg9[%select_n3A, %select_n3A_45, %broadcast_in_dim3A_1687], %get3A_1691 : memref<4x8x129xf32, #tpu.memory_space<vmem>>[vector<16xi32>, vector<16xi32>, vector<16xi32>], vector<16xf32>,
      %get3A_1692 = arith.constant 25 : i32
      %get3A_1693 = arith.index_cast %get3A_1692 : i32 to index
      %get3A_1694 = arith.constant 16 : index
      %get3A_1695 = tpu.vector_load %arg7[%get3A_1693, %get3A_1694] {strides = array<i32>} : memref<128x32xf32, #tpu.memory_space<vmem>>, vector<16xf32>,
      tpu.vector_store_idx %arg9[%add3A_48, %select_n3A_45, %broadcast_in_dim3A_1687], %get3A_1695 : memref<4x8x129xf32, #tpu.memory_space<vmem>>[vector<16xi32>, vector<16xi32>, vector<16xi32>], vector<16xf32>,
      %broadcast_in_dim3A_1696 = arith.constant 26 : i32
      %broadcast_in_dim3A_1697 = vector.broadcast %broadcast_in_dim3A_1696 : i32 to vector<16xi32>
      %get3A_1698 = arith.constant 26 : i32
      %get3A_1699 = arith.index_cast %get3A_1698 : i32 to index
      %get3A_1700 = arith.constant 0 : index
      %get3A_1701 = tpu.vector_load %arg7[%get3A_1699, %get3A_1700] {strides = array<i32>} : memref<128x32xf32, #tpu.memory_space<vmem>>, vector<16xf32>,
      tpu.vector_store_idx %arg9[%select_n3A, %select_n3A_45, %broadcast_in_dim3A_1697], %get3A_1701 : memref<4x8x129xf32, #tpu.memory_space<vmem>>[vector<16xi32>, vector<16xi32>, vector<16xi32>], vector<16xf32>,
      %get3A_1702 = arith.constant 26 : i32
      %get3A_1703 = arith.index_cast %get3A_1702 : i32 to index
      %get3A_1704 = arith.constant 16 : index
      %get3A_1705 = tpu.vector_load %arg7[%get3A_1703, %get3A_1704] {strides = array<i32>} : memref<128x32xf32, #tpu.memory_space<vmem>>, vector<16xf32>,
      tpu.vector_store_idx %arg9[%add3A_48, %select_n3A_45, %broadcast_in_dim3A_1697], %get3A_1705 : memref<4x8x129xf32, #tpu.memory_space<vmem>>[vector<16xi32>, vector<16xi32>, vector<16xi32>], vector<16xf32>,
      %broadcast_in_dim3A_1706 = arith.constant 27 : i32
      %broadcast_in_dim3A_1707 = vector.broadcast %broadcast_in_dim3A_1706 : i32 to vector<16xi32>
      %get3A_1708 = arith.constant 27 : i32
      %get3A_1709 = arith.index_cast %get3A_1708 : i32 to index
      %get3A_1710 = arith.constant 0 : index
      %get3A_1711 = tpu.vector_load %arg7[%get3A_1709, %get3A_1710] {strides = array<i32>} : memref<128x32xf32, #tpu.memory_space<vmem>>, vector<16xf32>,
      tpu.vector_store_idx %arg9[%select_n3A, %select_n3A_45, %broadcast_in_dim3A_1707], %get3A_1711 : memref<4x8x129xf32, #tpu.memory_space<vmem>>[vector<16xi32>, vector<16xi32>, vector<16xi32>], vector<16xf32>,
      %get3A_1712 = arith.constant 27 : i32
      %get3A_1713 = arith.index_cast %get3A_1712 : i32 to index
      %get3A_1714 = arith.constant 16 : index
      %get3A_1715 = tpu.vector_load %arg7[%get3A_1713, %get3A_1714] {strides = array<i32>} : memref<128x32xf32, #tpu.memory_space<vmem>>, vector<16xf32>,
      tpu.vector_store_idx %arg9[%add3A_48, %select_n3A_45, %broadcast_in_dim3A_1707], %get3A_1715 : memref<4x8x129xf32, #tpu.memory_space<vmem>>[vector<16xi32>, vector<16xi32>, vector<16xi32>], vector<16xf32>,
      %broadcast_in_dim3A_1716 = arith.constant 28 : i32
      %broadcast_in_dim3A_1717 = vector.broadcast %broadcast_in_dim3A_1716 : i32 to vector<16xi32>
      %get3A_1718 = arith.constant 28 : i32
      %get3A_1719 = arith.index_cast %get3A_1718 : i32 to index
      %get3A_1720 = arith.constant 0 : index
      %get3A_1721 = tpu.vector_load %arg7[%get3A_1719, %get3A_1720] {strides = array<i32>} : memref<128x32xf32, #tpu.memory_space<vmem>>, vector<16xf32>,
      tpu.vector_store_idx %arg9[%select_n3A, %select_n3A_45, %broadcast_in_dim3A_1717], %get3A_1721 : memref<4x8x129xf32, #tpu.memory_space<vmem>>[vector<16xi32>, vector<16xi32>, vector<16xi32>], vector<16xf32>,
      %get3A_1722 = arith.constant 28 : i32
      %get3A_1723 = arith.index_cast %get3A_1722 : i32 to index
      %get3A_1724 = arith.constant 16 : index
      %get3A_1725 = tpu.vector_load %arg7[%get3A_1723, %get3A_1724] {strides = array<i32>} : memref<128x32xf32, #tpu.memory_space<vmem>>, vector<16xf32>,
      tpu.vector_store_idx %arg9[%add3A_48, %select_n3A_45, %broadcast_in_dim3A_1717], %get3A_1725 : memref<4x8x129xf32, #tpu.memory_space<vmem>>[vector<16xi32>, vector<16xi32>, vector<16xi32>], vector<16xf32>,
      %broadcast_in_dim3A_1726 = arith.constant 29 : i32
      %broadcast_in_dim3A_1727 = vector.broadcast %broadcast_in_dim3A_1726 : i32 to vector<16xi32>
      %get3A_1728 = arith.constant 29 : i32
      %get3A_1729 = arith.index_cast %get3A_1728 : i32 to index
      %get3A_1730 = arith.constant 0 : index
      %get3A_1731 = tpu.vector_load %arg7[%get3A_1729, %get3A_1730] {strides = array<i32>} : memref<128x32xf32, #tpu.memory_space<vmem>>, vector<16xf32>,
      tpu.vector_store_idx %arg9[%select_n3A, %select_n3A_45, %broadcast_in_dim3A_1727], %get3A_1731 : memref<4x8x129xf32, #tpu.memory_space<vmem>>[vector<16xi32>, vector<16xi32>, vector<16xi32>], vector<16xf32>,
      %get3A_1732 = arith.constant 29 : i32
      %get3A_1733 = arith.index_cast %get3A_1732 : i32 to index
      %get3A_1734 = arith.constant 16 : index
      %get3A_1735 = tpu.vector_load %arg7[%get3A_1733, %get3A_1734] {strides = array<i32>} : memref<128x32xf32, #tpu.memory_space<vmem>>, vector<16xf32>,
      tpu.vector_store_idx %arg9[%add3A_48, %select_n3A_45, %broadcast_in_dim3A_1727], %get3A_1735 : memref<4x8x129xf32, #tpu.memory_space<vmem>>[vector<16xi32>, vector<16xi32>, vector<16xi32>], vector<16xf32>,
      %broadcast_in_dim3A_1736 = arith.constant 30 : i32
      %broadcast_in_dim3A_1737 = vector.broadcast %broadcast_in_dim3A_1736 : i32 to vector<16xi32>
      %get3A_1738 = arith.constant 30 : i32
      %get3A_1739 = arith.index_cast %get3A_1738 : i32 to index
      %get3A_1740 = arith.constant 0 : index
      %get3A_1741 = tpu.vector_load %arg7[%get3A_1739, %get3A_1740] {strides = array<i32>} : memref<128x32xf32, #tpu.memory_space<vmem>>, vector<16xf32>,
      tpu.vector_store_idx %arg9[%select_n3A, %select_n3A_45, %broadcast_in_dim3A_1737], %get3A_1741 : memref<4x8x129xf32, #tpu.memory_space<vmem>>[vector<16xi32>, vector<16xi32>, vector<16xi32>], vector<16xf32>,
      %get3A_1742 = arith.constant 30 : i32
      %get3A_1743 = arith.index_cast %get3A_1742 : i32 to index
      %get3A_1744 = arith.constant 16 : index
      %get3A_1745 = tpu.vector_load %arg7[%get3A_1743, %get3A_1744] {strides = array<i32>} : memref<128x32xf32, #tpu.memory_space<vmem>>, vector<16xf32>,
      tpu.vector_store_idx %arg9[%add3A_48, %select_n3A_45, %broadcast_in_dim3A_1737], %get3A_1745 : memref<4x8x129xf32, #tpu.memory_space<vmem>>[vector<16xi32>, vector<16xi32>, vector<16xi32>], vector<16xf32>,
      %broadcast_in_dim3A_1746 = arith.constant 31 : i32
      %broadcast_in_dim3A_1747 = vector.broadcast %broadcast_in_dim3A_1746 : i32 to vector<16xi32>
      %get3A_1748 = arith.constant 31 : i32
      %get3A_1749 = arith.index_cast %get3A_1748 : i32 to index
      %get3A_1750 = arith.constant 0 : index
      %get3A_1751 = tpu.vector_load %arg7[%get3A_1749, %get3A_1750] {strides = array<i32>} : memref<128x32xf32, #tpu.memory_space<vmem>>, vector<16xf32>,
      tpu.vector_store_idx %arg9[%select_n3A, %select_n3A_45, %broadcast_in_dim3A_1747], %get3A_1751 : memref<4x8x129xf32, #tpu.memory_space<vmem>>[vector<16xi32>, vector<16xi32>, vector<16xi32>], vector<16xf32>,
      %get3A_1752 = arith.constant 31 : i32
      %get3A_1753 = arith.index_cast %get3A_1752 : i32 to index
      %get3A_1754 = arith.constant 16 : index
      %get3A_1755 = tpu.vector_load %arg7[%get3A_1753, %get3A_1754] {strides = array<i32>} : memref<128x32xf32, #tpu.memory_space<vmem>>, vector<16xf32>,
      tpu.vector_store_idx %arg9[%add3A_48, %select_n3A_45, %broadcast_in_dim3A_1747], %get3A_1755 : memref<4x8x129xf32, #tpu.memory_space<vmem>>[vector<16xi32>, vector<16xi32>, vector<16xi32>], vector<16xf32>,
      %broadcast_in_dim3A_1756 = arith.constant 32 : i32
      %broadcast_in_dim3A_1757 = vector.broadcast %broadcast_in_dim3A_1756 : i32 to vector<16xi32>
      %get3A_1758 = arith.constant 32 : i32
      %get3A_1759 = arith.index_cast %get3A_1758 : i32 to index
      %get3A_1760 = arith.constant 0 : index
      %get3A_1761 = tpu.vector_load %arg7[%get3A_1759, %get3A_1760] {strides = array<i32>} : memref<128x32xf32, #tpu.memory_space<vmem>>, vector<16xf32>,
      tpu.vector_store_idx %arg9[%select_n3A, %select_n3A_45, %broadcast_in_dim3A_1757], %get3A_1761 : memref<4x8x129xf32, #tpu.memory_space<vmem>>[vector<16xi32>, vector<16xi32>, vector<16xi32>], vector<16xf32>,
      %get3A_1762 = arith.constant 32 : i32
      %get3A_1763 = arith.index_cast %get3A_1762 : i32 to index
      %get3A_1764 = arith.constant 16 : index
      %get3A_1765 = tpu.vector_load %arg7[%get3A_1763, %get3A_1764] {strides = array<i32>} : memref<128x32xf32, #tpu.memory_space<vmem>>, vector<16xf32>,
      tpu.vector_store_idx %arg9[%add3A_48, %select_n3A_45, %broadcast_in_dim3A_1757], %get3A_1765 : memref<4x8x129xf32, #tpu.memory_space<vmem>>[vector<16xi32>, vector<16xi32>, vector<16xi32>], vector<16xf32>,
      %broadcast_in_dim3A_1766 = arith.constant 33 : i32
      %broadcast_in_dim3A_1767 = vector.broadcast %broadcast_in_dim3A_1766 : i32 to vector<16xi32>
      %get3A_1768 = arith.constant 33 : i32
      %get3A_1769 = arith.index_cast %get3A_1768 : i32 to index
      %get3A_1770 = arith.constant 0 : index
      %get3A_1771 = tpu.vector_load %arg7[%get3A_1769, %get3A_1770] {strides = array<i32>} : memref<128x32xf32, #tpu.memory_space<vmem>>, vector<16xf32>,
      tpu.vector_store_idx %arg9[%select_n3A, %select_n3A_45, %broadcast_in_dim3A_1767], %get3A_1771 : memref<4x8x129xf32, #tpu.memory_space<vmem>>[vector<16xi32>, vector<16xi32>, vector<16xi32>], vector<16xf32>,
      %get3A_1772 = arith.constant 33 : i32
      %get3A_1773 = arith.index_cast %get3A_1772 : i32 to index
      %get3A_1774 = arith.constant 16 : index
      %get3A_1775 = tpu.vector_load %arg7[%get3A_1773, %get3A_1774] {strides = array<i32>} : memref<128x32xf32, #tpu.memory_space<vmem>>, vector<16xf32>,
      tpu.vector_store_idx %arg9[%add3A_48, %select_n3A_45, %broadcast_in_dim3A_1767], %get3A_1775 : memref<4x8x129xf32, #tpu.memory_space<vmem>>[vector<16xi32>, vector<16xi32>, vector<16xi32>], vector<16xf32>,
      %broadcast_in_dim3A_1776 = arith.constant 34 : i32
      %broadcast_in_dim3A_1777 = vector.broadcast %broadcast_in_dim3A_1776 : i32 to vector<16xi32>
      %get3A_1778 = arith.constant 34 : i32
      %get3A_1779 = arith.index_cast %get3A_1778 : i32 to index
      %get3A_1780 = arith.constant 0 : index
      %get3A_1781 = tpu.vector_load %arg7[%get3A_1779, %get3A_1780] {strides = array<i32>} : memref<128x32xf32, #tpu.memory_space<vmem>>, vector<16xf32>,
      tpu.vector_store_idx %arg9[%select_n3A, %select_n3A_45, %broadcast_in_dim3A_1777], %get3A_1781 : memref<4x8x129xf32, #tpu.memory_space<vmem>>[vector<16xi32>, vector<16xi32>, vector<16xi32>], vector<16xf32>,
      %get3A_1782 = arith.constant 34 : i32
      %get3A_1783 = arith.index_cast %get3A_1782 : i32 to index
      %get3A_1784 = arith.constant 16 : index
      %get3A_1785 = tpu.vector_load %arg7[%get3A_1783, %get3A_1784] {strides = array<i32>} : memref<128x32xf32, #tpu.memory_space<vmem>>, vector<16xf32>,
      tpu.vector_store_idx %arg9[%add3A_48, %select_n3A_45, %broadcast_in_dim3A_1777], %get3A_1785 : memref<4x8x129xf32, #tpu.memory_space<vmem>>[vector<16xi32>, vector<16xi32>, vector<16xi32>], vector<16xf32>,
      %broadcast_in_dim3A_1786 = arith.constant 35 : i32
      %broadcast_in_dim3A_1787 = vector.broadcast %broadcast_in_dim3A_1786 : i32 to vector<16xi32>
      %get3A_1788 = arith.constant 35 : i32
      %get3A_1789 = arith.index_cast %get3A_1788 : i32 to index
      %get3A_1790 = arith.constant 0 : index
      %get3A_1791 = tpu.vector_load %arg7[%get3A_1789, %get3A_1790] {strides = array<i32>} : memref<128x32xf32, #tpu.memory_space<vmem>>, vector<16xf32>,
      tpu.vector_store_idx %arg9[%select_n3A, %select_n3A_45, %broadcast_in_dim3A_1787], %get3A_1791 : memref<4x8x129xf32, #tpu.memory_space<vmem>>[vector<16xi32>, vector<16xi32>, vector<16xi32>], vector<16xf32>,
      %get3A_1792 = arith.constant 35 : i32
      %get3A_1793 = arith.index_cast %get3A_1792 : i32 to index
      %get3A_1794 = arith.constant 16 : index
      %get3A_1795 = tpu.vector_load %arg7[%get3A_1793, %get3A_1794] {strides = array<i32>} : memref<128x32xf32, #tpu.memory_space<vmem>>, vector<16xf32>,
      tpu.vector_store_idx %arg9[%add3A_48, %select_n3A_45, %broadcast_in_dim3A_1787], %get3A_1795 : memref<4x8x129xf32, #tpu.memory_space<vmem>>[vector<16xi32>, vector<16xi32>, vector<16xi32>], vector<16xf32>,
      %broadcast_in_dim3A_1796 = arith.constant 36 : i32
      %broadcast_in_dim3A_1797 = vector.broadcast %broadcast_in_dim3A_1796 : i32 to vector<16xi32>
      %get3A_1798 = arith.constant 36 : i32
      %get3A_1799 = arith.index_cast %get3A_1798 : i32 to index
      %get3A_1800 = arith.constant 0 : index
      %get3A_1801 = tpu.vector_load %arg7[%get3A_1799, %get3A_1800] {strides = array<i32>} : memref<128x32xf32, #tpu.memory_space<vmem>>, vector<16xf32>,
      tpu.vector_store_idx %arg9[%select_n3A, %select_n3A_45, %broadcast_in_dim3A_1797], %get3A_1801 : memref<4x8x129xf32, #tpu.memory_space<vmem>>[vector<16xi32>, vector<16xi32>, vector<16xi32>], vector<16xf32>,
      %get3A_1802 = arith.constant 36 : i32
      %get3A_1803 = arith.index_cast %get3A_1802 : i32 to index
      %get3A_1804 = arith.constant 16 : index
      %get3A_1805 = tpu.vector_load %arg7[%get3A_1803, %get3A_1804] {strides = array<i32>} : memref<128x32xf32, #tpu.memory_space<vmem>>, vector<16xf32>,
      tpu.vector_store_idx %arg9[%add3A_48, %select_n3A_45, %broadcast_in_dim3A_1797], %get3A_1805 : memref<4x8x129xf32, #tpu.memory_space<vmem>>[vector<16xi32>, vector<16xi32>, vector<16xi32>], vector<16xf32>,
      %broadcast_in_dim3A_1806 = arith.constant 37 : i32
      %broadcast_in_dim3A_1807 = vector.broadcast %broadcast_in_dim3A_1806 : i32 to vector<16xi32>
      %get3A_1808 = arith.constant 37 : i32
      %get3A_1809 = arith.index_cast %get3A_1808 : i32 to index
      %get3A_1810 = arith.constant 0 : index
      %get3A_1811 = tpu.vector_load %arg7[%get3A_1809, %get3A_1810] {strides = array<i32>} : memref<128x32xf32, #tpu.memory_space<vmem>>, vector<16xf32>,
      tpu.vector_store_idx %arg9[%select_n3A, %select_n3A_45, %broadcast_in_dim3A_1807], %get3A_1811 : memref<4x8x129xf32, #tpu.memory_space<vmem>>[vector<16xi32>, vector<16xi32>, vector<16xi32>], vector<16xf32>,
      %get3A_1812 = arith.constant 37 : i32
      %get3A_1813 = arith.index_cast %get3A_1812 : i32 to index
      %get3A_1814 = arith.constant 16 : index
      %get3A_1815 = tpu.vector_load %arg7[%get3A_1813, %get3A_1814] {strides = array<i32>} : memref<128x32xf32, #tpu.memory_space<vmem>>, vector<16xf32>,
      tpu.vector_store_idx %arg9[%add3A_48, %select_n3A_45, %broadcast_in_dim3A_1807], %get3A_1815 : memref<4x8x129xf32, #tpu.memory_space<vmem>>[vector<16xi32>, vector<16xi32>, vector<16xi32>], vector<16xf32>,
      %broadcast_in_dim3A_1816 = arith.constant 38 : i32
      %broadcast_in_dim3A_1817 = vector.broadcast %broadcast_in_dim3A_1816 : i32 to vector<16xi32>
      %get3A_1818 = arith.constant 38 : i32
      %get3A_1819 = arith.index_cast %get3A_1818 : i32 to index
      %get3A_1820 = arith.constant 0 : index
      %get3A_1821 = tpu.vector_load %arg7[%get3A_1819, %get3A_1820] {strides = array<i32>} : memref<128x32xf32, #tpu.memory_space<vmem>>, vector<16xf32>,
      tpu.vector_store_idx %arg9[%select_n3A, %select_n3A_45, %broadcast_in_dim3A_1817], %get3A_1821 : memref<4x8x129xf32, #tpu.memory_space<vmem>>[vector<16xi32>, vector<16xi32>, vector<16xi32>], vector<16xf32>,
      %get3A_1822 = arith.constant 38 : i32
      %get3A_1823 = arith.index_cast %get3A_1822 : i32 to index
      %get3A_1824 = arith.constant 16 : index
      %get3A_1825 = tpu.vector_load %arg7[%get3A_1823, %get3A_1824] {strides = array<i32>} : memref<128x32xf32, #tpu.memory_space<vmem>>, vector<16xf32>,
      tpu.vector_store_idx %arg9[%add3A_48, %select_n3A_45, %broadcast_in_dim3A_1817], %get3A_1825 : memref<4x8x129xf32, #tpu.memory_space<vmem>>[vector<16xi32>, vector<16xi32>, vector<16xi32>], vector<16xf32>,
      %broadcast_in_dim3A_1826 = arith.constant 39 : i32
      %broadcast_in_dim3A_1827 = vector.broadcast %broadcast_in_dim3A_1826 : i32 to vector<16xi32>
      %get3A_1828 = arith.constant 39 : i32
      %get3A_1829 = arith.index_cast %get3A_1828 : i32 to index
      %get3A_1830 = arith.constant 0 : index
      %get3A_1831 = tpu.vector_load %arg7[%get3A_1829, %get3A_1830] {strides = array<i32>} : memref<128x32xf32, #tpu.memory_space<vmem>>, vector<16xf32>,
      tpu.vector_store_idx %arg9[%select_n3A, %select_n3A_45, %broadcast_in_dim3A_1827], %get3A_1831 : memref<4x8x129xf32, #tpu.memory_space<vmem>>[vector<16xi32>, vector<16xi32>, vector<16xi32>], vector<16xf32>,
      %get3A_1832 = arith.constant 39 : i32
      %get3A_1833 = arith.index_cast %get3A_1832 : i32 to index
      %get3A_1834 = arith.constant 16 : index
      %get3A_1835 = tpu.vector_load %arg7[%get3A_1833, %get3A_1834] {strides = array<i32>} : memref<128x32xf32, #tpu.memory_space<vmem>>, vector<16xf32>,
      tpu.vector_store_idx %arg9[%add3A_48, %select_n3A_45, %broadcast_in_dim3A_1827], %get3A_1835 : memref<4x8x129xf32, #tpu.memory_space<vmem>>[vector<16xi32>, vector<16xi32>, vector<16xi32>], vector<16xf32>,
      %broadcast_in_dim3A_1836 = arith.constant 40 : i32
      %broadcast_in_dim3A_1837 = vector.broadcast %broadcast_in_dim3A_1836 : i32 to vector<16xi32>
      %get3A_1838 = arith.constant 40 : i32
      %get3A_1839 = arith.index_cast %get3A_1838 : i32 to index
      %get3A_1840 = arith.constant 0 : index
      %get3A_1841 = tpu.vector_load %arg7[%get3A_1839, %get3A_1840] {strides = array<i32>} : memref<128x32xf32, #tpu.memory_space<vmem>>, vector<16xf32>,
      tpu.vector_store_idx %arg9[%select_n3A, %select_n3A_45, %broadcast_in_dim3A_1837], %get3A_1841 : memref<4x8x129xf32, #tpu.memory_space<vmem>>[vector<16xi32>, vector<16xi32>, vector<16xi32>], vector<16xf32>,
      %get3A_1842 = arith.constant 40 : i32
      %get3A_1843 = arith.index_cast %get3A_1842 : i32 to index
      %get3A_1844 = arith.constant 16 : index
      %get3A_1845 = tpu.vector_load %arg7[%get3A_1843, %get3A_1844] {strides = array<i32>} : memref<128x32xf32, #tpu.memory_space<vmem>>, vector<16xf32>,
      tpu.vector_store_idx %arg9[%add3A_48, %select_n3A_45, %broadcast_in_dim3A_1837], %get3A_1845 : memref<4x8x129xf32, #tpu.memory_space<vmem>>[vector<16xi32>, vector<16xi32>, vector<16xi32>], vector<16xf32>,
      %broadcast_in_dim3A_1846 = arith.constant 41 : i32
      %broadcast_in_dim3A_1847 = vector.broadcast %broadcast_in_dim3A_1846 : i32 to vector<16xi32>
      %get3A_1848 = arith.constant 41 : i32
      %get3A_1849 = arith.index_cast %get3A_1848 : i32 to index
      %get3A_1850 = arith.constant 0 : index
      %get3A_1851 = tpu.vector_load %arg7[%get3A_1849, %get3A_1850] {strides = array<i32>} : memref<128x32xf32, #tpu.memory_space<vmem>>, vector<16xf32>,
      tpu.vector_store_idx %arg9[%select_n3A, %select_n3A_45, %broadcast_in_dim3A_1847], %get3A_1851 : memref<4x8x129xf32, #tpu.memory_space<vmem>>[vector<16xi32>, vector<16xi32>, vector<16xi32>], vector<16xf32>,
      %get3A_1852 = arith.constant 41 : i32
      %get3A_1853 = arith.index_cast %get3A_1852 : i32 to index
      %get3A_1854 = arith.constant 16 : index
      %get3A_1855 = tpu.vector_load %arg7[%get3A_1853, %get3A_1854] {strides = array<i32>} : memref<128x32xf32, #tpu.memory_space<vmem>>, vector<16xf32>,
      tpu.vector_store_idx %arg9[%add3A_48, %select_n3A_45, %broadcast_in_dim3A_1847], %get3A_1855 : memref<4x8x129xf32, #tpu.memory_space<vmem>>[vector<16xi32>, vector<16xi32>, vector<16xi32>], vector<16xf32>,
      %broadcast_in_dim3A_1856 = arith.constant 42 : i32
      %broadcast_in_dim3A_1857 = vector.broadcast %broadcast_in_dim3A_1856 : i32 to vector<16xi32>
      %get3A_1858 = arith.constant 42 : i32
      %get3A_1859 = arith.index_cast %get3A_1858 : i32 to index
      %get3A_1860 = arith.constant 0 : index
      %get3A_1861 = tpu.vector_load %arg7[%get3A_1859, %get3A_1860] {strides = array<i32>} : memref<128x32xf32, #tpu.memory_space<vmem>>, vector<16xf32>,
      tpu.vector_store_idx %arg9[%select_n3A, %select_n3A_45, %broadcast_in_dim3A_1857], %get3A_1861 : memref<4x8x129xf32, #tpu.memory_space<vmem>>[vector<16xi32>, vector<16xi32>, vector<16xi32>], vector<16xf32>,
      %get3A_1862 = arith.constant 42 : i32
      %get3A_1863 = arith.index_cast %get3A_1862 : i32 to index
      %get3A_1864 = arith.constant 16 : index
      %get3A_1865 = tpu.vector_load %arg7[%get3A_1863, %get3A_1864] {strides = array<i32>} : memref<128x32xf32, #tpu.memory_space<vmem>>, vector<16xf32>,
      tpu.vector_store_idx %arg9[%add3A_48, %select_n3A_45, %broadcast_in_dim3A_1857], %get3A_1865 : memref<4x8x129xf32, #tpu.memory_space<vmem>>[vector<16xi32>, vector<16xi32>, vector<16xi32>], vector<16xf32>,
      %broadcast_in_dim3A_1866 = arith.constant 43 : i32
      %broadcast_in_dim3A_1867 = vector.broadcast %broadcast_in_dim3A_1866 : i32 to vector<16xi32>
      %get3A_1868 = arith.constant 43 : i32
      %get3A_1869 = arith.index_cast %get3A_1868 : i32 to index
      %get3A_1870 = arith.constant 0 : index
      %get3A_1871 = tpu.vector_load %arg7[%get3A_1869, %get3A_1870] {strides = array<i32>} : memref<128x32xf32, #tpu.memory_space<vmem>>, vector<16xf32>,
      tpu.vector_store_idx %arg9[%select_n3A, %select_n3A_45, %broadcast_in_dim3A_1867], %get3A_1871 : memref<4x8x129xf32, #tpu.memory_space<vmem>>[vector<16xi32>, vector<16xi32>, vector<16xi32>], vector<16xf32>,
      %get3A_1872 = arith.constant 43 : i32
      %get3A_1873 = arith.index_cast %get3A_1872 : i32 to index
      %get3A_1874 = arith.constant 16 : index
      %get3A_1875 = tpu.vector_load %arg7[%get3A_1873, %get3A_1874] {strides = array<i32>} : memref<128x32xf32, #tpu.memory_space<vmem>>, vector<16xf32>,
      tpu.vector_store_idx %arg9[%add3A_48, %select_n3A_45, %broadcast_in_dim3A_1867], %get3A_1875 : memref<4x8x129xf32, #tpu.memory_space<vmem>>[vector<16xi32>, vector<16xi32>, vector<16xi32>], vector<16xf32>,
      %broadcast_in_dim3A_1876 = arith.constant 44 : i32
      %broadcast_in_dim3A_1877 = vector.broadcast %broadcast_in_dim3A_1876 : i32 to vector<16xi32>
      %get3A_1878 = arith.constant 44 : i32
      %get3A_1879 = arith.index_cast %get3A_1878 : i32 to index
      %get3A_1880 = arith.constant 0 : index
      %get3A_1881 = tpu.vector_load %arg7[%get3A_1879, %get3A_1880] {strides = array<i32>} : memref<128x32xf32, #tpu.memory_space<vmem>>, vector<16xf32>,
      tpu.vector_store_idx %arg9[%select_n3A, %select_n3A_45, %broadcast_in_dim3A_1877], %get3A_1881 : memref<4x8x129xf32, #tpu.memory_space<vmem>>[vector<16xi32>, vector<16xi32>, vector<16xi32>], vector<16xf32>,
      %get3A_1882 = arith.constant 44 : i32
      %get3A_1883 = arith.index_cast %get3A_1882 : i32 to index
      %get3A_1884 = arith.constant 16 : index
      %get3A_1885 = tpu.vector_load %arg7[%get3A_1883, %get3A_1884] {strides = array<i32>} : memref<128x32xf32, #tpu.memory_space<vmem>>, vector<16xf32>,
      tpu.vector_store_idx %arg9[%add3A_48, %select_n3A_45, %broadcast_in_dim3A_1877], %get3A_1885 : memref<4x8x129xf32, #tpu.memory_space<vmem>>[vector<16xi32>, vector<16xi32>, vector<16xi32>], vector<16xf32>,
      %broadcast_in_dim3A_1886 = arith.constant 45 : i32
      %broadcast_in_dim3A_1887 = vector.broadcast %broadcast_in_dim3A_1886 : i32 to vector<16xi32>
      %get3A_1888 = arith.constant 45 : i32
      %get3A_1889 = arith.index_cast %get3A_1888 : i32 to index
      %get3A_1890 = arith.constant 0 : index
      %get3A_1891 = tpu.vector_load %arg7[%get3A_1889, %get3A_1890] {strides = array<i32>} : memref<128x32xf32, #tpu.memory_space<vmem>>, vector<16xf32>,
      tpu.vector_store_idx %arg9[%select_n3A, %select_n3A_45, %broadcast_in_dim3A_1887], %get3A_1891 : memref<4x8x129xf32, #tpu.memory_space<vmem>>[vector<16xi32>, vector<16xi32>, vector<16xi32>], vector<16xf32>,
      %get3A_1892 = arith.constant 45 : i32
      %get3A_1893 = arith.index_cast %get3A_1892 : i32 to index
      %get3A_1894 = arith.constant 16 : index
      %get3A_1895 = tpu.vector_load %arg7[%get3A_1893, %get3A_1894] {strides = array<i32>} : memref<128x32xf32, #tpu.memory_space<vmem>>, vector<16xf32>,
      tpu.vector_store_idx %arg9[%add3A_48, %select_n3A_45, %broadcast_in_dim3A_1887], %get3A_1895 : memref<4x8x129xf32, #tpu.memory_space<vmem>>[vector<16xi32>, vector<16xi32>, vector<16xi32>], vector<16xf32>,
      %broadcast_in_dim3A_1896 = arith.constant 46 : i32
      %broadcast_in_dim3A_1897 = vector.broadcast %broadcast_in_dim3A_1896 : i32 to vector<16xi32>
      %get3A_1898 = arith.constant 46 : i32
      %get3A_1899 = arith.index_cast %get3A_1898 : i32 to index
      %get3A_1900 = arith.constant 0 : index
      %get3A_1901 = tpu.vector_load %arg7[%get3A_1899, %get3A_1900] {strides = array<i32>} : memref<128x32xf32, #tpu.memory_space<vmem>>, vector<16xf32>,
      tpu.vector_store_idx %arg9[%select_n3A, %select_n3A_45, %broadcast_in_dim3A_1897], %get3A_1901 : memref<4x8x129xf32, #tpu.memory_space<vmem>>[vector<16xi32>, vector<16xi32>, vector<16xi32>], vector<16xf32>,
      %get3A_1902 = arith.constant 46 : i32
      %get3A_1903 = arith.index_cast %get3A_1902 : i32 to index
      %get3A_1904 = arith.constant 16 : index
      %get3A_1905 = tpu.vector_load %arg7[%get3A_1903, %get3A_1904] {strides = array<i32>} : memref<128x32xf32, #tpu.memory_space<vmem>>, vector<16xf32>,
      tpu.vector_store_idx %arg9[%add3A_48, %select_n3A_45, %broadcast_in_dim3A_1897], %get3A_1905 : memref<4x8x129xf32, #tpu.memory_space<vmem>>[vector<16xi32>, vector<16xi32>, vector<16xi32>], vector<16xf32>,
      %broadcast_in_dim3A_1906 = arith.constant 47 : i32
      %broadcast_in_dim3A_1907 = vector.broadcast %broadcast_in_dim3A_1906 : i32 to vector<16xi32>
      %get3A_1908 = arith.constant 47 : i32
      %get3A_1909 = arith.index_cast %get3A_1908 : i32 to index
      %get3A_1910 = arith.constant 0 : index
      %get3A_1911 = tpu.vector_load %arg7[%get3A_1909, %get3A_1910] {strides = array<i32>} : memref<128x32xf32, #tpu.memory_space<vmem>>, vector<16xf32>,
      tpu.vector_store_idx %arg9[%select_n3A, %select_n3A_45, %broadcast_in_dim3A_1907], %get3A_1911 : memref<4x8x129xf32, #tpu.memory_space<vmem>>[vector<16xi32>, vector<16xi32>, vector<16xi32>], vector<16xf32>,
      %get3A_1912 = arith.constant 47 : i32
      %get3A_1913 = arith.index_cast %get3A_1912 : i32 to index
      %get3A_1914 = arith.constant 16 : index
      %get3A_1915 = tpu.vector_load %arg7[%get3A_1913, %get3A_1914] {strides = array<i32>} : memref<128x32xf32, #tpu.memory_space<vmem>>, vector<16xf32>,
      tpu.vector_store_idx %arg9[%add3A_48, %select_n3A_45, %broadcast_in_dim3A_1907], %get3A_1915 : memref<4x8x129xf32, #tpu.memory_space<vmem>>[vector<16xi32>, vector<16xi32>, vector<16xi32>], vector<16xf32>,
      %broadcast_in_dim3A_1916 = arith.constant 48 : i32
      %broadcast_in_dim3A_1917 = vector.broadcast %broadcast_in_dim3A_1916 : i32 to vector<16xi32>
      %get3A_1918 = arith.constant 48 : i32
      %get3A_1919 = arith.index_cast %get3A_1918 : i32 to index
      %get3A_1920 = arith.constant 0 : index
      %get3A_1921 = tpu.vector_load %arg7[%get3A_1919, %get3A_1920] {strides = array<i32>} : memref<128x32xf32, #tpu.memory_space<vmem>>, vector<16xf32>,
      tpu.vector_store_idx %arg9[%select_n3A, %select_n3A_45, %broadcast_in_dim3A_1917], %get3A_1921 : memref<4x8x129xf32, #tpu.memory_space<vmem>>[vector<16xi32>, vector<16xi32>, vector<16xi32>], vector<16xf32>,
      %get3A_1922 = arith.constant 48 : i32
      %get3A_1923 = arith.index_cast %get3A_1922 : i32 to index
      %get3A_1924 = arith.constant 16 : index
      %get3A_1925 = tpu.vector_load %arg7[%get3A_1923, %get3A_1924] {strides = array<i32>} : memref<128x32xf32, #tpu.memory_space<vmem>>, vector<16xf32>,
      tpu.vector_store_idx %arg9[%add3A_48, %select_n3A_45, %broadcast_in_dim3A_1917], %get3A_1925 : memref<4x8x129xf32, #tpu.memory_space<vmem>>[vector<16xi32>, vector<16xi32>, vector<16xi32>], vector<16xf32>,
      %broadcast_in_dim3A_1926 = arith.constant 49 : i32
      %broadcast_in_dim3A_1927 = vector.broadcast %broadcast_in_dim3A_1926 : i32 to vector<16xi32>
      %get3A_1928 = arith.constant 49 : i32
      %get3A_1929 = arith.index_cast %get3A_1928 : i32 to index
      %get3A_1930 = arith.constant 0 : index
      %get3A_1931 = tpu.vector_load %arg7[%get3A_1929, %get3A_1930] {strides = array<i32>} : memref<128x32xf32, #tpu.memory_space<vmem>>, vector<16xf32>,
      tpu.vector_store_idx %arg9[%select_n3A, %select_n3A_45, %broadcast_in_dim3A_1927], %get3A_1931 : memref<4x8x129xf32, #tpu.memory_space<vmem>>[vector<16xi32>, vector<16xi32>, vector<16xi32>], vector<16xf32>,
      %get3A_1932 = arith.constant 49 : i32
      %get3A_1933 = arith.index_cast %get3A_1932 : i32 to index
      %get3A_1934 = arith.constant 16 : index
      %get3A_1935 = tpu.vector_load %arg7[%get3A_1933, %get3A_1934] {strides = array<i32>} : memref<128x32xf32, #tpu.memory_space<vmem>>, vector<16xf32>,
      tpu.vector_store_idx %arg9[%add3A_48, %select_n3A_45, %broadcast_in_dim3A_1927], %get3A_1935 : memref<4x8x129xf32, #tpu.memory_space<vmem>>[vector<16xi32>, vector<16xi32>, vector<16xi32>], vector<16xf32>,
      %broadcast_in_dim3A_1936 = arith.constant 50 : i32
      %broadcast_in_dim3A_1937 = vector.broadcast %broadcast_in_dim3A_1936 : i32 to vector<16xi32>
      %get3A_1938 = arith.constant 50 : i32
      %get3A_1939 = arith.index_cast %get3A_1938 : i32 to index
      %get3A_1940 = arith.constant 0 : index
      %get3A_1941 = tpu.vector_load %arg7[%get3A_1939, %get3A_1940] {strides = array<i32>} : memref<128x32xf32, #tpu.memory_space<vmem>>, vector<16xf32>,
      tpu.vector_store_idx %arg9[%select_n3A, %select_n3A_45, %broadcast_in_dim3A_1937], %get3A_1941 : memref<4x8x129xf32, #tpu.memory_space<vmem>>[vector<16xi32>, vector<16xi32>, vector<16xi32>], vector<16xf32>,
      %get3A_1942 = arith.constant 50 : i32
      %get3A_1943 = arith.index_cast %get3A_1942 : i32 to index
      %get3A_1944 = arith.constant 16 : index
      %get3A_1945 = tpu.vector_load %arg7[%get3A_1943, %get3A_1944] {strides = array<i32>} : memref<128x32xf32, #tpu.memory_space<vmem>>, vector<16xf32>,
      tpu.vector_store_idx %arg9[%add3A_48, %select_n3A_45, %broadcast_in_dim3A_1937], %get3A_1945 : memref<4x8x129xf32, #tpu.memory_space<vmem>>[vector<16xi32>, vector<16xi32>, vector<16xi32>], vector<16xf32>,
      %broadcast_in_dim3A_1946 = arith.constant 51 : i32
      %broadcast_in_dim3A_1947 = vector.broadcast %broadcast_in_dim3A_1946 : i32 to vector<16xi32>
      %get3A_1948 = arith.constant 51 : i32
      %get3A_1949 = arith.index_cast %get3A_1948 : i32 to index
      %get3A_1950 = arith.constant 0 : index
      %get3A_1951 = tpu.vector_load %arg7[%get3A_1949, %get3A_1950] {strides = array<i32>} : memref<128x32xf32, #tpu.memory_space<vmem>>, vector<16xf32>,
      tpu.vector_store_idx %arg9[%select_n3A, %select_n3A_45, %broadcast_in_dim3A_1947], %get3A_1951 : memref<4x8x129xf32, #tpu.memory_space<vmem>>[vector<16xi32>, vector<16xi32>, vector<16xi32>], vector<16xf32>,
      %get3A_1952 = arith.constant 51 : i32
      %get3A_1953 = arith.index_cast %get3A_1952 : i32 to index
      %get3A_1954 = arith.constant 16 : index
      %get3A_1955 = tpu.vector_load %arg7[%get3A_1953, %get3A_1954] {strides = array<i32>} : memref<128x32xf32, #tpu.memory_space<vmem>>, vector<16xf32>,
      tpu.vector_store_idx %arg9[%add3A_48, %select_n3A_45, %broadcast_in_dim3A_1947], %get3A_1955 : memref<4x8x129xf32, #tpu.memory_space<vmem>>[vector<16xi32>, vector<16xi32>, vector<16xi32>], vector<16xf32>,
      %broadcast_in_dim3A_1956 = arith.constant 52 : i32
      %broadcast_in_dim3A_1957 = vector.broadcast %broadcast_in_dim3A_1956 : i32 to vector<16xi32>
      %get3A_1958 = arith.constant 52 : i32
      %get3A_1959 = arith.index_cast %get3A_1958 : i32 to index
      %get3A_1960 = arith.constant 0 : index
      %get3A_1961 = tpu.vector_load %arg7[%get3A_1959, %get3A_1960] {strides = array<i32>} : memref<128x32xf32, #tpu.memory_space<vmem>>, vector<16xf32>,
      tpu.vector_store_idx %arg9[%select_n3A, %select_n3A_45, %broadcast_in_dim3A_1957], %get3A_1961 : memref<4x8x129xf32, #tpu.memory_space<vmem>>[vector<16xi32>, vector<16xi32>, vector<16xi32>], vector<16xf32>,
      %get3A_1962 = arith.constant 52 : i32
      %get3A_1963 = arith.index_cast %get3A_1962 : i32 to index
      %get3A_1964 = arith.constant 16 : index
      %get3A_1965 = tpu.vector_load %arg7[%get3A_1963, %get3A_1964] {strides = array<i32>} : memref<128x32xf32, #tpu.memory_space<vmem>>, vector<16xf32>,
      tpu.vector_store_idx %arg9[%add3A_48, %select_n3A_45, %broadcast_in_dim3A_1957], %get3A_1965 : memref<4x8x129xf32, #tpu.memory_space<vmem>>[vector<16xi32>, vector<16xi32>, vector<16xi32>], vector<16xf32>,
      %broadcast_in_dim3A_1966 = arith.constant 53 : i32
      %broadcast_in_dim3A_1967 = vector.broadcast %broadcast_in_dim3A_1966 : i32 to vector<16xi32>
      %get3A_1968 = arith.constant 53 : i32
      %get3A_1969 = arith.index_cast %get3A_1968 : i32 to index
      %get3A_1970 = arith.constant 0 : index
      %get3A_1971 = tpu.vector_load %arg7[%get3A_1969, %get3A_1970] {strides = array<i32>} : memref<128x32xf32, #tpu.memory_space<vmem>>, vector<16xf32>,
      tpu.vector_store_idx %arg9[%select_n3A, %select_n3A_45, %broadcast_in_dim3A_1967], %get3A_1971 : memref<4x8x129xf32, #tpu.memory_space<vmem>>[vector<16xi32>, vector<16xi32>, vector<16xi32>], vector<16xf32>,
      %get3A_1972 = arith.constant 53 : i32
      %get3A_1973 = arith.index_cast %get3A_1972 : i32 to index
      %get3A_1974 = arith.constant 16 : index
      %get3A_1975 = tpu.vector_load %arg7[%get3A_1973, %get3A_1974] {strides = array<i32>} : memref<128x32xf32, #tpu.memory_space<vmem>>, vector<16xf32>,
      tpu.vector_store_idx %arg9[%add3A_48, %select_n3A_45, %broadcast_in_dim3A_1967], %get3A_1975 : memref<4x8x129xf32, #tpu.memory_space<vmem>>[vector<16xi32>, vector<16xi32>, vector<16xi32>], vector<16xf32>,
      %broadcast_in_dim3A_1976 = arith.constant 54 : i32
      %broadcast_in_dim3A_1977 = vector.broadcast %broadcast_in_dim3A_1976 : i32 to vector<16xi32>
      %get3A_1978 = arith.constant 54 : i32
      %get3A_1979 = arith.index_cast %get3A_1978 : i32 to index
      %get3A_1980 = arith.constant 0 : index
      %get3A_1981 = tpu.vector_load %arg7[%get3A_1979, %get3A_1980] {strides = array<i32>} : memref<128x32xf32, #tpu.memory_space<vmem>>, vector<16xf32>,
      tpu.vector_store_idx %arg9[%select_n3A, %select_n3A_45, %broadcast_in_dim3A_1977], %get3A_1981 : memref<4x8x129xf32, #tpu.memory_space<vmem>>[vector<16xi32>, vector<16xi32>, vector<16xi32>], vector<16xf32>,
      %get3A_1982 = arith.constant 54 : i32
      %get3A_1983 = arith.index_cast %get3A_1982 : i32 to index
      %get3A_1984 = arith.constant 16 : index
      %get3A_1985 = tpu.vector_load %arg7[%get3A_1983, %get3A_1984] {strides = array<i32>} : memref<128x32xf32, #tpu.memory_space<vmem>>, vector<16xf32>,
      tpu.vector_store_idx %arg9[%add3A_48, %select_n3A_45, %broadcast_in_dim3A_1977], %get3A_1985 : memref<4x8x129xf32, #tpu.memory_space<vmem>>[vector<16xi32>, vector<16xi32>, vector<16xi32>], vector<16xf32>,
      %broadcast_in_dim3A_1986 = arith.constant 55 : i32
      %broadcast_in_dim3A_1987 = vector.broadcast %broadcast_in_dim3A_1986 : i32 to vector<16xi32>
      %get3A_1988 = arith.constant 55 : i32
      %get3A_1989 = arith.index_cast %get3A_1988 : i32 to index
      %get3A_1990 = arith.constant 0 : index
      %get3A_1991 = tpu.vector_load %arg7[%get3A_1989, %get3A_1990] {strides = array<i32>} : memref<128x32xf32, #tpu.memory_space<vmem>>, vector<16xf32>,
      tpu.vector_store_idx %arg9[%select_n3A, %select_n3A_45, %broadcast_in_dim3A_1987], %get3A_1991 : memref<4x8x129xf32, #tpu.memory_space<vmem>>[vector<16xi32>, vector<16xi32>, vector<16xi32>], vector<16xf32>,
      %get3A_1992 = arith.constant 55 : i32
      %get3A_1993 = arith.index_cast %get3A_1992 : i32 to index
      %get3A_1994 = arith.constant 16 : index
      %get3A_1995 = tpu.vector_load %arg7[%get3A_1993, %get3A_1994] {strides = array<i32>} : memref<128x32xf32, #tpu.memory_space<vmem>>, vector<16xf32>,
      tpu.vector_store_idx %arg9[%add3A_48, %select_n3A_45, %broadcast_in_dim3A_1987], %get3A_1995 : memref<4x8x129xf32, #tpu.memory_space<vmem>>[vector<16xi32>, vector<16xi32>, vector<16xi32>], vector<16xf32>,
      %broadcast_in_dim3A_1996 = arith.constant 56 : i32
      %broadcast_in_dim3A_1997 = vector.broadcast %broadcast_in_dim3A_1996 : i32 to vector<16xi32>
      %get3A_1998 = arith.constant 56 : i32
      %get3A_1999 = arith.index_cast %get3A_1998 : i32 to index
      %get3A_2000 = arith.constant 0 : index
      %get3A_2001 = tpu.vector_load %arg7[%get3A_1999, %get3A_2000] {strides = array<i32>} : memref<128x32xf32, #tpu.memory_space<vmem>>, vector<16xf32>,
      tpu.vector_store_idx %arg9[%select_n3A, %select_n3A_45, %broadcast_in_dim3A_1997], %get3A_2001 : memref<4x8x129xf32, #tpu.memory_space<vmem>>[vector<16xi32>, vector<16xi32>, vector<16xi32>], vector<16xf32>,
      %get3A_2002 = arith.constant 56 : i32
      %get3A_2003 = arith.index_cast %get3A_2002 : i32 to index
      %get3A_2004 = arith.constant 16 : index
      %get3A_2005 = tpu.vector_load %arg7[%get3A_2003, %get3A_2004] {strides = array<i32>} : memref<128x32xf32, #tpu.memory_space<vmem>>, vector<16xf32>,
      tpu.vector_store_idx %arg9[%add3A_48, %select_n3A_45, %broadcast_in_dim3A_1997], %get3A_2005 : memref<4x8x129xf32, #tpu.memory_space<vmem>>[vector<16xi32>, vector<16xi32>, vector<16xi32>], vector<16xf32>,
      %broadcast_in_dim3A_2006 = arith.constant 57 : i32
      %broadcast_in_dim3A_2007 = vector.broadcast %broadcast_in_dim3A_2006 : i32 to vector<16xi32>
      %get3A_2008 = arith.constant 57 : i32
      %get3A_2009 = arith.index_cast %get3A_2008 : i32 to index
      %get3A_2010 = arith.constant 0 : index
      %get3A_2011 = tpu.vector_load %arg7[%get3A_2009, %get3A_2010] {strides = array<i32>} : memref<128x32xf32, #tpu.memory_space<vmem>>, vector<16xf32>,
      tpu.vector_store_idx %arg9[%select_n3A, %select_n3A_45, %broadcast_in_dim3A_2007], %get3A_2011 : memref<4x8x129xf32, #tpu.memory_space<vmem>>[vector<16xi32>, vector<16xi32>, vector<16xi32>], vector<16xf32>,
      %get3A_2012 = arith.constant 57 : i32
      %get3A_2013 = arith.index_cast %get3A_2012 : i32 to index
      %get3A_2014 = arith.constant 16 : index
      %get3A_2015 = tpu.vector_load %arg7[%get3A_2013, %get3A_2014] {strides = array<i32>} : memref<128x32xf32, #tpu.memory_space<vmem>>, vector<16xf32>,
      tpu.vector_store_idx %arg9[%add3A_48, %select_n3A_45, %broadcast_in_dim3A_2007], %get3A_2015 : memref<4x8x129xf32, #tpu.memory_space<vmem>>[vector<16xi32>, vector<16xi32>, vector<16xi32>], vector<16xf32>,
      %broadcast_in_dim3A_2016 = arith.constant 58 : i32
      %broadcast_in_dim3A_2017 = vector.broadcast %broadcast_in_dim3A_2016 : i32 to vector<16xi32>
      %get3A_2018 = arith.constant 58 : i32
      %get3A_2019 = arith.index_cast %get3A_2018 : i32 to index
      %get3A_2020 = arith.constant 0 : index
      %get3A_2021 = tpu.vector_load %arg7[%get3A_2019, %get3A_2020] {strides = array<i32>} : memref<128x32xf32, #tpu.memory_space<vmem>>, vector<16xf32>,
      tpu.vector_store_idx %arg9[%select_n3A, %select_n3A_45, %broadcast_in_dim3A_2017], %get3A_2021 : memref<4x8x129xf32, #tpu.memory_space<vmem>>[vector<16xi32>, vector<16xi32>, vector<16xi32>], vector<16xf32>,
      %get3A_2022 = arith.constant 58 : i32
      %get3A_2023 = arith.index_cast %get3A_2022 : i32 to index
      %get3A_2024 = arith.constant 16 : index
      %get3A_2025 = tpu.vector_load %arg7[%get3A_2023, %get3A_2024] {strides = array<i32>} : memref<128x32xf32, #tpu.memory_space<vmem>>, vector<16xf32>,
      tpu.vector_store_idx %arg9[%add3A_48, %select_n3A_45, %broadcast_in_dim3A_2017], %get3A_2025 : memref<4x8x129xf32, #tpu.memory_space<vmem>>[vector<16xi32>, vector<16xi32>, vector<16xi32>], vector<16xf32>,
      %broadcast_in_dim3A_2026 = arith.constant 59 : i32
      %broadcast_in_dim3A_2027 = vector.broadcast %broadcast_in_dim3A_2026 : i32 to vector<16xi32>
      %get3A_2028 = arith.constant 59 : i32
      %get3A_2029 = arith.index_cast %get3A_2028 : i32 to index
      %get3A_2030 = arith.constant 0 : index
      %get3A_2031 = tpu.vector_load %arg7[%get3A_2029, %get3A_2030] {strides = array<i32>} : memref<128x32xf32, #tpu.memory_space<vmem>>, vector<16xf32>,
      tpu.vector_store_idx %arg9[%select_n3A, %select_n3A_45, %broadcast_in_dim3A_2027], %get3A_2031 : memref<4x8x129xf32, #tpu.memory_space<vmem>>[vector<16xi32>, vector<16xi32>, vector<16xi32>], vector<16xf32>,
      %get3A_2032 = arith.constant 59 : i32
      %get3A_2033 = arith.index_cast %get3A_2032 : i32 to index
      %get3A_2034 = arith.constant 16 : index
      %get3A_2035 = tpu.vector_load %arg7[%get3A_2033, %get3A_2034] {strides = array<i32>} : memref<128x32xf32, #tpu.memory_space<vmem>>, vector<16xf32>,
      tpu.vector_store_idx %arg9[%add3A_48, %select_n3A_45, %broadcast_in_dim3A_2027], %get3A_2035 : memref<4x8x129xf32, #tpu.memory_space<vmem>>[vector<16xi32>, vector<16xi32>, vector<16xi32>], vector<16xf32>,
      %broadcast_in_dim3A_2036 = arith.constant 60 : i32
      %broadcast_in_dim3A_2037 = vector.broadcast %broadcast_in_dim3A_2036 : i32 to vector<16xi32>
      %get3A_2038 = arith.constant 60 : i32
      %get3A_2039 = arith.index_cast %get3A_2038 : i32 to index
      %get3A_2040 = arith.constant 0 : index
      %get3A_2041 = tpu.vector_load %arg7[%get3A_2039, %get3A_2040] {strides = array<i32>} : memref<128x32xf32, #tpu.memory_space<vmem>>, vector<16xf32>,
      tpu.vector_store_idx %arg9[%select_n3A, %select_n3A_45, %broadcast_in_dim3A_2037], %get3A_2041 : memref<4x8x129xf32, #tpu.memory_space<vmem>>[vector<16xi32>, vector<16xi32>, vector<16xi32>], vector<16xf32>,
      %get3A_2042 = arith.constant 60 : i32
      %get3A_2043 = arith.index_cast %get3A_2042 : i32 to index
      %get3A_2044 = arith.constant 16 : index
      %get3A_2045 = tpu.vector_load %arg7[%get3A_2043, %get3A_2044] {strides = array<i32>} : memref<128x32xf32, #tpu.memory_space<vmem>>, vector<16xf32>,
      tpu.vector_store_idx %arg9[%add3A_48, %select_n3A_45, %broadcast_in_dim3A_2037], %get3A_2045 : memref<4x8x129xf32, #tpu.memory_space<vmem>>[vector<16xi32>, vector<16xi32>, vector<16xi32>], vector<16xf32>,
      %broadcast_in_dim3A_2046 = arith.constant 61 : i32
      %broadcast_in_dim3A_2047 = vector.broadcast %broadcast_in_dim3A_2046 : i32 to vector<16xi32>
      %get3A_2048 = arith.constant 61 : i32
      %get3A_2049 = arith.index_cast %get3A_2048 : i32 to index
      %get3A_2050 = arith.constant 0 : index
      %get3A_2051 = tpu.vector_load %arg7[%get3A_2049, %get3A_2050] {strides = array<i32>} : memref<128x32xf32, #tpu.memory_space<vmem>>, vector<16xf32>,
      tpu.vector_store_idx %arg9[%select_n3A, %select_n3A_45, %broadcast_in_dim3A_2047], %get3A_2051 : memref<4x8x129xf32, #tpu.memory_space<vmem>>[vector<16xi32>, vector<16xi32>, vector<16xi32>], vector<16xf32>,
      %get3A_2052 = arith.constant 61 : i32
      %get3A_2053 = arith.index_cast %get3A_2052 : i32 to index
      %get3A_2054 = arith.constant 16 : index
      %get3A_2055 = tpu.vector_load %arg7[%get3A_2053, %get3A_2054] {strides = array<i32>} : memref<128x32xf32, #tpu.memory_space<vmem>>, vector<16xf32>,
      tpu.vector_store_idx %arg9[%add3A_48, %select_n3A_45, %broadcast_in_dim3A_2047], %get3A_2055 : memref<4x8x129xf32, #tpu.memory_space<vmem>>[vector<16xi32>, vector<16xi32>, vector<16xi32>], vector<16xf32>,
      %broadcast_in_dim3A_2056 = arith.constant 62 : i32
      %broadcast_in_dim3A_2057 = vector.broadcast %broadcast_in_dim3A_2056 : i32 to vector<16xi32>
      %get3A_2058 = arith.constant 62 : i32
      %get3A_2059 = arith.index_cast %get3A_2058 : i32 to index
      %get3A_2060 = arith.constant 0 : index
      %get3A_2061 = tpu.vector_load %arg7[%get3A_2059, %get3A_2060] {strides = array<i32>} : memref<128x32xf32, #tpu.memory_space<vmem>>, vector<16xf32>,
      tpu.vector_store_idx %arg9[%select_n3A, %select_n3A_45, %broadcast_in_dim3A_2057], %get3A_2061 : memref<4x8x129xf32, #tpu.memory_space<vmem>>[vector<16xi32>, vector<16xi32>, vector<16xi32>], vector<16xf32>,
      %get3A_2062 = arith.constant 62 : i32
      %get3A_2063 = arith.index_cast %get3A_2062 : i32 to index
      %get3A_2064 = arith.constant 16 : index
      %get3A_2065 = tpu.vector_load %arg7[%get3A_2063, %get3A_2064] {strides = array<i32>} : memref<128x32xf32, #tpu.memory_space<vmem>>, vector<16xf32>,
      tpu.vector_store_idx %arg9[%add3A_48, %select_n3A_45, %broadcast_in_dim3A_2057], %get3A_2065 : memref<4x8x129xf32, #tpu.memory_space<vmem>>[vector<16xi32>, vector<16xi32>, vector<16xi32>], vector<16xf32>,
      %broadcast_in_dim3A_2066 = arith.constant 63 : i32
      %broadcast_in_dim3A_2067 = vector.broadcast %broadcast_in_dim3A_2066 : i32 to vector<16xi32>
      %get3A_2068 = arith.constant 63 : i32
      %get3A_2069 = arith.index_cast %get3A_2068 : i32 to index
      %get3A_2070 = arith.constant 0 : index
      %get3A_2071 = tpu.vector_load %arg7[%get3A_2069, %get3A_2070] {strides = array<i32>} : memref<128x32xf32, #tpu.memory_space<vmem>>, vector<16xf32>,
      tpu.vector_store_idx %arg9[%select_n3A, %select_n3A_45, %broadcast_in_dim3A_2067], %get3A_2071 : memref<4x8x129xf32, #tpu.memory_space<vmem>>[vector<16xi32>, vector<16xi32>, vector<16xi32>], vector<16xf32>,
      %get3A_2072 = arith.constant 63 : i32
      %get3A_2073 = arith.index_cast %get3A_2072 : i32 to index
      %get3A_2074 = arith.constant 16 : index
      %get3A_2075 = tpu.vector_load %arg7[%get3A_2073, %get3A_2074] {strides = array<i32>} : memref<128x32xf32, #tpu.memory_space<vmem>>, vector<16xf32>,
      tpu.vector_store_idx %arg9[%add3A_48, %select_n3A_45, %broadcast_in_dim3A_2067], %get3A_2075 : memref<4x8x129xf32, #tpu.memory_space<vmem>>[vector<16xi32>, vector<16xi32>, vector<16xi32>], vector<16xf32>,
      %broadcast_in_dim3A_2076 = arith.constant 64 : i32
      %broadcast_in_dim3A_2077 = vector.broadcast %broadcast_in_dim3A_2076 : i32 to vector<16xi32>
      %get3A_2078 = arith.constant 64 : i32
      %get3A_2079 = arith.index_cast %get3A_2078 : i32 to index
      %get3A_2080 = arith.constant 0 : index
      %get3A_2081 = tpu.vector_load %arg7[%get3A_2079, %get3A_2080] {strides = array<i32>} : memref<128x32xf32, #tpu.memory_space<vmem>>, vector<16xf32>,
      tpu.vector_store_idx %arg9[%select_n3A, %select_n3A_45, %broadcast_in_dim3A_2077], %get3A_2081 : memref<4x8x129xf32, #tpu.memory_space<vmem>>[vector<16xi32>, vector<16xi32>, vector<16xi32>], vector<16xf32>,
      %get3A_2082 = arith.constant 64 : i32
      %get3A_2083 = arith.index_cast %get3A_2082 : i32 to index
      %get3A_2084 = arith.constant 16 : index
      %get3A_2085 = tpu.vector_load %arg7[%get3A_2083, %get3A_2084] {strides = array<i32>} : memref<128x32xf32, #tpu.memory_space<vmem>>, vector<16xf32>,
      tpu.vector_store_idx %arg9[%add3A_48, %select_n3A_45, %broadcast_in_dim3A_2077], %get3A_2085 : memref<4x8x129xf32, #tpu.memory_space<vmem>>[vector<16xi32>, vector<16xi32>, vector<16xi32>], vector<16xf32>,
      %broadcast_in_dim3A_2086 = arith.constant 65 : i32
      %broadcast_in_dim3A_2087 = vector.broadcast %broadcast_in_dim3A_2086 : i32 to vector<16xi32>
      %get3A_2088 = arith.constant 65 : i32
      %get3A_2089 = arith.index_cast %get3A_2088 : i32 to index
      %get3A_2090 = arith.constant 0 : index
      %get3A_2091 = tpu.vector_load %arg7[%get3A_2089, %get3A_2090] {strides = array<i32>} : memref<128x32xf32, #tpu.memory_space<vmem>>, vector<16xf32>,
      tpu.vector_store_idx %arg9[%select_n3A, %select_n3A_45, %broadcast_in_dim3A_2087], %get3A_2091 : memref<4x8x129xf32, #tpu.memory_space<vmem>>[vector<16xi32>, vector<16xi32>, vector<16xi32>], vector<16xf32>,
      %get3A_2092 = arith.constant 65 : i32
      %get3A_2093 = arith.index_cast %get3A_2092 : i32 to index
      %get3A_2094 = arith.constant 16 : index
      %get3A_2095 = tpu.vector_load %arg7[%get3A_2093, %get3A_2094] {strides = array<i32>} : memref<128x32xf32, #tpu.memory_space<vmem>>, vector<16xf32>,
      tpu.vector_store_idx %arg9[%add3A_48, %select_n3A_45, %broadcast_in_dim3A_2087], %get3A_2095 : memref<4x8x129xf32, #tpu.memory_space<vmem>>[vector<16xi32>, vector<16xi32>, vector<16xi32>], vector<16xf32>,
      %broadcast_in_dim3A_2096 = arith.constant 66 : i32
      %broadcast_in_dim3A_2097 = vector.broadcast %broadcast_in_dim3A_2096 : i32 to vector<16xi32>
      %get3A_2098 = arith.constant 66 : i32
      %get3A_2099 = arith.index_cast %get3A_2098 : i32 to index
      %get3A_2100 = arith.constant 0 : index
      %get3A_2101 = tpu.vector_load %arg7[%get3A_2099, %get3A_2100] {strides = array<i32>} : memref<128x32xf32, #tpu.memory_space<vmem>>, vector<16xf32>,
      tpu.vector_store_idx %arg9[%select_n3A, %select_n3A_45, %broadcast_in_dim3A_2097], %get3A_2101 : memref<4x8x129xf32, #tpu.memory_space<vmem>>[vector<16xi32>, vector<16xi32>, vector<16xi32>], vector<16xf32>,
      %get3A_2102 = arith.constant 66 : i32
      %get3A_2103 = arith.index_cast %get3A_2102 : i32 to index
      %get3A_2104 = arith.constant 16 : index
      %get3A_2105 = tpu.vector_load %arg7[%get3A_2103, %get3A_2104] {strides = array<i32>} : memref<128x32xf32, #tpu.memory_space<vmem>>, vector<16xf32>,
      tpu.vector_store_idx %arg9[%add3A_48, %select_n3A_45, %broadcast_in_dim3A_2097], %get3A_2105 : memref<4x8x129xf32, #tpu.memory_space<vmem>>[vector<16xi32>, vector<16xi32>, vector<16xi32>], vector<16xf32>,
      %broadcast_in_dim3A_2106 = arith.constant 67 : i32
      %broadcast_in_dim3A_2107 = vector.broadcast %broadcast_in_dim3A_2106 : i32 to vector<16xi32>
      %get3A_2108 = arith.constant 67 : i32
      %get3A_2109 = arith.index_cast %get3A_2108 : i32 to index
      %get3A_2110 = arith.constant 0 : index
      %get3A_2111 = tpu.vector_load %arg7[%get3A_2109, %get3A_2110] {strides = array<i32>} : memref<128x32xf32, #tpu.memory_space<vmem>>, vector<16xf32>,
      tpu.vector_store_idx %arg9[%select_n3A, %select_n3A_45, %broadcast_in_dim3A_2107], %get3A_2111 : memref<4x8x129xf32, #tpu.memory_space<vmem>>[vector<16xi32>, vector<16xi32>, vector<16xi32>], vector<16xf32>,
      %get3A_2112 = arith.constant 67 : i32
      %get3A_2113 = arith.index_cast %get3A_2112 : i32 to index
      %get3A_2114 = arith.constant 16 : index
      %get3A_2115 = tpu.vector_load %arg7[%get3A_2113, %get3A_2114] {strides = array<i32>} : memref<128x32xf32, #tpu.memory_space<vmem>>, vector<16xf32>,
      tpu.vector_store_idx %arg9[%add3A_48, %select_n3A_45, %broadcast_in_dim3A_2107], %get3A_2115 : memref<4x8x129xf32, #tpu.memory_space<vmem>>[vector<16xi32>, vector<16xi32>, vector<16xi32>], vector<16xf32>,
      %broadcast_in_dim3A_2116 = arith.constant 68 : i32
      %broadcast_in_dim3A_2117 = vector.broadcast %broadcast_in_dim3A_2116 : i32 to vector<16xi32>
      %get3A_2118 = arith.constant 68 : i32
      %get3A_2119 = arith.index_cast %get3A_2118 : i32 to index
      %get3A_2120 = arith.constant 0 : index
      %get3A_2121 = tpu.vector_load %arg7[%get3A_2119, %get3A_2120] {strides = array<i32>} : memref<128x32xf32, #tpu.memory_space<vmem>>, vector<16xf32>,
      tpu.vector_store_idx %arg9[%select_n3A, %select_n3A_45, %broadcast_in_dim3A_2117], %get3A_2121 : memref<4x8x129xf32, #tpu.memory_space<vmem>>[vector<16xi32>, vector<16xi32>, vector<16xi32>], vector<16xf32>,
      %get3A_2122 = arith.constant 68 : i32
      %get3A_2123 = arith.index_cast %get3A_2122 : i32 to index
      %get3A_2124 = arith.constant 16 : index
      %get3A_2125 = tpu.vector_load %arg7[%get3A_2123, %get3A_2124] {strides = array<i32>} : memref<128x32xf32, #tpu.memory_space<vmem>>, vector<16xf32>,
      tpu.vector_store_idx %arg9[%add3A_48, %select_n3A_45, %broadcast_in_dim3A_2117], %get3A_2125 : memref<4x8x129xf32, #tpu.memory_space<vmem>>[vector<16xi32>, vector<16xi32>, vector<16xi32>], vector<16xf32>,
      %broadcast_in_dim3A_2126 = arith.constant 69 : i32
      %broadcast_in_dim3A_2127 = vector.broadcast %broadcast_in_dim3A_2126 : i32 to vector<16xi32>
      %get3A_2128 = arith.constant 69 : i32
      %get3A_2129 = arith.index_cast %get3A_2128 : i32 to index
      %get3A_2130 = arith.constant 0 : index
      %get3A_2131 = tpu.vector_load %arg7[%get3A_2129, %get3A_2130] {strides = array<i32>} : memref<128x32xf32, #tpu.memory_space<vmem>>, vector<16xf32>,
      tpu.vector_store_idx %arg9[%select_n3A, %select_n3A_45, %broadcast_in_dim3A_2127], %get3A_2131 : memref<4x8x129xf32, #tpu.memory_space<vmem>>[vector<16xi32>, vector<16xi32>, vector<16xi32>], vector<16xf32>,
      %get3A_2132 = arith.constant 69 : i32
      %get3A_2133 = arith.index_cast %get3A_2132 : i32 to index
      %get3A_2134 = arith.constant 16 : index
      %get3A_2135 = tpu.vector_load %arg7[%get3A_2133, %get3A_2134] {strides = array<i32>} : memref<128x32xf32, #tpu.memory_space<vmem>>, vector<16xf32>,
      tpu.vector_store_idx %arg9[%add3A_48, %select_n3A_45, %broadcast_in_dim3A_2127], %get3A_2135 : memref<4x8x129xf32, #tpu.memory_space<vmem>>[vector<16xi32>, vector<16xi32>, vector<16xi32>], vector<16xf32>,
      %broadcast_in_dim3A_2136 = arith.constant 70 : i32
      %broadcast_in_dim3A_2137 = vector.broadcast %broadcast_in_dim3A_2136 : i32 to vector<16xi32>
      %get3A_2138 = arith.constant 70 : i32
      %get3A_2139 = arith.index_cast %get3A_2138 : i32 to index
      %get3A_2140 = arith.constant 0 : index
      %get3A_2141 = tpu.vector_load %arg7[%get3A_2139, %get3A_2140] {strides = array<i32>} : memref<128x32xf32, #tpu.memory_space<vmem>>, vector<16xf32>,
      tpu.vector_store_idx %arg9[%select_n3A, %select_n3A_45, %broadcast_in_dim3A_2137], %get3A_2141 : memref<4x8x129xf32, #tpu.memory_space<vmem>>[vector<16xi32>, vector<16xi32>, vector<16xi32>], vector<16xf32>,
      %get3A_2142 = arith.constant 70 : i32
      %get3A_2143 = arith.index_cast %get3A_2142 : i32 to index
      %get3A_2144 = arith.constant 16 : index
      %get3A_2145 = tpu.vector_load %arg7[%get3A_2143, %get3A_2144] {strides = array<i32>} : memref<128x32xf32, #tpu.memory_space<vmem>>, vector<16xf32>,
      tpu.vector_store_idx %arg9[%add3A_48, %select_n3A_45, %broadcast_in_dim3A_2137], %get3A_2145 : memref<4x8x129xf32, #tpu.memory_space<vmem>>[vector<16xi32>, vector<16xi32>, vector<16xi32>], vector<16xf32>,
      %broadcast_in_dim3A_2146 = arith.constant 71 : i32
      %broadcast_in_dim3A_2147 = vector.broadcast %broadcast_in_dim3A_2146 : i32 to vector<16xi32>
      %get3A_2148 = arith.constant 71 : i32
      %get3A_2149 = arith.index_cast %get3A_2148 : i32 to index
      %get3A_2150 = arith.constant 0 : index
      %get3A_2151 = tpu.vector_load %arg7[%get3A_2149, %get3A_2150] {strides = array<i32>} : memref<128x32xf32, #tpu.memory_space<vmem>>, vector<16xf32>,
      tpu.vector_store_idx %arg9[%select_n3A, %select_n3A_45, %broadcast_in_dim3A_2147], %get3A_2151 : memref<4x8x129xf32, #tpu.memory_space<vmem>>[vector<16xi32>, vector<16xi32>, vector<16xi32>], vector<16xf32>,
      %get3A_2152 = arith.constant 71 : i32
      %get3A_2153 = arith.index_cast %get3A_2152 : i32 to index
      %get3A_2154 = arith.constant 16 : index
      %get3A_2155 = tpu.vector_load %arg7[%get3A_2153, %get3A_2154] {strides = array<i32>} : memref<128x32xf32, #tpu.memory_space<vmem>>, vector<16xf32>,
      tpu.vector_store_idx %arg9[%add3A_48, %select_n3A_45, %broadcast_in_dim3A_2147], %get3A_2155 : memref<4x8x129xf32, #tpu.memory_space<vmem>>[vector<16xi32>, vector<16xi32>, vector<16xi32>], vector<16xf32>,
      %broadcast_in_dim3A_2156 = arith.constant 72 : i32
      %broadcast_in_dim3A_2157 = vector.broadcast %broadcast_in_dim3A_2156 : i32 to vector<16xi32>
      %get3A_2158 = arith.constant 72 : i32
      %get3A_2159 = arith.index_cast %get3A_2158 : i32 to index
      %get3A_2160 = arith.constant 0 : index
      %get3A_2161 = tpu.vector_load %arg7[%get3A_2159, %get3A_2160] {strides = array<i32>} : memref<128x32xf32, #tpu.memory_space<vmem>>, vector<16xf32>,
      tpu.vector_store_idx %arg9[%select_n3A, %select_n3A_45, %broadcast_in_dim3A_2157], %get3A_2161 : memref<4x8x129xf32, #tpu.memory_space<vmem>>[vector<16xi32>, vector<16xi32>, vector<16xi32>], vector<16xf32>,
      %get3A_2162 = arith.constant 72 : i32
      %get3A_2163 = arith.index_cast %get3A_2162 : i32 to index
      %get3A_2164 = arith.constant 16 : index
      %get3A_2165 = tpu.vector_load %arg7[%get3A_2163, %get3A_2164] {strides = array<i32>} : memref<128x32xf32, #tpu.memory_space<vmem>>, vector<16xf32>,
      tpu.vector_store_idx %arg9[%add3A_48, %select_n3A_45, %broadcast_in_dim3A_2157], %get3A_2165 : memref<4x8x129xf32, #tpu.memory_space<vmem>>[vector<16xi32>, vector<16xi32>, vector<16xi32>], vector<16xf32>,
      %broadcast_in_dim3A_2166 = arith.constant 73 : i32
      %broadcast_in_dim3A_2167 = vector.broadcast %broadcast_in_dim3A_2166 : i32 to vector<16xi32>
      %get3A_2168 = arith.constant 73 : i32
      %get3A_2169 = arith.index_cast %get3A_2168 : i32 to index
      %get3A_2170 = arith.constant 0 : index
      %get3A_2171 = tpu.vector_load %arg7[%get3A_2169, %get3A_2170] {strides = array<i32>} : memref<128x32xf32, #tpu.memory_space<vmem>>, vector<16xf32>,
      tpu.vector_store_idx %arg9[%select_n3A, %select_n3A_45, %broadcast_in_dim3A_2167], %get3A_2171 : memref<4x8x129xf32, #tpu.memory_space<vmem>>[vector<16xi32>, vector<16xi32>, vector<16xi32>], vector<16xf32>,
      %get3A_2172 = arith.constant 73 : i32
      %get3A_2173 = arith.index_cast %get3A_2172 : i32 to index
      %get3A_2174 = arith.constant 16 : index
      %get3A_2175 = tpu.vector_load %arg7[%get3A_2173, %get3A_2174] {strides = array<i32>} : memref<128x32xf32, #tpu.memory_space<vmem>>, vector<16xf32>,
      tpu.vector_store_idx %arg9[%add3A_48, %select_n3A_45, %broadcast_in_dim3A_2167], %get3A_2175 : memref<4x8x129xf32, #tpu.memory_space<vmem>>[vector<16xi32>, vector<16xi32>, vector<16xi32>], vector<16xf32>,
      %broadcast_in_dim3A_2176 = arith.constant 74 : i32
      %broadcast_in_dim3A_2177 = vector.broadcast %broadcast_in_dim3A_2176 : i32 to vector<16xi32>
      %get3A_2178 = arith.constant 74 : i32
      %get3A_2179 = arith.index_cast %get3A_2178 : i32 to index
      %get3A_2180 = arith.constant 0 : index
      %get3A_2181 = tpu.vector_load %arg7[%get3A_2179, %get3A_2180] {strides = array<i32>} : memref<128x32xf32, #tpu.memory_space<vmem>>, vector<16xf32>,
      tpu.vector_store_idx %arg9[%select_n3A, %select_n3A_45, %broadcast_in_dim3A_2177], %get3A_2181 : memref<4x8x129xf32, #tpu.memory_space<vmem>>[vector<16xi32>, vector<16xi32>, vector<16xi32>], vector<16xf32>,
      %get3A_2182 = arith.constant 74 : i32
      %get3A_2183 = arith.index_cast %get3A_2182 : i32 to index
      %get3A_2184 = arith.constant 16 : index
      %get3A_2185 = tpu.vector_load %arg7[%get3A_2183, %get3A_2184] {strides = array<i32>} : memref<128x32xf32, #tpu.memory_space<vmem>>, vector<16xf32>,
      tpu.vector_store_idx %arg9[%add3A_48, %select_n3A_45, %broadcast_in_dim3A_2177], %get3A_2185 : memref<4x8x129xf32, #tpu.memory_space<vmem>>[vector<16xi32>, vector<16xi32>, vector<16xi32>], vector<16xf32>,
      %broadcast_in_dim3A_2186 = arith.constant 75 : i32
      %broadcast_in_dim3A_2187 = vector.broadcast %broadcast_in_dim3A_2186 : i32 to vector<16xi32>
      %get3A_2188 = arith.constant 75 : i32
      %get3A_2189 = arith.index_cast %get3A_2188 : i32 to index
      %get3A_2190 = arith.constant 0 : index
      %get3A_2191 = tpu.vector_load %arg7[%get3A_2189, %get3A_2190] {strides = array<i32>} : memref<128x32xf32, #tpu.memory_space<vmem>>, vector<16xf32>,
      tpu.vector_store_idx %arg9[%select_n3A, %select_n3A_45, %broadcast_in_dim3A_2187], %get3A_2191 : memref<4x8x129xf32, #tpu.memory_space<vmem>>[vector<16xi32>, vector<16xi32>, vector<16xi32>], vector<16xf32>,
      %get3A_2192 = arith.constant 75 : i32
      %get3A_2193 = arith.index_cast %get3A_2192 : i32 to index
      %get3A_2194 = arith.constant 16 : index
      %get3A_2195 = tpu.vector_load %arg7[%get3A_2193, %get3A_2194] {strides = array<i32>} : memref<128x32xf32, #tpu.memory_space<vmem>>, vector<16xf32>,
      tpu.vector_store_idx %arg9[%add3A_48, %select_n3A_45, %broadcast_in_dim3A_2187], %get3A_2195 : memref<4x8x129xf32, #tpu.memory_space<vmem>>[vector<16xi32>, vector<16xi32>, vector<16xi32>], vector<16xf32>,
      %broadcast_in_dim3A_2196 = arith.constant 76 : i32
      %broadcast_in_dim3A_2197 = vector.broadcast %broadcast_in_dim3A_2196 : i32 to vector<16xi32>
      %get3A_2198 = arith.constant 76 : i32
      %get3A_2199 = arith.index_cast %get3A_2198 : i32 to index
      %get3A_2200 = arith.constant 0 : index
      %get3A_2201 = tpu.vector_load %arg7[%get3A_2199, %get3A_2200] {strides = array<i32>} : memref<128x32xf32, #tpu.memory_space<vmem>>, vector<16xf32>,
      tpu.vector_store_idx %arg9[%select_n3A, %select_n3A_45, %broadcast_in_dim3A_2197], %get3A_2201 : memref<4x8x129xf32, #tpu.memory_space<vmem>>[vector<16xi32>, vector<16xi32>, vector<16xi32>], vector<16xf32>,
      %get3A_2202 = arith.constant 76 : i32
      %get3A_2203 = arith.index_cast %get3A_2202 : i32 to index
      %get3A_2204 = arith.constant 16 : index
      %get3A_2205 = tpu.vector_load %arg7[%get3A_2203, %get3A_2204] {strides = array<i32>} : memref<128x32xf32, #tpu.memory_space<vmem>>, vector<16xf32>,
      tpu.vector_store_idx %arg9[%add3A_48, %select_n3A_45, %broadcast_in_dim3A_2197], %get3A_2205 : memref<4x8x129xf32, #tpu.memory_space<vmem>>[vector<16xi32>, vector<16xi32>, vector<16xi32>], vector<16xf32>,
      %broadcast_in_dim3A_2206 = arith.constant 77 : i32
      %broadcast_in_dim3A_2207 = vector.broadcast %broadcast_in_dim3A_2206 : i32 to vector<16xi32>
      %get3A_2208 = arith.constant 77 : i32
      %get3A_2209 = arith.index_cast %get3A_2208 : i32 to index
      %get3A_2210 = arith.constant 0 : index
      %get3A_2211 = tpu.vector_load %arg7[%get3A_2209, %get3A_2210] {strides = array<i32>} : memref<128x32xf32, #tpu.memory_space<vmem>>, vector<16xf32>,
      tpu.vector_store_idx %arg9[%select_n3A, %select_n3A_45, %broadcast_in_dim3A_2207], %get3A_2211 : memref<4x8x129xf32, #tpu.memory_space<vmem>>[vector<16xi32>, vector<16xi32>, vector<16xi32>], vector<16xf32>,
      %get3A_2212 = arith.constant 77 : i32
      %get3A_2213 = arith.index_cast %get3A_2212 : i32 to index
      %get3A_2214 = arith.constant 16 : index
      %get3A_2215 = tpu.vector_load %arg7[%get3A_2213, %get3A_2214] {strides = array<i32>} : memref<128x32xf32, #tpu.memory_space<vmem>>, vector<16xf32>,
      tpu.vector_store_idx %arg9[%add3A_48, %select_n3A_45, %broadcast_in_dim3A_2207], %get3A_2215 : memref<4x8x129xf32, #tpu.memory_space<vmem>>[vector<16xi32>, vector<16xi32>, vector<16xi32>], vector<16xf32>,
      %broadcast_in_dim3A_2216 = arith.constant 78 : i32
      %broadcast_in_dim3A_2217 = vector.broadcast %broadcast_in_dim3A_2216 : i32 to vector<16xi32>
      %get3A_2218 = arith.constant 78 : i32
      %get3A_2219 = arith.index_cast %get3A_2218 : i32 to index
      %get3A_2220 = arith.constant 0 : index
      %get3A_2221 = tpu.vector_load %arg7[%get3A_2219, %get3A_2220] {strides = array<i32>} : memref<128x32xf32, #tpu.memory_space<vmem>>, vector<16xf32>,
      tpu.vector_store_idx %arg9[%select_n3A, %select_n3A_45, %broadcast_in_dim3A_2217], %get3A_2221 : memref<4x8x129xf32, #tpu.memory_space<vmem>>[vector<16xi32>, vector<16xi32>, vector<16xi32>], vector<16xf32>,
      %get3A_2222 = arith.constant 78 : i32
      %get3A_2223 = arith.index_cast %get3A_2222 : i32 to index
      %get3A_2224 = arith.constant 16 : index
      %get3A_2225 = tpu.vector_load %arg7[%get3A_2223, %get3A_2224] {strides = array<i32>} : memref<128x32xf32, #tpu.memory_space<vmem>>, vector<16xf32>,
      tpu.vector_store_idx %arg9[%add3A_48, %select_n3A_45, %broadcast_in_dim3A_2217], %get3A_2225 : memref<4x8x129xf32, #tpu.memory_space<vmem>>[vector<16xi32>, vector<16xi32>, vector<16xi32>], vector<16xf32>,
      %broadcast_in_dim3A_2226 = arith.constant 79 : i32
      %broadcast_in_dim3A_2227 = vector.broadcast %broadcast_in_dim3A_2226 : i32 to vector<16xi32>
      %get3A_2228 = arith.constant 79 : i32
      %get3A_2229 = arith.index_cast %get3A_2228 : i32 to index
      %get3A_2230 = arith.constant 0 : index
      %get3A_2231 = tpu.vector_load %arg7[%get3A_2229, %get3A_2230] {strides = array<i32>} : memref<128x32xf32, #tpu.memory_space<vmem>>, vector<16xf32>,
      tpu.vector_store_idx %arg9[%select_n3A, %select_n3A_45, %broadcast_in_dim3A_2227], %get3A_2231 : memref<4x8x129xf32, #tpu.memory_space<vmem>>[vector<16xi32>, vector<16xi32>, vector<16xi32>], vector<16xf32>,
      %get3A_2232 = arith.constant 79 : i32
      %get3A_2233 = arith.index_cast %get3A_2232 : i32 to index
      %get3A_2234 = arith.constant 16 : index
      %get3A_2235 = tpu.vector_load %arg7[%get3A_2233, %get3A_2234] {strides = array<i32>} : memref<128x32xf32, #tpu.memory_space<vmem>>, vector<16xf32>,
      tpu.vector_store_idx %arg9[%add3A_48, %select_n3A_45, %broadcast_in_dim3A_2227], %get3A_2235 : memref<4x8x129xf32, #tpu.memory_space<vmem>>[vector<16xi32>, vector<16xi32>, vector<16xi32>], vector<16xf32>,
      %broadcast_in_dim3A_2236 = arith.constant 80 : i32
      %broadcast_in_dim3A_2237 = vector.broadcast %broadcast_in_dim3A_2236 : i32 to vector<16xi32>
      %get3A_2238 = arith.constant 80 : i32
      %get3A_2239 = arith.index_cast %get3A_2238 : i32 to index
      %get3A_2240 = arith.constant 0 : index
      %get3A_2241 = tpu.vector_load %arg7[%get3A_2239, %get3A_2240] {strides = array<i32>} : memref<128x32xf32, #tpu.memory_space<vmem>>, vector<16xf32>,
      tpu.vector_store_idx %arg9[%select_n3A, %select_n3A_45, %broadcast_in_dim3A_2237], %get3A_2241 : memref<4x8x129xf32, #tpu.memory_space<vmem>>[vector<16xi32>, vector<16xi32>, vector<16xi32>], vector<16xf32>,
      %get3A_2242 = arith.constant 80 : i32
      %get3A_2243 = arith.index_cast %get3A_2242 : i32 to index
      %get3A_2244 = arith.constant 16 : index
      %get3A_2245 = tpu.vector_load %arg7[%get3A_2243, %get3A_2244] {strides = array<i32>} : memref<128x32xf32, #tpu.memory_space<vmem>>, vector<16xf32>,
      tpu.vector_store_idx %arg9[%add3A_48, %select_n3A_45, %broadcast_in_dim3A_2237], %get3A_2245 : memref<4x8x129xf32, #tpu.memory_space<vmem>>[vector<16xi32>, vector<16xi32>, vector<16xi32>], vector<16xf32>,
      %broadcast_in_dim3A_2246 = arith.constant 81 : i32
      %broadcast_in_dim3A_2247 = vector.broadcast %broadcast_in_dim3A_2246 : i32 to vector<16xi32>
      %get3A_2248 = arith.constant 81 : i32
      %get3A_2249 = arith.index_cast %get3A_2248 : i32 to index
      %get3A_2250 = arith.constant 0 : index
      %get3A_2251 = tpu.vector_load %arg7[%get3A_2249, %get3A_2250] {strides = array<i32>} : memref<128x32xf32, #tpu.memory_space<vmem>>, vector<16xf32>,
      tpu.vector_store_idx %arg9[%select_n3A, %select_n3A_45, %broadcast_in_dim3A_2247], %get3A_2251 : memref<4x8x129xf32, #tpu.memory_space<vmem>>[vector<16xi32>, vector<16xi32>, vector<16xi32>], vector<16xf32>,
      %get3A_2252 = arith.constant 81 : i32
      %get3A_2253 = arith.index_cast %get3A_2252 : i32 to index
      %get3A_2254 = arith.constant 16 : index
      %get3A_2255 = tpu.vector_load %arg7[%get3A_2253, %get3A_2254] {strides = array<i32>} : memref<128x32xf32, #tpu.memory_space<vmem>>, vector<16xf32>,
      tpu.vector_store_idx %arg9[%add3A_48, %select_n3A_45, %broadcast_in_dim3A_2247], %get3A_2255 : memref<4x8x129xf32, #tpu.memory_space<vmem>>[vector<16xi32>, vector<16xi32>, vector<16xi32>], vector<16xf32>,
      %broadcast_in_dim3A_2256 = arith.constant 82 : i32
      %broadcast_in_dim3A_2257 = vector.broadcast %broadcast_in_dim3A_2256 : i32 to vector<16xi32>
      %get3A_2258 = arith.constant 82 : i32
      %get3A_2259 = arith.index_cast %get3A_2258 : i32 to index
      %get3A_2260 = arith.constant 0 : index
      %get3A_2261 = tpu.vector_load %arg7[%get3A_2259, %get3A_2260] {strides = array<i32>} : memref<128x32xf32, #tpu.memory_space<vmem>>, vector<16xf32>,
      tpu.vector_store_idx %arg9[%select_n3A, %select_n3A_45, %broadcast_in_dim3A_2257], %get3A_2261 : memref<4x8x129xf32, #tpu.memory_space<vmem>>[vector<16xi32>, vector<16xi32>, vector<16xi32>], vector<16xf32>,
      %get3A_2262 = arith.constant 82 : i32
      %get3A_2263 = arith.index_cast %get3A_2262 : i32 to index
      %get3A_2264 = arith.constant 16 : index
      %get3A_2265 = tpu.vector_load %arg7[%get3A_2263, %get3A_2264] {strides = array<i32>} : memref<128x32xf32, #tpu.memory_space<vmem>>, vector<16xf32>,
      tpu.vector_store_idx %arg9[%add3A_48, %select_n3A_45, %broadcast_in_dim3A_2257], %get3A_2265 : memref<4x8x129xf32, #tpu.memory_space<vmem>>[vector<16xi32>, vector<16xi32>, vector<16xi32>], vector<16xf32>,
      %broadcast_in_dim3A_2266 = arith.constant 83 : i32
      %broadcast_in_dim3A_2267 = vector.broadcast %broadcast_in_dim3A_2266 : i32 to vector<16xi32>
      %get3A_2268 = arith.constant 83 : i32
      %get3A_2269 = arith.index_cast %get3A_2268 : i32 to index
      %get3A_2270 = arith.constant 0 : index
      %get3A_2271 = tpu.vector_load %arg7[%get3A_2269, %get3A_2270] {strides = array<i32>} : memref<128x32xf32, #tpu.memory_space<vmem>>, vector<16xf32>,
      tpu.vector_store_idx %arg9[%select_n3A, %select_n3A_45, %broadcast_in_dim3A_2267], %get3A_2271 : memref<4x8x129xf32, #tpu.memory_space<vmem>>[vector<16xi32>, vector<16xi32>, vector<16xi32>], vector<16xf32>,
      %get3A_2272 = arith.constant 83 : i32
      %get3A_2273 = arith.index_cast %get3A_2272 : i32 to index
      %get3A_2274 = arith.constant 16 : index
      %get3A_2275 = tpu.vector_load %arg7[%get3A_2273, %get3A_2274] {strides = array<i32>} : memref<128x32xf32, #tpu.memory_space<vmem>>, vector<16xf32>,
      tpu.vector_store_idx %arg9[%add3A_48, %select_n3A_45, %broadcast_in_dim3A_2267], %get3A_2275 : memref<4x8x129xf32, #tpu.memory_space<vmem>>[vector<16xi32>, vector<16xi32>, vector<16xi32>], vector<16xf32>,
      %broadcast_in_dim3A_2276 = arith.constant 84 : i32
      %broadcast_in_dim3A_2277 = vector.broadcast %broadcast_in_dim3A_2276 : i32 to vector<16xi32>
      %get3A_2278 = arith.constant 84 : i32
      %get3A_2279 = arith.index_cast %get3A_2278 : i32 to index
      %get3A_2280 = arith.constant 0 : index
      %get3A_2281 = tpu.vector_load %arg7[%get3A_2279, %get3A_2280] {strides = array<i32>} : memref<128x32xf32, #tpu.memory_space<vmem>>, vector<16xf32>,
      tpu.vector_store_idx %arg9[%select_n3A, %select_n3A_45, %broadcast_in_dim3A_2277], %get3A_2281 : memref<4x8x129xf32, #tpu.memory_space<vmem>>[vector<16xi32>, vector<16xi32>, vector<16xi32>], vector<16xf32>,
      %get3A_2282 = arith.constant 84 : i32
      %get3A_2283 = arith.index_cast %get3A_2282 : i32 to index
      %get3A_2284 = arith.constant 16 : index
      %get3A_2285 = tpu.vector_load %arg7[%get3A_2283, %get3A_2284] {strides = array<i32>} : memref<128x32xf32, #tpu.memory_space<vmem>>, vector<16xf32>,
      tpu.vector_store_idx %arg9[%add3A_48, %select_n3A_45, %broadcast_in_dim3A_2277], %get3A_2285 : memref<4x8x129xf32, #tpu.memory_space<vmem>>[vector<16xi32>, vector<16xi32>, vector<16xi32>], vector<16xf32>,
      %broadcast_in_dim3A_2286 = arith.constant 85 : i32
      %broadcast_in_dim3A_2287 = vector.broadcast %broadcast_in_dim3A_2286 : i32 to vector<16xi32>
      %get3A_2288 = arith.constant 85 : i32
      %get3A_2289 = arith.index_cast %get3A_2288 : i32 to index
      %get3A_2290 = arith.constant 0 : index
      %get3A_2291 = tpu.vector_load %arg7[%get3A_2289, %get3A_2290] {strides = array<i32>} : memref<128x32xf32, #tpu.memory_space<vmem>>, vector<16xf32>,
      tpu.vector_store_idx %arg9[%select_n3A, %select_n3A_45, %broadcast_in_dim3A_2287], %get3A_2291 : memref<4x8x129xf32, #tpu.memory_space<vmem>>[vector<16xi32>, vector<16xi32>, vector<16xi32>], vector<16xf32>,
      %get3A_2292 = arith.constant 85 : i32
      %get3A_2293 = arith.index_cast %get3A_2292 : i32 to index
      %get3A_2294 = arith.constant 16 : index
      %get3A_2295 = tpu.vector_load %arg7[%get3A_2293, %get3A_2294] {strides = array<i32>} : memref<128x32xf32, #tpu.memory_space<vmem>>, vector<16xf32>,
      tpu.vector_store_idx %arg9[%add3A_48, %select_n3A_45, %broadcast_in_dim3A_2287], %get3A_2295 : memref<4x8x129xf32, #tpu.memory_space<vmem>>[vector<16xi32>, vector<16xi32>, vector<16xi32>], vector<16xf32>,
      %broadcast_in_dim3A_2296 = arith.constant 86 : i32
      %broadcast_in_dim3A_2297 = vector.broadcast %broadcast_in_dim3A_2296 : i32 to vector<16xi32>
      %get3A_2298 = arith.constant 86 : i32
      %get3A_2299 = arith.index_cast %get3A_2298 : i32 to index
      %get3A_2300 = arith.constant 0 : index
      %get3A_2301 = tpu.vector_load %arg7[%get3A_2299, %get3A_2300] {strides = array<i32>} : memref<128x32xf32, #tpu.memory_space<vmem>>, vector<16xf32>,
      tpu.vector_store_idx %arg9[%select_n3A, %select_n3A_45, %broadcast_in_dim3A_2297], %get3A_2301 : memref<4x8x129xf32, #tpu.memory_space<vmem>>[vector<16xi32>, vector<16xi32>, vector<16xi32>], vector<16xf32>,
      %get3A_2302 = arith.constant 86 : i32
      %get3A_2303 = arith.index_cast %get3A_2302 : i32 to index
      %get3A_2304 = arith.constant 16 : index
      %get3A_2305 = tpu.vector_load %arg7[%get3A_2303, %get3A_2304] {strides = array<i32>} : memref<128x32xf32, #tpu.memory_space<vmem>>, vector<16xf32>,
      tpu.vector_store_idx %arg9[%add3A_48, %select_n3A_45, %broadcast_in_dim3A_2297], %get3A_2305 : memref<4x8x129xf32, #tpu.memory_space<vmem>>[vector<16xi32>, vector<16xi32>, vector<16xi32>], vector<16xf32>,
      %broadcast_in_dim3A_2306 = arith.constant 87 : i32
      %broadcast_in_dim3A_2307 = vector.broadcast %broadcast_in_dim3A_2306 : i32 to vector<16xi32>
      %get3A_2308 = arith.constant 87 : i32
      %get3A_2309 = arith.index_cast %get3A_2308 : i32 to index
      %get3A_2310 = arith.constant 0 : index
      %get3A_2311 = tpu.vector_load %arg7[%get3A_2309, %get3A_2310] {strides = array<i32>} : memref<128x32xf32, #tpu.memory_space<vmem>>, vector<16xf32>,
      tpu.vector_store_idx %arg9[%select_n3A, %select_n3A_45, %broadcast_in_dim3A_2307], %get3A_2311 : memref<4x8x129xf32, #tpu.memory_space<vmem>>[vector<16xi32>, vector<16xi32>, vector<16xi32>], vector<16xf32>,
      %get3A_2312 = arith.constant 87 : i32
      %get3A_2313 = arith.index_cast %get3A_2312 : i32 to index
      %get3A_2314 = arith.constant 16 : index
      %get3A_2315 = tpu.vector_load %arg7[%get3A_2313, %get3A_2314] {strides = array<i32>} : memref<128x32xf32, #tpu.memory_space<vmem>>, vector<16xf32>,
      tpu.vector_store_idx %arg9[%add3A_48, %select_n3A_45, %broadcast_in_dim3A_2307], %get3A_2315 : memref<4x8x129xf32, #tpu.memory_space<vmem>>[vector<16xi32>, vector<16xi32>, vector<16xi32>], vector<16xf32>,
      %broadcast_in_dim3A_2316 = arith.constant 88 : i32
      %broadcast_in_dim3A_2317 = vector.broadcast %broadcast_in_dim3A_2316 : i32 to vector<16xi32>
      %get3A_2318 = arith.constant 88 : i32
      %get3A_2319 = arith.index_cast %get3A_2318 : i32 to index
      %get3A_2320 = arith.constant 0 : index
      %get3A_2321 = tpu.vector_load %arg7[%get3A_2319, %get3A_2320] {strides = array<i32>} : memref<128x32xf32, #tpu.memory_space<vmem>>, vector<16xf32>,
      tpu.vector_store_idx %arg9[%select_n3A, %select_n3A_45, %broadcast_in_dim3A_2317], %get3A_2321 : memref<4x8x129xf32, #tpu.memory_space<vmem>>[vector<16xi32>, vector<16xi32>, vector<16xi32>], vector<16xf32>,
      %get3A_2322 = arith.constant 88 : i32
      %get3A_2323 = arith.index_cast %get3A_2322 : i32 to index
      %get3A_2324 = arith.constant 16 : index
      %get3A_2325 = tpu.vector_load %arg7[%get3A_2323, %get3A_2324] {strides = array<i32>} : memref<128x32xf32, #tpu.memory_space<vmem>>, vector<16xf32>,
      tpu.vector_store_idx %arg9[%add3A_48, %select_n3A_45, %broadcast_in_dim3A_2317], %get3A_2325 : memref<4x8x129xf32, #tpu.memory_space<vmem>>[vector<16xi32>, vector<16xi32>, vector<16xi32>], vector<16xf32>,
      %broadcast_in_dim3A_2326 = arith.constant 89 : i32
      %broadcast_in_dim3A_2327 = vector.broadcast %broadcast_in_dim3A_2326 : i32 to vector<16xi32>
      %get3A_2328 = arith.constant 89 : i32
      %get3A_2329 = arith.index_cast %get3A_2328 : i32 to index
      %get3A_2330 = arith.constant 0 : index
      %get3A_2331 = tpu.vector_load %arg7[%get3A_2329, %get3A_2330] {strides = array<i32>} : memref<128x32xf32, #tpu.memory_space<vmem>>, vector<16xf32>,
      tpu.vector_store_idx %arg9[%select_n3A, %select_n3A_45, %broadcast_in_dim3A_2327], %get3A_2331 : memref<4x8x129xf32, #tpu.memory_space<vmem>>[vector<16xi32>, vector<16xi32>, vector<16xi32>], vector<16xf32>,
      %get3A_2332 = arith.constant 89 : i32
      %get3A_2333 = arith.index_cast %get3A_2332 : i32 to index
      %get3A_2334 = arith.constant 16 : index
      %get3A_2335 = tpu.vector_load %arg7[%get3A_2333, %get3A_2334] {strides = array<i32>} : memref<128x32xf32, #tpu.memory_space<vmem>>, vector<16xf32>,
      tpu.vector_store_idx %arg9[%add3A_48, %select_n3A_45, %broadcast_in_dim3A_2327], %get3A_2335 : memref<4x8x129xf32, #tpu.memory_space<vmem>>[vector<16xi32>, vector<16xi32>, vector<16xi32>], vector<16xf32>,
      %broadcast_in_dim3A_2336 = arith.constant 90 : i32
      %broadcast_in_dim3A_2337 = vector.broadcast %broadcast_in_dim3A_2336 : i32 to vector<16xi32>
      %get3A_2338 = arith.constant 90 : i32
      %get3A_2339 = arith.index_cast %get3A_2338 : i32 to index
      %get3A_2340 = arith.constant 0 : index
      %get3A_2341 = tpu.vector_load %arg7[%get3A_2339, %get3A_2340] {strides = array<i32>} : memref<128x32xf32, #tpu.memory_space<vmem>>, vector<16xf32>,
      tpu.vector_store_idx %arg9[%select_n3A, %select_n3A_45, %broadcast_in_dim3A_2337], %get3A_2341 : memref<4x8x129xf32, #tpu.memory_space<vmem>>[vector<16xi32>, vector<16xi32>, vector<16xi32>], vector<16xf32>,
      %get3A_2342 = arith.constant 90 : i32
      %get3A_2343 = arith.index_cast %get3A_2342 : i32 to index
      %get3A_2344 = arith.constant 16 : index
      %get3A_2345 = tpu.vector_load %arg7[%get3A_2343, %get3A_2344] {strides = array<i32>} : memref<128x32xf32, #tpu.memory_space<vmem>>, vector<16xf32>,
      tpu.vector_store_idx %arg9[%add3A_48, %select_n3A_45, %broadcast_in_dim3A_2337], %get3A_2345 : memref<4x8x129xf32, #tpu.memory_space<vmem>>[vector<16xi32>, vector<16xi32>, vector<16xi32>], vector<16xf32>,
      %broadcast_in_dim3A_2346 = arith.constant 91 : i32
      %broadcast_in_dim3A_2347 = vector.broadcast %broadcast_in_dim3A_2346 : i32 to vector<16xi32>
      %get3A_2348 = arith.constant 91 : i32
      %get3A_2349 = arith.index_cast %get3A_2348 : i32 to index
      %get3A_2350 = arith.constant 0 : index
      %get3A_2351 = tpu.vector_load %arg7[%get3A_2349, %get3A_2350] {strides = array<i32>} : memref<128x32xf32, #tpu.memory_space<vmem>>, vector<16xf32>,
      tpu.vector_store_idx %arg9[%select_n3A, %select_n3A_45, %broadcast_in_dim3A_2347], %get3A_2351 : memref<4x8x129xf32, #tpu.memory_space<vmem>>[vector<16xi32>, vector<16xi32>, vector<16xi32>], vector<16xf32>,
      %get3A_2352 = arith.constant 91 : i32
      %get3A_2353 = arith.index_cast %get3A_2352 : i32 to index
      %get3A_2354 = arith.constant 16 : index
      %get3A_2355 = tpu.vector_load %arg7[%get3A_2353, %get3A_2354] {strides = array<i32>} : memref<128x32xf32, #tpu.memory_space<vmem>>, vector<16xf32>,
      tpu.vector_store_idx %arg9[%add3A_48, %select_n3A_45, %broadcast_in_dim3A_2347], %get3A_2355 : memref<4x8x129xf32, #tpu.memory_space<vmem>>[vector<16xi32>, vector<16xi32>, vector<16xi32>], vector<16xf32>,
      %broadcast_in_dim3A_2356 = arith.constant 92 : i32
      %broadcast_in_dim3A_2357 = vector.broadcast %broadcast_in_dim3A_2356 : i32 to vector<16xi32>
      %get3A_2358 = arith.constant 92 : i32
      %get3A_2359 = arith.index_cast %get3A_2358 : i32 to index
      %get3A_2360 = arith.constant 0 : index
      %get3A_2361 = tpu.vector_load %arg7[%get3A_2359, %get3A_2360] {strides = array<i32>} : memref<128x32xf32, #tpu.memory_space<vmem>>, vector<16xf32>,
      tpu.vector_store_idx %arg9[%select_n3A, %select_n3A_45, %broadcast_in_dim3A_2357], %get3A_2361 : memref<4x8x129xf32, #tpu.memory_space<vmem>>[vector<16xi32>, vector<16xi32>, vector<16xi32>], vector<16xf32>,
      %get3A_2362 = arith.constant 92 : i32
      %get3A_2363 = arith.index_cast %get3A_2362 : i32 to index
      %get3A_2364 = arith.constant 16 : index
      %get3A_2365 = tpu.vector_load %arg7[%get3A_2363, %get3A_2364] {strides = array<i32>} : memref<128x32xf32, #tpu.memory_space<vmem>>, vector<16xf32>,
      tpu.vector_store_idx %arg9[%add3A_48, %select_n3A_45, %broadcast_in_dim3A_2357], %get3A_2365 : memref<4x8x129xf32, #tpu.memory_space<vmem>>[vector<16xi32>, vector<16xi32>, vector<16xi32>], vector<16xf32>,
      %broadcast_in_dim3A_2366 = arith.constant 93 : i32
      %broadcast_in_dim3A_2367 = vector.broadcast %broadcast_in_dim3A_2366 : i32 to vector<16xi32>
      %get3A_2368 = arith.constant 93 : i32
      %get3A_2369 = arith.index_cast %get3A_2368 : i32 to index
      %get3A_2370 = arith.constant 0 : index
      %get3A_2371 = tpu.vector_load %arg7[%get3A_2369, %get3A_2370] {strides = array<i32>} : memref<128x32xf32, #tpu.memory_space<vmem>>, vector<16xf32>,
      tpu.vector_store_idx %arg9[%select_n3A, %select_n3A_45, %broadcast_in_dim3A_2367], %get3A_2371 : memref<4x8x129xf32, #tpu.memory_space<vmem>>[vector<16xi32>, vector<16xi32>, vector<16xi32>], vector<16xf32>,
      %get3A_2372 = arith.constant 93 : i32
      %get3A_2373 = arith.index_cast %get3A_2372 : i32 to index
      %get3A_2374 = arith.constant 16 : index
      %get3A_2375 = tpu.vector_load %arg7[%get3A_2373, %get3A_2374] {strides = array<i32>} : memref<128x32xf32, #tpu.memory_space<vmem>>, vector<16xf32>,
      tpu.vector_store_idx %arg9[%add3A_48, %select_n3A_45, %broadcast_in_dim3A_2367], %get3A_2375 : memref<4x8x129xf32, #tpu.memory_space<vmem>>[vector<16xi32>, vector<16xi32>, vector<16xi32>], vector<16xf32>,
      %broadcast_in_dim3A_2376 = arith.constant 94 : i32
      %broadcast_in_dim3A_2377 = vector.broadcast %broadcast_in_dim3A_2376 : i32 to vector<16xi32>
      %get3A_2378 = arith.constant 94 : i32
      %get3A_2379 = arith.index_cast %get3A_2378 : i32 to index
      %get3A_2380 = arith.constant 0 : index
      %get3A_2381 = tpu.vector_load %arg7[%get3A_2379, %get3A_2380] {strides = array<i32>} : memref<128x32xf32, #tpu.memory_space<vmem>>, vector<16xf32>,
      tpu.vector_store_idx %arg9[%select_n3A, %select_n3A_45, %broadcast_in_dim3A_2377], %get3A_2381 : memref<4x8x129xf32, #tpu.memory_space<vmem>>[vector<16xi32>, vector<16xi32>, vector<16xi32>], vector<16xf32>,
      %get3A_2382 = arith.constant 94 : i32
      %get3A_2383 = arith.index_cast %get3A_2382 : i32 to index
      %get3A_2384 = arith.constant 16 : index
      %get3A_2385 = tpu.vector_load %arg7[%get3A_2383, %get3A_2384] {strides = array<i32>} : memref<128x32xf32, #tpu.memory_space<vmem>>, vector<16xf32>,
      tpu.vector_store_idx %arg9[%add3A_48, %select_n3A_45, %broadcast_in_dim3A_2377], %get3A_2385 : memref<4x8x129xf32, #tpu.memory_space<vmem>>[vector<16xi32>, vector<16xi32>, vector<16xi32>], vector<16xf32>,
      %broadcast_in_dim3A_2386 = arith.constant 95 : i32
      %broadcast_in_dim3A_2387 = vector.broadcast %broadcast_in_dim3A_2386 : i32 to vector<16xi32>
      %get3A_2388 = arith.constant 95 : i32
      %get3A_2389 = arith.index_cast %get3A_2388 : i32 to index
      %get3A_2390 = arith.constant 0 : index
      %get3A_2391 = tpu.vector_load %arg7[%get3A_2389, %get3A_2390] {strides = array<i32>} : memref<128x32xf32, #tpu.memory_space<vmem>>, vector<16xf32>,
      tpu.vector_store_idx %arg9[%select_n3A, %select_n3A_45, %broadcast_in_dim3A_2387], %get3A_2391 : memref<4x8x129xf32, #tpu.memory_space<vmem>>[vector<16xi32>, vector<16xi32>, vector<16xi32>], vector<16xf32>,
      %get3A_2392 = arith.constant 95 : i32
      %get3A_2393 = arith.index_cast %get3A_2392 : i32 to index
      %get3A_2394 = arith.constant 16 : index
      %get3A_2395 = tpu.vector_load %arg7[%get3A_2393, %get3A_2394] {strides = array<i32>} : memref<128x32xf32, #tpu.memory_space<vmem>>, vector<16xf32>,
      tpu.vector_store_idx %arg9[%add3A_48, %select_n3A_45, %broadcast_in_dim3A_2387], %get3A_2395 : memref<4x8x129xf32, #tpu.memory_space<vmem>>[vector<16xi32>, vector<16xi32>, vector<16xi32>], vector<16xf32>,
      %broadcast_in_dim3A_2396 = arith.constant 96 : i32
      %broadcast_in_dim3A_2397 = vector.broadcast %broadcast_in_dim3A_2396 : i32 to vector<16xi32>
      %get3A_2398 = arith.constant 96 : i32
      %get3A_2399 = arith.index_cast %get3A_2398 : i32 to index
      %get3A_2400 = arith.constant 0 : index
      %get3A_2401 = tpu.vector_load %arg7[%get3A_2399, %get3A_2400] {strides = array<i32>} : memref<128x32xf32, #tpu.memory_space<vmem>>, vector<16xf32>,
      tpu.vector_store_idx %arg9[%select_n3A, %select_n3A_45, %broadcast_in_dim3A_2397], %get3A_2401 : memref<4x8x129xf32, #tpu.memory_space<vmem>>[vector<16xi32>, vector<16xi32>, vector<16xi32>], vector<16xf32>,
      %get3A_2402 = arith.constant 96 : i32
      %get3A_2403 = arith.index_cast %get3A_2402 : i32 to index
      %get3A_2404 = arith.constant 16 : index
      %get3A_2405 = tpu.vector_load %arg7[%get3A_2403, %get3A_2404] {strides = array<i32>} : memref<128x32xf32, #tpu.memory_space<vmem>>, vector<16xf32>,
      tpu.vector_store_idx %arg9[%add3A_48, %select_n3A_45, %broadcast_in_dim3A_2397], %get3A_2405 : memref<4x8x129xf32, #tpu.memory_space<vmem>>[vector<16xi32>, vector<16xi32>, vector<16xi32>], vector<16xf32>,
      %broadcast_in_dim3A_2406 = arith.constant 97 : i32
      %broadcast_in_dim3A_2407 = vector.broadcast %broadcast_in_dim3A_2406 : i32 to vector<16xi32>
      %get3A_2408 = arith.constant 97 : i32
      %get3A_2409 = arith.index_cast %get3A_2408 : i32 to index
      %get3A_2410 = arith.constant 0 : index
      %get3A_2411 = tpu.vector_load %arg7[%get3A_2409, %get3A_2410] {strides = array<i32>} : memref<128x32xf32, #tpu.memory_space<vmem>>, vector<16xf32>,
      tpu.vector_store_idx %arg9[%select_n3A, %select_n3A_45, %broadcast_in_dim3A_2407], %get3A_2411 : memref<4x8x129xf32, #tpu.memory_space<vmem>>[vector<16xi32>, vector<16xi32>, vector<16xi32>], vector<16xf32>,
      %get3A_2412 = arith.constant 97 : i32
      %get3A_2413 = arith.index_cast %get3A_2412 : i32 to index
      %get3A_2414 = arith.constant 16 : index
      %get3A_2415 = tpu.vector_load %arg7[%get3A_2413, %get3A_2414] {strides = array<i32>} : memref<128x32xf32, #tpu.memory_space<vmem>>, vector<16xf32>,
      tpu.vector_store_idx %arg9[%add3A_48, %select_n3A_45, %broadcast_in_dim3A_2407], %get3A_2415 : memref<4x8x129xf32, #tpu.memory_space<vmem>>[vector<16xi32>, vector<16xi32>, vector<16xi32>], vector<16xf32>,
      %broadcast_in_dim3A_2416 = arith.constant 98 : i32
      %broadcast_in_dim3A_2417 = vector.broadcast %broadcast_in_dim3A_2416 : i32 to vector<16xi32>
      %get3A_2418 = arith.constant 98 : i32
      %get3A_2419 = arith.index_cast %get3A_2418 : i32 to index
      %get3A_2420 = arith.constant 0 : index
      %get3A_2421 = tpu.vector_load %arg7[%get3A_2419, %get3A_2420] {strides = array<i32>} : memref<128x32xf32, #tpu.memory_space<vmem>>, vector<16xf32>,
      tpu.vector_store_idx %arg9[%select_n3A, %select_n3A_45, %broadcast_in_dim3A_2417], %get3A_2421 : memref<4x8x129xf32, #tpu.memory_space<vmem>>[vector<16xi32>, vector<16xi32>, vector<16xi32>], vector<16xf32>,
      %get3A_2422 = arith.constant 98 : i32
      %get3A_2423 = arith.index_cast %get3A_2422 : i32 to index
      %get3A_2424 = arith.constant 16 : index
      %get3A_2425 = tpu.vector_load %arg7[%get3A_2423, %get3A_2424] {strides = array<i32>} : memref<128x32xf32, #tpu.memory_space<vmem>>, vector<16xf32>,
      tpu.vector_store_idx %arg9[%add3A_48, %select_n3A_45, %broadcast_in_dim3A_2417], %get3A_2425 : memref<4x8x129xf32, #tpu.memory_space<vmem>>[vector<16xi32>, vector<16xi32>, vector<16xi32>], vector<16xf32>,
      %broadcast_in_dim3A_2426 = arith.constant 99 : i32
      %broadcast_in_dim3A_2427 = vector.broadcast %broadcast_in_dim3A_2426 : i32 to vector<16xi32>
      %get3A_2428 = arith.constant 99 : i32
      %get3A_2429 = arith.index_cast %get3A_2428 : i32 to index
      %get3A_2430 = arith.constant 0 : index
      %get3A_2431 = tpu.vector_load %arg7[%get3A_2429, %get3A_2430] {strides = array<i32>} : memref<128x32xf32, #tpu.memory_space<vmem>>, vector<16xf32>,
      tpu.vector_store_idx %arg9[%select_n3A, %select_n3A_45, %broadcast_in_dim3A_2427], %get3A_2431 : memref<4x8x129xf32, #tpu.memory_space<vmem>>[vector<16xi32>, vector<16xi32>, vector<16xi32>], vector<16xf32>,
      %get3A_2432 = arith.constant 99 : i32
      %get3A_2433 = arith.index_cast %get3A_2432 : i32 to index
      %get3A_2434 = arith.constant 16 : index
      %get3A_2435 = tpu.vector_load %arg7[%get3A_2433, %get3A_2434] {strides = array<i32>} : memref<128x32xf32, #tpu.memory_space<vmem>>, vector<16xf32>,
      tpu.vector_store_idx %arg9[%add3A_48, %select_n3A_45, %broadcast_in_dim3A_2427], %get3A_2435 : memref<4x8x129xf32, #tpu.memory_space<vmem>>[vector<16xi32>, vector<16xi32>, vector<16xi32>], vector<16xf32>,
      %broadcast_in_dim3A_2436 = arith.constant 100 : i32
      %broadcast_in_dim3A_2437 = vector.broadcast %broadcast_in_dim3A_2436 : i32 to vector<16xi32>
      %get3A_2438 = arith.constant 100 : i32
      %get3A_2439 = arith.index_cast %get3A_2438 : i32 to index
      %get3A_2440 = arith.constant 0 : index
      %get3A_2441 = tpu.vector_load %arg7[%get3A_2439, %get3A_2440] {strides = array<i32>} : memref<128x32xf32, #tpu.memory_space<vmem>>, vector<16xf32>,
      tpu.vector_store_idx %arg9[%select_n3A, %select_n3A_45, %broadcast_in_dim3A_2437], %get3A_2441 : memref<4x8x129xf32, #tpu.memory_space<vmem>>[vector<16xi32>, vector<16xi32>, vector<16xi32>], vector<16xf32>,
      %get3A_2442 = arith.constant 100 : i32
      %get3A_2443 = arith.index_cast %get3A_2442 : i32 to index
      %get3A_2444 = arith.constant 16 : index
      %get3A_2445 = tpu.vector_load %arg7[%get3A_2443, %get3A_2444] {strides = array<i32>} : memref<128x32xf32, #tpu.memory_space<vmem>>, vector<16xf32>,
      tpu.vector_store_idx %arg9[%add3A_48, %select_n3A_45, %broadcast_in_dim3A_2437], %get3A_2445 : memref<4x8x129xf32, #tpu.memory_space<vmem>>[vector<16xi32>, vector<16xi32>, vector<16xi32>], vector<16xf32>,
      %broadcast_in_dim3A_2446 = arith.constant 101 : i32
      %broadcast_in_dim3A_2447 = vector.broadcast %broadcast_in_dim3A_2446 : i32 to vector<16xi32>
      %get3A_2448 = arith.constant 101 : i32
      %get3A_2449 = arith.index_cast %get3A_2448 : i32 to index
      %get3A_2450 = arith.constant 0 : index
      %get3A_2451 = tpu.vector_load %arg7[%get3A_2449, %get3A_2450] {strides = array<i32>} : memref<128x32xf32, #tpu.memory_space<vmem>>, vector<16xf32>,
      tpu.vector_store_idx %arg9[%select_n3A, %select_n3A_45, %broadcast_in_dim3A_2447], %get3A_2451 : memref<4x8x129xf32, #tpu.memory_space<vmem>>[vector<16xi32>, vector<16xi32>, vector<16xi32>], vector<16xf32>,
      %get3A_2452 = arith.constant 101 : i32
      %get3A_2453 = arith.index_cast %get3A_2452 : i32 to index
      %get3A_2454 = arith.constant 16 : index
      %get3A_2455 = tpu.vector_load %arg7[%get3A_2453, %get3A_2454] {strides = array<i32>} : memref<128x32xf32, #tpu.memory_space<vmem>>, vector<16xf32>,
      tpu.vector_store_idx %arg9[%add3A_48, %select_n3A_45, %broadcast_in_dim3A_2447], %get3A_2455 : memref<4x8x129xf32, #tpu.memory_space<vmem>>[vector<16xi32>, vector<16xi32>, vector<16xi32>], vector<16xf32>,
      %broadcast_in_dim3A_2456 = arith.constant 102 : i32
      %broadcast_in_dim3A_2457 = vector.broadcast %broadcast_in_dim3A_2456 : i32 to vector<16xi32>
      %get3A_2458 = arith.constant 102 : i32
      %get3A_2459 = arith.index_cast %get3A_2458 : i32 to index
      %get3A_2460 = arith.constant 0 : index
      %get3A_2461 = tpu.vector_load %arg7[%get3A_2459, %get3A_2460] {strides = array<i32>} : memref<128x32xf32, #tpu.memory_space<vmem>>, vector<16xf32>,
      tpu.vector_store_idx %arg9[%select_n3A, %select_n3A_45, %broadcast_in_dim3A_2457], %get3A_2461 : memref<4x8x129xf32, #tpu.memory_space<vmem>>[vector<16xi32>, vector<16xi32>, vector<16xi32>], vector<16xf32>,
      %get3A_2462 = arith.constant 102 : i32
      %get3A_2463 = arith.index_cast %get3A_2462 : i32 to index
      %get3A_2464 = arith.constant 16 : index
      %get3A_2465 = tpu.vector_load %arg7[%get3A_2463, %get3A_2464] {strides = array<i32>} : memref<128x32xf32, #tpu.memory_space<vmem>>, vector<16xf32>,
      tpu.vector_store_idx %arg9[%add3A_48, %select_n3A_45, %broadcast_in_dim3A_2457], %get3A_2465 : memref<4x8x129xf32, #tpu.memory_space<vmem>>[vector<16xi32>, vector<16xi32>, vector<16xi32>], vector<16xf32>,
      %broadcast_in_dim3A_2466 = arith.constant 103 : i32
      %broadcast_in_dim3A_2467 = vector.broadcast %broadcast_in_dim3A_2466 : i32 to vector<16xi32>
      %get3A_2468 = arith.constant 103 : i32
      %get3A_2469 = arith.index_cast %get3A_2468 : i32 to index
      %get3A_2470 = arith.constant 0 : index
      %get3A_2471 = tpu.vector_load %arg7[%get3A_2469, %get3A_2470] {strides = array<i32>} : memref<128x32xf32, #tpu.memory_space<vmem>>, vector<16xf32>,
      tpu.vector_store_idx %arg9[%select_n3A, %select_n3A_45, %broadcast_in_dim3A_2467], %get3A_2471 : memref<4x8x129xf32, #tpu.memory_space<vmem>>[vector<16xi32>, vector<16xi32>, vector<16xi32>], vector<16xf32>,
      %get3A_2472 = arith.constant 103 : i32
      %get3A_2473 = arith.index_cast %get3A_2472 : i32 to index
      %get3A_2474 = arith.constant 16 : index
      %get3A_2475 = tpu.vector_load %arg7[%get3A_2473, %get3A_2474] {strides = array<i32>} : memref<128x32xf32, #tpu.memory_space<vmem>>, vector<16xf32>,
      tpu.vector_store_idx %arg9[%add3A_48, %select_n3A_45, %broadcast_in_dim3A_2467], %get3A_2475 : memref<4x8x129xf32, #tpu.memory_space<vmem>>[vector<16xi32>, vector<16xi32>, vector<16xi32>], vector<16xf32>,
      %broadcast_in_dim3A_2476 = arith.constant 104 : i32
      %broadcast_in_dim3A_2477 = vector.broadcast %broadcast_in_dim3A_2476 : i32 to vector<16xi32>
      %get3A_2478 = arith.constant 104 : i32
      %get3A_2479 = arith.index_cast %get3A_2478 : i32 to index
      %get3A_2480 = arith.constant 0 : index
      %get3A_2481 = tpu.vector_load %arg7[%get3A_2479, %get3A_2480] {strides = array<i32>} : memref<128x32xf32, #tpu.memory_space<vmem>>, vector<16xf32>,
      tpu.vector_store_idx %arg9[%select_n3A, %select_n3A_45, %broadcast_in_dim3A_2477], %get3A_2481 : memref<4x8x129xf32, #tpu.memory_space<vmem>>[vector<16xi32>, vector<16xi32>, vector<16xi32>], vector<16xf32>,
      %get3A_2482 = arith.constant 104 : i32
      %get3A_2483 = arith.index_cast %get3A_2482 : i32 to index
      %get3A_2484 = arith.constant 16 : index
      %get3A_2485 = tpu.vector_load %arg7[%get3A_2483, %get3A_2484] {strides = array<i32>} : memref<128x32xf32, #tpu.memory_space<vmem>>, vector<16xf32>,
      tpu.vector_store_idx %arg9[%add3A_48, %select_n3A_45, %broadcast_in_dim3A_2477], %get3A_2485 : memref<4x8x129xf32, #tpu.memory_space<vmem>>[vector<16xi32>, vector<16xi32>, vector<16xi32>], vector<16xf32>,
      %broadcast_in_dim3A_2486 = arith.constant 105 : i32
      %broadcast_in_dim3A_2487 = vector.broadcast %broadcast_in_dim3A_2486 : i32 to vector<16xi32>
      %get3A_2488 = arith.constant 105 : i32
      %get3A_2489 = arith.index_cast %get3A_2488 : i32 to index
      %get3A_2490 = arith.constant 0 : index
      %get3A_2491 = tpu.vector_load %arg7[%get3A_2489, %get3A_2490] {strides = array<i32>} : memref<128x32xf32, #tpu.memory_space<vmem>>, vector<16xf32>,
      tpu.vector_store_idx %arg9[%select_n3A, %select_n3A_45, %broadcast_in_dim3A_2487], %get3A_2491 : memref<4x8x129xf32, #tpu.memory_space<vmem>>[vector<16xi32>, vector<16xi32>, vector<16xi32>], vector<16xf32>,
      %get3A_2492 = arith.constant 105 : i32
      %get3A_2493 = arith.index_cast %get3A_2492 : i32 to index
      %get3A_2494 = arith.constant 16 : index
      %get3A_2495 = tpu.vector_load %arg7[%get3A_2493, %get3A_2494] {strides = array<i32>} : memref<128x32xf32, #tpu.memory_space<vmem>>, vector<16xf32>,
      tpu.vector_store_idx %arg9[%add3A_48, %select_n3A_45, %broadcast_in_dim3A_2487], %get3A_2495 : memref<4x8x129xf32, #tpu.memory_space<vmem>>[vector<16xi32>, vector<16xi32>, vector<16xi32>], vector<16xf32>,
      %broadcast_in_dim3A_2496 = arith.constant 106 : i32
      %broadcast_in_dim3A_2497 = vector.broadcast %broadcast_in_dim3A_2496 : i32 to vector<16xi32>
      %get3A_2498 = arith.constant 106 : i32
      %get3A_2499 = arith.index_cast %get3A_2498 : i32 to index
      %get3A_2500 = arith.constant 0 : index
      %get3A_2501 = tpu.vector_load %arg7[%get3A_2499, %get3A_2500] {strides = array<i32>} : memref<128x32xf32, #tpu.memory_space<vmem>>, vector<16xf32>,
      tpu.vector_store_idx %arg9[%select_n3A, %select_n3A_45, %broadcast_in_dim3A_2497], %get3A_2501 : memref<4x8x129xf32, #tpu.memory_space<vmem>>[vector<16xi32>, vector<16xi32>, vector<16xi32>], vector<16xf32>,
      %get3A_2502 = arith.constant 106 : i32
      %get3A_2503 = arith.index_cast %get3A_2502 : i32 to index
      %get3A_2504 = arith.constant 16 : index
      %get3A_2505 = tpu.vector_load %arg7[%get3A_2503, %get3A_2504] {strides = array<i32>} : memref<128x32xf32, #tpu.memory_space<vmem>>, vector<16xf32>,
      tpu.vector_store_idx %arg9[%add3A_48, %select_n3A_45, %broadcast_in_dim3A_2497], %get3A_2505 : memref<4x8x129xf32, #tpu.memory_space<vmem>>[vector<16xi32>, vector<16xi32>, vector<16xi32>], vector<16xf32>,
      %broadcast_in_dim3A_2506 = arith.constant 107 : i32
      %broadcast_in_dim3A_2507 = vector.broadcast %broadcast_in_dim3A_2506 : i32 to vector<16xi32>
      %get3A_2508 = arith.constant 107 : i32
      %get3A_2509 = arith.index_cast %get3A_2508 : i32 to index
      %get3A_2510 = arith.constant 0 : index
      %get3A_2511 = tpu.vector_load %arg7[%get3A_2509, %get3A_2510] {strides = array<i32>} : memref<128x32xf32, #tpu.memory_space<vmem>>, vector<16xf32>,
      tpu.vector_store_idx %arg9[%select_n3A, %select_n3A_45, %broadcast_in_dim3A_2507], %get3A_2511 : memref<4x8x129xf32, #tpu.memory_space<vmem>>[vector<16xi32>, vector<16xi32>, vector<16xi32>], vector<16xf32>,
      %get3A_2512 = arith.constant 107 : i32
      %get3A_2513 = arith.index_cast %get3A_2512 : i32 to index
      %get3A_2514 = arith.constant 16 : index
      %get3A_2515 = tpu.vector_load %arg7[%get3A_2513, %get3A_2514] {strides = array<i32>} : memref<128x32xf32, #tpu.memory_space<vmem>>, vector<16xf32>,
      tpu.vector_store_idx %arg9[%add3A_48, %select_n3A_45, %broadcast_in_dim3A_2507], %get3A_2515 : memref<4x8x129xf32, #tpu.memory_space<vmem>>[vector<16xi32>, vector<16xi32>, vector<16xi32>], vector<16xf32>,
      %broadcast_in_dim3A_2516 = arith.constant 108 : i32
      %broadcast_in_dim3A_2517 = vector.broadcast %broadcast_in_dim3A_2516 : i32 to vector<16xi32>
      %get3A_2518 = arith.constant 108 : i32
      %get3A_2519 = arith.index_cast %get3A_2518 : i32 to index
      %get3A_2520 = arith.constant 0 : index
      %get3A_2521 = tpu.vector_load %arg7[%get3A_2519, %get3A_2520] {strides = array<i32>} : memref<128x32xf32, #tpu.memory_space<vmem>>, vector<16xf32>,
      tpu.vector_store_idx %arg9[%select_n3A, %select_n3A_45, %broadcast_in_dim3A_2517], %get3A_2521 : memref<4x8x129xf32, #tpu.memory_space<vmem>>[vector<16xi32>, vector<16xi32>, vector<16xi32>], vector<16xf32>,
      %get3A_2522 = arith.constant 108 : i32
      %get3A_2523 = arith.index_cast %get3A_2522 : i32 to index
      %get3A_2524 = arith.constant 16 : index
      %get3A_2525 = tpu.vector_load %arg7[%get3A_2523, %get3A_2524] {strides = array<i32>} : memref<128x32xf32, #tpu.memory_space<vmem>>, vector<16xf32>,
      tpu.vector_store_idx %arg9[%add3A_48, %select_n3A_45, %broadcast_in_dim3A_2517], %get3A_2525 : memref<4x8x129xf32, #tpu.memory_space<vmem>>[vector<16xi32>, vector<16xi32>, vector<16xi32>], vector<16xf32>,
      %broadcast_in_dim3A_2526 = arith.constant 109 : i32
      %broadcast_in_dim3A_2527 = vector.broadcast %broadcast_in_dim3A_2526 : i32 to vector<16xi32>
      %get3A_2528 = arith.constant 109 : i32
      %get3A_2529 = arith.index_cast %get3A_2528 : i32 to index
      %get3A_2530 = arith.constant 0 : index
      %get3A_2531 = tpu.vector_load %arg7[%get3A_2529, %get3A_2530] {strides = array<i32>} : memref<128x32xf32, #tpu.memory_space<vmem>>, vector<16xf32>,
      tpu.vector_store_idx %arg9[%select_n3A, %select_n3A_45, %broadcast_in_dim3A_2527], %get3A_2531 : memref<4x8x129xf32, #tpu.memory_space<vmem>>[vector<16xi32>, vector<16xi32>, vector<16xi32>], vector<16xf32>,
      %get3A_2532 = arith.constant 109 : i32
      %get3A_2533 = arith.index_cast %get3A_2532 : i32 to index
      %get3A_2534 = arith.constant 16 : index
      %get3A_2535 = tpu.vector_load %arg7[%get3A_2533, %get3A_2534] {strides = array<i32>} : memref<128x32xf32, #tpu.memory_space<vmem>>, vector<16xf32>,
      tpu.vector_store_idx %arg9[%add3A_48, %select_n3A_45, %broadcast_in_dim3A_2527], %get3A_2535 : memref<4x8x129xf32, #tpu.memory_space<vmem>>[vector<16xi32>, vector<16xi32>, vector<16xi32>], vector<16xf32>,
      %broadcast_in_dim3A_2536 = arith.constant 110 : i32
      %broadcast_in_dim3A_2537 = vector.broadcast %broadcast_in_dim3A_2536 : i32 to vector<16xi32>
      %get3A_2538 = arith.constant 110 : i32
      %get3A_2539 = arith.index_cast %get3A_2538 : i32 to index
      %get3A_2540 = arith.constant 0 : index
      %get3A_2541 = tpu.vector_load %arg7[%get3A_2539, %get3A_2540] {strides = array<i32>} : memref<128x32xf32, #tpu.memory_space<vmem>>, vector<16xf32>,
      tpu.vector_store_idx %arg9[%select_n3A, %select_n3A_45, %broadcast_in_dim3A_2537], %get3A_2541 : memref<4x8x129xf32, #tpu.memory_space<vmem>>[vector<16xi32>, vector<16xi32>, vector<16xi32>], vector<16xf32>,
      %get3A_2542 = arith.constant 110 : i32
      %get3A_2543 = arith.index_cast %get3A_2542 : i32 to index
      %get3A_2544 = arith.constant 16 : index
      %get3A_2545 = tpu.vector_load %arg7[%get3A_2543, %get3A_2544] {strides = array<i32>} : memref<128x32xf32, #tpu.memory_space<vmem>>, vector<16xf32>,
      tpu.vector_store_idx %arg9[%add3A_48, %select_n3A_45, %broadcast_in_dim3A_2537], %get3A_2545 : memref<4x8x129xf32, #tpu.memory_space<vmem>>[vector<16xi32>, vector<16xi32>, vector<16xi32>], vector<16xf32>,
      %broadcast_in_dim3A_2546 = arith.constant 111 : i32
      %broadcast_in_dim3A_2547 = vector.broadcast %broadcast_in_dim3A_2546 : i32 to vector<16xi32>
      %get3A_2548 = arith.constant 111 : i32
      %get3A_2549 = arith.index_cast %get3A_2548 : i32 to index
      %get3A_2550 = arith.constant 0 : index
      %get3A_2551 = tpu.vector_load %arg7[%get3A_2549, %get3A_2550] {strides = array<i32>} : memref<128x32xf32, #tpu.memory_space<vmem>>, vector<16xf32>,
      tpu.vector_store_idx %arg9[%select_n3A, %select_n3A_45, %broadcast_in_dim3A_2547], %get3A_2551 : memref<4x8x129xf32, #tpu.memory_space<vmem>>[vector<16xi32>, vector<16xi32>, vector<16xi32>], vector<16xf32>,
      %get3A_2552 = arith.constant 111 : i32
      %get3A_2553 = arith.index_cast %get3A_2552 : i32 to index
      %get3A_2554 = arith.constant 16 : index
      %get3A_2555 = tpu.vector_load %arg7[%get3A_2553, %get3A_2554] {strides = array<i32>} : memref<128x32xf32, #tpu.memory_space<vmem>>, vector<16xf32>,
      tpu.vector_store_idx %arg9[%add3A_48, %select_n3A_45, %broadcast_in_dim3A_2547], %get3A_2555 : memref<4x8x129xf32, #tpu.memory_space<vmem>>[vector<16xi32>, vector<16xi32>, vector<16xi32>], vector<16xf32>,
      %broadcast_in_dim3A_2556 = arith.constant 112 : i32
      %broadcast_in_dim3A_2557 = vector.broadcast %broadcast_in_dim3A_2556 : i32 to vector<16xi32>
      %get3A_2558 = arith.constant 112 : i32
      %get3A_2559 = arith.index_cast %get3A_2558 : i32 to index
      %get3A_2560 = arith.constant 0 : index
      %get3A_2561 = tpu.vector_load %arg7[%get3A_2559, %get3A_2560] {strides = array<i32>} : memref<128x32xf32, #tpu.memory_space<vmem>>, vector<16xf32>,
      tpu.vector_store_idx %arg9[%select_n3A, %select_n3A_45, %broadcast_in_dim3A_2557], %get3A_2561 : memref<4x8x129xf32, #tpu.memory_space<vmem>>[vector<16xi32>, vector<16xi32>, vector<16xi32>], vector<16xf32>,
      %get3A_2562 = arith.constant 112 : i32
      %get3A_2563 = arith.index_cast %get3A_2562 : i32 to index
      %get3A_2564 = arith.constant 16 : index
      %get3A_2565 = tpu.vector_load %arg7[%get3A_2563, %get3A_2564] {strides = array<i32>} : memref<128x32xf32, #tpu.memory_space<vmem>>, vector<16xf32>,
      tpu.vector_store_idx %arg9[%add3A_48, %select_n3A_45, %broadcast_in_dim3A_2557], %get3A_2565 : memref<4x8x129xf32, #tpu.memory_space<vmem>>[vector<16xi32>, vector<16xi32>, vector<16xi32>], vector<16xf32>,
      %broadcast_in_dim3A_2566 = arith.constant 113 : i32
      %broadcast_in_dim3A_2567 = vector.broadcast %broadcast_in_dim3A_2566 : i32 to vector<16xi32>
      %get3A_2568 = arith.constant 113 : i32
      %get3A_2569 = arith.index_cast %get3A_2568 : i32 to index
      %get3A_2570 = arith.constant 0 : index
      %get3A_2571 = tpu.vector_load %arg7[%get3A_2569, %get3A_2570] {strides = array<i32>} : memref<128x32xf32, #tpu.memory_space<vmem>>, vector<16xf32>,
      tpu.vector_store_idx %arg9[%select_n3A, %select_n3A_45, %broadcast_in_dim3A_2567], %get3A_2571 : memref<4x8x129xf32, #tpu.memory_space<vmem>>[vector<16xi32>, vector<16xi32>, vector<16xi32>], vector<16xf32>,
      %get3A_2572 = arith.constant 113 : i32
      %get3A_2573 = arith.index_cast %get3A_2572 : i32 to index
      %get3A_2574 = arith.constant 16 : index
      %get3A_2575 = tpu.vector_load %arg7[%get3A_2573, %get3A_2574] {strides = array<i32>} : memref<128x32xf32, #tpu.memory_space<vmem>>, vector<16xf32>,
      tpu.vector_store_idx %arg9[%add3A_48, %select_n3A_45, %broadcast_in_dim3A_2567], %get3A_2575 : memref<4x8x129xf32, #tpu.memory_space<vmem>>[vector<16xi32>, vector<16xi32>, vector<16xi32>], vector<16xf32>,
      %broadcast_in_dim3A_2576 = arith.constant 114 : i32
      %broadcast_in_dim3A_2577 = vector.broadcast %broadcast_in_dim3A_2576 : i32 to vector<16xi32>
      %get3A_2578 = arith.constant 114 : i32
      %get3A_2579 = arith.index_cast %get3A_2578 : i32 to index
      %get3A_2580 = arith.constant 0 : index
      %get3A_2581 = tpu.vector_load %arg7[%get3A_2579, %get3A_2580] {strides = array<i32>} : memref<128x32xf32, #tpu.memory_space<vmem>>, vector<16xf32>,
      tpu.vector_store_idx %arg9[%select_n3A, %select_n3A_45, %broadcast_in_dim3A_2577], %get3A_2581 : memref<4x8x129xf32, #tpu.memory_space<vmem>>[vector<16xi32>, vector<16xi32>, vector<16xi32>], vector<16xf32>,
      %get3A_2582 = arith.constant 114 : i32
      %get3A_2583 = arith.index_cast %get3A_2582 : i32 to index
      %get3A_2584 = arith.constant 16 : index
      %get3A_2585 = tpu.vector_load %arg7[%get3A_2583, %get3A_2584] {strides = array<i32>} : memref<128x32xf32, #tpu.memory_space<vmem>>, vector<16xf32>,
      tpu.vector_store_idx %arg9[%add3A_48, %select_n3A_45, %broadcast_in_dim3A_2577], %get3A_2585 : memref<4x8x129xf32, #tpu.memory_space<vmem>>[vector<16xi32>, vector<16xi32>, vector<16xi32>], vector<16xf32>,
      %broadcast_in_dim3A_2586 = arith.constant 115 : i32
      %broadcast_in_dim3A_2587 = vector.broadcast %broadcast_in_dim3A_2586 : i32 to vector<16xi32>
      %get3A_2588 = arith.constant 115 : i32
      %get3A_2589 = arith.index_cast %get3A_2588 : i32 to index
      %get3A_2590 = arith.constant 0 : index
      %get3A_2591 = tpu.vector_load %arg7[%get3A_2589, %get3A_2590] {strides = array<i32>} : memref<128x32xf32, #tpu.memory_space<vmem>>, vector<16xf32>,
      tpu.vector_store_idx %arg9[%select_n3A, %select_n3A_45, %broadcast_in_dim3A_2587], %get3A_2591 : memref<4x8x129xf32, #tpu.memory_space<vmem>>[vector<16xi32>, vector<16xi32>, vector<16xi32>], vector<16xf32>,
      %get3A_2592 = arith.constant 115 : i32
      %get3A_2593 = arith.index_cast %get3A_2592 : i32 to index
      %get3A_2594 = arith.constant 16 : index
      %get3A_2595 = tpu.vector_load %arg7[%get3A_2593, %get3A_2594] {strides = array<i32>} : memref<128x32xf32, #tpu.memory_space<vmem>>, vector<16xf32>,
      tpu.vector_store_idx %arg9[%add3A_48, %select_n3A_45, %broadcast_in_dim3A_2587], %get3A_2595 : memref<4x8x129xf32, #tpu.memory_space<vmem>>[vector<16xi32>, vector<16xi32>, vector<16xi32>], vector<16xf32>,
      %broadcast_in_dim3A_2596 = arith.constant 116 : i32
      %broadcast_in_dim3A_2597 = vector.broadcast %broadcast_in_dim3A_2596 : i32 to vector<16xi32>
      %get3A_2598 = arith.constant 116 : i32
      %get3A_2599 = arith.index_cast %get3A_2598 : i32 to index
      %get3A_2600 = arith.constant 0 : index
      %get3A_2601 = tpu.vector_load %arg7[%get3A_2599, %get3A_2600] {strides = array<i32>} : memref<128x32xf32, #tpu.memory_space<vmem>>, vector<16xf32>,
      tpu.vector_store_idx %arg9[%select_n3A, %select_n3A_45, %broadcast_in_dim3A_2597], %get3A_2601 : memref<4x8x129xf32, #tpu.memory_space<vmem>>[vector<16xi32>, vector<16xi32>, vector<16xi32>], vector<16xf32>,
      %get3A_2602 = arith.constant 116 : i32
      %get3A_2603 = arith.index_cast %get3A_2602 : i32 to index
      %get3A_2604 = arith.constant 16 : index
      %get3A_2605 = tpu.vector_load %arg7[%get3A_2603, %get3A_2604] {strides = array<i32>} : memref<128x32xf32, #tpu.memory_space<vmem>>, vector<16xf32>,
      tpu.vector_store_idx %arg9[%add3A_48, %select_n3A_45, %broadcast_in_dim3A_2597], %get3A_2605 : memref<4x8x129xf32, #tpu.memory_space<vmem>>[vector<16xi32>, vector<16xi32>, vector<16xi32>], vector<16xf32>,
      %broadcast_in_dim3A_2606 = arith.constant 117 : i32
      %broadcast_in_dim3A_2607 = vector.broadcast %broadcast_in_dim3A_2606 : i32 to vector<16xi32>
      %get3A_2608 = arith.constant 117 : i32
      %get3A_2609 = arith.index_cast %get3A_2608 : i32 to index
      %get3A_2610 = arith.constant 0 : index
      %get3A_2611 = tpu.vector_load %arg7[%get3A_2609, %get3A_2610] {strides = array<i32>} : memref<128x32xf32, #tpu.memory_space<vmem>>, vector<16xf32>,
      tpu.vector_store_idx %arg9[%select_n3A, %select_n3A_45, %broadcast_in_dim3A_2607], %get3A_2611 : memref<4x8x129xf32, #tpu.memory_space<vmem>>[vector<16xi32>, vector<16xi32>, vector<16xi32>], vector<16xf32>,
      %get3A_2612 = arith.constant 117 : i32
      %get3A_2613 = arith.index_cast %get3A_2612 : i32 to index
      %get3A_2614 = arith.constant 16 : index
      %get3A_2615 = tpu.vector_load %arg7[%get3A_2613, %get3A_2614] {strides = array<i32>} : memref<128x32xf32, #tpu.memory_space<vmem>>, vector<16xf32>,
      tpu.vector_store_idx %arg9[%add3A_48, %select_n3A_45, %broadcast_in_dim3A_2607], %get3A_2615 : memref<4x8x129xf32, #tpu.memory_space<vmem>>[vector<16xi32>, vector<16xi32>, vector<16xi32>], vector<16xf32>,
      %broadcast_in_dim3A_2616 = arith.constant 118 : i32
      %broadcast_in_dim3A_2617 = vector.broadcast %broadcast_in_dim3A_2616 : i32 to vector<16xi32>
      %get3A_2618 = arith.constant 118 : i32
      %get3A_2619 = arith.index_cast %get3A_2618 : i32 to index
      %get3A_2620 = arith.constant 0 : index
      %get3A_2621 = tpu.vector_load %arg7[%get3A_2619, %get3A_2620] {strides = array<i32>} : memref<128x32xf32, #tpu.memory_space<vmem>>, vector<16xf32>,
      tpu.vector_store_idx %arg9[%select_n3A, %select_n3A_45, %broadcast_in_dim3A_2617], %get3A_2621 : memref<4x8x129xf32, #tpu.memory_space<vmem>>[vector<16xi32>, vector<16xi32>, vector<16xi32>], vector<16xf32>,
      %get3A_2622 = arith.constant 118 : i32
      %get3A_2623 = arith.index_cast %get3A_2622 : i32 to index
      %get3A_2624 = arith.constant 16 : index
      %get3A_2625 = tpu.vector_load %arg7[%get3A_2623, %get3A_2624] {strides = array<i32>} : memref<128x32xf32, #tpu.memory_space<vmem>>, vector<16xf32>,
      tpu.vector_store_idx %arg9[%add3A_48, %select_n3A_45, %broadcast_in_dim3A_2617], %get3A_2625 : memref<4x8x129xf32, #tpu.memory_space<vmem>>[vector<16xi32>, vector<16xi32>, vector<16xi32>], vector<16xf32>,
      %broadcast_in_dim3A_2626 = arith.constant 119 : i32
      %broadcast_in_dim3A_2627 = vector.broadcast %broadcast_in_dim3A_2626 : i32 to vector<16xi32>
      %get3A_2628 = arith.constant 119 : i32
      %get3A_2629 = arith.index_cast %get3A_2628 : i32 to index
      %get3A_2630 = arith.constant 0 : index
      %get3A_2631 = tpu.vector_load %arg7[%get3A_2629, %get3A_2630] {strides = array<i32>} : memref<128x32xf32, #tpu.memory_space<vmem>>, vector<16xf32>,
      tpu.vector_store_idx %arg9[%select_n3A, %select_n3A_45, %broadcast_in_dim3A_2627], %get3A_2631 : memref<4x8x129xf32, #tpu.memory_space<vmem>>[vector<16xi32>, vector<16xi32>, vector<16xi32>], vector<16xf32>,
      %get3A_2632 = arith.constant 119 : i32
      %get3A_2633 = arith.index_cast %get3A_2632 : i32 to index
      %get3A_2634 = arith.constant 16 : index
      %get3A_2635 = tpu.vector_load %arg7[%get3A_2633, %get3A_2634] {strides = array<i32>} : memref<128x32xf32, #tpu.memory_space<vmem>>, vector<16xf32>,
      tpu.vector_store_idx %arg9[%add3A_48, %select_n3A_45, %broadcast_in_dim3A_2627], %get3A_2635 : memref<4x8x129xf32, #tpu.memory_space<vmem>>[vector<16xi32>, vector<16xi32>, vector<16xi32>], vector<16xf32>,
      %broadcast_in_dim3A_2636 = arith.constant 120 : i32
      %broadcast_in_dim3A_2637 = vector.broadcast %broadcast_in_dim3A_2636 : i32 to vector<16xi32>
      %get3A_2638 = arith.constant 120 : i32
      %get3A_2639 = arith.index_cast %get3A_2638 : i32 to index
      %get3A_2640 = arith.constant 0 : index
      %get3A_2641 = tpu.vector_load %arg7[%get3A_2639, %get3A_2640] {strides = array<i32>} : memref<128x32xf32, #tpu.memory_space<vmem>>, vector<16xf32>,
      tpu.vector_store_idx %arg9[%select_n3A, %select_n3A_45, %broadcast_in_dim3A_2637], %get3A_2641 : memref<4x8x129xf32, #tpu.memory_space<vmem>>[vector<16xi32>, vector<16xi32>, vector<16xi32>], vector<16xf32>,
      %get3A_2642 = arith.constant 120 : i32
      %get3A_2643 = arith.index_cast %get3A_2642 : i32 to index
      %get3A_2644 = arith.constant 16 : index
      %get3A_2645 = tpu.vector_load %arg7[%get3A_2643, %get3A_2644] {strides = array<i32>} : memref<128x32xf32, #tpu.memory_space<vmem>>, vector<16xf32>,
      tpu.vector_store_idx %arg9[%add3A_48, %select_n3A_45, %broadcast_in_dim3A_2637], %get3A_2645 : memref<4x8x129xf32, #tpu.memory_space<vmem>>[vector<16xi32>, vector<16xi32>, vector<16xi32>], vector<16xf32>,
      %broadcast_in_dim3A_2646 = arith.constant 121 : i32
      %broadcast_in_dim3A_2647 = vector.broadcast %broadcast_in_dim3A_2646 : i32 to vector<16xi32>
      %get3A_2648 = arith.constant 121 : i32
      %get3A_2649 = arith.index_cast %get3A_2648 : i32 to index
      %get3A_2650 = arith.constant 0 : index
      %get3A_2651 = tpu.vector_load %arg7[%get3A_2649, %get3A_2650] {strides = array<i32>} : memref<128x32xf32, #tpu.memory_space<vmem>>, vector<16xf32>,
      tpu.vector_store_idx %arg9[%select_n3A, %select_n3A_45, %broadcast_in_dim3A_2647], %get3A_2651 : memref<4x8x129xf32, #tpu.memory_space<vmem>>[vector<16xi32>, vector<16xi32>, vector<16xi32>], vector<16xf32>,
      %get3A_2652 = arith.constant 121 : i32
      %get3A_2653 = arith.index_cast %get3A_2652 : i32 to index
      %get3A_2654 = arith.constant 16 : index
      %get3A_2655 = tpu.vector_load %arg7[%get3A_2653, %get3A_2654] {strides = array<i32>} : memref<128x32xf32, #tpu.memory_space<vmem>>, vector<16xf32>,
      tpu.vector_store_idx %arg9[%add3A_48, %select_n3A_45, %broadcast_in_dim3A_2647], %get3A_2655 : memref<4x8x129xf32, #tpu.memory_space<vmem>>[vector<16xi32>, vector<16xi32>, vector<16xi32>], vector<16xf32>,
      %broadcast_in_dim3A_2656 = arith.constant 122 : i32
      %broadcast_in_dim3A_2657 = vector.broadcast %broadcast_in_dim3A_2656 : i32 to vector<16xi32>
      %get3A_2658 = arith.constant 122 : i32
      %get3A_2659 = arith.index_cast %get3A_2658 : i32 to index
      %get3A_2660 = arith.constant 0 : index
      %get3A_2661 = tpu.vector_load %arg7[%get3A_2659, %get3A_2660] {strides = array<i32>} : memref<128x32xf32, #tpu.memory_space<vmem>>, vector<16xf32>,
      tpu.vector_store_idx %arg9[%select_n3A, %select_n3A_45, %broadcast_in_dim3A_2657], %get3A_2661 : memref<4x8x129xf32, #tpu.memory_space<vmem>>[vector<16xi32>, vector<16xi32>, vector<16xi32>], vector<16xf32>,
      %get3A_2662 = arith.constant 122 : i32
      %get3A_2663 = arith.index_cast %get3A_2662 : i32 to index
      %get3A_2664 = arith.constant 16 : index
      %get3A_2665 = tpu.vector_load %arg7[%get3A_2663, %get3A_2664] {strides = array<i32>} : memref<128x32xf32, #tpu.memory_space<vmem>>, vector<16xf32>,
      tpu.vector_store_idx %arg9[%add3A_48, %select_n3A_45, %broadcast_in_dim3A_2657], %get3A_2665 : memref<4x8x129xf32, #tpu.memory_space<vmem>>[vector<16xi32>, vector<16xi32>, vector<16xi32>], vector<16xf32>,
      %broadcast_in_dim3A_2666 = arith.constant 123 : i32
      %broadcast_in_dim3A_2667 = vector.broadcast %broadcast_in_dim3A_2666 : i32 to vector<16xi32>
      %get3A_2668 = arith.constant 123 : i32
      %get3A_2669 = arith.index_cast %get3A_2668 : i32 to index
      %get3A_2670 = arith.constant 0 : index
      %get3A_2671 = tpu.vector_load %arg7[%get3A_2669, %get3A_2670] {strides = array<i32>} : memref<128x32xf32, #tpu.memory_space<vmem>>, vector<16xf32>,
      tpu.vector_store_idx %arg9[%select_n3A, %select_n3A_45, %broadcast_in_dim3A_2667], %get3A_2671 : memref<4x8x129xf32, #tpu.memory_space<vmem>>[vector<16xi32>, vector<16xi32>, vector<16xi32>], vector<16xf32>,
      %get3A_2672 = arith.constant 123 : i32
      %get3A_2673 = arith.index_cast %get3A_2672 : i32 to index
      %get3A_2674 = arith.constant 16 : index
      %get3A_2675 = tpu.vector_load %arg7[%get3A_2673, %get3A_2674] {strides = array<i32>} : memref<128x32xf32, #tpu.memory_space<vmem>>, vector<16xf32>,
      tpu.vector_store_idx %arg9[%add3A_48, %select_n3A_45, %broadcast_in_dim3A_2667], %get3A_2675 : memref<4x8x129xf32, #tpu.memory_space<vmem>>[vector<16xi32>, vector<16xi32>, vector<16xi32>], vector<16xf32>,
      %broadcast_in_dim3A_2676 = arith.constant 124 : i32
      %broadcast_in_dim3A_2677 = vector.broadcast %broadcast_in_dim3A_2676 : i32 to vector<16xi32>
      %get3A_2678 = arith.constant 124 : i32
      %get3A_2679 = arith.index_cast %get3A_2678 : i32 to index
      %get3A_2680 = arith.constant 0 : index
      %get3A_2681 = tpu.vector_load %arg7[%get3A_2679, %get3A_2680] {strides = array<i32>} : memref<128x32xf32, #tpu.memory_space<vmem>>, vector<16xf32>,
      tpu.vector_store_idx %arg9[%select_n3A, %select_n3A_45, %broadcast_in_dim3A_2677], %get3A_2681 : memref<4x8x129xf32, #tpu.memory_space<vmem>>[vector<16xi32>, vector<16xi32>, vector<16xi32>], vector<16xf32>,
      %get3A_2682 = arith.constant 124 : i32
      %get3A_2683 = arith.index_cast %get3A_2682 : i32 to index
      %get3A_2684 = arith.constant 16 : index
      %get3A_2685 = tpu.vector_load %arg7[%get3A_2683, %get3A_2684] {strides = array<i32>} : memref<128x32xf32, #tpu.memory_space<vmem>>, vector<16xf32>,
      tpu.vector_store_idx %arg9[%add3A_48, %select_n3A_45, %broadcast_in_dim3A_2677], %get3A_2685 : memref<4x8x129xf32, #tpu.memory_space<vmem>>[vector<16xi32>, vector<16xi32>, vector<16xi32>], vector<16xf32>,
      %broadcast_in_dim3A_2686 = arith.constant 125 : i32
      %broadcast_in_dim3A_2687 = vector.broadcast %broadcast_in_dim3A_2686 : i32 to vector<16xi32>
      %get3A_2688 = arith.constant 125 : i32
      %get3A_2689 = arith.index_cast %get3A_2688 : i32 to index
      %get3A_2690 = arith.constant 0 : index
      %get3A_2691 = tpu.vector_load %arg7[%get3A_2689, %get3A_2690] {strides = array<i32>} : memref<128x32xf32, #tpu.memory_space<vmem>>, vector<16xf32>,
      tpu.vector_store_idx %arg9[%select_n3A, %select_n3A_45, %broadcast_in_dim3A_2687], %get3A_2691 : memref<4x8x129xf32, #tpu.memory_space<vmem>>[vector<16xi32>, vector<16xi32>, vector<16xi32>], vector<16xf32>,
      %get3A_2692 = arith.constant 125 : i32
      %get3A_2693 = arith.index_cast %get3A_2692 : i32 to index
      %get3A_2694 = arith.constant 16 : index
      %get3A_2695 = tpu.vector_load %arg7[%get3A_2693, %get3A_2694] {strides = array<i32>} : memref<128x32xf32, #tpu.memory_space<vmem>>, vector<16xf32>,
      tpu.vector_store_idx %arg9[%add3A_48, %select_n3A_45, %broadcast_in_dim3A_2687], %get3A_2695 : memref<4x8x129xf32, #tpu.memory_space<vmem>>[vector<16xi32>, vector<16xi32>, vector<16xi32>], vector<16xf32>,
      %broadcast_in_dim3A_2696 = arith.constant 126 : i32
      %broadcast_in_dim3A_2697 = vector.broadcast %broadcast_in_dim3A_2696 : i32 to vector<16xi32>
      %get3A_2698 = arith.constant 126 : i32
      %get3A_2699 = arith.index_cast %get3A_2698 : i32 to index
      %get3A_2700 = arith.constant 0 : index
      %get3A_2701 = tpu.vector_load %arg7[%get3A_2699, %get3A_2700] {strides = array<i32>} : memref<128x32xf32, #tpu.memory_space<vmem>>, vector<16xf32>,
      tpu.vector_store_idx %arg9[%select_n3A, %select_n3A_45, %broadcast_in_dim3A_2697], %get3A_2701 : memref<4x8x129xf32, #tpu.memory_space<vmem>>[vector<16xi32>, vector<16xi32>, vector<16xi32>], vector<16xf32>,
      %get3A_2702 = arith.constant 126 : i32
      %get3A_2703 = arith.index_cast %get3A_2702 : i32 to index
      %get3A_2704 = arith.constant 16 : index
      %get3A_2705 = tpu.vector_load %arg7[%get3A_2703, %get3A_2704] {strides = array<i32>} : memref<128x32xf32, #tpu.memory_space<vmem>>, vector<16xf32>,
      tpu.vector_store_idx %arg9[%add3A_48, %select_n3A_45, %broadcast_in_dim3A_2697], %get3A_2705 : memref<4x8x129xf32, #tpu.memory_space<vmem>>[vector<16xi32>, vector<16xi32>, vector<16xi32>], vector<16xf32>,
      %broadcast_in_dim3A_2706 = arith.constant 127 : i32
      %broadcast_in_dim3A_2707 = vector.broadcast %broadcast_in_dim3A_2706 : i32 to vector<16xi32>
      %get3A_2708 = arith.constant 127 : i32
      %get3A_2709 = arith.index_cast %get3A_2708 : i32 to index
      %get3A_2710 = arith.constant 0 : index
      %get3A_2711 = tpu.vector_load %arg7[%get3A_2709, %get3A_2710] {strides = array<i32>} : memref<128x32xf32, #tpu.memory_space<vmem>>, vector<16xf32>,
      tpu.vector_store_idx %arg9[%select_n3A, %select_n3A_45, %broadcast_in_dim3A_2707], %get3A_2711 : memref<4x8x129xf32, #tpu.memory_space<vmem>>[vector<16xi32>, vector<16xi32>, vector<16xi32>], vector<16xf32>,
      %get3A_2712 = arith.constant 127 : i32
      %get3A_2713 = arith.index_cast %get3A_2712 : i32 to index
      %get3A_2714 = arith.constant 16 : index
      %get3A_2715 = tpu.vector_load %arg7[%get3A_2713, %get3A_2714] {strides = array<i32>} : memref<128x32xf32, #tpu.memory_space<vmem>>, vector<16xf32>,
      tpu.vector_store_idx %arg9[%add3A_48, %select_n3A_45, %broadcast_in_dim3A_2707], %get3A_2715 : memref<4x8x129xf32, #tpu.memory_space<vmem>>[vector<16xi32>, vector<16xi32>, vector<16xi32>], vector<16xf32>,
      %dma_start3A_2716 = arith.constant 0 : i32
      %dma_start3A_2717 = arith.constant 0 : i32
      %dma_start3A_2718 = arith.constant 0 : i32
      %dma_start3A_2719 = tpu.memref_slice %arg9[%dma_start3A_2716, %dma_start3A_2717, %dma_start3A_2718] : memref<4x8x129xf32, #tpu.memory_space<vmem>> -> memref<4x8x128xf32, #tpu.memory_space<vmem>>
      %dma_start3A_2720 = arith.constant 0 : i32
      %dma_start3A_2721 = arith.constant 0 : i32
      %dma_start3A_2722 = arith.constant 0 : i32
      %dma_start3A_2723 = tpu.memref_slice %arg4[%add3A_109, %dma_start3A_2720, %add3A, %dma_start3A_2721, %dma_start3A_2722] : memref<200x4x32x8x128xf32, #tpu.memory_space<hbm>> -> memref<1x4x1x8x128xf32, #tpu.memory_space<hbm>>
      %dma_start3A_2724 = tpu.memref_squeeze %dma_start3A_2723 : memref<1x4x1x8x128xf32, #tpu.memory_space<hbm>> -> memref<4x8x128xf32, #tpu.memory_space<hbm>>
      %dma_start3A_2725 = arith.constant 0 : i32
      %dma_start3A_2726 = arith.constant 0 : i32
      %dma_start3A_2727 = arith.constant 0 : i32
      %dma_start3A_2728 = tpu.memref_slice %arg4[%add3A_109, %dma_start3A_2725, %add3A, %dma_start3A_2726, %dma_start3A_2727] : memref<200x4x32x8x128xf32, #tpu.memory_space<hbm>> -> memref<1x4x1x8x128xf32, #tpu.memory_space<hbm>>
      %dma_start3A_2729 = tpu.memref_squeeze %dma_start3A_2728 : memref<1x4x1x8x128xf32, #tpu.memory_space<hbm>> -> memref<4x8x128xf32, #tpu.memory_space<hbm>>
      %dma_start3A_2730 = arith.constant 0 : i32
      %dma_start3A_2731 = arith.constant 0 : i32
      %dma_start3A_2732 = arith.constant 0 : i32
      %dma_start3A_2733 = tpu.memref_slice %arg9[%dma_start3A_2730, %dma_start3A_2731, %dma_start3A_2732] : memref<4x8x129xf32, #tpu.memory_space<vmem>> -> memref<4x8x128xf32, #tpu.memory_space<vmem>>
      tpu.enqueue_dma source(%dma_start3A_2733 : memref<4x8x128xf32, #tpu.memory_space<vmem>>) target(%dma_start3A_2729 : memref<4x8x128xf32, #tpu.memory_space<hbm>>) target_semaphore(%arg14 : memref<!tpu.dma_semaphore, #tpu.memory_space<semaphore_mem>>)
    }
    %scan3A_66 = arith.constant 100 : i32
    %dma_wait3A_67 = arith.constant 198 : i32
    %dma_wait3A_68 = arith.constant 0 : i32
    %dma_wait3A_69 = arith.constant 0 : i32
    %dma_wait3A_70 = arith.constant 0 : i32
    %dma_wait3A_71 = tpu.memref_slice %arg8[%dma_wait3A_68, %dma_wait3A_69, %dma_wait3A_70] : memref<4x8x129xf32, #tpu.memory_space<vmem>> -> memref<4x8x128xf32, #tpu.memory_space<vmem>>
    %dma_wait3A_72 = arith.constant 0 : i32
    %dma_wait3A_73 = arith.constant 0 : i32
    %dma_wait3A_74 = arith.constant 0 : i32
    %dma_wait3A_75 = tpu.memref_slice %arg4[%dma_wait3A_67, %dma_wait3A_72, %add3A, %dma_wait3A_73, %dma_wait3A_74] : memref<200x4x32x8x128xf32, #tpu.memory_space<hbm>> -> memref<1x4x1x8x128xf32, #tpu.memory_space<hbm>>
    %dma_wait3A_76 = tpu.memref_squeeze %dma_wait3A_75 : memref<1x4x1x8x128xf32, #tpu.memory_space<hbm>> -> memref<4x8x128xf32, #tpu.memory_space<hbm>>
    %dma_wait3A_77 = arith.constant 0 : i32
    %dma_wait3A_78 = arith.constant 0 : i32
    %dma_wait3A_79 = arith.constant 0 : i32
    %dma_wait3A_80 = tpu.memref_slice %arg4[%dma_wait3A_67, %dma_wait3A_77, %add3A, %dma_wait3A_78, %dma_wait3A_79] : memref<200x4x32x8x128xf32, #tpu.memory_space<hbm>> -> memref<1x4x1x8x128xf32, #tpu.memory_space<hbm>>
    %dma_wait3A_81 = tpu.memref_squeeze %dma_wait3A_80 : memref<1x4x1x8x128xf32, #tpu.memory_space<hbm>> -> memref<4x8x128xf32, #tpu.memory_space<hbm>>
    %dma_wait3A_82 = arith.constant 0 : i32
    %dma_wait3A_83 = arith.constant 0 : i32
    %dma_wait3A_84 = arith.constant 0 : i32
    %dma_wait3A_85 = tpu.memref_slice %arg8[%dma_wait3A_82, %dma_wait3A_83, %dma_wait3A_84] : memref<4x8x129xf32, #tpu.memory_space<vmem>> -> memref<4x8x128xf32, #tpu.memory_space<vmem>>
    tpu.wait_dma2 semaphore(%arg13 : memref<!tpu.dma_semaphore, #tpu.memory_space<semaphore_mem>>) src(%dma_wait3A_85 : memref<4x8x128xf32, #tpu.memory_space<vmem>>) dst(%dma_wait3A_81 : memref<4x8x128xf32, #tpu.memory_space<hbm>>)
    %dma_wait3A_86 = arith.constant 199 : i32
    %dma_wait3A_87 = arith.constant 0 : i32
    %dma_wait3A_88 = arith.constant 0 : i32
    %dma_wait3A_89 = arith.constant 0 : i32
    %dma_wait3A_90 = tpu.memref_slice %arg9[%dma_wait3A_87, %dma_wait3A_88, %dma_wait3A_89] : memref<4x8x129xf32, #tpu.memory_space<vmem>> -> memref<4x8x128xf32, #tpu.memory_space<vmem>>
    %dma_wait3A_91 = arith.constant 0 : i32
    %dma_wait3A_92 = arith.constant 0 : i32
    %dma_wait3A_93 = arith.constant 0 : i32
    %dma_wait3A_94 = tpu.memref_slice %arg4[%dma_wait3A_86, %dma_wait3A_91, %add3A, %dma_wait3A_92, %dma_wait3A_93] : memref<200x4x32x8x128xf32, #tpu.memory_space<hbm>> -> memref<1x4x1x8x128xf32, #tpu.memory_space<hbm>>
    %dma_wait3A_95 = tpu.memref_squeeze %dma_wait3A_94 : memref<1x4x1x8x128xf32, #tpu.memory_space<hbm>> -> memref<4x8x128xf32, #tpu.memory_space<hbm>>
    %dma_wait3A_96 = arith.constant 0 : i32
    %dma_wait3A_97 = arith.constant 0 : i32
    %dma_wait3A_98 = arith.constant 0 : i32
    %dma_wait3A_99 = tpu.memref_slice %arg4[%dma_wait3A_86, %dma_wait3A_96, %add3A, %dma_wait3A_97, %dma_wait3A_98] : memref<200x4x32x8x128xf32, #tpu.memory_space<hbm>> -> memref<1x4x1x8x128xf32, #tpu.memory_space<hbm>>
    %dma_wait3A_100 = tpu.memref_squeeze %dma_wait3A_99 : memref<1x4x1x8x128xf32, #tpu.memory_space<hbm>> -> memref<4x8x128xf32, #tpu.memory_space<hbm>>
    %dma_wait3A_101 = arith.constant 0 : i32
    %dma_wait3A_102 = arith.constant 0 : i32
    %dma_wait3A_103 = arith.constant 0 : i32
    %dma_wait3A_104 = tpu.memref_slice %arg9[%dma_wait3A_101, %dma_wait3A_102, %dma_wait3A_103] : memref<4x8x129xf32, #tpu.memory_space<vmem>> -> memref<4x8x128xf32, #tpu.memory_space<vmem>>
    tpu.wait_dma2 semaphore(%arg14 : memref<!tpu.dma_semaphore, #tpu.memory_space<semaphore_mem>>) src(%dma_wait3A_104 : memref<4x8x128xf32, #tpu.memory_space<vmem>>) dst(%dma_wait3A_100 : memref<4x8x128xf32, #tpu.memory_space<hbm>>)
    return
  }
}

</mosaic_0001>

<sc_bundles>
// kernel: kernel.3.cloned.1.call-start
scs
__scs_entry_jumppad:
0x0: {  	(pc) =	sbr.rel $0x88, $3  }
0x1: {  	(tag) =	ssettag $0x0;
	lr =	simm.s32 $0x1  }
0x2: {  	[smem:$0x3F9F] =	sst lr;
	_ =	strace $0xD0000000  }
0x3: {  	_ = 	snop  }
0x4: {  	_ = 	snop  }
0x5: {  	_ = 	snop  }
0x6: {  	_ = 	snop  }
0x7: {  	_ = 	snop  }
__scs_overlays_trampoline_lowered:
0x8: {  	[smem:$0x3FAE] =	sst s0  }
0x9: {  	[smem:$0x3FAF] =	sst s1  }
0xa: {  	[smem:$0x3FB0] =	sst s2  }
0xb: {  	[smem:$0x3FB1] =	sst s3  }
0xc: {  	[smem:$0x3FB2] =	sst s4  }
0xd: {  	[smem:$0x3FB3] =	sst s5  }
0xe: {  	[smem:$0x3FB4] =	sst s6  }
0xf: {  	[smem:$0x3FB5] =	sst s7  }
0x10: {  	[smem:$0x3FB6] =	sst s8  }
0x11: {  	[smem:$0x3FB7] =	sst s9;
	s0 =	simm.s32 @!p0 $0x0  }
0x12: {  	s1 =	sld [smem:$0x3F9D];
	s0 =	simm.s32 @p0 $0x1  }
0x13: {  	[smem:$0x3FB8] =	sst s0;
	s0 =	simm.s32 @!p1 $0x0  }
0x14: {  	s2 =	sld [smem:$0x3F9C];
	s0 =	simm.s32 @p1 $0x1  }
0x15: {  	[smem:$0x3FB9] =	sst s0;
	s0 =	simm.s32 @!p2 $0x0  }
0x16: {  	s3 =	sld [smem:$0x3FDB];
	s0 =	simm.s32 @p2 $0x1  }
0x17: {  	s4 =	simm.s32 $0x1BF5;
	[smem:$0x3FBB] =	sst s0  }
0x18: {  	s0 =	sld [smem:$0x3F9E];
	_ =	swait.ge [sflag:s4], $0x0  }
0x19: {  	s7 =	sld [smem:$0x3F9F]  }
0x1a: {  	s8 =	sadd.s32 $0xFFFFE003, lr  }
0x1b: {  	s9 =	sadd.s32 $0xFFFFFEF7, lr;
	s5 =	simm.s32 $0xFFFFFFFF;
	p2 =	slt.u32 s8, $0xFFFFF086  }
0x1c: {  	p1 =	slt.u32 s9, $0xF7A;
	s5 =	simm.s32 @!p2 $0x0  }
0x1d: {  	s5 =	simm.s32 @p1 $0x1;
	p0 =	seq.s32 s7, s2  }
0x1e: {  	s7 =	smul.u32 @!p0 $0xF7A, s2;
	p2 =	seq.s32 @!p0 s5, $0x0  }
0x1f: {  	s9 =	smul.u32 $0xF7A, s1;
	s8 =	simm.s32 @!p0 $0x1BF5;
	p2 =	por !p2, p0  }
0x20: {  	[sflag:s8] =	ssyncset.s32 @!p0 $0xFFFFF086;
	s6 =	sadd.s32 @!p0 s3, s7;
	s7 =	simm.s32 @!p0 $0x108  }
0x21: {  	s3 =	sadd.s32 s3, s9;
	s6 =	sadd.s32 @!p0 $0x88, s6;
	s7 =	simm.s32 @p2 $0x1082  }
0x22: {  	[simem:s7], [sflag:s8] =	dma.local @!p0 [hbm:s6], $0xF7A  }
0x23: {  	s9 =	sor.u32 $0xD0000000, s2;
	s6 =	simm.s32 $0x108;
	_ =	swait.ge @!p0 [sflag:s8], $0x0  }
0x24: {  	s3 =	sadd.s32 $0x88, s3;
	s6 =	simm.s32 @!p1 $0x1082;
	[sflag:s4] =	ssyncset.s32 $0xFFFFF086  }
0x25: {  	[simem:s6], [sflag:s4] =	dma.local [hbm:s3], $0xF7A  }
0x26: {  	[smem:$0x3F9F] =	sst s1;
	(tag) =	ssettag s2;
	_ =	strace s9  }
0x27: {  	s1 =	sld [smem:$0x3FAF]  }
0x28: {  	s2 =	sld [smem:$0x3FB0]  }
0x29: {  	s4 =	sld [smem:$0x3FB2]  }
0x2a: {  	p0 =	seq.s32 s5, $0x0;
	s5 =	sld [smem:$0x3FB3]  }
0x2b: {  	s6 =	sld [smem:$0x3FB4]  }
0x2c: {  	s7 =	sld [smem:$0x3FB5]  }
0x2d: {  	s3 =	simm.s32 $0x108;
	s8 =	sld [smem:$0x3FB6]  }
0x2e: {  	s3 =	simm.s32 @!p0 $0x1082;
	s9 =	sld [smem:$0x3FB7]  }
0x2f: {  	lr =	sadd.s32 s0, s3;
	s0 =	sld [smem:$0x3FAE]  }
0x30: {  	s3 =	sld [smem:$0x3FB1]  }
0x31: {  	[smem:$0x3FBA] =	sst s10  }
0x32: {  	s10 =	sld [smem:$0x3FB8];
	_ =	sdelay $0x3  }
0x33: {  	p0 =	seq.s32 s10, $0x1;
	s10 =	sld [smem:$0x3FBA];
	_ =	sdelay $0x3  }
0x34: {  	[smem:$0x3FBA] =	sst s10  }
0x35: {  	s10 =	sld [smem:$0x3FB9];
	_ =	sdelay $0x3  }
0x36: {  	p1 =	seq.s32 s10, $0x1;
	s10 =	sld [smem:$0x3FBA];
	_ =	sdelay $0x3  }
0x37: {  	[smem:$0x3FBA] =	sst s10  }
0x38: {  	s10 =	sld [smem:$0x3FBB]  }
0x39: {  	_ = 	snop;
	(pc) =	sbr.ind lr, $3  }
0x3a: {  	_ = 	snop  }
0x3b: {  	_ = 	snop  }
0x3c: {  	p2 =	seq.s32 s10, $0x1;
	s10 =	sld [smem:$0x3FBA]  }
0x3d: {  	_ =	shalt  }
0x3e: {  	_ =	shalt  }
0x3f: {  	_ =	shalt  }
0x40: {  	_ =	shalt  }
0x41: {  	_ =	shalt  }
0x42: {  	_ =	shalt  }
0x43: {  	_ =	shalt  }
0x44: {  	_ =	shalt  }
0x45: {  	_ =	shalt  }
0x46: {  	_ =	shalt  }
0x47: {  	_ =	shalt  }
0x48: {  	_ =	shalt  }
0x49: {  	_ =	shalt  }
0x4a: {  	_ =	shalt  }
0x4b: {  	_ =	shalt  }
0x4c: {  	_ =	shalt  }
0x4d: {  	_ =	shalt  }
0x4e: {  	_ =	shalt  }
0x4f: {  	_ =	shalt  }
0x50: {  	_ =	shalt  }
0x51: {  	_ =	shalt  }
0x52: {  	_ =	shalt  }
0x53: {  	_ =	shalt  }
0x54: {  	_ =	shalt  }
0x55: {  	_ =	shalt  }
0x56: {  	_ =	shalt  }
0x57: {  	_ =	shalt  }
0x58: {  	_ =	shalt  }
0x59: {  	_ =	shalt  }
0x5a: {  	_ =	shalt  }
0x5b: {  	_ =	shalt  }
0x5c: {  	_ =	shalt  }
0x5d: {  	_ =	shalt  }
0x5e: {  	_ =	shalt  }
0x5f: {  	_ =	shalt  }
0x60: {  	_ =	shalt  }
0x61: {  	_ =	shalt  }
0x62: {  	_ =	shalt  }
0x63: {  	_ =	shalt  }
0x64: {  	_ =	shalt  }
0x65: {  	_ =	shalt  }
0x66: {  	_ =	shalt  }
0x67: {  	_ =	shalt  }
0x68: {  	_ =	shalt  }
0x69: {  	_ =	shalt  }
0x6a: {  	_ =	shalt  }
0x6b: {  	_ =	shalt  }
0x6c: {  	_ =	shalt  }
0x6d: {  	_ =	shalt  }
0x6e: {  	_ =	shalt  }
0x6f: {  	_ =	shalt  }
0x70: {  	_ =	shalt  }
0x71: {  	_ =	shalt  }
0x72: {  	_ =	shalt  }
0x73: {  	_ =	shalt  }
0x74: {  	_ =	shalt  }
0x75: {  	_ =	shalt  }
0x76: {  	_ =	shalt  }
0x77: {  	_ =	shalt  }
0x78: {  	_ =	shalt  }
0x79: {  	_ =	shalt  }
0x7a: {  	_ =	shalt  }
0x7b: {  	_ =	shalt  }
0x7c: {  	_ =	shalt  }
0x7d: {  	_ =	shalt  }
0x7e: {  	_ =	shalt  }
0x7f: {  	_ =	shalt  }
0x80: {  	_ =	shalt  }
0x81: {  	_ =	shalt  }
0x82: {  	_ =	shalt  }
0x83: {  	_ =	shalt  }
0x84: {  	_ =	shalt  }
0x85: {  	_ =	shalt  }
0x86: {  	_ =	shalt  }
0x87: {  	_ =	shalt  }
.Lfunc_end0:
.L_simem_size_0:
called_computation_lowered:
.L_overlay_start_0:
0x88: {  	s2 =	sld [smem:$0x3FD9]  }
0x89: {  	s3 =	sld [smem:$0x3FFE];
	_ =	sdelay $0x1  }
0x8a: {  	s1 =	srdreg.scid  }
0x8b: {  	s0 =	sand.u32 $0x1, s1  }
0x8c: {  	s17 =	sshll.u32 s0, $0xA;
	s2 =	sadd.s32 s3, s2  }
0x8d: {  	s2 =	sadd.s32 s2, s17  }
0x8e: {  	[smem:$0x3FC6] =	sst s2  }
0x8f: {  	_ = 	snop  }
0x90: {  	s2 =	sld [smem:$0x3FD0];
	(tm) =	ssettm $0x1  }
0x91: {  	s18 =	sld [smem:$0x3FFB];
	_ =	sdelay $0x3  }
0x92: {  	_ =	strace s18  }
0x93: {  	s3 =	sld [smem:$0x3FFC];
	_ =	sdelay $0x3  }
0x94: {  	_ =	strace s3  }
0x95: {  	s3 =	sld [smem:$0x3FFD];
	_ =	sdelay $0x3  }
0x96: {  	_ =	strace s3  }
0x97: {  	_ =	strace $0x8FFFFFFF  }
0x98: {  	s19 =	sld [smem:$0x3FDB];
	_ =	sdelay $0x1  }
0x99: {  	s4 =	simm.s32 $_scs_section_size  }
0x9a: {  	s5 =	simm.s32 $_size__tile_overlayer_lowered;
	s6 =	simm.s32 $_tile_overlayer_lowered  }
0x9b: {  	s22 =	simm.s32 $0x1BFF;
	s21 =	sshll.u32 s6, $0x1;
	s3 =	sadd.s32 s4, s19  }
0x9c: {  	s7 =	simm.s32 $0x0;
	s20 =	sshll.u32 s5, $0x1;
	s5 =	sadd.s32 s21, s3  }
0x9d: {  	[timem:s7], [sflag:s22] =	dma.local [hbm:s5], s20  }
0x9e: {  	_ =	swait.ge [sflag:s22], s20  }
0x9f: {  	s4 =	ssub.s32 $0x0, s20;
	[sflag:s22] =	ssyncset.done $0x0  }
0xa0: {  	[sflag:s22] =	ssyncadd.s32 s4;
	_ =	sdelay $0x1  }
0xa1: {  	s23 =	simm.s32 $0x1B8B  }
0xa2: {  	_ =	swait.ge [sflag:s23], $0x1  }
0xa3: {  	[sflag:s23] =	ssyncset.done $0x0  }
0xa4: {  	s25 =	simm.s32 $0x1B8E;
	s24 =	sld [smem:$0x3FFE];
	[sflag:s23] =	ssyncadd.s32 $0xFFFFFFFF  }
0xa5: {  	s26 =	simm.s32 $execute0_lowered;
	[smem:$0x3FD2] =	sst s25  }
0xa6: {  	s5 =	sshll.u32 s26, $0x1;
	_ =	strace $0x80000046;
	[dreg:$0x1] =	wrdreg $0xFFFFFFFF  }
0xa7: {  	s28 =	simm.s32 $_size_execute0_lowered;
	s3 =	sadd.s32 s3, s5;
	[dreg:$0x0] =	wrdreg $0x0  }
0xa8: {  	s5 =	sshll.u32 s28, $0x1;
	[dreg:$0x2] =	wrdreg s3  }
0xa9: {  	[dreg:$0x3] =	wrdreg s5  }
0xaa: {  	[dreg:$0x4] =	wrdreg $0xC0  }
0xab: {  	_ =	task [dreg:s7], $0x5FFFF  }
0xac: {  	[dreg:$0x1] =	wrdreg $0xFFFFFFFF  }
0xad: {  	[dreg:$0x0] =	wrdreg $0x60  }
0xae: {  	[dreg:$0x2] =	wrdreg s24  }
0xaf: {  	[dreg:$0x3] =	wrdreg s2  }
0xb0: {  	[dreg:$0x4] =	wrdreg $0x9  }
0xb1: {  	_ =	task.clear_ibuf [dreg:s7], $0x5FFFF;
	_ =	strace $0x90000046  }
0xb2: {  	s29 =	simm.s32 $0x9;
	_ =	strace $0x80000048  }
0xb3: {  	_ =	swait.ge [sflag:s29], $0x1  }
0xb4: {  	[sflag:s29] =	ssyncadd.s32 $0xFFFFFFFF  }
0xb5: {  	_ =	strace $0x90000048  }
0xb6: {  	_ =	sfence  }
0xb7: {  	s30 =	sld [smem:$0x0];
	_ =	sdelay $0x2  }
0xb8: {  	s31 =	sshll.u32 s1, $0xD;
	s1 =	sshrl.u32 s1, $0x2  }
0xb9: {  	s3 =	sand.u32 $0x4000, s31;
	s1 =	sadd.s32 s1, s30  }
0xba: {  	s0 =	sor.u32 s3, s0;
	s1 =	sshll.u32 s1, $0x11  }
0xbb: {  	s0 =	sor.u32 s1, s0  }
0xbc: {  	s0 =	sadd.s32 $0x8F2B, s0  }
0xbd: {  	[sflag:s0] =	ssyncadd.remote.s32 $0x1  }
0xbe: {  	_ =	sfence.sel $0xFFFF  }
0xbf: {  	[dreg:$0x0] =	wrdreg $0xFFFFFFFF;
	(pc) =	sbr.abs _section_cstart, $3  }
0xc0: {  	[dreg:$0x1] =	wrdreg $0xFFFFFFFF  }
0xc1: {  	_ =	task.clear_ibuf [dreg:s7], $0x2FFFF;
	_ =	strace $0x9FFFFFFF  }
0xc2: {  	(tm) =	ssettm $0x7FFFFFFF  }
0xc3: {  	_ =	shalt  }
tec
execute0_lowered:
.L_overlay_start_1:
0x0: {  	(tag) =	ssettag $0x1  }
0x1: {  	v0 =	vlaneseq.u32  }
0x2: {  	s2 =	srdreg.scid;
	v0 =	vmul.u32 $0x88, v0  }
0x3: {  	s0 =	rddreg [dreg:$0x0];
	s3 =	sand.u32 $0x1, s2;
	s2 =	simm.s32 $0x0  }
0x4: {  	[smem:$0x7FF] =	sst s2;
	v1 =	vadd.s32 $0x89F, v0  }
0x5: {  	s1 =	rddreg [dreg:$0x1];
	_ =	strace $0x80000047;
	v5 =	vadd.s32 $0x880, v0;
	[tilespmem:$0x1FC10] =	vst v1  }
0x6: {  	v6 =	vor.u32 $0x1, v0;
	[tilespmem:$0x1FC20] =	vst v5  }
0x7: {  	v7 =	vadd.s32 $0x881, v0;
	[tilespmem:$0x1FC30] =	vst v6  }
0x8: {  	v8 =	vor.u32 $0x2, v0;
	[tilespmem:$0x1FC40] =	vst v7  }
0x9: {  	v9 =	vadd.s32 $0x882, v0;
	[tilespmem:$0x1FC50] =	vst v8  }
0xa: {  	v10 =	vor.u32 $0x3, v0;
	[tilespmem:$0x1FC60] =	vst v9  }
0xb: {  	v11 =	vadd.s32 $0x883, v0;
	[tilespmem:$0x1FC70] =	vst v10  }
0xc: {  	v12 =	vor.u32 $0x4, v0;
	[tilespmem:$0x1FC80] =	vst v11  }
0xd: {  	v13 =	vadd.s32 $0x884, v0;
	[tilespmem:$0x1FC90] =	vst v12  }
0xe: {  	v14 =	vor.u32 $0x5, v0;
	[tilespmem:$0x1FCA0] =	vst v13  }
0xf: {  	v15 =	vadd.s32 $0x885, v0;
	[tilespmem:$0x1FCB0] =	vst v14  }
0x10: {  	v16 =	vor.u32 $0x6, v0;
	[tilespmem:$0x1FCC0] =	vst v15  }
0x11: {  	v17 =	vadd.s32 $0x886, v0;
	[tilespmem:$0x1FCD0] =	vst v16  }
0x12: {  	v18 =	vor.u32 $0x7, v0;
	[tilespmem:$0x1FCE0] =	vst v17  }
0x13: {  	v19 =	vadd.s32 $0x887, v0;
	[tilespmem:$0x1FCF0] =	vst v18  }
0x14: {  	v20 =	vadd.s32 $0x8, v0;
	[tilespmem:$0x1FD00] =	vst v19  }
0x15: {  	v21 =	vadd.s32 $0x888, v0;
	[tilespmem:$0x1FD10] =	vst v20  }
0x16: {  	v22 =	vadd.s32 $0x9, v0;
	[tilespmem:$0x1FD20] =	vst v21  }
0x17: {  	v23 =	vadd.s32 $0x889, v0;
	[tilespmem:$0x1FD30] =	vst v22  }
0x18: {  	v24 =	vadd.s32 $0xA, v0;
	[tilespmem:$0x1FD40] =	vst v23  }
0x19: {  	v25 =	vadd.s32 $0x88A, v0;
	[tilespmem:$0x1FD50] =	vst v24  }
0x1a: {  	v26 =	vadd.s32 $0xB, v0;
	[tilespmem:$0x1FD60] =	vst v25  }
0x1b: {  	v27 =	vadd.s32 $0x88B, v0;
	[tilespmem:$0x1FD70] =	vst v26  }
0x1c: {  	v28 =	vadd.s32 $0xC, v0;
	[tilespmem:$0x1FD80] =	vst v27  }
0x1d: {  	v29 =	vadd.s32 $0x88C, v0;
	[tilespmem:$0x1FD90] =	vst v28  }
0x1e: {  	v30 =	vadd.s32 $0xD, v0;
	[tilespmem:$0x1FDA0] =	vst v29  }
0x1f: {  	v31 =	vadd.s32 $0x88D, v0;
	[tilespmem:$0x1FDB0] =	vst v30  }
0x20: {  	v32 =	vadd.s32 $0xE, v0;
	[tilespmem:$0x1FDC0] =	vst v31  }
0x21: {  	v33 =	vadd.s32 $0x88E, v0;
	[tilespmem:$0x1FDD0] =	vst v32  }
0x22: {  	v34 =	vadd.s32 $0xF, v0;
	[tilespmem:$0x1FDE0] =	vst v33  }
0x23: {  	v35 =	vadd.s32 $0x88F, v0;
	[tilespmem:$0x1FDF0] =	vst v34  }
0x24: {  	v36 =	vadd.s32 $0x10, v0;
	[tilespmem:$0x1FE00] =	vst v35  }
0x25: {  	v37 =	vadd.s32 $0x890, v0;
	[tilespmem:$0x1FE10] =	vst v36  }
0x26: {  	v38 =	vadd.s32 $0x11, v0;
	[tilespmem:$0x1FE20] =	vst v37  }
0x27: {  	v39 =	vadd.s32 $0x891, v0;
	[tilespmem:$0x1FE30] =	vst v38  }
0x28: {  	v40 =	vadd.s32 $0x12, v0;
	[tilespmem:$0x1FE40] =	vst v39  }
0x29: {  	v41 =	vadd.s32 $0x892, v0;
	[tilespmem:$0x1FE50] =	vst v40  }
0x2a: {  	v42 =	vadd.s32 $0x13, v0;
	[tilespmem:$0x1FE60] =	vst v41  }
0x2b: {  	v43 =	vadd.s32 $0x893, v0;
	[tilespmem:$0x1FE70] =	vst v42  }
0x2c: {  	v44 =	vadd.s32 $0x14, v0;
	[tilespmem:$0x1FE80] =	vst v43  }
0x2d: {  	v45 =	vadd.s32 $0x894, v0;
	[tilespmem:$0x1FE90] =	vst v44  }
0x2e: {  	v46 =	vadd.s32 $0x15, v0;
	[tilespmem:$0x1FEA0] =	vst v45  }
0x2f: {  	v47 =	vadd.s32 $0x895, v0;
	[tilespmem:$0x1FEB0] =	vst v46  }
0x30: {  	v48 =	vadd.s32 $0x16, v0;
	[tilespmem:$0x1FEC0] =	vst v47  }
0x31: {  	v49 =	vadd.s32 $0x896, v0;
	[tilespmem:$0x1FED0] =	vst v48  }
0x32: {  	v50 =	vadd.s32 $0x17, v0;
	[tilespmem:$0x1FEE0] =	vst v49  }
0x33: {  	v51 =	vadd.s32 $0x897, v0;
	[tilespmem:$0x1FEF0] =	vst v50  }
0x34: {  	s7 =	stileid.u32;
	s12 =	simm.s32 $0x2;
	s14 =	simm.s32 $0x8400;
	v52 =	vadd.s32 $0x18, v0;
	[tilespmem:$0x1FF00] =	vst v51  }
0x35: {  	s20 =	simm.s32 $0x3;
	s10 =	simm.s32 $0x9D80;
	s11 =	simm.s32 $0x9E08;
	v53 =	vadd.s32 $0x898, v0;
	[tilespmem:$0x1FF10] =	vst v52  }
0x36: {  	s13 =	simm.s32 $0x9E90;
	s15 =	simm.s32 $0x9F18;
	s16 =	simm.s32 $0x9FA0;
	v54 =	vadd.s32 $0x19, v0;
	[tilespmem:$0x1FF20] =	vst v53  }
0x37: {  	s17 =	simm.s32 $0xA028;
	s18 =	simm.s32 $0xA0B0;
	s19 =	simm.s32 $0xA138;
	v55 =	vadd.s32 $0x899, v0;
	[tilespmem:$0x1FF30] =	vst v54  }
0x38: {  	s28 =	simm.s32 $0xA3E0;
	s29 =	simm.s32 $0xA468;
	s30 =	simm.s32 $0xA4F0;
	v56 =	vadd.s32 $0x1A, v0;
	[tilespmem:$0x1FF40] =	vst v55  }
0x39: {  	s31 =	simm.s32 $0xA578;
	s4 =	sshll.u32 s7, $0x5;
	s7 =	sshll.u32 s7, $0xB;
	v57 =	vadd.s32 $0x89A, v0;
	[tilespmem:$0x1FF50] =	vst v56  }
0x3a: {  	s5 =	sshll.u32 s3, $0x4;
	s21 =	ssub.s32 $0x2, s3;
	s8 =	sshll.u32 s3, $0xA;
	v58 =	vadd.s32 $0x1B, v0;
	[tilespmem:$0x1FF60] =	vst v57  }
0x3b: {  	s3 =	sadd.s32 $0xF42A00, s0;
	s4 =	sor.u32 s5, s4;
	s6 =	sshrl.u32 s21, $0x1;
	v59 =	vadd.s32 $0x89B, v0;
	[tilespmem:$0x1FF70] =	vst v58  }
0x3c: {  	s23 =	sor.u32 s8, s7;
	s8 =	simm.s32 $0x80;
	s7 =	simm.s32 $0x9CF8;
	v60 =	vadd.s32 $0x1C, v0;
	[tilespmem:$0x1FF80] =	vst v59  }
0x3d: {  	v61 =	vadd.s32 $0x89C, v0;
	s4 =	sadd.s32 s4, s0;
	s22 =	ssub.s32 s21, s6;
	s24 =	sshrl.u32 s23, $0x3;
	[tilespmem:$0x1FF90] =	vst v60  }
0x3e: {  	v62 =	vadd.s32 $0x1D, v0;
	s5 =	sor.u32 $0x20000, s23;
	s21 =	simm.s32 $0x5;
	s23 =	simm.s32 $0xA1C0;
	[tilespmem:$0x1FFA0] =	vst v61  }
.Ltmp0:
0x3f: {  	v63 =	vadd.s32 $0x89D, v0;
	[tilespmem:$0x1FFB0] =	vst v62;
	s4 =	sadd.s32 $0x600, s4;
	s0 =	smax.u32 s22, $0x1;
	(pc) =	sbr.rel .LBB2_1-.Ltmp0, $4  }
0x40: {  	v2 =	vadd.s32 $0x1E, v0;
	[tilespmem:$0x1FFC0] =	vst v63;
	s25 =	sadd.s32 s24, s1;
	s26 =	sshrl.u32 s5, $0x3;
	[dreg:$0x3] =	wrdreg s4  }
0x41: {  	v3 =	vadd.s32 $0x89E, v0;
	[tilespmem:$0x1FFD0] =	vst v2;
	s22 =	simm.s32 $0x9500;
	s24 =	simm.s32 $0xA248;
	[dreg:$0x4] =	wrdreg s0  }
0x42: {  	v4 =	vadd.s32 $0x1F, v0;
	[tilespmem:$0x1FFE0] =	vst v3;
	[dreg:$0x5] =	wrdreg s25;
	s0 =	sadd.s32 s26, s1;
	s25 =	simm.s32 $0xA2D0  }
0x43: {  	[tilespmem:$0x1FFF0] =	vst v4;
	s26 =	simm.s32 $0xA358;
	s1 =	simm.s32 $0x0;
	[dreg:$0x6] =	wrdreg s0  }
.LBB2_7:
0x44: {  	s0 =	simm.s32 $0x4  }
0x45: {  	_ =	swait.ge [sflag:s0], $0x1000  }
0x46: {  	[sflag:s0] =	ssyncset.done $0x0  }
0x47: {  	[sflag:s0] =	ssyncadd.s32 $0xFFFFF000  }
0x48: {  	_ =	swait.ge [sflag:s21], $0x1000  }
0x49: {  	s1 =	rddreg [dreg:$0x7]  }
0x4a: {  	s9 =	rddreg [dreg:$0x4];
	s1 =	sadd.s32 $0x1, s1  }
0x4b: {  	p0 =	sne.s32 s1, s9  }
.Ltmp1:
0x4c: {  	_ = 	snop;
	(pc) =	sbr.rel @!p0 .LBB2_8-.Ltmp1, $3  }
0x4d: {  	_ =	sdelay $0x1  }
0x4e: {  	[sflag:s21] =	ssyncset.done $0x0  }
0x4f: {  	[sflag:s21] =	ssyncadd.s32 $0xFFFFF000  }
.LBB2_1:
0x50: {  	[dreg:$0x7] =	wrdreg s1  }
0x51: {  	s0 =	rddreg [dreg:$0x3];
	s5 =	simm.s32 $0x1000;
	s6 =	simm.s32 $0x1  }
0x52: {  	[tilespmem:s2], [sflag:$0x1] =	stream.strided.gather [hbm4b:s0+s8], $0x6400, s5, s8, $0x38;
	[tilespmem:$0xA600] =	vst v63  }
.Ltmp2:
0x53: {  	_ =	swait.ge [sflag:s6], $0x6400;
	(pc) =	sbr.rel .LBB2_2-.Ltmp2, $4  }
0x54: {  	[sflag:s6] =	ssyncset.done $0x0  }
0x55: {  	s9 =	simm.s32 $0x6400;
	s0 =	rddreg [dreg:$0x6];
	[sflag:s6] =	ssyncadd.s32 $0xFFFF9C00  }
0x56: {  	[tilespmem:s9], [sflag:$0x2] =	stream.indirect.gather [hbm4b:s3+s8], $0x20, s2, s8, $0xb8;
	[tilespmem:$0xA600] =	vst v63  }
0x57: {  	s1 =	rddreg [dreg:$0x5];
	s9 =	simm.s32 $0x0  }
.LBB2_3:
0x58: {  	_ =	swait.ge [sflag:s20], $0x1000  }
0x59: {  	[sflag:s20] =	ssyncset.done $0x0  }
0x5a: {  	[sflag:s20] =	ssyncadd.s32 $0xFFFFF000  }
.LBB2_5:
0x5b: {  	_ =	swait.ge [sflag:s21], $0x1000  }
0x5c: {  	[sflag:s21] =	ssyncset.done $0x0  }
0x5d: {  	[sflag:s21] =	ssyncadd.s32 $0xFFFFF000  }
.LBB2_6:
0x5e: {  	v4 =	vld [tilespmem:$0x7400];
	_ =	sdelay $0x2  }
0x5f: {  	v1 =	vld [tilespmem:$0x1FC20];
	_ =	sdelay $0x1  }
0x60: {  	[tilespmem:v0+s22+$0x0] =	vst.idx.msk $0xffff, v4  }
0x61: {  	v4 =	vld [tilespmem:$0x7410];
	_ =	sdelay $0x2  }
0x62: {  	v6 =	vld [tilespmem:$0x1FC30];
	_ =	sdelay $0x1  }
0x63: {  	[tilespmem:v1+s22+$0x0] =	vst.idx.msk $0xffff, v4  }
0x64: {  	v4 =	vld [tilespmem:$0x7420];
	_ =	sdelay $0x2  }
0x65: {  	v7 =	vld [tilespmem:$0x1FC40];
	_ =	sdelay $0x1  }
0x66: {  	[tilespmem:v6+s22+$0x0] =	vst.idx.msk $0xffff, v4  }
0x67: {  	v4 =	vld [tilespmem:$0x7430];
	_ =	sdelay $0x2  }
0x68: {  	v8 =	vld [tilespmem:$0x1FC50];
	_ =	sdelay $0x1  }
0x69: {  	[tilespmem:v7+s22+$0x0] =	vst.idx.msk $0xffff, v4  }
0x6a: {  	v4 =	vld [tilespmem:$0x7440];
	_ =	sdelay $0x2  }
0x6b: {  	v9 =	vld [tilespmem:$0x1FC60];
	_ =	sdelay $0x1  }
0x6c: {  	[tilespmem:v8+s22+$0x0] =	vst.idx.msk $0xffff, v4  }
0x6d: {  	v4 =	vld [tilespmem:$0x7450];
	_ =	sdelay $0x2  }
0x6e: {  	v10 =	vld [tilespmem:$0x1FC70];
	_ =	sdelay $0x1  }
0x6f: {  	[tilespmem:v9+s22+$0x0] =	vst.idx.msk $0xffff, v4  }
0x70: {  	v4 =	vld [tilespmem:$0x7460];
	_ =	sdelay $0x2  }
0x71: {  	v11 =	vld [tilespmem:$0x1FC80];
	_ =	sdelay $0x1  }
0x72: {  	[tilespmem:v10+s22+$0x0] =	vst.idx.msk $0xffff, v4  }
0x73: {  	v4 =	vld [tilespmem:$0x7470];
	_ =	sdelay $0x2  }
0x74: {  	v12 =	vld [tilespmem:$0x1FC90];
	_ =	sdelay $0x1  }
0x75: {  	[tilespmem:v11+s22+$0x0] =	vst.idx.msk $0xffff, v4  }
0x76: {  	v4 =	vld [tilespmem:$0x7480];
	_ =	sdelay $0x2  }
0x77: {  	v13 =	vld [tilespmem:$0x1FCA0];
	_ =	sdelay $0x1  }
0x78: {  	[tilespmem:v12+s22+$0x0] =	vst.idx.msk $0xffff, v4  }
0x79: {  	v4 =	vld [tilespmem:$0x7490];
	_ =	sdelay $0x2  }
0x7a: {  	v14 =	vld [tilespmem:$0x1FCB0];
	_ =	sdelay $0x1  }
0x7b: {  	[tilespmem:v13+s22+$0x0] =	vst.idx.msk $0xffff, v4  }
0x7c: {  	v4 =	vld [tilespmem:$0x74A0];
	_ =	sdelay $0x2  }
0x7d: {  	v15 =	vld [tilespmem:$0x1FCC0];
	_ =	sdelay $0x1  }
0x7e: {  	[tilespmem:v14+s22+$0x0] =	vst.idx.msk $0xffff, v4  }
0x7f: {  	v4 =	vld [tilespmem:$0x74B0];
	_ =	sdelay $0x2  }
0x80: {  	v16 =	vld [tilespmem:$0x1FCD0];
	_ =	sdelay $0x1  }
0x81: {  	[tilespmem:v15+s22+$0x0] =	vst.idx.msk $0xffff, v4  }
0x82: {  	v4 =	vld [tilespmem:$0x74C0];
	_ =	sdelay $0x2  }
0x83: {  	v17 =	vld [tilespmem:$0x1FCE0];
	_ =	sdelay $0x1  }
0x84: {  	[tilespmem:v16+s22+$0x0] =	vst.idx.msk $0xffff, v4  }
0x85: {  	v4 =	vld [tilespmem:$0x74D0];
	_ =	sdelay $0x2  }
0x86: {  	v18 =	vld [tilespmem:$0x1FCF0];
	_ =	sdelay $0x1  }
0x87: {  	[tilespmem:v17+s22+$0x0] =	vst.idx.msk $0xffff, v4  }
0x88: {  	v4 =	vld [tilespmem:$0x74E0];
	_ =	sdelay $0x2  }
0x89: {  	v19 =	vld [tilespmem:$0x1FD00];
	_ =	sdelay $0x1  }
0x8a: {  	[tilespmem:v18+s22+$0x0] =	vst.idx.msk $0xffff, v4  }
0x8b: {  	v4 =	vld [tilespmem:$0x74F0];
	_ =	sdelay $0x2  }
0x8c: {  	v20 =	vld [tilespmem:$0x1FD10];
	_ =	sdelay $0x1  }
0x8d: {  	[tilespmem:v19+s22+$0x0] =	vst.idx.msk $0xffff, v4  }
0x8e: {  	v4 =	vld [tilespmem:$0x7500];
	_ =	sdelay $0x2  }
0x8f: {  	v21 =	vld [tilespmem:$0x1FD20];
	_ =	sdelay $0x1  }
0x90: {  	[tilespmem:v20+s22+$0x0] =	vst.idx.msk $0xffff, v4  }
0x91: {  	v4 =	vld [tilespmem:$0x7510];
	_ =	sdelay $0x2  }
0x92: {  	v22 =	vld [tilespmem:$0x1FD30];
	_ =	sdelay $0x1  }
0x93: {  	[tilespmem:v21+s22+$0x0] =	vst.idx.msk $0xffff, v4  }
0x94: {  	v4 =	vld [tilespmem:$0x7520];
	_ =	sdelay $0x2  }
0x95: {  	v23 =	vld [tilespmem:$0x1FD40];
	_ =	sdelay $0x1  }
0x96: {  	[tilespmem:v22+s22+$0x0] =	vst.idx.msk $0xffff, v4  }
0x97: {  	v4 =	vld [tilespmem:$0x7530];
	_ =	sdelay $0x2  }
0x98: {  	v24 =	vld [tilespmem:$0x1FD50];
	_ =	sdelay $0x1  }
0x99: {  	[tilespmem:v23+s22+$0x0] =	vst.idx.msk $0xffff, v4  }
0x9a: {  	v4 =	vld [tilespmem:$0x7540];
	_ =	sdelay $0x2  }
0x9b: {  	v25 =	vld [tilespmem:$0x1FD60];
	_ =	sdelay $0x1  }
0x9c: {  	[tilespmem:v24+s22+$0x0] =	vst.idx.msk $0xffff, v4  }
0x9d: {  	v4 =	vld [tilespmem:$0x7550];
	_ =	sdelay $0x2  }
0x9e: {  	v26 =	vld [tilespmem:$0x1FD70];
	_ =	sdelay $0x1  }
0x9f: {  	[tilespmem:v25+s22+$0x0] =	vst.idx.msk $0xffff, v4  }
0xa0: {  	v4 =	vld [tilespmem:$0x7560];
	_ =	sdelay $0x2  }
0xa1: {  	v27 =	vld [tilespmem:$0x1FD80];
	_ =	sdelay $0x1  }
0xa2: {  	[tilespmem:v26+s22+$0x0] =	vst.idx.msk $0xffff, v4  }
0xa3: {  	v4 =	vld [tilespmem:$0x7570];
	_ =	sdelay $0x2  }
0xa4: {  	v28 =	vld [tilespmem:$0x1FD90];
	_ =	sdelay $0x1  }
0xa5: {  	[tilespmem:v27+s22+$0x0] =	vst.idx.msk $0xffff, v4  }
0xa6: {  	v4 =	vld [tilespmem:$0x7580];
	_ =	sdelay $0x2  }
0xa7: {  	v29 =	vld [tilespmem:$0x1FDA0];
	_ =	sdelay $0x1  }
0xa8: {  	[tilespmem:v28+s22+$0x0] =	vst.idx.msk $0xffff, v4  }
0xa9: {  	v4 =	vld [tilespmem:$0x7590];
	_ =	sdelay $0x2  }
0xaa: {  	v30 =	vld [tilespmem:$0x1FDB0];
	_ =	sdelay $0x1  }
0xab: {  	[tilespmem:v29+s22+$0x0] =	vst.idx.msk $0xffff, v4  }
0xac: {  	v4 =	vld [tilespmem:$0x75A0];
	_ =	sdelay $0x2  }
0xad: {  	v31 =	vld [tilespmem:$0x1FDC0];
	_ =	sdelay $0x1  }
0xae: {  	[tilespmem:v30+s22+$0x0] =	vst.idx.msk $0xffff, v4  }
0xaf: {  	v4 =	vld [tilespmem:$0x75B0];
	_ =	sdelay $0x2  }
0xb0: {  	v32 =	vld [tilespmem:$0x1FDD0];
	_ =	sdelay $0x1  }
0xb1: {  	[tilespmem:v31+s22+$0x0] =	vst.idx.msk $0xffff, v4  }
0xb2: {  	v4 =	vld [tilespmem:$0x75C0];
	_ =	sdelay $0x2  }
0xb3: {  	v33 =	vld [tilespmem:$0x1FDE0];
	_ =	sdelay $0x1  }
0xb4: {  	[tilespmem:v32+s22+$0x0] =	vst.idx.msk $0xffff, v4  }
0xb5: {  	v4 =	vld [tilespmem:$0x75D0];
	_ =	sdelay $0x2  }
0xb6: {  	v34 =	vld [tilespmem:$0x1FDF0];
	_ =	sdelay $0x1  }
0xb7: {  	[tilespmem:v33+s22+$0x0] =	vst.idx.msk $0xffff, v4  }
0xb8: {  	v4 =	vld [tilespmem:$0x75E0];
	_ =	sdelay $0x2  }
0xb9: {  	v35 =	vld [tilespmem:$0x1FE00];
	_ =	sdelay $0x1  }
0xba: {  	[tilespmem:v34+s22+$0x0] =	vst.idx.msk $0xffff, v4  }
0xbb: {  	v4 =	vld [tilespmem:$0x75F0];
	_ =	sdelay $0x2  }
0xbc: {  	v36 =	vld [tilespmem:$0x1FE10];
	_ =	sdelay $0x1  }
0xbd: {  	[tilespmem:v35+s22+$0x0] =	vst.idx.msk $0xffff, v4  }
0xbe: {  	v4 =	vld [tilespmem:$0x7600];
	_ =	sdelay $0x2  }
0xbf: {  	v37 =	vld [tilespmem:$0x1FE20];
	_ =	sdelay $0x1  }
0xc0: {  	[tilespmem:v36+s22+$0x0] =	vst.idx.msk $0xffff, v4  }
0xc1: {  	v4 =	vld [tilespmem:$0x7610];
	_ =	sdelay $0x2  }
0xc2: {  	v38 =	vld [tilespmem:$0x1FE30];
	_ =	sdelay $0x1  }
0xc3: {  	[tilespmem:v37+s22+$0x0] =	vst.idx.msk $0xffff, v4  }
0xc4: {  	v4 =	vld [tilespmem:$0x7620];
	_ =	sdelay $0x2  }
0xc5: {  	v39 =	vld [tilespmem:$0x1FE40];
	_ =	sdelay $0x1  }
0xc6: {  	[tilespmem:v38+s22+$0x0] =	vst.idx.msk $0xffff, v4  }
0xc7: {  	v4 =	vld [tilespmem:$0x7630];
	_ =	sdelay $0x2  }
0xc8: {  	v40 =	vld [tilespmem:$0x1FE50];
	_ =	sdelay $0x1  }
0xc9: {  	[tilespmem:v39+s22+$0x0] =	vst.idx.msk $0xffff, v4  }
0xca: {  	v4 =	vld [tilespmem:$0x7640];
	_ =	sdelay $0x2  }
0xcb: {  	v41 =	vld [tilespmem:$0x1FE60];
	_ =	sdelay $0x1  }
0xcc: {  	[tilespmem:v40+s22+$0x0] =	vst.idx.msk $0xffff, v4  }
0xcd: {  	v4 =	vld [tilespmem:$0x7650];
	_ =	sdelay $0x2  }
0xce: {  	v42 =	vld [tilespmem:$0x1FE70];
	_ =	sdelay $0x1  }
0xcf: {  	[tilespmem:v41+s22+$0x0] =	vst.idx.msk $0xffff, v4  }
0xd0: {  	v4 =	vld [tilespmem:$0x7660];
	_ =	sdelay $0x2  }
0xd1: {  	v43 =	vld [tilespmem:$0x1FE80];
	_ =	sdelay $0x1  }
0xd2: {  	[tilespmem:v42+s22+$0x0] =	vst.idx.msk $0xffff, v4  }
0xd3: {  	v4 =	vld [tilespmem:$0x7670];
	_ =	sdelay $0x2  }
0xd4: {  	v44 =	vld [tilespmem:$0x1FE90];
	_ =	sdelay $0x1  }
0xd5: {  	[tilespmem:v43+s22+$0x0] =	vst.idx.msk $0xffff, v4  }
0xd6: {  	v4 =	vld [tilespmem:$0x7680];
	_ =	sdelay $0x2  }
0xd7: {  	v45 =	vld [tilespmem:$0x1FEA0];
	_ =	sdelay $0x1  }
0xd8: {  	[tilespmem:v44+s22+$0x0] =	vst.idx.msk $0xffff, v4  }
0xd9: {  	v4 =	vld [tilespmem:$0x7690];
	_ =	sdelay $0x2  }
0xda: {  	v46 =	vld [tilespmem:$0x1FEB0];
	_ =	sdelay $0x1  }
0xdb: {  	[tilespmem:v45+s22+$0x0] =	vst.idx.msk $0xffff, v4  }
0xdc: {  	v4 =	vld [tilespmem:$0x76A0];
	_ =	sdelay $0x2  }
0xdd: {  	v47 =	vld [tilespmem:$0x1FEC0];
	_ =	sdelay $0x1  }
0xde: {  	[tilespmem:v46+s22+$0x0] =	vst.idx.msk $0xffff, v4  }
0xdf: {  	v4 =	vld [tilespmem:$0x76B0];
	_ =	sdelay $0x2  }
0xe0: {  	v48 =	vld [tilespmem:$0x1FED0];
	_ =	sdelay $0x1  }
0xe1: {  	[tilespmem:v47+s22+$0x0] =	vst.idx.msk $0xffff, v4  }
0xe2: {  	v4 =	vld [tilespmem:$0x76C0];
	_ =	sdelay $0x2  }
0xe3: {  	v49 =	vld [tilespmem:$0x1FEE0];
	_ =	sdelay $0x1  }
0xe4: {  	[tilespmem:v48+s22+$0x0] =	vst.idx.msk $0xffff, v4  }
0xe5: {  	v4 =	vld [tilespmem:$0x76D0];
	_ =	sdelay $0x2  }
0xe6: {  	v50 =	vld [tilespmem:$0x1FEF0];
	_ =	sdelay $0x1  }
0xe7: {  	[tilespmem:v49+s22+$0x0] =	vst.idx.msk $0xffff, v4  }
0xe8: {  	v4 =	vld [tilespmem:$0x76E0];
	_ =	sdelay $0x2  }
0xe9: {  	v51 =	vld [tilespmem:$0x1FF00];
	_ =	sdelay $0x1  }
0xea: {  	[tilespmem:v50+s22+$0x0] =	vst.idx.msk $0xffff, v4  }
0xeb: {  	v4 =	vld [tilespmem:$0x76F0];
	_ =	sdelay $0x2  }
0xec: {  	v52 =	vld [tilespmem:$0x1FF10];
	_ =	sdelay $0x1  }
0xed: {  	[tilespmem:v51+s22+$0x0] =	vst.idx.msk $0xffff, v4  }
0xee: {  	v4 =	vld [tilespmem:$0x7700];
	_ =	sdelay $0x2  }
0xef: {  	v53 =	vld [tilespmem:$0x1FF20];
	_ =	sdelay $0x1  }
0xf0: {  	[tilespmem:v52+s22+$0x0] =	vst.idx.msk $0xffff, v4  }
0xf1: {  	v4 =	vld [tilespmem:$0x7710];
	_ =	sdelay $0x2  }
0xf2: {  	v54 =	vld [tilespmem:$0x1FF30];
	_ =	sdelay $0x1  }
0xf3: {  	[tilespmem:v53+s22+$0x0] =	vst.idx.msk $0xffff, v4  }
0xf4: {  	v4 =	vld [tilespmem:$0x7720];
	_ =	sdelay $0x2  }
0xf5: {  	v55 =	vld [tilespmem:$0x1FF40];
	_ =	sdelay $0x1  }
0xf6: {  	[tilespmem:v54+s22+$0x0] =	vst.idx.msk $0xffff, v4  }
0xf7: {  	v4 =	vld [tilespmem:$0x7730];
	_ =	sdelay $0x2  }
0xf8: {  	v56 =	vld [tilespmem:$0x1FF50];
	_ =	sdelay $0x1  }
0xf9: {  	[tilespmem:v55+s22+$0x0] =	vst.idx.msk $0xffff, v4  }
0xfa: {  	v4 =	vld [tilespmem:$0x7740];
	_ =	sdelay $0x2  }
0xfb: {  	v57 =	vld [tilespmem:$0x1FF60];
	_ =	sdelay $0x1  }
0xfc: {  	[tilespmem:v56+s22+$0x0] =	vst.idx.msk $0xffff, v4  }
0xfd: {  	v4 =	vld [tilespmem:$0x7750];
	_ =	sdelay $0x2  }
0xfe: {  	v58 =	vld [tilespmem:$0x1FF70];
	_ =	sdelay $0x1  }
0xff: {  	[tilespmem:v57+s22+$0x0] =	vst.idx.msk $0xffff, v4  }
0x100: {  	v4 =	vld [tilespmem:$0x7760];
	_ =	sdelay $0x2  }
0x101: {  	v59 =	vld [tilespmem:$0x1FF80];
	_ =	sdelay $0x1  }
0x102: {  	[tilespmem:v58+s22+$0x0] =	vst.idx.msk $0xffff, v4  }
0x103: {  	v4 =	vld [tilespmem:$0x7770];
	_ =	sdelay $0x2  }
0x104: {  	v60 =	vld [tilespmem:$0x1FF90];
	_ =	sdelay $0x1  }
0x105: {  	[tilespmem:v59+s22+$0x0] =	vst.idx.msk $0xffff, v4  }
0x106: {  	v4 =	vld [tilespmem:$0x7780];
	_ =	sdelay $0x2  }
0x107: {  	v61 =	vld [tilespmem:$0x1FFA0];
	_ =	sdelay $0x1  }
0x108: {  	[tilespmem:v60+s22+$0x0] =	vst.idx.msk $0xffff, v4  }
0x109: {  	v4 =	vld [tilespmem:$0x7790];
	_ =	sdelay $0x2  }
0x10a: {  	v62 =	vld [tilespmem:$0x1FFB0];
	_ =	sdelay $0x1  }
0x10b: {  	[tilespmem:v61+s22+$0x0] =	vst.idx.msk $0xffff, v4  }
0x10c: {  	v4 =	vld [tilespmem:$0x77A0];
	_ =	sdelay $0x2  }
0x10d: {  	v63 =	vld [tilespmem:$0x1FFC0];
	_ =	sdelay $0x1  }
0x10e: {  	[tilespmem:v62+s22+$0x0] =	vst.idx.msk $0xffff, v4  }
0x10f: {  	v4 =	vld [tilespmem:$0x77B0];
	_ =	sdelay $0x2  }
0x110: {  	v2 =	vld [tilespmem:$0x1FFD0];
	_ =	sdelay $0x1  }
0x111: {  	[tilespmem:v63+s22+$0x0] =	vst.idx.msk $0xffff, v4  }
0x112: {  	v4 =	vld [tilespmem:$0x77C0];
	_ =	sdelay $0x2  }
0x113: {  	v1 =	vld [tilespmem:$0x1FFE0];
	_ =	sdelay $0x1  }
0x114: {  	[tilespmem:v2+s22+$0x0] =	vst.idx.msk $0xffff, v4  }
0x115: {  	v4 =	vld [tilespmem:$0x77D0];
	_ =	sdelay $0x4  }
0x116: {  	[tilespmem:v1+s22+$0x0] =	vst.idx.msk $0xffff, v4;
	v1 =	vld [tilespmem:$0x1FFF0];
	_ =	sdelay $0x2  }
0x117: {  	v4 =	vld [tilespmem:$0x77E0];
	_ =	sdelay $0x2  }
0x118: {  	v3 =	vld [tilespmem:$0x1FC10];
	_ =	sdelay $0x1  }
0x119: {  	[tilespmem:v1+s22+$0x0] =	vst.idx.msk $0xffff, v4  }
0x11a: {  	v4 =	vld [tilespmem:$0x77F0];
	_ =	sdelay $0x2  }
0x11b: {  	v5 =	vld [tilespmem:$0x1F010];
	_ =	sdelay $0x1  }
0x11c: {  	[tilespmem:v3+s22+$0x0] =	vst.idx.msk $0xffff, v4  }
0x11d: {  	v4 =	vld [tilespmem:$0x7800];
	_ =	sdelay $0x4  }
0x11e: {  	[tilespmem:v5+s22+$0x0] =	vst.idx.msk $0xffff, v4;
	v5 =	vld [tilespmem:$0x1F020];
	_ =	sdelay $0x2  }
0x11f: {  	v4 =	vld [tilespmem:$0x7810];
	_ =	sdelay $0x4  }
0x120: {  	[tilespmem:v5+s22+$0x0] =	vst.idx.msk $0xffff, v4;
	v5 =	vld [tilespmem:$0x1F030];
	_ =	sdelay $0x2  }
0x121: {  	v4 =	vld [tilespmem:$0x7820];
	_ =	sdelay $0x4  }
0x122: {  	[tilespmem:v5+s22+$0x0] =	vst.idx.msk $0xffff, v4;
	v5 =	vld [tilespmem:$0x1F040];
	_ =	sdelay $0x2  }
0x123: {  	v4 =	vld [tilespmem:$0x7830];
	_ =	sdelay $0x4  }
0x124: {  	[tilespmem:v5+s22+$0x0] =	vst.idx.msk $0xffff, v4;
	v5 =	vld [tilespmem:$0x1F050];
	_ =	sdelay $0x2  }
0x125: {  	v4 =	vld [tilespmem:$0x7840];
	_ =	sdelay $0x4  }
0x126: {  	[tilespmem:v5+s22+$0x0] =	vst.idx.msk $0xffff, v4;
	v5 =	vld [tilespmem:$0x1F060];
	_ =	sdelay $0x2  }
0x127: {  	v4 =	vld [tilespmem:$0x7850];
	_ =	sdelay $0x4  }
0x128: {  	[tilespmem:v5+s22+$0x0] =	vst.idx.msk $0xffff, v4;
	v5 =	vld [tilespmem:$0x1F070];
	_ =	sdelay $0x2  }
0x129: {  	v4 =	vld [tilespmem:$0x7860];
	_ =	sdelay $0x4  }
0x12a: {  	[tilespmem:v5+s22+$0x0] =	vst.idx.msk $0xffff, v4;
	v5 =	vld [tilespmem:$0x1F080];
	_ =	sdelay $0x2  }
0x12b: {  	v4 =	vld [tilespmem:$0x7870];
	_ =	sdelay $0x4  }
0x12c: {  	[tilespmem:v5+s22+$0x0] =	vst.idx.msk $0xffff, v4;
	v5 =	vld [tilespmem:$0x1F090];
	_ =	sdelay $0x2  }
0x12d: {  	v4 =	vld [tilespmem:$0x7880];
	_ =	sdelay $0x4  }
0x12e: {  	[tilespmem:v5+s22+$0x0] =	vst.idx.msk $0xffff, v4;
	v5 =	vld [tilespmem:$0x1F0A0];
	_ =	sdelay $0x2  }
0x12f: {  	v4 =	vld [tilespmem:$0x7890];
	_ =	sdelay $0x4  }
0x130: {  	[tilespmem:v5+s22+$0x0] =	vst.idx.msk $0xffff, v4;
	v5 =	vld [tilespmem:$0x1F0B0];
	_ =	sdelay $0x2  }
0x131: {  	v4 =	vld [tilespmem:$0x78A0];
	_ =	sdelay $0x4  }
0x132: {  	[tilespmem:v5+s22+$0x0] =	vst.idx.msk $0xffff, v4;
	v5 =	vld [tilespmem:$0x1F0C0];
	_ =	sdelay $0x2  }
0x133: {  	v4 =	vld [tilespmem:$0x78B0];
	_ =	sdelay $0x4  }
0x134: {  	[tilespmem:v5+s22+$0x0] =	vst.idx.msk $0xffff, v4;
	v5 =	vld [tilespmem:$0x1F0D0];
	_ =	sdelay $0x2  }
0x135: {  	v4 =	vld [tilespmem:$0x78C0];
	_ =	sdelay $0x4  }
0x136: {  	[tilespmem:v5+s22+$0x0] =	vst.idx.msk $0xffff, v4;
	v5 =	vld [tilespmem:$0x1F0E0];
	_ =	sdelay $0x2  }
0x137: {  	v4 =	vld [tilespmem:$0x78D0];
	_ =	sdelay $0x4  }
0x138: {  	[tilespmem:v5+s22+$0x0] =	vst.idx.msk $0xffff, v4;
	v5 =	vld [tilespmem:$0x1F0F0];
	_ =	sdelay $0x2  }
0x139: {  	v4 =	vld [tilespmem:$0x78E0];
	_ =	sdelay $0x4  }
0x13a: {  	[tilespmem:v5+s22+$0x0] =	vst.idx.msk $0xffff, v4;
	v5 =	vld [tilespmem:$0x1F100];
	_ =	sdelay $0x2  }
0x13b: {  	v4 =	vld [tilespmem:$0x78F0];
	_ =	sdelay $0x4  }
0x13c: {  	[tilespmem:v5+s22+$0x0] =	vst.idx.msk $0xffff, v4;
	v5 =	vld [tilespmem:$0x1F110];
	_ =	sdelay $0x2  }
0x13d: {  	v4 =	vld [tilespmem:$0x7900];
	_ =	sdelay $0x4  }
0x13e: {  	[tilespmem:v5+s22+$0x0] =	vst.idx.msk $0xffff, v4;
	v5 =	vld [tilespmem:$0x1F120];
	_ =	sdelay $0x2  }
0x13f: {  	v4 =	vld [tilespmem:$0x7910];
	_ =	sdelay $0x4  }
0x140: {  	[tilespmem:v5+s22+$0x0] =	vst.idx.msk $0xffff, v4;
	v5 =	vld [tilespmem:$0x1F130];
	_ =	sdelay $0x2  }
0x141: {  	v4 =	vld [tilespmem:$0x7920];
	_ =	sdelay $0x4  }
0x142: {  	[tilespmem:v5+s22+$0x0] =	vst.idx.msk $0xffff, v4;
	v5 =	vld [tilespmem:$0x1F140];
	_ =	sdelay $0x2  }
0x143: {  	v4 =	vld [tilespmem:$0x7930];
	_ =	sdelay $0x4  }
0x144: {  	[tilespmem:v5+s22+$0x0] =	vst.idx.msk $0xffff, v4;
	v5 =	vld [tilespmem:$0x1F150];
	_ =	sdelay $0x2  }
0x145: {  	v4 =	vld [tilespmem:$0x7940];
	_ =	sdelay $0x4  }
0x146: {  	[tilespmem:v5+s22+$0x0] =	vst.idx.msk $0xffff, v4;
	v5 =	vld [tilespmem:$0x1F160];
	_ =	sdelay $0x2  }
0x147: {  	v4 =	vld [tilespmem:$0x7950];
	_ =	sdelay $0x4  }
0x148: {  	[tilespmem:v5+s22+$0x0] =	vst.idx.msk $0xffff, v4;
	v5 =	vld [tilespmem:$0x1F170];
	_ =	sdelay $0x2  }
0x149: {  	v4 =	vld [tilespmem:$0x7960];
	_ =	sdelay $0x4  }
0x14a: {  	[tilespmem:v5+s22+$0x0] =	vst.idx.msk $0xffff, v4;
	v5 =	vld [tilespmem:$0x1F180];
	_ =	sdelay $0x2  }
0x14b: {  	v4 =	vld [tilespmem:$0x7970];
	_ =	sdelay $0x4  }
0x14c: {  	[tilespmem:v5+s22+$0x0] =	vst.idx.msk $0xffff, v4;
	v5 =	vld [tilespmem:$0x1F190];
	_ =	sdelay $0x2  }
0x14d: {  	v4 =	vld [tilespmem:$0x7980];
	_ =	sdelay $0x4  }
0x14e: {  	[tilespmem:v5+s22+$0x0] =	vst.idx.msk $0xffff, v4;
	v5 =	vld [tilespmem:$0x1F1A0];
	_ =	sdelay $0x2  }
0x14f: {  	v4 =	vld [tilespmem:$0x7990];
	_ =	sdelay $0x4  }
0x150: {  	[tilespmem:v5+s22+$0x0] =	vst.idx.msk $0xffff, v4;
	v5 =	vld [tilespmem:$0x1F1B0];
	_ =	sdelay $0x2  }
0x151: {  	v4 =	vld [tilespmem:$0x79A0];
	_ =	sdelay $0x4  }
0x152: {  	[tilespmem:v5+s22+$0x0] =	vst.idx.msk $0xffff, v4;
	v5 =	vld [tilespmem:$0x1F1C0];
	_ =	sdelay $0x2  }
0x153: {  	v4 =	vld [tilespmem:$0x79B0];
	_ =	sdelay $0x4  }
0x154: {  	[tilespmem:v5+s22+$0x0] =	vst.idx.msk $0xffff, v4;
	v5 =	vld [tilespmem:$0x1F1D0];
	_ =	sdelay $0x2  }
0x155: {  	v4 =	vld [tilespmem:$0x79C0];
	_ =	sdelay $0x4  }
0x156: {  	[tilespmem:v5+s22+$0x0] =	vst.idx.msk $0xffff, v4;
	v5 =	vld [tilespmem:$0x1F1E0];
	_ =	sdelay $0x2  }
0x157: {  	v4 =	vld [tilespmem:$0x79D0];
	_ =	sdelay $0x4  }
0x158: {  	[tilespmem:v5+s22+$0x0] =	vst.idx.msk $0xffff, v4;
	v5 =	vld [tilespmem:$0x1F1F0];
	_ =	sdelay $0x2  }
0x159: {  	v4 =	vld [tilespmem:$0x79E0];
	_ =	sdelay $0x4  }
0x15a: {  	[tilespmem:v5+s22+$0x0] =	vst.idx.msk $0xffff, v4;
	v5 =	vld [tilespmem:$0x1F200];
	_ =	sdelay $0x2  }
0x15b: {  	v4 =	vld [tilespmem:$0x79F0];
	_ =	sdelay $0x4  }
0x15c: {  	[tilespmem:v5+s22+$0x0] =	vst.idx.msk $0xffff, v4;
	v5 =	vld [tilespmem:$0x1F210];
	_ =	sdelay $0x2  }
0x15d: {  	v4 =	vld [tilespmem:$0x7A00];
	_ =	sdelay $0x4  }
0x15e: {  	[tilespmem:v5+s22+$0x0] =	vst.idx.msk $0xffff, v4;
	v5 =	vld [tilespmem:$0x1F220];
	_ =	sdelay $0x2  }
0x15f: {  	v4 =	vld [tilespmem:$0x7A10];
	_ =	sdelay $0x4  }
0x160: {  	[tilespmem:v5+s22+$0x0] =	vst.idx.msk $0xffff, v4;
	v5 =	vld [tilespmem:$0x1F230];
	_ =	sdelay $0x2  }
0x161: {  	v4 =	vld [tilespmem:$0x7A20];
	_ =	sdelay $0x4  }
0x162: {  	[tilespmem:v5+s22+$0x0] =	vst.idx.msk $0xffff, v4;
	v5 =	vld [tilespmem:$0x1F240];
	_ =	sdelay $0x2  }
0x163: {  	v4 =	vld [tilespmem:$0x7A30];
	_ =	sdelay $0x4  }
0x164: {  	[tilespmem:v5+s22+$0x0] =	vst.idx.msk $0xffff, v4;
	v5 =	vld [tilespmem:$0x1F250];
	_ =	sdelay $0x2  }
0x165: {  	v4 =	vld [tilespmem:$0x7A40];
	_ =	sdelay $0x4  }
0x166: {  	[tilespmem:v5+s22+$0x0] =	vst.idx.msk $0xffff, v4  }
0x167: {  	v5 =	vld [tilespmem:$0x1F260];
	_ =	sdelay $0x2  }
0x168: {  	v4 =	vld [tilespmem:$0x7A50];
	_ =	sdelay $0x4  }
0x169: {  	[tilespmem:v5+s22+$0x0] =	vst.idx.msk $0xffff, v4;
	v5 =	vld [tilespmem:$0x1F270];
	_ =	sdelay $0x2  }
0x16a: {  	v4 =	vld [tilespmem:$0x7A60];
	_ =	sdelay $0x4  }
0x16b: {  	[tilespmem:v5+s22+$0x0] =	vst.idx.msk $0xffff, v4;
	v5 =	vld [tilespmem:$0x1F280];
	_ =	sdelay $0x2  }
0x16c: {  	v4 =	vld [tilespmem:$0x7A70];
	_ =	sdelay $0x4  }
0x16d: {  	[tilespmem:v5+s22+$0x0] =	vst.idx.msk $0xffff, v4;
	v5 =	vld [tilespmem:$0x1F290];
	_ =	sdelay $0x2  }
0x16e: {  	v4 =	vld [tilespmem:$0x7A80];
	_ =	sdelay $0x4  }
0x16f: {  	[tilespmem:v5+s22+$0x0] =	vst.idx.msk $0xffff, v4;
	v5 =	vld [tilespmem:$0x1F2A0];
	_ =	sdelay $0x2  }
0x170: {  	v4 =	vld [tilespmem:$0x7A90];
	_ =	sdelay $0x4  }
0x171: {  	[tilespmem:v5+s22+$0x0] =	vst.idx.msk $0xffff, v4;
	v5 =	vld [tilespmem:$0x1F2B0];
	_ =	sdelay $0x2  }
0x172: {  	v4 =	vld [tilespmem:$0x7AA0];
	_ =	sdelay $0x4  }
0x173: {  	[tilespmem:v5+s22+$0x0] =	vst.idx.msk $0xffff, v4;
	v5 =	vld [tilespmem:$0x1F2C0];
	_ =	sdelay $0x2  }
0x174: {  	v4 =	vld [tilespmem:$0x7AB0];
	_ =	sdelay $0x4  }
0x175: {  	[tilespmem:v5+s22+$0x0] =	vst.idx.msk $0xffff, v4;
	v5 =	vld [tilespmem:$0x1F2D0];
	_ =	sdelay $0x2  }
0x176: {  	v4 =	vld [tilespmem:$0x7AC0];
	_ =	sdelay $0x4  }
0x177: {  	[tilespmem:v5+s22+$0x0] =	vst.idx.msk $0xffff, v4;
	v5 =	vld [tilespmem:$0x1F2E0];
	_ =	sdelay $0x2  }
0x178: {  	v4 =	vld [tilespmem:$0x7AD0];
	_ =	sdelay $0x4  }
0x179: {  	[tilespmem:v5+s22+$0x0] =	vst.idx.msk $0xffff, v4;
	v5 =	vld [tilespmem:$0x1F2F0];
	_ =	sdelay $0x2  }
0x17a: {  	v4 =	vld [tilespmem:$0x7AE0];
	_ =	sdelay $0x4  }
0x17b: {  	[tilespmem:v5+s22+$0x0] =	vst.idx.msk $0xffff, v4;
	v5 =	vld [tilespmem:$0x1F300];
	_ =	sdelay $0x2  }
0x17c: {  	v4 =	vld [tilespmem:$0x7AF0];
	_ =	sdelay $0x4  }
0x17d: {  	[tilespmem:v5+s22+$0x0] =	vst.idx.msk $0xffff, v4;
	v5 =	vld [tilespmem:$0x1F310];
	_ =	sdelay $0x2  }
0x17e: {  	v4 =	vld [tilespmem:$0x7B00];
	_ =	sdelay $0x4  }
0x17f: {  	[tilespmem:v5+s22+$0x0] =	vst.idx.msk $0xffff, v4;
	v5 =	vld [tilespmem:$0x1F320];
	_ =	sdelay $0x2  }
0x180: {  	v4 =	vld [tilespmem:$0x7B10];
	_ =	sdelay $0x4  }
0x181: {  	[tilespmem:v5+s22+$0x0] =	vst.idx.msk $0xffff, v4;
	v5 =	vld [tilespmem:$0x1F330];
	_ =	sdelay $0x2  }
0x182: {  	v4 =	vld [tilespmem:$0x7B20];
	_ =	sdelay $0x4  }
0x183: {  	[tilespmem:v5+s22+$0x0] =	vst.idx.msk $0xffff, v4;
	v5 =	vld [tilespmem:$0x1F340];
	_ =	sdelay $0x2  }
0x184: {  	v4 =	vld [tilespmem:$0x7B30];
	_ =	sdelay $0x4  }
0x185: {  	[tilespmem:v5+s22+$0x0] =	vst.idx.msk $0xffff, v4;
	v5 =	vld [tilespmem:$0x1F350];
	_ =	sdelay $0x2  }
0x186: {  	v4 =	vld [tilespmem:$0x7B40];
	_ =	sdelay $0x4  }
0x187: {  	[tilespmem:v5+s22+$0x0] =	vst.idx.msk $0xffff, v4;
	v5 =	vld [tilespmem:$0x1F360];
	_ =	sdelay $0x2  }
0x188: {  	v4 =	vld [tilespmem:$0x7B50];
	_ =	sdelay $0x4  }
0x189: {  	[tilespmem:v5+s22+$0x0] =	vst.idx.msk $0xffff, v4;
	v5 =	vld [tilespmem:$0x1F370];
	_ =	sdelay $0x2  }
0x18a: {  	v4 =	vld [tilespmem:$0x7B60];
	_ =	sdelay $0x4  }
0x18b: {  	[tilespmem:v5+s22+$0x0] =	vst.idx.msk $0xffff, v4;
	v5 =	vld [tilespmem:$0x1F380];
	_ =	sdelay $0x2  }
0x18c: {  	v4 =	vld [tilespmem:$0x7B70];
	_ =	sdelay $0x4  }
0x18d: {  	[tilespmem:v5+s22+$0x0] =	vst.idx.msk $0xffff, v4;
	v5 =	vld [tilespmem:$0x1F390];
	_ =	sdelay $0x2  }
0x18e: {  	v4 =	vld [tilespmem:$0x7B80];
	_ =	sdelay $0x4  }
0x18f: {  	[tilespmem:v5+s22+$0x0] =	vst.idx.msk $0xffff, v4;
	v5 =	vld [tilespmem:$0x1F3A0];
	_ =	sdelay $0x2  }
0x190: {  	v4 =	vld [tilespmem:$0x7B90];
	_ =	sdelay $0x4  }
0x191: {  	[tilespmem:v5+s22+$0x0] =	vst.idx.msk $0xffff, v4;
	v5 =	vld [tilespmem:$0x1F3B0];
	_ =	sdelay $0x2  }
0x192: {  	v4 =	vld [tilespmem:$0x7BA0];
	_ =	sdelay $0x4  }
0x193: {  	[tilespmem:v5+s22+$0x0] =	vst.idx.msk $0xffff, v4;
	v5 =	vld [tilespmem:$0x1F3C0];
	_ =	sdelay $0x2  }
0x194: {  	v4 =	vld [tilespmem:$0x7BB0];
	_ =	sdelay $0x4  }
0x195: {  	[tilespmem:v5+s22+$0x0] =	vst.idx.msk $0xffff, v4;
	v5 =	vld [tilespmem:$0x1F3D0];
	_ =	sdelay $0x2  }
0x196: {  	v4 =	vld [tilespmem:$0x7BC0];
	_ =	sdelay $0x4  }
0x197: {  	[tilespmem:v5+s22+$0x0] =	vst.idx.msk $0xffff, v4;
	v5 =	vld [tilespmem:$0x1F3E0];
	_ =	sdelay $0x2  }
0x198: {  	v4 =	vld [tilespmem:$0x7BD0];
	_ =	sdelay $0x4  }
0x199: {  	[tilespmem:v5+s22+$0x0] =	vst.idx.msk $0xffff, v4;
	v5 =	vld [tilespmem:$0x1F3F0];
	_ =	sdelay $0x2  }
0x19a: {  	v4 =	vld [tilespmem:$0x7BE0];
	_ =	sdelay $0x4  }
0x19b: {  	[tilespmem:v5+s22+$0x0] =	vst.idx.msk $0xffff, v4;
	v5 =	vld [tilespmem:$0x1F400];
	_ =	sdelay $0x2  }
0x19c: {  	v4 =	vld [tilespmem:$0x7BF0];
	_ =	sdelay $0x4  }
0x19d: {  	[tilespmem:v5+s22+$0x0] =	vst.idx.msk $0xffff, v4;
	v5 =	vld [tilespmem:$0x1F410];
	_ =	sdelay $0x2  }
0x19e: {  	v4 =	vld [tilespmem:$0x7C00];
	_ =	sdelay $0x4  }
0x19f: {  	[tilespmem:v5+s22+$0x0] =	vst.idx.msk $0xffff, v4;
	v5 =	vld [tilespmem:$0x1F420];
	_ =	sdelay $0x2  }
0x1a0: {  	v4 =	vld [tilespmem:$0x7C10];
	_ =	sdelay $0x4  }
0x1a1: {  	[tilespmem:v5+s22+$0x0] =	vst.idx.msk $0xffff, v4;
	v5 =	vld [tilespmem:$0x1F430];
	_ =	sdelay $0x2  }
0x1a2: {  	v4 =	vld [tilespmem:$0x7C20];
	_ =	sdelay $0x4  }
0x1a3: {  	[tilespmem:v5+s22+$0x0] =	vst.idx.msk $0xffff, v4;
	v5 =	vld [tilespmem:$0x1F440];
	_ =	sdelay $0x2  }
0x1a4: {  	v4 =	vld [tilespmem:$0x7C30];
	_ =	sdelay $0x4  }
0x1a5: {  	[tilespmem:v5+s22+$0x0] =	vst.idx.msk $0xffff, v4;
	v5 =	vld [tilespmem:$0x1F450];
	_ =	sdelay $0x2  }
0x1a6: {  	v4 =	vld [tilespmem:$0x7C40];
	_ =	sdelay $0x4  }
0x1a7: {  	[tilespmem:v5+s22+$0x0] =	vst.idx.msk $0xffff, v4;
	v5 =	vld [tilespmem:$0x1F460];
	_ =	sdelay $0x2  }
0x1a8: {  	v4 =	vld [tilespmem:$0x7C50];
	_ =	sdelay $0x4  }
0x1a9: {  	[tilespmem:v5+s22+$0x0] =	vst.idx.msk $0xffff, v4;
	v5 =	vld [tilespmem:$0x1F470];
	_ =	sdelay $0x2  }
0x1aa: {  	v4 =	vld [tilespmem:$0x7C60];
	_ =	sdelay $0x4  }
0x1ab: {  	[tilespmem:v5+s22+$0x0] =	vst.idx.msk $0xffff, v4;
	v5 =	vld [tilespmem:$0x1F480];
	_ =	sdelay $0x2  }
0x1ac: {  	v4 =	vld [tilespmem:$0x7C70];
	_ =	sdelay $0x4  }
0x1ad: {  	[tilespmem:v5+s22+$0x0] =	vst.idx.msk $0xffff, v4;
	v5 =	vld [tilespmem:$0x1F490];
	_ =	sdelay $0x2  }
0x1ae: {  	v4 =	vld [tilespmem:$0x7C80];
	_ =	sdelay $0x4  }
0x1af: {  	[tilespmem:v5+s22+$0x0] =	vst.idx.msk $0xffff, v4;
	v5 =	vld [tilespmem:$0x1F4A0];
	_ =	sdelay $0x2  }
0x1b0: {  	v4 =	vld [tilespmem:$0x7C90];
	_ =	sdelay $0x4  }
0x1b1: {  	[tilespmem:v5+s22+$0x0] =	vst.idx.msk $0xffff, v4;
	v5 =	vld [tilespmem:$0x1F4B0];
	_ =	sdelay $0x2  }
0x1b2: {  	v4 =	vld [tilespmem:$0x7CA0];
	_ =	sdelay $0x4  }
0x1b3: {  	[tilespmem:v5+s22+$0x0] =	vst.idx.msk $0xffff, v4;
	v5 =	vld [tilespmem:$0x1F4C0];
	_ =	sdelay $0x2  }
0x1b4: {  	v4 =	vld [tilespmem:$0x7CB0];
	_ =	sdelay $0x4  }
0x1b5: {  	[tilespmem:v5+s22+$0x0] =	vst.idx.msk $0xffff, v4;
	v5 =	vld [tilespmem:$0x1F4D0];
	_ =	sdelay $0x2  }
0x1b6: {  	v4 =	vld [tilespmem:$0x7CC0];
	_ =	sdelay $0x4  }
0x1b7: {  	[tilespmem:v5+s22+$0x0] =	vst.idx.msk $0xffff, v4;
	v5 =	vld [tilespmem:$0x1F4E0];
	_ =	sdelay $0x2  }
0x1b8: {  	v4 =	vld [tilespmem:$0x7CD0];
	_ =	sdelay $0x4  }
0x1b9: {  	[tilespmem:v5+s22+$0x0] =	vst.idx.msk $0xffff, v4;
	v5 =	vld [tilespmem:$0x1F4F0];
	_ =	sdelay $0x2  }
0x1ba: {  	v4 =	vld [tilespmem:$0x7CE0];
	_ =	sdelay $0x4  }
0x1bb: {  	[tilespmem:v5+s22+$0x0] =	vst.idx.msk $0xffff, v4;
	v5 =	vld [tilespmem:$0x1F500];
	_ =	sdelay $0x2  }
0x1bc: {  	v4 =	vld [tilespmem:$0x7CF0];
	_ =	sdelay $0x4  }
0x1bd: {  	[tilespmem:v5+s22+$0x0] =	vst.idx.msk $0xffff, v4;
	v5 =	vld [tilespmem:$0x1F510];
	_ =	sdelay $0x2  }
0x1be: {  	v4 =	vld [tilespmem:$0x7D00];
	_ =	sdelay $0x4  }
0x1bf: {  	[tilespmem:v5+s22+$0x0] =	vst.idx.msk $0xffff, v4;
	v5 =	vld [tilespmem:$0x1F520];
	_ =	sdelay $0x2  }
0x1c0: {  	v4 =	vld [tilespmem:$0x7D10];
	_ =	sdelay $0x4  }
0x1c1: {  	[tilespmem:v5+s22+$0x0] =	vst.idx.msk $0xffff, v4;
	v5 =	vld [tilespmem:$0x1F530];
	_ =	sdelay $0x2  }
0x1c2: {  	v4 =	vld [tilespmem:$0x7D20];
	_ =	sdelay $0x4  }
0x1c3: {  	[tilespmem:v5+s22+$0x0] =	vst.idx.msk $0xffff, v4;
	v5 =	vld [tilespmem:$0x1F540];
	_ =	sdelay $0x2  }
0x1c4: {  	v4 =	vld [tilespmem:$0x7D30];
	_ =	sdelay $0x4  }
0x1c5: {  	[tilespmem:v5+s22+$0x0] =	vst.idx.msk $0xffff, v4;
	v5 =	vld [tilespmem:$0x1F550];
	_ =	sdelay $0x2  }
0x1c6: {  	v4 =	vld [tilespmem:$0x7D40];
	_ =	sdelay $0x4  }
0x1c7: {  	[tilespmem:v5+s22+$0x0] =	vst.idx.msk $0xffff, v4;
	v5 =	vld [tilespmem:$0x1F560];
	_ =	sdelay $0x2  }
0x1c8: {  	v4 =	vld [tilespmem:$0x7D50];
	_ =	sdelay $0x4  }
0x1c9: {  	[tilespmem:v5+s22+$0x0] =	vst.idx.msk $0xffff, v4;
	v5 =	vld [tilespmem:$0x1F570];
	_ =	sdelay $0x2  }
0x1ca: {  	v4 =	vld [tilespmem:$0x7D60];
	_ =	sdelay $0x4  }
0x1cb: {  	[tilespmem:v5+s22+$0x0] =	vst.idx.msk $0xffff, v4;
	v5 =	vld [tilespmem:$0x1F580];
	_ =	sdelay $0x2  }
0x1cc: {  	v4 =	vld [tilespmem:$0x7D70];
	_ =	sdelay $0x4  }
0x1cd: {  	[tilespmem:v5+s22+$0x0] =	vst.idx.msk $0xffff, v4;
	v5 =	vld [tilespmem:$0x1F590];
	_ =	sdelay $0x2  }
0x1ce: {  	v4 =	vld [tilespmem:$0x7D80];
	_ =	sdelay $0x4  }
0x1cf: {  	[tilespmem:v5+s22+$0x0] =	vst.idx.msk $0xffff, v4;
	v5 =	vld [tilespmem:$0x1F5A0];
	_ =	sdelay $0x2  }
0x1d0: {  	v4 =	vld [tilespmem:$0x7D90];
	_ =	sdelay $0x4  }
0x1d1: {  	[tilespmem:v5+s22+$0x0] =	vst.idx.msk $0xffff, v4;
	v5 =	vld [tilespmem:$0x1F5B0];
	_ =	sdelay $0x2  }
0x1d2: {  	v4 =	vld [tilespmem:$0x7DA0];
	_ =	sdelay $0x4  }
0x1d3: {  	[tilespmem:v5+s22+$0x0] =	vst.idx.msk $0xffff, v4;
	v5 =	vld [tilespmem:$0x1F5C0];
	_ =	sdelay $0x2  }
0x1d4: {  	v4 =	vld [tilespmem:$0x7DB0];
	_ =	sdelay $0x4  }
0x1d5: {  	[tilespmem:v5+s22+$0x0] =	vst.idx.msk $0xffff, v4;
	v5 =	vld [tilespmem:$0x1F5D0];
	_ =	sdelay $0x2  }
0x1d6: {  	v4 =	vld [tilespmem:$0x7DC0];
	_ =	sdelay $0x4  }
0x1d7: {  	[tilespmem:v5+s22+$0x0] =	vst.idx.msk $0xffff, v4;
	v5 =	vld [tilespmem:$0x1F5E0];
	_ =	sdelay $0x2  }
0x1d8: {  	v4 =	vld [tilespmem:$0x7DD0];
	_ =	sdelay $0x4  }
0x1d9: {  	[tilespmem:v5+s22+$0x0] =	vst.idx.msk $0xffff, v4;
	v5 =	vld [tilespmem:$0x1F5F0];
	_ =	sdelay $0x2  }
0x1da: {  	v4 =	vld [tilespmem:$0x7DE0];
	_ =	sdelay $0x4  }
0x1db: {  	[tilespmem:v5+s22+$0x0] =	vst.idx.msk $0xffff, v4;
	v5 =	vld [tilespmem:$0x1F600];
	_ =	sdelay $0x2  }
0x1dc: {  	v4 =	vld [tilespmem:$0x7DF0];
	_ =	sdelay $0x4  }
0x1dd: {  	[tilespmem:v5+s22+$0x0] =	vst.idx.msk $0xffff, v4;
	v5 =	vld [tilespmem:$0x1F610];
	_ =	sdelay $0x2  }
0x1de: {  	v4 =	vld [tilespmem:$0x7E00];
	_ =	sdelay $0x4  }
0x1df: {  	[tilespmem:v5+s22+$0x0] =	vst.idx.msk $0xffff, v4;
	v5 =	vld [tilespmem:$0x1F620];
	_ =	sdelay $0x2  }
0x1e0: {  	v4 =	vld [tilespmem:$0x7E10];
	_ =	sdelay $0x4  }
0x1e1: {  	[tilespmem:v5+s22+$0x0] =	vst.idx.msk $0xffff, v4;
	v5 =	vld [tilespmem:$0x1F630];
	_ =	sdelay $0x2  }
0x1e2: {  	v4 =	vld [tilespmem:$0x7E20];
	_ =	sdelay $0x4  }
0x1e3: {  	[tilespmem:v5+s22+$0x0] =	vst.idx.msk $0xffff, v4;
	v5 =	vld [tilespmem:$0x1F640];
	_ =	sdelay $0x2  }
0x1e4: {  	v4 =	vld [tilespmem:$0x7E30];
	_ =	sdelay $0x4  }
0x1e5: {  	[tilespmem:v5+s22+$0x0] =	vst.idx.msk $0xffff, v4;
	v5 =	vld [tilespmem:$0x1F650];
	_ =	sdelay $0x2  }
0x1e6: {  	v4 =	vld [tilespmem:$0x7E40];
	_ =	sdelay $0x4  }
0x1e7: {  	[tilespmem:v5+s22+$0x0] =	vst.idx.msk $0xffff, v4;
	v5 =	vld [tilespmem:$0x1F660];
	_ =	sdelay $0x2  }
0x1e8: {  	v4 =	vld [tilespmem:$0x7E50];
	_ =	sdelay $0x4  }
0x1e9: {  	[tilespmem:v5+s22+$0x0] =	vst.idx.msk $0xffff, v4;
	v5 =	vld [tilespmem:$0x1F670];
	_ =	sdelay $0x2  }
0x1ea: {  	v4 =	vld [tilespmem:$0x7E60];
	_ =	sdelay $0x4  }
0x1eb: {  	[tilespmem:v5+s22+$0x0] =	vst.idx.msk $0xffff, v4;
	v5 =	vld [tilespmem:$0x1F680];
	_ =	sdelay $0x2  }
0x1ec: {  	v4 =	vld [tilespmem:$0x7E70];
	_ =	sdelay $0x4  }
0x1ed: {  	[tilespmem:v5+s22+$0x0] =	vst.idx.msk $0xffff, v4;
	v5 =	vld [tilespmem:$0x1F690];
	_ =	sdelay $0x2  }
0x1ee: {  	v4 =	vld [tilespmem:$0x7E80];
	_ =	sdelay $0x4  }
0x1ef: {  	[tilespmem:v5+s22+$0x0] =	vst.idx.msk $0xffff, v4;
	v5 =	vld [tilespmem:$0x1F6A0];
	_ =	sdelay $0x2  }
0x1f0: {  	v4 =	vld [tilespmem:$0x7E90];
	_ =	sdelay $0x4  }
0x1f1: {  	[tilespmem:v5+s22+$0x0] =	vst.idx.msk $0xffff, v4;
	v5 =	vld [tilespmem:$0x1F6B0];
	_ =	sdelay $0x2  }
0x1f2: {  	v4 =	vld [tilespmem:$0x7EA0];
	_ =	sdelay $0x4  }
0x1f3: {  	[tilespmem:v5+s22+$0x0] =	vst.idx.msk $0xffff, v4;
	v5 =	vld [tilespmem:$0x1F6C0];
	_ =	sdelay $0x2  }
0x1f4: {  	v4 =	vld [tilespmem:$0x7EB0];
	_ =	sdelay $0x4  }
0x1f5: {  	[tilespmem:v5+s22+$0x0] =	vst.idx.msk $0xffff, v4;
	v5 =	vld [tilespmem:$0x1F6D0];
	_ =	sdelay $0x2  }
0x1f6: {  	v4 =	vld [tilespmem:$0x7EC0];
	_ =	sdelay $0x4  }
0x1f7: {  	[tilespmem:v5+s22+$0x0] =	vst.idx.msk $0xffff, v4;
	v5 =	vld [tilespmem:$0x1F6E0];
	_ =	sdelay $0x2  }
0x1f8: {  	v4 =	vld [tilespmem:$0x7ED0];
	_ =	sdelay $0x4  }
0x1f9: {  	[tilespmem:v5+s22+$0x0] =	vst.idx.msk $0xffff, v4;
	v5 =	vld [tilespmem:$0x1F6F0];
	_ =	sdelay $0x2  }
0x1fa: {  	v4 =	vld [tilespmem:$0x7EE0];
	_ =	sdelay $0x4  }
0x1fb: {  	[tilespmem:v5+s22+$0x0] =	vst.idx.msk $0xffff, v4;
	v5 =	vld [tilespmem:$0x1F700];
	_ =	sdelay $0x2  }
0x1fc: {  	v4 =	vld [tilespmem:$0x7EF0];
	_ =	sdelay $0x4  }
0x1fd: {  	[tilespmem:v5+s22+$0x0] =	vst.idx.msk $0xffff, v4;
	v5 =	vld [tilespmem:$0x1F710];
	_ =	sdelay $0x2  }
0x1fe: {  	v4 =	vld [tilespmem:$0x7F00];
	_ =	sdelay $0x4  }
0x1ff: {  	[tilespmem:v5+s22+$0x0] =	vst.idx.msk $0xffff, v4;
	v5 =	vld [tilespmem:$0x1F720];
	_ =	sdelay $0x2  }
0x200: {  	v4 =	vld [tilespmem:$0x7F10];
	_ =	sdelay $0x4  }
0x201: {  	[tilespmem:v5+s22+$0x0] =	vst.idx.msk $0xffff, v4;
	v5 =	vld [tilespmem:$0x1F730];
	_ =	sdelay $0x2  }
0x202: {  	v4 =	vld [tilespmem:$0x7F20];
	_ =	sdelay $0x4  }
0x203: {  	[tilespmem:v5+s22+$0x0] =	vst.idx.msk $0xffff, v4;
	v5 =	vld [tilespmem:$0x1F740];
	_ =	sdelay $0x2  }
0x204: {  	v4 =	vld [tilespmem:$0x7F30];
	_ =	sdelay $0x4  }
0x205: {  	[tilespmem:v5+s22+$0x0] =	vst.idx.msk $0xffff, v4;
	v5 =	vld [tilespmem:$0x1F750];
	_ =	sdelay $0x2  }
0x206: {  	v4 =	vld [tilespmem:$0x7F40];
	_ =	sdelay $0x4  }
0x207: {  	[tilespmem:v5+s22+$0x0] =	vst.idx.msk $0xffff, v4;
	v5 =	vld [tilespmem:$0x1F760];
	_ =	sdelay $0x2  }
0x208: {  	v4 =	vld [tilespmem:$0x7F50];
	_ =	sdelay $0x4  }
0x209: {  	[tilespmem:v5+s22+$0x0] =	vst.idx.msk $0xffff, v4;
	v5 =	vld [tilespmem:$0x1F770];
	_ =	sdelay $0x2  }
0x20a: {  	v4 =	vld [tilespmem:$0x7F60];
	_ =	sdelay $0x4  }
0x20b: {  	[tilespmem:v5+s22+$0x0] =	vst.idx.msk $0xffff, v4;
	v5 =	vld [tilespmem:$0x1F780];
	_ =	sdelay $0x2  }
0x20c: {  	v4 =	vld [tilespmem:$0x7F70];
	_ =	sdelay $0x4  }
0x20d: {  	[tilespmem:v5+s22+$0x0] =	vst.idx.msk $0xffff, v4;
	v5 =	vld [tilespmem:$0x1F790];
	_ =	sdelay $0x2  }
0x20e: {  	v4 =	vld [tilespmem:$0x7F80];
	_ =	sdelay $0x4  }
0x20f: {  	[tilespmem:v5+s22+$0x0] =	vst.idx.msk $0xffff, v4;
	v5 =	vld [tilespmem:$0x1F7A0];
	_ =	sdelay $0x2  }
0x210: {  	v4 =	vld [tilespmem:$0x7F90];
	_ =	sdelay $0x4  }
0x211: {  	[tilespmem:v5+s22+$0x0] =	vst.idx.msk $0xffff, v4;
	v5 =	vld [tilespmem:$0x1F7B0];
	_ =	sdelay $0x2  }
0x212: {  	v4 =	vld [tilespmem:$0x7FA0];
	_ =	sdelay $0x4  }
0x213: {  	[tilespmem:v5+s22+$0x0] =	vst.idx.msk $0xffff, v4;
	v5 =	vld [tilespmem:$0x1F7C0];
	_ =	sdelay $0x2  }
0x214: {  	v4 =	vld [tilespmem:$0x7FB0];
	_ =	sdelay $0x4  }
0x215: {  	[tilespmem:v5+s22+$0x0] =	vst.idx.msk $0xffff, v4;
	v5 =	vld [tilespmem:$0x1F7D0];
	_ =	sdelay $0x2  }
0x216: {  	v4 =	vld [tilespmem:$0x7FC0];
	_ =	sdelay $0x4  }
0x217: {  	[tilespmem:v5+s22+$0x0] =	vst.idx.msk $0xffff, v4;
	v5 =	vld [tilespmem:$0x1F7E0];
	_ =	sdelay $0x2  }
0x218: {  	v4 =	vld [tilespmem:$0x7FD0];
	_ =	sdelay $0x4  }
0x219: {  	[tilespmem:v5+s22+$0x0] =	vst.idx.msk $0xffff, v4;
	v5 =	vld [tilespmem:$0x1F7F0];
	_ =	sdelay $0x2  }
0x21a: {  	v4 =	vld [tilespmem:$0x7FE0];
	_ =	sdelay $0x4  }
0x21b: {  	[tilespmem:v5+s22+$0x0] =	vst.idx.msk $0xffff, v4;
	v5 =	vld [tilespmem:$0x1F800];
	_ =	sdelay $0x2  }
0x21c: {  	v4 =	vld [tilespmem:$0x7FF0];
	_ =	sdelay $0x4  }
0x21d: {  	[tilespmem:v5+s22+$0x0] =	vst.idx.msk $0xffff, v4;
	v5 =	vld [tilespmem:$0x1F810];
	_ =	sdelay $0x2  }
0x21e: {  	v4 =	vld [tilespmem:$0x8000];
	_ =	sdelay $0x4  }
0x21f: {  	[tilespmem:v5+s22+$0x0] =	vst.idx.msk $0xffff, v4;
	v5 =	vld [tilespmem:$0x1F820];
	_ =	sdelay $0x2  }
0x220: {  	v4 =	vld [tilespmem:$0x8010];
	_ =	sdelay $0x4  }
0x221: {  	[tilespmem:v5+s22+$0x0] =	vst.idx.msk $0xffff, v4;
	v5 =	vld [tilespmem:$0x1F830];
	_ =	sdelay $0x2  }
0x222: {  	v4 =	vld [tilespmem:$0x8020];
	_ =	sdelay $0x4  }
0x223: {  	[tilespmem:v5+s22+$0x0] =	vst.idx.msk $0xffff, v4;
	v5 =	vld [tilespmem:$0x1F840];
	_ =	sdelay $0x2  }
0x224: {  	v4 =	vld [tilespmem:$0x8030];
	_ =	sdelay $0x4  }
0x225: {  	[tilespmem:v5+s22+$0x0] =	vst.idx.msk $0xffff, v4;
	v5 =	vld [tilespmem:$0x1F850];
	_ =	sdelay $0x2  }
0x226: {  	v4 =	vld [tilespmem:$0x8040];
	_ =	sdelay $0x4  }
0x227: {  	[tilespmem:v5+s22+$0x0] =	vst.idx.msk $0xffff, v4;
	v5 =	vld [tilespmem:$0x1F860];
	_ =	sdelay $0x2  }
0x228: {  	v4 =	vld [tilespmem:$0x8050];
	_ =	sdelay $0x4  }
0x229: {  	[tilespmem:v5+s22+$0x0] =	vst.idx.msk $0xffff, v4;
	v5 =	vld [tilespmem:$0x1F870];
	_ =	sdelay $0x2  }
0x22a: {  	v4 =	vld [tilespmem:$0x8060];
	_ =	sdelay $0x4  }
0x22b: {  	[tilespmem:v5+s22+$0x0] =	vst.idx.msk $0xffff, v4;
	v5 =	vld [tilespmem:$0x1F880];
	_ =	sdelay $0x2  }
0x22c: {  	v4 =	vld [tilespmem:$0x8070];
	_ =	sdelay $0x4  }
0x22d: {  	[tilespmem:v5+s22+$0x0] =	vst.idx.msk $0xffff, v4;
	v5 =	vld [tilespmem:$0x1F890];
	_ =	sdelay $0x2  }
0x22e: {  	v4 =	vld [tilespmem:$0x8080];
	_ =	sdelay $0x4  }
0x22f: {  	[tilespmem:v5+s22+$0x0] =	vst.idx.msk $0xffff, v4;
	v5 =	vld [tilespmem:$0x1F8A0];
	_ =	sdelay $0x2  }
0x230: {  	v4 =	vld [tilespmem:$0x8090];
	_ =	sdelay $0x4  }
0x231: {  	[tilespmem:v5+s22+$0x0] =	vst.idx.msk $0xffff, v4;
	v5 =	vld [tilespmem:$0x1F8B0];
	_ =	sdelay $0x2  }
0x232: {  	v4 =	vld [tilespmem:$0x80A0];
	_ =	sdelay $0x4  }
0x233: {  	[tilespmem:v5+s22+$0x0] =	vst.idx.msk $0xffff, v4;
	v5 =	vld [tilespmem:$0x1F8C0];
	_ =	sdelay $0x2  }
0x234: {  	v4 =	vld [tilespmem:$0x80B0];
	_ =	sdelay $0x4  }
0x235: {  	[tilespmem:v5+s22+$0x0] =	vst.idx.msk $0xffff, v4;
	v5 =	vld [tilespmem:$0x1F8D0];
	_ =	sdelay $0x2  }
0x236: {  	v4 =	vld [tilespmem:$0x80C0];
	_ =	sdelay $0x4  }
0x237: {  	[tilespmem:v5+s22+$0x0] =	vst.idx.msk $0xffff, v4;
	v5 =	vld [tilespmem:$0x1F8E0];
	_ =	sdelay $0x2  }
0x238: {  	v4 =	vld [tilespmem:$0x80D0];
	_ =	sdelay $0x4  }
0x239: {  	[tilespmem:v5+s22+$0x0] =	vst.idx.msk $0xffff, v4;
	v5 =	vld [tilespmem:$0x1F8F0];
	_ =	sdelay $0x2  }
0x23a: {  	v4 =	vld [tilespmem:$0x80E0];
	_ =	sdelay $0x4  }
0x23b: {  	[tilespmem:v5+s22+$0x0] =	vst.idx.msk $0xffff, v4;
	v5 =	vld [tilespmem:$0x1F900];
	_ =	sdelay $0x2  }
0x23c: {  	v4 =	vld [tilespmem:$0x80F0];
	_ =	sdelay $0x4  }
0x23d: {  	[tilespmem:v5+s22+$0x0] =	vst.idx.msk $0xffff, v4;
	v5 =	vld [tilespmem:$0x1F910];
	_ =	sdelay $0x2  }
0x23e: {  	v4 =	vld [tilespmem:$0x8100];
	_ =	sdelay $0x4  }
0x23f: {  	[tilespmem:v5+s22+$0x0] =	vst.idx.msk $0xffff, v4;
	v5 =	vld [tilespmem:$0x1F920];
	_ =	sdelay $0x2  }
0x240: {  	v4 =	vld [tilespmem:$0x8110];
	_ =	sdelay $0x4  }
0x241: {  	[tilespmem:v5+s22+$0x0] =	vst.idx.msk $0xffff, v4;
	v5 =	vld [tilespmem:$0x1F930];
	_ =	sdelay $0x2  }
0x242: {  	v4 =	vld [tilespmem:$0x8120];
	_ =	sdelay $0x4  }
0x243: {  	[tilespmem:v5+s22+$0x0] =	vst.idx.msk $0xffff, v4;
	v5 =	vld [tilespmem:$0x1F940];
	_ =	sdelay $0x2  }
0x244: {  	v4 =	vld [tilespmem:$0x8130];
	_ =	sdelay $0x4  }
0x245: {  	[tilespmem:v5+s22+$0x0] =	vst.idx.msk $0xffff, v4;
	v5 =	vld [tilespmem:$0x1F950];
	_ =	sdelay $0x2  }
0x246: {  	v4 =	vld [tilespmem:$0x8140];
	_ =	sdelay $0x4  }
0x247: {  	[tilespmem:v5+s22+$0x0] =	vst.idx.msk $0xffff, v4;
	v5 =	vld [tilespmem:$0x1F960];
	_ =	sdelay $0x2  }
0x248: {  	v4 =	vld [tilespmem:$0x8150];
	_ =	sdelay $0x4  }
0x249: {  	[tilespmem:v5+s22+$0x0] =	vst.idx.msk $0xffff, v4;
	v5 =	vld [tilespmem:$0x1F970];
	_ =	sdelay $0x2  }
0x24a: {  	v4 =	vld [tilespmem:$0x8160];
	_ =	sdelay $0x4  }
0x24b: {  	[tilespmem:v5+s22+$0x0] =	vst.idx.msk $0xffff, v4;
	v5 =	vld [tilespmem:$0x1F980];
	_ =	sdelay $0x2  }
0x24c: {  	v4 =	vld [tilespmem:$0x8170];
	_ =	sdelay $0x4  }
0x24d: {  	[tilespmem:v5+s22+$0x0] =	vst.idx.msk $0xffff, v4;
	v5 =	vld [tilespmem:$0x1F990];
	_ =	sdelay $0x2  }
0x24e: {  	v4 =	vld [tilespmem:$0x8180];
	_ =	sdelay $0x4  }
0x24f: {  	[tilespmem:v5+s22+$0x0] =	vst.idx.msk $0xffff, v4;
	v5 =	vld [tilespmem:$0x1F9A0];
	_ =	sdelay $0x2  }
0x250: {  	v4 =	vld [tilespmem:$0x8190];
	_ =	sdelay $0x4  }
0x251: {  	[tilespmem:v5+s22+$0x0] =	vst.idx.msk $0xffff, v4;
	v5 =	vld [tilespmem:$0x1F9B0];
	_ =	sdelay $0x2  }
0x252: {  	v4 =	vld [tilespmem:$0x81A0];
	_ =	sdelay $0x4  }
0x253: {  	[tilespmem:v5+s22+$0x0] =	vst.idx.msk $0xffff, v4;
	v5 =	vld [tilespmem:$0x1F9C0];
	_ =	sdelay $0x2  }
0x254: {  	v4 =	vld [tilespmem:$0x81B0];
	_ =	sdelay $0x4  }
0x255: {  	[tilespmem:v5+s22+$0x0] =	vst.idx.msk $0xffff, v4;
	v5 =	vld [tilespmem:$0x1F9D0];
	_ =	sdelay $0x2  }
0x256: {  	v4 =	vld [tilespmem:$0x81C0];
	_ =	sdelay $0x4  }
0x257: {  	[tilespmem:v5+s22+$0x0] =	vst.idx.msk $0xffff, v4;
	v5 =	vld [tilespmem:$0x1F9E0];
	_ =	sdelay $0x2  }
0x258: {  	v4 =	vld [tilespmem:$0x81D0];
	_ =	sdelay $0x4  }
0x259: {  	[tilespmem:v5+s22+$0x0] =	vst.idx.msk $0xffff, v4;
	v5 =	vld [tilespmem:$0x1F9F0];
	_ =	sdelay $0x2  }
0x25a: {  	v4 =	vld [tilespmem:$0x81E0];
	_ =	sdelay $0x4  }
0x25b: {  	[tilespmem:v5+s22+$0x0] =	vst.idx.msk $0xffff, v4;
	v5 =	vld [tilespmem:$0x1FA00];
	_ =	sdelay $0x2  }
0x25c: {  	v4 =	vld [tilespmem:$0x81F0];
	_ =	sdelay $0x4  }
0x25d: {  	[tilespmem:v5+s22+$0x0] =	vst.idx.msk $0xffff, v4;
	v5 =	vld [tilespmem:$0x1FA10];
	_ =	sdelay $0x2  }
0x25e: {  	v4 =	vld [tilespmem:$0x8200];
	_ =	sdelay $0x4  }
0x25f: {  	[tilespmem:v5+s22+$0x0] =	vst.idx.msk $0xffff, v4;
	v5 =	vld [tilespmem:$0x1FA20];
	_ =	sdelay $0x2  }
0x260: {  	v4 =	vld [tilespmem:$0x8210];
	_ =	sdelay $0x4  }
0x261: {  	[tilespmem:v5+s22+$0x0] =	vst.idx.msk $0xffff, v4;
	v5 =	vld [tilespmem:$0x1FA30];
	_ =	sdelay $0x2  }
0x262: {  	v4 =	vld [tilespmem:$0x8220];
	_ =	sdelay $0x2  }
0x263: {  	v3 =	vld [tilespmem:$0x1FA40];
	_ =	sdelay $0x1  }
0x264: {  	[tilespmem:v5+s22+$0x0] =	vst.idx.msk $0xffff, v4  }
0x265: {  	v4 =	vld [tilespmem:$0x8230];
	_ =	sdelay $0x4  }
0x266: {  	[tilespmem:v3+s22+$0x0] =	vst.idx.msk $0xffff, v4;
	v3 =	vld [tilespmem:$0x1FA50];
	_ =	sdelay $0x2  }
0x267: {  	v4 =	vld [tilespmem:$0x8240];
	_ =	sdelay $0x4  }
0x268: {  	[tilespmem:v3+s22+$0x0] =	vst.idx.msk $0xffff, v4;
	v3 =	vld [tilespmem:$0x1FA60];
	_ =	sdelay $0x2  }
0x269: {  	v4 =	vld [tilespmem:$0x8250];
	_ =	sdelay $0x4  }
0x26a: {  	[tilespmem:v3+s22+$0x0] =	vst.idx.msk $0xffff, v4;
	v3 =	vld [tilespmem:$0x1FA70];
	_ =	sdelay $0x2  }
0x26b: {  	v4 =	vld [tilespmem:$0x8260];
	_ =	sdelay $0x4  }
0x26c: {  	[tilespmem:v3+s22+$0x0] =	vst.idx.msk $0xffff, v4;
	v3 =	vld [tilespmem:$0x1FA80];
	_ =	sdelay $0x2  }
0x26d: {  	v4 =	vld [tilespmem:$0x8270];
	_ =	sdelay $0x4  }
0x26e: {  	[tilespmem:v3+s22+$0x0] =	vst.idx.msk $0xffff, v4;
	v3 =	vld [tilespmem:$0x1FA90];
	_ =	sdelay $0x2  }
0x26f: {  	v4 =	vld [tilespmem:$0x8280];
	_ =	sdelay $0x4  }
0x270: {  	[tilespmem:v3+s22+$0x0] =	vst.idx.msk $0xffff, v4;
	v3 =	vld [tilespmem:$0x1FAA0];
	_ =	sdelay $0x2  }
0x271: {  	v4 =	vld [tilespmem:$0x8290];
	_ =	sdelay $0x4  }
0x272: {  	[tilespmem:v3+s22+$0x0] =	vst.idx.msk $0xffff, v4;
	v3 =	vld [tilespmem:$0x1FAB0];
	_ =	sdelay $0x2  }
0x273: {  	v4 =	vld [tilespmem:$0x82A0];
	_ =	sdelay $0x4  }
0x274: {  	[tilespmem:v3+s22+$0x0] =	vst.idx.msk $0xffff, v4;
	v3 =	vld [tilespmem:$0x1FAC0];
	_ =	sdelay $0x2  }
0x275: {  	v4 =	vld [tilespmem:$0x82B0];
	_ =	sdelay $0x4  }
0x276: {  	[tilespmem:v3+s22+$0x0] =	vst.idx.msk $0xffff, v4;
	v3 =	vld [tilespmem:$0x1FAD0];
	_ =	sdelay $0x2  }
0x277: {  	v4 =	vld [tilespmem:$0x82C0];
	_ =	sdelay $0x4  }
0x278: {  	[tilespmem:v3+s22+$0x0] =	vst.idx.msk $0xffff, v4;
	v3 =	vld [tilespmem:$0x1FAE0];
	_ =	sdelay $0x2  }
0x279: {  	v4 =	vld [tilespmem:$0x82D0];
	_ =	sdelay $0x4  }
0x27a: {  	[tilespmem:v3+s22+$0x0] =	vst.idx.msk $0xffff, v4;
	v3 =	vld [tilespmem:$0x1FAF0];
	_ =	sdelay $0x2  }
0x27b: {  	v4 =	vld [tilespmem:$0x82E0];
	_ =	sdelay $0x4  }
0x27c: {  	[tilespmem:v3+s22+$0x0] =	vst.idx.msk $0xffff, v4;
	v3 =	vld [tilespmem:$0x1FB00];
	_ =	sdelay $0x2  }
0x27d: {  	v4 =	vld [tilespmem:$0x82F0];
	_ =	sdelay $0x4  }
0x27e: {  	[tilespmem:v3+s22+$0x0] =	vst.idx.msk $0xffff, v4;
	v3 =	vld [tilespmem:$0x1FB10];
	_ =	sdelay $0x2  }
0x27f: {  	v4 =	vld [tilespmem:$0x8300];
	_ =	sdelay $0x4  }
0x280: {  	[tilespmem:v3+s22+$0x0] =	vst.idx.msk $0xffff, v4;
	v3 =	vld [tilespmem:$0x1FB20];
	_ =	sdelay $0x2  }
0x281: {  	v4 =	vld [tilespmem:$0x8310];
	_ =	sdelay $0x4  }
0x282: {  	[tilespmem:v3+s22+$0x0] =	vst.idx.msk $0xffff, v4;
	v3 =	vld [tilespmem:$0x1FB30];
	_ =	sdelay $0x2  }
0x283: {  	v4 =	vld [tilespmem:$0x8320];
	_ =	sdelay $0x4  }
0x284: {  	[tilespmem:v3+s22+$0x0] =	vst.idx.msk $0xffff, v4;
	v3 =	vld [tilespmem:$0x1FB40];
	_ =	sdelay $0x2  }
0x285: {  	v4 =	vld [tilespmem:$0x8330];
	_ =	sdelay $0x4  }
0x286: {  	[tilespmem:v3+s22+$0x0] =	vst.idx.msk $0xffff, v4;
	v3 =	vld [tilespmem:$0x1FB50];
	_ =	sdelay $0x2  }
0x287: {  	v4 =	vld [tilespmem:$0x8340];
	_ =	sdelay $0x4  }
0x288: {  	[tilespmem:v3+s22+$0x0] =	vst.idx.msk $0xffff, v4;
	v3 =	vld [tilespmem:$0x1FB60];
	_ =	sdelay $0x2  }
0x289: {  	v4 =	vld [tilespmem:$0x8350];
	_ =	sdelay $0x4  }
0x28a: {  	[tilespmem:v3+s22+$0x0] =	vst.idx.msk $0xffff, v4;
	v3 =	vld [tilespmem:$0x1FB70];
	_ =	sdelay $0x2  }
0x28b: {  	v4 =	vld [tilespmem:$0x8360];
	_ =	sdelay $0x4  }
0x28c: {  	[tilespmem:v3+s22+$0x0] =	vst.idx.msk $0xffff, v4;
	v3 =	vld [tilespmem:$0x1FB80];
	_ =	sdelay $0x2  }
0x28d: {  	v4 =	vld [tilespmem:$0x8370];
	_ =	sdelay $0x4  }
0x28e: {  	[tilespmem:v3+s22+$0x0] =	vst.idx.msk $0xffff, v4;
	v3 =	vld [tilespmem:$0x1FB90];
	_ =	sdelay $0x2  }
0x28f: {  	v4 =	vld [tilespmem:$0x8380];
	_ =	sdelay $0x4  }
0x290: {  	[tilespmem:v3+s22+$0x0] =	vst.idx.msk $0xffff, v4;
	v3 =	vld [tilespmem:$0x1FBA0];
	_ =	sdelay $0x2  }
0x291: {  	v4 =	vld [tilespmem:$0x8390];
	_ =	sdelay $0x4  }
0x292: {  	[tilespmem:v3+s22+$0x0] =	vst.idx.msk $0xffff, v4;
	v3 =	vld [tilespmem:$0x1FBB0];
	_ =	sdelay $0x2  }
0x293: {  	v4 =	vld [tilespmem:$0x83A0];
	_ =	sdelay $0x4  }
0x294: {  	[tilespmem:v3+s22+$0x0] =	vst.idx.msk $0xffff, v4;
	v3 =	vld [tilespmem:$0x1FBC0];
	_ =	sdelay $0x2  }
0x295: {  	v4 =	vld [tilespmem:$0x83B0];
	_ =	sdelay $0x4  }
0x296: {  	[tilespmem:v3+s22+$0x0] =	vst.idx.msk $0xffff, v4;
	v3 =	vld [tilespmem:$0x1FBD0];
	_ =	sdelay $0x2  }
0x297: {  	v4 =	vld [tilespmem:$0x83C0];
	_ =	sdelay $0x4  }
0x298: {  	[tilespmem:v3+s22+$0x0] =	vst.idx.msk $0xffff, v4;
	v3 =	vld [tilespmem:$0x1FBE0];
	_ =	sdelay $0x2  }
0x299: {  	v4 =	vld [tilespmem:$0x83D0];
	_ =	sdelay $0x4  }
0x29a: {  	[tilespmem:v3+s22+$0x0] =	vst.idx.msk $0xffff, v4;
	v3 =	vld [tilespmem:$0x1FBF0];
	_ =	sdelay $0x2  }
0x29b: {  	v4 =	vmov v1;
	v1 =	vld [tilespmem:$0x83E0];
	_ =	sdelay $0x4  }
0x29c: {  	[tilespmem:v3+s22+$0x0] =	vst.idx.msk $0xffff, v1;
	v3 =	vld [tilespmem:$0x1FC00];
	_ =	sdelay $0x2  }
0x29d: {  	v1 =	vld [tilespmem:$0x83F0];
	_ =	sdelay $0x4  }
0x29e: {  	[tilespmem:v3+s22+$0x0] =	vst.idx.msk $0xffff, v1  }
0x29f: {  	[hbm4b:s0+s2] =	stream.linear.scatter [tilespmem:s22], [sflag:$0x5], $0x80, $0x38;
	[tilespmem:$0xA600] =	vst v63  }
0x2a0: {  	s4 =	sadd.s32 $0x10, s0;
	s5 =	simm.s32 $0x9588  }
0x2a1: {  	[hbm4b:s4+s2] =	stream.linear.scatter [tilespmem:s5], [sflag:$0x5], $0x80, $0x38;
	[tilespmem:$0xA600] =	vst v63  }
0x2a2: {  	s6 =	simm.s32 $0x9610;
	s5 =	sadd.s32 $0x20, s0  }
0x2a3: {  	[hbm4b:s5+s2] =	stream.linear.scatter [tilespmem:s6], [sflag:$0x5], $0x80, $0x38;
	[tilespmem:$0xA600] =	vst v63  }
0x2a4: {  	s5 =	sadd.s32 $0x30, s0;
	s6 =	simm.s32 $0x9698  }
0x2a5: {  	[hbm4b:s5+s2] =	stream.linear.scatter [tilespmem:s6], [sflag:$0x5], $0x80, $0x38;
	[tilespmem:$0xA600] =	vst v63  }
0x2a6: {  	s5 =	sadd.s32 $0x40, s0;
	s6 =	simm.s32 $0x9720  }
0x2a7: {  	[hbm4b:s5+s2] =	stream.linear.scatter [tilespmem:s6], [sflag:$0x5], $0x80, $0x38;
	[tilespmem:$0xA600] =	vst v63  }
0x2a8: {  	s5 =	sadd.s32 $0x50, s0;
	s6 =	simm.s32 $0x97A8  }
0x2a9: {  	[hbm4b:s5+s2] =	stream.linear.scatter [tilespmem:s6], [sflag:$0x5], $0x80, $0x38;
	[tilespmem:$0xA600] =	vst v63  }
0x2aa: {  	s5 =	sadd.s32 $0x60, s0;
	s6 =	simm.s32 $0x9830  }
0x2ab: {  	[hbm4b:s5+s2] =	stream.linear.scatter [tilespmem:s6], [sflag:$0x5], $0x80, $0x38;
	[tilespmem:$0xA600] =	vst v63  }
0x2ac: {  	s5 =	sadd.s32 $0x70, s0;
	s6 =	simm.s32 $0x98B8  }
0x2ad: {  	[hbm4b:s5+s2] =	stream.linear.scatter [tilespmem:s6], [sflag:$0x5], $0x80, $0x38;
	[tilespmem:$0xA600] =	vst v63  }
0x2ae: {  	s5 =	sadd.s32 $0x1000, s0;
	s6 =	simm.s32 $0x9940  }
0x2af: {  	[hbm4b:s5+s2] =	stream.linear.scatter [tilespmem:s6], [sflag:$0x5], $0x80, $0x38;
	[tilespmem:$0xA600] =	vst v63  }
0x2b0: {  	s5 =	sadd.s32 $0x1010, s0;
	s6 =	simm.s32 $0x99C8  }
0x2b1: {  	[hbm4b:s5+s2] =	stream.linear.scatter [tilespmem:s6], [sflag:$0x5], $0x80, $0x38;
	[tilespmem:$0xA600] =	vst v63  }
0x2b2: {  	s5 =	sadd.s32 $0x1020, s0;
	s6 =	simm.s32 $0x9A50  }
0x2b3: {  	[hbm4b:s5+s2] =	stream.linear.scatter [tilespmem:s6], [sflag:$0x5], $0x80, $0x38;
	[tilespmem:$0xA600] =	vst v63  }
0x2b4: {  	s5 =	sadd.s32 $0x1030, s0;
	s6 =	simm.s32 $0x9AD8  }
0x2b5: {  	[hbm4b:s5+s2] =	stream.linear.scatter [tilespmem:s6], [sflag:$0x5], $0x80, $0x38;
	[tilespmem:$0xA600] =	vst v63  }
0x2b6: {  	s5 =	sadd.s32 $0x1040, s0;
	s6 =	simm.s32 $0x9B60  }
0x2b7: {  	[hbm4b:s5+s2] =	stream.linear.scatter [tilespmem:s6], [sflag:$0x5], $0x80, $0x38;
	[tilespmem:$0xA600] =	vst v63  }
0x2b8: {  	s5 =	sadd.s32 $0x1050, s0;
	s6 =	simm.s32 $0x9BE8  }
0x2b9: {  	[hbm4b:s5+s2] =	stream.linear.scatter [tilespmem:s6], [sflag:$0x5], $0x80, $0x38;
	[tilespmem:$0xA600] =	vst v63  }
0x2ba: {  	s5 =	sadd.s32 $0x1060, s0;
	s6 =	simm.s32 $0x9C70  }
0x2bb: {  	[hbm4b:s5+s2] =	stream.linear.scatter [tilespmem:s6], [sflag:$0x5], $0x80, $0x38;
	[tilespmem:$0xA600] =	vst v63  }
0x2bc: {  	s6 =	sadd.s32 $0x1070, s0  }
0x2bd: {  	[hbm4b:s6+s2] =	stream.linear.scatter [tilespmem:s7], [sflag:$0x5], $0x80, $0x38;
	[tilespmem:$0xA600] =	vst v63  }
0x2be: {  	s5 =	sadd.s32 $0x2000, s0  }
0x2bf: {  	[hbm4b:s5+s2] =	stream.linear.scatter [tilespmem:s10], [sflag:$0x5], $0x80, $0x38;
	[tilespmem:$0xA600] =	vst v63  }
0x2c0: {  	s6 =	sadd.s32 $0x2010, s0  }
0x2c1: {  	[hbm4b:s6+s2] =	stream.linear.scatter [tilespmem:s11], [sflag:$0x5], $0x80, $0x38;
	[tilespmem:$0xA600] =	vst v63  }
0x2c2: {  	s5 =	sadd.s32 $0x2020, s0  }
0x2c3: {  	[hbm4b:s5+s2] =	stream.linear.scatter [tilespmem:s13], [sflag:$0x5], $0x80, $0x38;
	[tilespmem:$0xA600] =	vst v63  }
0x2c4: {  	s6 =	sadd.s32 $0x2030, s0  }
0x2c5: {  	[hbm4b:s6+s2] =	stream.linear.scatter [tilespmem:s15], [sflag:$0x5], $0x80, $0x38;
	[tilespmem:$0xA600] =	vst v63  }
0x2c6: {  	s5 =	sadd.s32 $0x2040, s0  }
0x2c7: {  	[hbm4b:s5+s2] =	stream.linear.scatter [tilespmem:s16], [sflag:$0x5], $0x80, $0x38;
	[tilespmem:$0xA600] =	vst v63  }
0x2c8: {  	s6 =	sadd.s32 $0x2050, s0  }
0x2c9: {  	[hbm4b:s6+s2] =	stream.linear.scatter [tilespmem:s17], [sflag:$0x5], $0x80, $0x38;
	[tilespmem:$0xA600] =	vst v63  }
0x2ca: {  	s5 =	sadd.s32 $0x2060, s0  }
0x2cb: {  	[hbm4b:s5+s2] =	stream.linear.scatter [tilespmem:s18], [sflag:$0x5], $0x80, $0x38;
	[tilespmem:$0xA600] =	vst v63  }
0x2cc: {  	s6 =	sadd.s32 $0x2070, s0  }
0x2cd: {  	[hbm4b:s6+s2] =	stream.linear.scatter [tilespmem:s19], [sflag:$0x5], $0x80, $0x38;
	[tilespmem:$0xA600] =	vst v63  }
0x2ce: {  	s5 =	sadd.s32 $0x3000, s0  }
0x2cf: {  	[hbm4b:s5+s2] =	stream.linear.scatter [tilespmem:s23], [sflag:$0x5], $0x80, $0x38;
	[tilespmem:$0xA600] =	vst v63  }
0x2d0: {  	s6 =	sadd.s32 $0x3010, s0  }
0x2d1: {  	[hbm4b:s6+s2] =	stream.linear.scatter [tilespmem:s24], [sflag:$0x5], $0x80, $0x38;
	[tilespmem:$0xA600] =	vst v63  }
0x2d2: {  	s5 =	sadd.s32 $0x3020, s0  }
0x2d3: {  	[hbm4b:s5+s2] =	stream.linear.scatter [tilespmem:s25], [sflag:$0x5], $0x80, $0x38;
	[tilespmem:$0xA600] =	vst v63  }
0x2d4: {  	s6 =	sadd.s32 $0x3030, s0  }
0x2d5: {  	[hbm4b:s6+s2] =	stream.linear.scatter [tilespmem:s26], [sflag:$0x5], $0x80, $0x38;
	[tilespmem:$0xA600] =	vst v63  }
0x2d6: {  	s9 =	sadd.s32 $0x400, s9;
	s5 =	sadd.s32 $0x3040, s0  }
0x2d7: {  	[hbm4b:s5+s2] =	stream.linear.scatter [tilespmem:s28], [sflag:$0x5], $0x80, $0x38;
	[tilespmem:$0xA600] =	vst v63  }
0x2d8: {  	p0 =	sne.s32 s9, $0x19000;
	s6 =	sadd.s32 $0x3050, s0  }
0x2d9: {  	[hbm4b:s6+s2] =	stream.linear.scatter [tilespmem:s29], [sflag:$0x5], $0x80, $0x38;
	[tilespmem:$0xA600] =	vst v63  }
.Ltmp3:
0x2da: {  	_ = 	snop;
	(pc) =	sbr.rel @!p0 .LBB2_7-.Ltmp3, $4  }
0x2db: {  	s5 =	sadd.s32 $0x3060, s0  }
0x2dc: {  	[hbm4b:s5+s2] =	stream.linear.scatter [tilespmem:s30], [sflag:$0x5], $0x80, $0x38;
	[tilespmem:$0xA600] =	vst v63  }
0x2dd: {  	s1 =	sadd.s32 $0x8000, s1;
	v5 =	vld [tilespmem:$0x1FC20];
	s6 =	sadd.s32 $0x3070, s0;
	s0 =	sadd.s32 $0x8000, s0  }
0x2de: {  	v3 =	vld [tilespmem:$0x1FFE0];
	[hbm4b:s6+s2] =	stream.linear.scatter [tilespmem:s31], [sflag:$0x5], $0x80, $0x38  }
.LBB2_2:
0x2df: {  	_ =	swait.ge [sflag:s12], $0x1000  }
0x2e0: {  	s4 =	sshra.s32 s9, $0x2;
	s6 =	simm.s32 $0x7400;
	[sflag:s12] =	ssyncset.done $0x0  }
0x2e1: {  	p0 =	seq.s32 s9, $0x0;
	s5 =	sadd.s32 $0x80, s4;
	[sflag:s12] =	ssyncadd.s32 $0xFFFFF000  }
0x2e2: {  	[tilespmem:s6], [sflag:$0x3] =	stream.indirect.gather [hbm4b:s3+s8], $0x20, s5, s8, $0xb8;
	[tilespmem:$0xA600] =	vst v63  }
0x2e3: {  	s5 =	simm.s32 @!p0 $0x4  }
0x2e4: {  	_ =	swait.ge @!p0 [sflag:s5], $0x1000  }
0x2e5: {  	[sflag:s5] =	ssyncset.done @!p0 $0x0  }
0x2e6: {  	[sflag:s5] =	ssyncadd.s32 @!p0 $0xFFFFF000  }
0x2e7: {  	v1 =	vld [tilespmem:$0x6400];
	_ =	sdelay $0x4  }
0x2e8: {  	[tilespmem:v0+s14+$0x0] =	vst.idx.msk $0xffff, v1  }
0x2e9: {  	v1 =	vld [tilespmem:$0x6410];
	_ =	sdelay $0x4  }
0x2ea: {  	[tilespmem:v5+s14+$0x0] =	vst.idx.msk $0xffff, v1  }
0x2eb: {  	v1 =	vld [tilespmem:$0x6420];
	_ =	sdelay $0x4  }
0x2ec: {  	[tilespmem:v6+s14+$0x0] =	vst.idx.msk $0xffff, v1  }
0x2ed: {  	v1 =	vld [tilespmem:$0x6430];
	_ =	sdelay $0x4  }
0x2ee: {  	[tilespmem:v7+s14+$0x0] =	vst.idx.msk $0xffff, v1  }
0x2ef: {  	v1 =	vld [tilespmem:$0x6440];
	_ =	sdelay $0x4  }
0x2f0: {  	[tilespmem:v8+s14+$0x0] =	vst.idx.msk $0xffff, v1  }
0x2f1: {  	v1 =	vld [tilespmem:$0x6450];
	_ =	sdelay $0x4  }
0x2f2: {  	[tilespmem:v9+s14+$0x0] =	vst.idx.msk $0xffff, v1  }
0x2f3: {  	v1 =	vld [tilespmem:$0x6460];
	_ =	sdelay $0x4  }
0x2f4: {  	[tilespmem:v10+s14+$0x0] =	vst.idx.msk $0xffff, v1  }
0x2f5: {  	v1 =	vld [tilespmem:$0x6470];
	_ =	sdelay $0x4  }
0x2f6: {  	[tilespmem:v11+s14+$0x0] =	vst.idx.msk $0xffff, v1  }
0x2f7: {  	v1 =	vld [tilespmem:$0x6480];
	_ =	sdelay $0x4  }
0x2f8: {  	[tilespmem:v12+s14+$0x0] =	vst.idx.msk $0xffff, v1  }
0x2f9: {  	v1 =	vld [tilespmem:$0x6490];
	_ =	sdelay $0x4  }
0x2fa: {  	[tilespmem:v13+s14+$0x0] =	vst.idx.msk $0xffff, v1  }
0x2fb: {  	v1 =	vld [tilespmem:$0x64A0];
	_ =	sdelay $0x4  }
0x2fc: {  	[tilespmem:v14+s14+$0x0] =	vst.idx.msk $0xffff, v1  }
0x2fd: {  	v1 =	vld [tilespmem:$0x64B0];
	_ =	sdelay $0x4  }
0x2fe: {  	[tilespmem:v15+s14+$0x0] =	vst.idx.msk $0xffff, v1  }
0x2ff: {  	v1 =	vld [tilespmem:$0x64C0];
	_ =	sdelay $0x4  }
0x300: {  	[tilespmem:v16+s14+$0x0] =	vst.idx.msk $0xffff, v1  }
0x301: {  	v1 =	vld [tilespmem:$0x64D0];
	_ =	sdelay $0x4  }
0x302: {  	[tilespmem:v17+s14+$0x0] =	vst.idx.msk $0xffff, v1  }
0x303: {  	v1 =	vld [tilespmem:$0x64E0];
	_ =	sdelay $0x4  }
0x304: {  	[tilespmem:v18+s14+$0x0] =	vst.idx.msk $0xffff, v1  }
0x305: {  	v1 =	vld [tilespmem:$0x64F0];
	_ =	sdelay $0x4  }
0x306: {  	[tilespmem:v19+s14+$0x0] =	vst.idx.msk $0xffff, v1  }
0x307: {  	v1 =	vld [tilespmem:$0x6500];
	_ =	sdelay $0x4  }
0x308: {  	[tilespmem:v20+s14+$0x0] =	vst.idx.msk $0xffff, v1  }
0x309: {  	v1 =	vld [tilespmem:$0x6510];
	_ =	sdelay $0x4  }
0x30a: {  	[tilespmem:v21+s14+$0x0] =	vst.idx.msk $0xffff, v1  }
0x30b: {  	v1 =	vld [tilespmem:$0x6520];
	_ =	sdelay $0x4  }
0x30c: {  	[tilespmem:v22+s14+$0x0] =	vst.idx.msk $0xffff, v1  }
0x30d: {  	v1 =	vld [tilespmem:$0x6530];
	_ =	sdelay $0x4  }
0x30e: {  	[tilespmem:v23+s14+$0x0] =	vst.idx.msk $0xffff, v1  }
0x30f: {  	v1 =	vld [tilespmem:$0x6540];
	_ =	sdelay $0x4  }
0x310: {  	[tilespmem:v24+s14+$0x0] =	vst.idx.msk $0xffff, v1  }
0x311: {  	v1 =	vld [tilespmem:$0x6550];
	_ =	sdelay $0x4  }
0x312: {  	[tilespmem:v25+s14+$0x0] =	vst.idx.msk $0xffff, v1  }
0x313: {  	v1 =	vld [tilespmem:$0x6560];
	_ =	sdelay $0x4  }
0x314: {  	[tilespmem:v26+s14+$0x0] =	vst.idx.msk $0xffff, v1  }
0x315: {  	v1 =	vld [tilespmem:$0x6570];
	_ =	sdelay $0x4  }
0x316: {  	[tilespmem:v27+s14+$0x0] =	vst.idx.msk $0xffff, v1  }
0x317: {  	v1 =	vld [tilespmem:$0x6580];
	_ =	sdelay $0x4  }
0x318: {  	[tilespmem:v28+s14+$0x0] =	vst.idx.msk $0xffff, v1  }
0x319: {  	v1 =	vld [tilespmem:$0x6590];
	_ =	sdelay $0x4  }
0x31a: {  	[tilespmem:v29+s14+$0x0] =	vst.idx.msk $0xffff, v1  }
0x31b: {  	v1 =	vld [tilespmem:$0x65A0];
	_ =	sdelay $0x4  }
0x31c: {  	[tilespmem:v30+s14+$0x0] =	vst.idx.msk $0xffff, v1  }
0x31d: {  	v1 =	vld [tilespmem:$0x65B0];
	_ =	sdelay $0x4  }
0x31e: {  	[tilespmem:v31+s14+$0x0] =	vst.idx.msk $0xffff, v1  }
0x31f: {  	v1 =	vld [tilespmem:$0x65C0];
	_ =	sdelay $0x4  }
0x320: {  	[tilespmem:v32+s14+$0x0] =	vst.idx.msk $0xffff, v1  }
0x321: {  	v1 =	vld [tilespmem:$0x65D0];
	_ =	sdelay $0x4  }
0x322: {  	[tilespmem:v33+s14+$0x0] =	vst.idx.msk $0xffff, v1  }
0x323: {  	v1 =	vld [tilespmem:$0x65E0];
	_ =	sdelay $0x4  }
0x324: {  	[tilespmem:v34+s14+$0x0] =	vst.idx.msk $0xffff, v1  }
0x325: {  	v1 =	vld [tilespmem:$0x65F0];
	_ =	sdelay $0x4  }
0x326: {  	[tilespmem:v35+s14+$0x0] =	vst.idx.msk $0xffff, v1  }
0x327: {  	v1 =	vld [tilespmem:$0x6600];
	_ =	sdelay $0x4  }
0x328: {  	[tilespmem:v36+s14+$0x0] =	vst.idx.msk $0xffff, v1  }
0x329: {  	v1 =	vld [tilespmem:$0x6610];
	_ =	sdelay $0x4  }
0x32a: {  	[tilespmem:v37+s14+$0x0] =	vst.idx.msk $0xffff, v1  }
0x32b: {  	v1 =	vld [tilespmem:$0x6620];
	_ =	sdelay $0x4  }
0x32c: {  	[tilespmem:v38+s14+$0x0] =	vst.idx.msk $0xffff, v1  }
0x32d: {  	v1 =	vld [tilespmem:$0x6630];
	_ =	sdelay $0x4  }
0x32e: {  	[tilespmem:v39+s14+$0x0] =	vst.idx.msk $0xffff, v1  }
0x32f: {  	v1 =	vld [tilespmem:$0x6640];
	_ =	sdelay $0x4  }
0x330: {  	[tilespmem:v40+s14+$0x0] =	vst.idx.msk $0xffff, v1  }
0x331: {  	v1 =	vld [tilespmem:$0x6650];
	_ =	sdelay $0x4  }
0x332: {  	[tilespmem:v41+s14+$0x0] =	vst.idx.msk $0xffff, v1  }
0x333: {  	v1 =	vld [tilespmem:$0x6660];
	_ =	sdelay $0x4  }
0x334: {  	[tilespmem:v42+s14+$0x0] =	vst.idx.msk $0xffff, v1  }
0x335: {  	v1 =	vld [tilespmem:$0x6670];
	_ =	sdelay $0x4  }
0x336: {  	[tilespmem:v43+s14+$0x0] =	vst.idx.msk $0xffff, v1  }
0x337: {  	v1 =	vld [tilespmem:$0x6680];
	_ =	sdelay $0x4  }
0x338: {  	[tilespmem:v44+s14+$0x0] =	vst.idx.msk $0xffff, v1  }
0x339: {  	v1 =	vld [tilespmem:$0x6690];
	_ =	sdelay $0x4  }
0x33a: {  	[tilespmem:v45+s14+$0x0] =	vst.idx.msk $0xffff, v1  }
0x33b: {  	v1 =	vld [tilespmem:$0x66A0];
	_ =	sdelay $0x4  }
0x33c: {  	[tilespmem:v46+s14+$0x0] =	vst.idx.msk $0xffff, v1  }
0x33d: {  	v1 =	vld [tilespmem:$0x66B0];
	_ =	sdelay $0x4  }
0x33e: {  	[tilespmem:v47+s14+$0x0] =	vst.idx.msk $0xffff, v1  }
0x33f: {  	v1 =	vld [tilespmem:$0x66C0];
	_ =	sdelay $0x4  }
0x340: {  	[tilespmem:v48+s14+$0x0] =	vst.idx.msk $0xffff, v1  }
0x341: {  	v1 =	vld [tilespmem:$0x66D0];
	_ =	sdelay $0x4  }
0x342: {  	[tilespmem:v49+s14+$0x0] =	vst.idx.msk $0xffff, v1  }
0x343: {  	v1 =	vld [tilespmem:$0x66E0];
	_ =	sdelay $0x4  }
0x344: {  	[tilespmem:v50+s14+$0x0] =	vst.idx.msk $0xffff, v1  }
0x345: {  	v1 =	vld [tilespmem:$0x66F0];
	_ =	sdelay $0x4  }
0x346: {  	[tilespmem:v51+s14+$0x0] =	vst.idx.msk $0xffff, v1  }
0x347: {  	v1 =	vld [tilespmem:$0x6700];
	_ =	sdelay $0x4  }
0x348: {  	[tilespmem:v52+s14+$0x0] =	vst.idx.msk $0xffff, v1  }
0x349: {  	v1 =	vld [tilespmem:$0x6710];
	_ =	sdelay $0x4  }
0x34a: {  	[tilespmem:v53+s14+$0x0] =	vst.idx.msk $0xffff, v1  }
0x34b: {  	v1 =	vld [tilespmem:$0x6720];
	_ =	sdelay $0x4  }
0x34c: {  	[tilespmem:v54+s14+$0x0] =	vst.idx.msk $0xffff, v1  }
0x34d: {  	v1 =	vld [tilespmem:$0x6730];
	_ =	sdelay $0x4  }
0x34e: {  	[tilespmem:v55+s14+$0x0] =	vst.idx.msk $0xffff, v1  }
0x34f: {  	v1 =	vld [tilespmem:$0x6740];
	_ =	sdelay $0x4  }
0x350: {  	[tilespmem:v56+s14+$0x0] =	vst.idx.msk $0xffff, v1  }
0x351: {  	v1 =	vld [tilespmem:$0x6750];
	_ =	sdelay $0x4  }
0x352: {  	[tilespmem:v57+s14+$0x0] =	vst.idx.msk $0xffff, v1  }
0x353: {  	v1 =	vld [tilespmem:$0x6760];
	_ =	sdelay $0x4  }
0x354: {  	[tilespmem:v58+s14+$0x0] =	vst.idx.msk $0xffff, v1  }
0x355: {  	v1 =	vld [tilespmem:$0x6770];
	_ =	sdelay $0x4  }
0x356: {  	[tilespmem:v59+s14+$0x0] =	vst.idx.msk $0xffff, v1  }
0x357: {  	v1 =	vld [tilespmem:$0x6780];
	_ =	sdelay $0x4  }
0x358: {  	[tilespmem:v60+s14+$0x0] =	vst.idx.msk $0xffff, v1  }
0x359: {  	v1 =	vld [tilespmem:$0x6790];
	_ =	sdelay $0x4  }
0x35a: {  	[tilespmem:v61+s14+$0x0] =	vst.idx.msk $0xffff, v1  }
0x35b: {  	v1 =	vld [tilespmem:$0x67A0];
	_ =	sdelay $0x4  }
0x35c: {  	[tilespmem:v62+s14+$0x0] =	vst.idx.msk $0xffff, v1  }
0x35d: {  	v1 =	vld [tilespmem:$0x67B0];
	_ =	sdelay $0x4  }
0x35e: {  	[tilespmem:v63+s14+$0x0] =	vst.idx.msk $0xffff, v1  }
0x35f: {  	v1 =	vld [tilespmem:$0x67C0];
	_ =	sdelay $0x4  }
0x360: {  	[tilespmem:v2+s14+$0x0] =	vst.idx.msk $0xffff, v1  }
0x361: {  	v1 =	vld [tilespmem:$0x67D0];
	_ =	sdelay $0x4  }
0x362: {  	[tilespmem:v3+s14+$0x0] =	vst.idx.msk $0xffff, v1  }
0x363: {  	v1 =	vld [tilespmem:$0x67E0];
	_ =	sdelay $0x2  }
0x364: {  	v2 =	vld [tilespmem:$0x1FC10];
	_ =	sdelay $0x1  }
0x365: {  	[tilespmem:v4+s14+$0x0] =	vst.idx.msk $0xffff, v1  }
0x366: {  	v1 =	vld [tilespmem:$0x67F0];
	_ =	sdelay $0x4  }
0x367: {  	[tilespmem:v2+s14+$0x0] =	vst.idx.msk $0xffff, v1  }
0x368: {  	v2 =	vadd.s32 $0x20, v0;
	v1 =	vld [tilespmem:$0x6800];
	_ =	sdelay $0x4  }
0x369: {  	[tilespmem:v2+s14+$0x0] =	vst.idx.msk $0xffff, v1  }
0x36a: {  	[tilespmem:$0x1F010] =	vst v2;
	v2 =	vadd.s32 $0x8A0, v0;
	v1 =	vld [tilespmem:$0x6810];
	_ =	sdelay $0x4  }
0x36b: {  	[tilespmem:v2+s14+$0x0] =	vst.idx.msk $0xffff, v1  }
0x36c: {  	[tilespmem:$0x1F020] =	vst v2;
	v2 =	vadd.s32 $0x21, v0;
	v1 =	vld [tilespmem:$0x6820];
	_ =	sdelay $0x4  }
0x36d: {  	[tilespmem:v2+s14+$0x0] =	vst.idx.msk $0xffff, v1  }
0x36e: {  	[tilespmem:$0x1F030] =	vst v2;
	v2 =	vadd.s32 $0x8A1, v0;
	v1 =	vld [tilespmem:$0x6830];
	_ =	sdelay $0x4  }
0x36f: {  	[tilespmem:v2+s14+$0x0] =	vst.idx.msk $0xffff, v1  }
0x370: {  	[tilespmem:$0x1F040] =	vst v2;
	v2 =	vadd.s32 $0x22, v0;
	v1 =	vld [tilespmem:$0x6840];
	_ =	sdelay $0x4  }
0x371: {  	[tilespmem:v2+s14+$0x0] =	vst.idx.msk $0xffff, v1  }
0x372: {  	[tilespmem:$0x1F050] =	vst v2;
	v2 =	vadd.s32 $0x8A2, v0;
	v1 =	vld [tilespmem:$0x6850];
	_ =	sdelay $0x4  }
0x373: {  	[tilespmem:v2+s14+$0x0] =	vst.idx.msk $0xffff, v1  }
0x374: {  	[tilespmem:$0x1F060] =	vst v2;
	v2 =	vadd.s32 $0x23, v0;
	v1 =	vld [tilespmem:$0x6860];
	_ =	sdelay $0x4  }
0x375: {  	[tilespmem:v2+s14+$0x0] =	vst.idx.msk $0xffff, v1  }
0x376: {  	[tilespmem:$0x1F070] =	vst v2;
	v2 =	vadd.s32 $0x8A3, v0;
	v1 =	vld [tilespmem:$0x6870];
	_ =	sdelay $0x4  }
0x377: {  	[tilespmem:v2+s14+$0x0] =	vst.idx.msk $0xffff, v1  }
0x378: {  	[tilespmem:$0x1F080] =	vst v2;
	v2 =	vadd.s32 $0x24, v0;
	v1 =	vld [tilespmem:$0x6880];
	_ =	sdelay $0x4  }
0x379: {  	[tilespmem:v2+s14+$0x0] =	vst.idx.msk $0xffff, v1  }
0x37a: {  	[tilespmem:$0x1F090] =	vst v2;
	v2 =	vadd.s32 $0x8A4, v0;
	v1 =	vld [tilespmem:$0x6890];
	_ =	sdelay $0x4  }
0x37b: {  	[tilespmem:v2+s14+$0x0] =	vst.idx.msk $0xffff, v1  }
0x37c: {  	[tilespmem:$0x1F0A0] =	vst v2;
	v2 =	vadd.s32 $0x25, v0;
	v1 =	vld [tilespmem:$0x68A0];
	_ =	sdelay $0x4  }
0x37d: {  	[tilespmem:v2+s14+$0x0] =	vst.idx.msk $0xffff, v1  }
0x37e: {  	[tilespmem:$0x1F0B0] =	vst v2;
	v2 =	vadd.s32 $0x8A5, v0;
	v1 =	vld [tilespmem:$0x68B0];
	_ =	sdelay $0x4  }
0x37f: {  	[tilespmem:v2+s14+$0x0] =	vst.idx.msk $0xffff, v1  }
0x380: {  	[tilespmem:$0x1F0C0] =	vst v2;
	v2 =	vadd.s32 $0x26, v0;
	v1 =	vld [tilespmem:$0x68C0];
	_ =	sdelay $0x4  }
0x381: {  	[tilespmem:v2+s14+$0x0] =	vst.idx.msk $0xffff, v1  }
0x382: {  	[tilespmem:$0x1F0D0] =	vst v2;
	v2 =	vadd.s32 $0x8A6, v0;
	v1 =	vld [tilespmem:$0x68D0];
	_ =	sdelay $0x4  }
0x383: {  	[tilespmem:v2+s14+$0x0] =	vst.idx.msk $0xffff, v1  }
0x384: {  	[tilespmem:$0x1F0E0] =	vst v2;
	v2 =	vadd.s32 $0x27, v0;
	v1 =	vld [tilespmem:$0x68E0];
	_ =	sdelay $0x4  }
0x385: {  	[tilespmem:v2+s14+$0x0] =	vst.idx.msk $0xffff, v1  }
0x386: {  	[tilespmem:$0x1F0F0] =	vst v2;
	v2 =	vadd.s32 $0x8A7, v0;
	v1 =	vld [tilespmem:$0x68F0];
	_ =	sdelay $0x4  }
0x387: {  	[tilespmem:v2+s14+$0x0] =	vst.idx.msk $0xffff, v1  }
0x388: {  	[tilespmem:$0x1F100] =	vst v2;
	v2 =	vadd.s32 $0x28, v0;
	v1 =	vld [tilespmem:$0x6900];
	_ =	sdelay $0x4  }
0x389: {  	[tilespmem:v2+s14+$0x0] =	vst.idx.msk $0xffff, v1  }
0x38a: {  	[tilespmem:$0x1F110] =	vst v2;
	v2 =	vadd.s32 $0x8A8, v0;
	v1 =	vld [tilespmem:$0x6910];
	_ =	sdelay $0x4  }
0x38b: {  	[tilespmem:v2+s14+$0x0] =	vst.idx.msk $0xffff, v1  }
0x38c: {  	[tilespmem:$0x1F120] =	vst v2;
	v2 =	vadd.s32 $0x29, v0;
	v1 =	vld [tilespmem:$0x6920];
	_ =	sdelay $0x4  }
0x38d: {  	[tilespmem:v2+s14+$0x0] =	vst.idx.msk $0xffff, v1  }
0x38e: {  	[tilespmem:$0x1F130] =	vst v2;
	v2 =	vadd.s32 $0x8A9, v0;
	v1 =	vld [tilespmem:$0x6930];
	_ =	sdelay $0x4  }
0x38f: {  	[tilespmem:v2+s14+$0x0] =	vst.idx.msk $0xffff, v1  }
0x390: {  	[tilespmem:$0x1F140] =	vst v2;
	v2 =	vadd.s32 $0x2A, v0;
	v1 =	vld [tilespmem:$0x6940];
	_ =	sdelay $0x4  }
0x391: {  	[tilespmem:v2+s14+$0x0] =	vst.idx.msk $0xffff, v1  }
0x392: {  	[tilespmem:$0x1F150] =	vst v2;
	v2 =	vadd.s32 $0x8AA, v0;
	v1 =	vld [tilespmem:$0x6950];
	_ =	sdelay $0x4  }
0x393: {  	[tilespmem:v2+s14+$0x0] =	vst.idx.msk $0xffff, v1  }
0x394: {  	[tilespmem:$0x1F160] =	vst v2;
	v2 =	vadd.s32 $0x2B, v0;
	v1 =	vld [tilespmem:$0x6960];
	_ =	sdelay $0x4  }
0x395: {  	[tilespmem:v2+s14+$0x0] =	vst.idx.msk $0xffff, v1  }
0x396: {  	[tilespmem:$0x1F170] =	vst v2;
	v2 =	vadd.s32 $0x8AB, v0;
	v1 =	vld [tilespmem:$0x6970];
	_ =	sdelay $0x4  }
0x397: {  	[tilespmem:v2+s14+$0x0] =	vst.idx.msk $0xffff, v1  }
0x398: {  	[tilespmem:$0x1F180] =	vst v2;
	v2 =	vadd.s32 $0x2C, v0;
	v1 =	vld [tilespmem:$0x6980];
	_ =	sdelay $0x4  }
0x399: {  	[tilespmem:v2+s14+$0x0] =	vst.idx.msk $0xffff, v1  }
0x39a: {  	[tilespmem:$0x1F190] =	vst v2;
	v2 =	vadd.s32 $0x8AC, v0;
	v1 =	vld [tilespmem:$0x6990];
	_ =	sdelay $0x4  }
0x39b: {  	[tilespmem:v2+s14+$0x0] =	vst.idx.msk $0xffff, v1  }
0x39c: {  	[tilespmem:$0x1F1A0] =	vst v2;
	v2 =	vadd.s32 $0x2D, v0;
	v1 =	vld [tilespmem:$0x69A0];
	_ =	sdelay $0x4  }
0x39d: {  	[tilespmem:v2+s14+$0x0] =	vst.idx.msk $0xffff, v1  }
0x39e: {  	[tilespmem:$0x1F1B0] =	vst v2;
	v2 =	vadd.s32 $0x8AD, v0;
	v1 =	vld [tilespmem:$0x69B0];
	_ =	sdelay $0x4  }
0x39f: {  	[tilespmem:v2+s14+$0x0] =	vst.idx.msk $0xffff, v1  }
0x3a0: {  	[tilespmem:$0x1F1C0] =	vst v2;
	v2 =	vadd.s32 $0x2E, v0;
	v1 =	vld [tilespmem:$0x69C0];
	_ =	sdelay $0x4  }
0x3a1: {  	[tilespmem:v2+s14+$0x0] =	vst.idx.msk $0xffff, v1  }
0x3a2: {  	[tilespmem:$0x1F1D0] =	vst v2;
	v2 =	vadd.s32 $0x8AE, v0;
	v1 =	vld [tilespmem:$0x69D0];
	_ =	sdelay $0x4  }
0x3a3: {  	[tilespmem:v2+s14+$0x0] =	vst.idx.msk $0xffff, v1  }
0x3a4: {  	[tilespmem:$0x1F1E0] =	vst v2;
	v2 =	vadd.s32 $0x2F, v0;
	v1 =	vld [tilespmem:$0x69E0];
	_ =	sdelay $0x4  }
0x3a5: {  	[tilespmem:v2+s14+$0x0] =	vst.idx.msk $0xffff, v1  }
0x3a6: {  	[tilespmem:$0x1F1F0] =	vst v2;
	v2 =	vadd.s32 $0x8AF, v0;
	v1 =	vld [tilespmem:$0x69F0];
	_ =	sdelay $0x4  }
0x3a7: {  	[tilespmem:v2+s14+$0x0] =	vst.idx.msk $0xffff, v1  }
0x3a8: {  	[tilespmem:$0x1F200] =	vst v2;
	v2 =	vadd.s32 $0x30, v0;
	v1 =	vld [tilespmem:$0x6A00];
	_ =	sdelay $0x4  }
0x3a9: {  	[tilespmem:v2+s14+$0x0] =	vst.idx.msk $0xffff, v1  }
0x3aa: {  	[tilespmem:$0x1F210] =	vst v2;
	v2 =	vadd.s32 $0x8B0, v0;
	v1 =	vld [tilespmem:$0x6A10];
	_ =	sdelay $0x4  }
0x3ab: {  	[tilespmem:v2+s14+$0x0] =	vst.idx.msk $0xffff, v1  }
0x3ac: {  	[tilespmem:$0x1F220] =	vst v2;
	v2 =	vadd.s32 $0x31, v0;
	v1 =	vld [tilespmem:$0x6A20];
	_ =	sdelay $0x4  }
0x3ad: {  	[tilespmem:v2+s14+$0x0] =	vst.idx.msk $0xffff, v1  }
0x3ae: {  	[tilespmem:$0x1F230] =	vst v2;
	v2 =	vadd.s32 $0x8B1, v0;
	v1 =	vld [tilespmem:$0x6A30];
	_ =	sdelay $0x3  }
0x3af: {  	[tilespmem:$0x1F240] =	vst v2  }
0x3b0: {  	[tilespmem:v2+s14+$0x0] =	vst.idx.msk $0xffff, v1  }
0x3b1: {  	v2 =	vadd.s32 $0x32, v0;
	v1 =	vld [tilespmem:$0x6A40];
	_ =	sdelay $0x4  }
0x3b2: {  	[tilespmem:v2+s14+$0x0] =	vst.idx.msk $0xffff, v1  }
0x3b3: {  	[tilespmem:$0x1F250] =	vst v2;
	v2 =	vadd.s32 $0x8B2, v0;
	v1 =	vld [tilespmem:$0x6A50];
	_ =	sdelay $0x4  }
0x3b4: {  	[tilespmem:v2+s14+$0x0] =	vst.idx.msk $0xffff, v1  }
0x3b5: {  	[tilespmem:$0x1F260] =	vst v2;
	v2 =	vadd.s32 $0x33, v0;
	v1 =	vld [tilespmem:$0x6A60];
	_ =	sdelay $0x4  }
0x3b6: {  	[tilespmem:v2+s14+$0x0] =	vst.idx.msk $0xffff, v1  }
0x3b7: {  	[tilespmem:$0x1F270] =	vst v2;
	v2 =	vadd.s32 $0x8B3, v0;
	v1 =	vld [tilespmem:$0x6A70];
	_ =	sdelay $0x4  }
0x3b8: {  	[tilespmem:v2+s14+$0x0] =	vst.idx.msk $0xffff, v1  }
0x3b9: {  	[tilespmem:$0x1F280] =	vst v2;
	v2 =	vadd.s32 $0x34, v0;
	v1 =	vld [tilespmem:$0x6A80];
	_ =	sdelay $0x4  }
0x3ba: {  	[tilespmem:v2+s14+$0x0] =	vst.idx.msk $0xffff, v1  }
0x3bb: {  	[tilespmem:$0x1F290] =	vst v2;
	v2 =	vadd.s32 $0x8B4, v0;
	v1 =	vld [tilespmem:$0x6A90];
	_ =	sdelay $0x4  }
0x3bc: {  	[tilespmem:v2+s14+$0x0] =	vst.idx.msk $0xffff, v1  }
0x3bd: {  	[tilespmem:$0x1F2A0] =	vst v2;
	v2 =	vadd.s32 $0x35, v0;
	v1 =	vld [tilespmem:$0x6AA0];
	_ =	sdelay $0x4  }
0x3be: {  	[tilespmem:v2+s14+$0x0] =	vst.idx.msk $0xffff, v1  }
0x3bf: {  	[tilespmem:$0x1F2B0] =	vst v2;
	v2 =	vadd.s32 $0x8B5, v0;
	v1 =	vld [tilespmem:$0x6AB0];
	_ =	sdelay $0x4  }
0x3c0: {  	[tilespmem:v2+s14+$0x0] =	vst.idx.msk $0xffff, v1  }
0x3c1: {  	[tilespmem:$0x1F2C0] =	vst v2;
	v2 =	vadd.s32 $0x36, v0;
	v1 =	vld [tilespmem:$0x6AC0];
	_ =	sdelay $0x4  }
0x3c2: {  	[tilespmem:v2+s14+$0x0] =	vst.idx.msk $0xffff, v1  }
0x3c3: {  	[tilespmem:$0x1F2D0] =	vst v2;
	v2 =	vadd.s32 $0x8B6, v0;
	v1 =	vld [tilespmem:$0x6AD0];
	_ =	sdelay $0x4  }
0x3c4: {  	[tilespmem:v2+s14+$0x0] =	vst.idx.msk $0xffff, v1  }
0x3c5: {  	[tilespmem:$0x1F2E0] =	vst v2;
	v2 =	vadd.s32 $0x37, v0;
	v1 =	vld [tilespmem:$0x6AE0];
	_ =	sdelay $0x4  }
0x3c6: {  	[tilespmem:v2+s14+$0x0] =	vst.idx.msk $0xffff, v1  }
0x3c7: {  	[tilespmem:$0x1F2F0] =	vst v2;
	v2 =	vadd.s32 $0x8B7, v0;
	v1 =	vld [tilespmem:$0x6AF0];
	_ =	sdelay $0x4  }
0x3c8: {  	[tilespmem:v2+s14+$0x0] =	vst.idx.msk $0xffff, v1  }
0x3c9: {  	[tilespmem:$0x1F300] =	vst v2;
	v2 =	vadd.s32 $0x38, v0;
	v1 =	vld [tilespmem:$0x6B00];
	_ =	sdelay $0x4  }
0x3ca: {  	[tilespmem:v2+s14+$0x0] =	vst.idx.msk $0xffff, v1  }
0x3cb: {  	[tilespmem:$0x1F310] =	vst v2;
	v2 =	vadd.s32 $0x8B8, v0;
	v1 =	vld [tilespmem:$0x6B10];
	_ =	sdelay $0x4  }
0x3cc: {  	[tilespmem:v2+s14+$0x0] =	vst.idx.msk $0xffff, v1  }
0x3cd: {  	[tilespmem:$0x1F320] =	vst v2;
	v2 =	vadd.s32 $0x39, v0;
	v1 =	vld [tilespmem:$0x6B20];
	_ =	sdelay $0x4  }
0x3ce: {  	[tilespmem:v2+s14+$0x0] =	vst.idx.msk $0xffff, v1  }
0x3cf: {  	[tilespmem:$0x1F330] =	vst v2;
	v2 =	vadd.s32 $0x8B9, v0;
	v1 =	vld [tilespmem:$0x6B30];
	_ =	sdelay $0x4  }
0x3d0: {  	[tilespmem:v2+s14+$0x0] =	vst.idx.msk $0xffff, v1  }
0x3d1: {  	[tilespmem:$0x1F340] =	vst v2;
	v2 =	vadd.s32 $0x3A, v0;
	v1 =	vld [tilespmem:$0x6B40];
	_ =	sdelay $0x4  }
0x3d2: {  	[tilespmem:v2+s14+$0x0] =	vst.idx.msk $0xffff, v1  }
0x3d3: {  	[tilespmem:$0x1F350] =	vst v2;
	v2 =	vadd.s32 $0x8BA, v0;
	v1 =	vld [tilespmem:$0x6B50];
	_ =	sdelay $0x4  }
0x3d4: {  	[tilespmem:v2+s14+$0x0] =	vst.idx.msk $0xffff, v1  }
0x3d5: {  	[tilespmem:$0x1F360] =	vst v2;
	v2 =	vadd.s32 $0x3B, v0;
	v1 =	vld [tilespmem:$0x6B60];
	_ =	sdelay $0x4  }
0x3d6: {  	[tilespmem:v2+s14+$0x0] =	vst.idx.msk $0xffff, v1  }
0x3d7: {  	[tilespmem:$0x1F370] =	vst v2;
	v2 =	vadd.s32 $0x8BB, v0;
	v1 =	vld [tilespmem:$0x6B70];
	_ =	sdelay $0x4  }
0x3d8: {  	[tilespmem:v2+s14+$0x0] =	vst.idx.msk $0xffff, v1  }
0x3d9: {  	[tilespmem:$0x1F380] =	vst v2;
	v2 =	vadd.s32 $0x3C, v0;
	v1 =	vld [tilespmem:$0x6B80];
	_ =	sdelay $0x4  }
0x3da: {  	[tilespmem:v2+s14+$0x0] =	vst.idx.msk $0xffff, v1  }
0x3db: {  	[tilespmem:$0x1F390] =	vst v2;
	v2 =	vadd.s32 $0x8BC, v0;
	v1 =	vld [tilespmem:$0x6B90];
	_ =	sdelay $0x4  }
0x3dc: {  	[tilespmem:v2+s14+$0x0] =	vst.idx.msk $0xffff, v1  }
0x3dd: {  	[tilespmem:$0x1F3A0] =	vst v2;
	v2 =	vadd.s32 $0x3D, v0;
	v1 =	vld [tilespmem:$0x6BA0];
	_ =	sdelay $0x4  }
0x3de: {  	[tilespmem:v2+s14+$0x0] =	vst.idx.msk $0xffff, v1  }
0x3df: {  	[tilespmem:$0x1F3B0] =	vst v2;
	v2 =	vadd.s32 $0x8BD, v0;
	v1 =	vld [tilespmem:$0x6BB0];
	_ =	sdelay $0x4  }
0x3e0: {  	[tilespmem:v2+s14+$0x0] =	vst.idx.msk $0xffff, v1  }
0x3e1: {  	[tilespmem:$0x1F3C0] =	vst v2;
	v2 =	vadd.s32 $0x3E, v0;
	v1 =	vld [tilespmem:$0x6BC0];
	_ =	sdelay $0x4  }
0x3e2: {  	[tilespmem:v2+s14+$0x0] =	vst.idx.msk $0xffff, v1  }
0x3e3: {  	[tilespmem:$0x1F3D0] =	vst v2;
	v2 =	vadd.s32 $0x8BE, v0;
	v1 =	vld [tilespmem:$0x6BD0];
	_ =	sdelay $0x4  }
0x3e4: {  	[tilespmem:v2+s14+$0x0] =	vst.idx.msk $0xffff, v1  }
0x3e5: {  	[tilespmem:$0x1F3E0] =	vst v2;
	v2 =	vadd.s32 $0x3F, v0;
	v1 =	vld [tilespmem:$0x6BE0];
	_ =	sdelay $0x4  }
0x3e6: {  	[tilespmem:v2+s14+$0x0] =	vst.idx.msk $0xffff, v1  }
0x3e7: {  	[tilespmem:$0x1F3F0] =	vst v2;
	v2 =	vadd.s32 $0x8BF, v0;
	v1 =	vld [tilespmem:$0x6BF0];
	_ =	sdelay $0x4  }
0x3e8: {  	[tilespmem:v2+s14+$0x0] =	vst.idx.msk $0xffff, v1  }
0x3e9: {  	[tilespmem:$0x1F400] =	vst v2;
	v2 =	vadd.s32 $0x40, v0;
	v1 =	vld [tilespmem:$0x6C00];
	_ =	sdelay $0x4  }
0x3ea: {  	[tilespmem:v2+s14+$0x0] =	vst.idx.msk $0xffff, v1  }
0x3eb: {  	[tilespmem:$0x1F410] =	vst v2;
	v2 =	vadd.s32 $0x8C0, v0;
	v1 =	vld [tilespmem:$0x6C10];
	_ =	sdelay $0x4  }
0x3ec: {  	[tilespmem:v2+s14+$0x0] =	vst.idx.msk $0xffff, v1  }
0x3ed: {  	[tilespmem:$0x1F420] =	vst v2;
	v2 =	vadd.s32 $0x41, v0;
	v1 =	vld [tilespmem:$0x6C20];
	_ =	sdelay $0x4  }
0x3ee: {  	[tilespmem:v2+s14+$0x0] =	vst.idx.msk $0xffff, v1  }
0x3ef: {  	[tilespmem:$0x1F430] =	vst v2;
	v2 =	vadd.s32 $0x8C1, v0;
	v1 =	vld [tilespmem:$0x6C30];
	_ =	sdelay $0x4  }
0x3f0: {  	[tilespmem:v2+s14+$0x0] =	vst.idx.msk $0xffff, v1  }
0x3f1: {  	[tilespmem:$0x1F440] =	vst v2;
	v2 =	vadd.s32 $0x42, v0;
	v1 =	vld [tilespmem:$0x6C40];
	_ =	sdelay $0x4  }
0x3f2: {  	[tilespmem:v2+s14+$0x0] =	vst.idx.msk $0xffff, v1  }
0x3f3: {  	[tilespmem:$0x1F450] =	vst v2;
	v2 =	vadd.s32 $0x8C2, v0;
	v1 =	vld [tilespmem:$0x6C50];
	_ =	sdelay $0x4  }
0x3f4: {  	[tilespmem:v2+s14+$0x0] =	vst.idx.msk $0xffff, v1  }
0x3f5: {  	[tilespmem:$0x1F460] =	vst v2;
	v2 =	vadd.s32 $0x43, v0;
	v1 =	vld [tilespmem:$0x6C60];
	_ =	sdelay $0x4  }
0x3f6: {  	[tilespmem:v2+s14+$0x0] =	vst.idx.msk $0xffff, v1  }
0x3f7: {  	[tilespmem:$0x1F470] =	vst v2;
	v2 =	vadd.s32 $0x8C3, v0;
	v1 =	vld [tilespmem:$0x6C70];
	_ =	sdelay $0x4  }
0x3f8: {  	[tilespmem:v2+s14+$0x0] =	vst.idx.msk $0xffff, v1  }
0x3f9: {  	[tilespmem:$0x1F480] =	vst v2;
	v2 =	vadd.s32 $0x44, v0;
	v1 =	vld [tilespmem:$0x6C80];
	_ =	sdelay $0x4  }
0x3fa: {  	[tilespmem:v2+s14+$0x0] =	vst.idx.msk $0xffff, v1  }
0x3fb: {  	[tilespmem:$0x1F490] =	vst v2;
	v2 =	vadd.s32 $0x8C4, v0;
	v1 =	vld [tilespmem:$0x6C90];
	_ =	sdelay $0x4  }
0x3fc: {  	[tilespmem:v2+s14+$0x0] =	vst.idx.msk $0xffff, v1  }
0x3fd: {  	[tilespmem:$0x1F4A0] =	vst v2;
	v2 =	vadd.s32 $0x45, v0;
	v1 =	vld [tilespmem:$0x6CA0];
	_ =	sdelay $0x4  }
0x3fe: {  	[tilespmem:v2+s14+$0x0] =	vst.idx.msk $0xffff, v1  }
0x3ff: {  	[tilespmem:$0x1F4B0] =	vst v2;
	v2 =	vadd.s32 $0x8C5, v0;
	v1 =	vld [tilespmem:$0x6CB0];
	_ =	sdelay $0x4  }
0x400: {  	[tilespmem:v2+s14+$0x0] =	vst.idx.msk $0xffff, v1  }
0x401: {  	[tilespmem:$0x1F4C0] =	vst v2;
	v2 =	vadd.s32 $0x46, v0;
	v1 =	vld [tilespmem:$0x6CC0];
	_ =	sdelay $0x4  }
0x402: {  	[tilespmem:v2+s14+$0x0] =	vst.idx.msk $0xffff, v1  }
0x403: {  	[tilespmem:$0x1F4D0] =	vst v2;
	v2 =	vadd.s32 $0x8C6, v0;
	v1 =	vld [tilespmem:$0x6CD0];
	_ =	sdelay $0x4  }
0x404: {  	[tilespmem:v2+s14+$0x0] =	vst.idx.msk $0xffff, v1  }
0x405: {  	[tilespmem:$0x1F4E0] =	vst v2;
	v2 =	vadd.s32 $0x47, v0;
	v1 =	vld [tilespmem:$0x6CE0];
	_ =	sdelay $0x4  }
0x406: {  	[tilespmem:v2+s14+$0x0] =	vst.idx.msk $0xffff, v1  }
0x407: {  	[tilespmem:$0x1F4F0] =	vst v2;
	v2 =	vadd.s32 $0x8C7, v0;
	v1 =	vld [tilespmem:$0x6CF0];
	_ =	sdelay $0x4  }
0x408: {  	[tilespmem:v2+s14+$0x0] =	vst.idx.msk $0xffff, v1  }
0x409: {  	[tilespmem:$0x1F500] =	vst v2;
	v2 =	vadd.s32 $0x48, v0;
	v1 =	vld [tilespmem:$0x6D00];
	_ =	sdelay $0x4  }
0x40a: {  	[tilespmem:v2+s14+$0x0] =	vst.idx.msk $0xffff, v1  }
0x40b: {  	[tilespmem:$0x1F510] =	vst v2;
	v2 =	vadd.s32 $0x8C8, v0;
	v1 =	vld [tilespmem:$0x6D10];
	_ =	sdelay $0x4  }
0x40c: {  	[tilespmem:v2+s14+$0x0] =	vst.idx.msk $0xffff, v1  }
0x40d: {  	[tilespmem:$0x1F520] =	vst v2;
	v2 =	vadd.s32 $0x49, v0;
	v1 =	vld [tilespmem:$0x6D20];
	_ =	sdelay $0x4  }
0x40e: {  	[tilespmem:v2+s14+$0x0] =	vst.idx.msk $0xffff, v1  }
0x40f: {  	[tilespmem:$0x1F530] =	vst v2;
	v2 =	vadd.s32 $0x8C9, v0;
	v1 =	vld [tilespmem:$0x6D30];
	_ =	sdelay $0x4  }
0x410: {  	[tilespmem:v2+s14+$0x0] =	vst.idx.msk $0xffff, v1  }
0x411: {  	[tilespmem:$0x1F540] =	vst v2;
	v2 =	vadd.s32 $0x4A, v0;
	v1 =	vld [tilespmem:$0x6D40];
	_ =	sdelay $0x4  }
0x412: {  	[tilespmem:v2+s14+$0x0] =	vst.idx.msk $0xffff, v1  }
0x413: {  	[tilespmem:$0x1F550] =	vst v2;
	v2 =	vadd.s32 $0x8CA, v0;
	v1 =	vld [tilespmem:$0x6D50];
	_ =	sdelay $0x4  }
0x414: {  	[tilespmem:v2+s14+$0x0] =	vst.idx.msk $0xffff, v1  }
0x415: {  	[tilespmem:$0x1F560] =	vst v2;
	v2 =	vadd.s32 $0x4B, v0;
	v1 =	vld [tilespmem:$0x6D60];
	_ =	sdelay $0x4  }
0x416: {  	[tilespmem:v2+s14+$0x0] =	vst.idx.msk $0xffff, v1  }
0x417: {  	[tilespmem:$0x1F570] =	vst v2;
	v2 =	vadd.s32 $0x8CB, v0;
	v1 =	vld [tilespmem:$0x6D70];
	_ =	sdelay $0x4  }
0x418: {  	[tilespmem:v2+s14+$0x0] =	vst.idx.msk $0xffff, v1  }
0x419: {  	[tilespmem:$0x1F580] =	vst v2;
	v2 =	vadd.s32 $0x4C, v0;
	v1 =	vld [tilespmem:$0x6D80];
	_ =	sdelay $0x4  }
0x41a: {  	[tilespmem:v2+s14+$0x0] =	vst.idx.msk $0xffff, v1  }
0x41b: {  	[tilespmem:$0x1F590] =	vst v2;
	v2 =	vadd.s32 $0x8CC, v0;
	v1 =	vld [tilespmem:$0x6D90];
	_ =	sdelay $0x4  }
0x41c: {  	[tilespmem:v2+s14+$0x0] =	vst.idx.msk $0xffff, v1  }
0x41d: {  	[tilespmem:$0x1F5A0] =	vst v2;
	v2 =	vadd.s32 $0x4D, v0;
	v1 =	vld [tilespmem:$0x6DA0];
	_ =	sdelay $0x4  }
0x41e: {  	[tilespmem:v2+s14+$0x0] =	vst.idx.msk $0xffff, v1  }
0x41f: {  	[tilespmem:$0x1F5B0] =	vst v2;
	v2 =	vadd.s32 $0x8CD, v0;
	v1 =	vld [tilespmem:$0x6DB0];
	_ =	sdelay $0x4  }
0x420: {  	[tilespmem:v2+s14+$0x0] =	vst.idx.msk $0xffff, v1  }
0x421: {  	[tilespmem:$0x1F5C0] =	vst v2;
	v2 =	vadd.s32 $0x4E, v0;
	v1 =	vld [tilespmem:$0x6DC0];
	_ =	sdelay $0x4  }
0x422: {  	[tilespmem:v2+s14+$0x0] =	vst.idx.msk $0xffff, v1  }
0x423: {  	[tilespmem:$0x1F5D0] =	vst v2;
	v2 =	vadd.s32 $0x8CE, v0;
	v1 =	vld [tilespmem:$0x6DD0];
	_ =	sdelay $0x4  }
0x424: {  	[tilespmem:v2+s14+$0x0] =	vst.idx.msk $0xffff, v1  }
0x425: {  	[tilespmem:$0x1F5E0] =	vst v2;
	v2 =	vadd.s32 $0x4F, v0;
	v1 =	vld [tilespmem:$0x6DE0];
	_ =	sdelay $0x4  }
0x426: {  	[tilespmem:v2+s14+$0x0] =	vst.idx.msk $0xffff, v1  }
0x427: {  	[tilespmem:$0x1F5F0] =	vst v2;
	v2 =	vadd.s32 $0x8CF, v0;
	v1 =	vld [tilespmem:$0x6DF0];
	_ =	sdelay $0x4  }
0x428: {  	[tilespmem:v2+s14+$0x0] =	vst.idx.msk $0xffff, v1  }
0x429: {  	[tilespmem:$0x1F600] =	vst v2;
	v2 =	vadd.s32 $0x50, v0;
	v1 =	vld [tilespmem:$0x6E00];
	_ =	sdelay $0x4  }
0x42a: {  	[tilespmem:v2+s14+$0x0] =	vst.idx.msk $0xffff, v1  }
0x42b: {  	[tilespmem:$0x1F610] =	vst v2;
	v2 =	vadd.s32 $0x8D0, v0;
	v1 =	vld [tilespmem:$0x6E10];
	_ =	sdelay $0x4  }
0x42c: {  	[tilespmem:v2+s14+$0x0] =	vst.idx.msk $0xffff, v1  }
0x42d: {  	[tilespmem:$0x1F620] =	vst v2;
	v2 =	vadd.s32 $0x51, v0;
	v1 =	vld [tilespmem:$0x6E20];
	_ =	sdelay $0x4  }
0x42e: {  	[tilespmem:v2+s14+$0x0] =	vst.idx.msk $0xffff, v1  }
0x42f: {  	[tilespmem:$0x1F630] =	vst v2;
	v2 =	vadd.s32 $0x8D1, v0;
	v1 =	vld [tilespmem:$0x6E30];
	_ =	sdelay $0x4  }
0x430: {  	[tilespmem:v2+s14+$0x0] =	vst.idx.msk $0xffff, v1  }
0x431: {  	[tilespmem:$0x1F640] =	vst v2;
	v2 =	vadd.s32 $0x52, v0;
	v1 =	vld [tilespmem:$0x6E40];
	_ =	sdelay $0x4  }
0x432: {  	[tilespmem:v2+s14+$0x0] =	vst.idx.msk $0xffff, v1  }
0x433: {  	[tilespmem:$0x1F650] =	vst v2;
	v2 =	vadd.s32 $0x8D2, v0;
	v1 =	vld [tilespmem:$0x6E50];
	_ =	sdelay $0x4  }
0x434: {  	[tilespmem:v2+s14+$0x0] =	vst.idx.msk $0xffff, v1  }
0x435: {  	[tilespmem:$0x1F660] =	vst v2;
	v2 =	vadd.s32 $0x53, v0;
	v1 =	vld [tilespmem:$0x6E60];
	_ =	sdelay $0x4  }
0x436: {  	[tilespmem:v2+s14+$0x0] =	vst.idx.msk $0xffff, v1  }
0x437: {  	[tilespmem:$0x1F670] =	vst v2;
	v2 =	vadd.s32 $0x8D3, v0;
	v1 =	vld [tilespmem:$0x6E70];
	_ =	sdelay $0x4  }
0x438: {  	[tilespmem:v2+s14+$0x0] =	vst.idx.msk $0xffff, v1  }
0x439: {  	[tilespmem:$0x1F680] =	vst v2;
	v2 =	vadd.s32 $0x54, v0;
	v1 =	vld [tilespmem:$0x6E80];
	_ =	sdelay $0x4  }
0x43a: {  	[tilespmem:v2+s14+$0x0] =	vst.idx.msk $0xffff, v1  }
0x43b: {  	[tilespmem:$0x1F690] =	vst v2;
	v2 =	vadd.s32 $0x8D4, v0;
	v1 =	vld [tilespmem:$0x6E90];
	_ =	sdelay $0x4  }
0x43c: {  	[tilespmem:v2+s14+$0x0] =	vst.idx.msk $0xffff, v1  }
0x43d: {  	[tilespmem:$0x1F6A0] =	vst v2;
	v2 =	vadd.s32 $0x55, v0;
	v1 =	vld [tilespmem:$0x6EA0];
	_ =	sdelay $0x4  }
0x43e: {  	[tilespmem:v2+s14+$0x0] =	vst.idx.msk $0xffff, v1  }
0x43f: {  	[tilespmem:$0x1F6B0] =	vst v2;
	v2 =	vadd.s32 $0x8D5, v0;
	v1 =	vld [tilespmem:$0x6EB0];
	_ =	sdelay $0x4  }
0x440: {  	[tilespmem:v2+s14+$0x0] =	vst.idx.msk $0xffff, v1  }
0x441: {  	[tilespmem:$0x1F6C0] =	vst v2;
	v2 =	vadd.s32 $0x56, v0;
	v1 =	vld [tilespmem:$0x6EC0];
	_ =	sdelay $0x4  }
0x442: {  	[tilespmem:v2+s14+$0x0] =	vst.idx.msk $0xffff, v1  }
0x443: {  	[tilespmem:$0x1F6D0] =	vst v2;
	v2 =	vadd.s32 $0x8D6, v0;
	v1 =	vld [tilespmem:$0x6ED0];
	_ =	sdelay $0x4  }
0x444: {  	[tilespmem:v2+s14+$0x0] =	vst.idx.msk $0xffff, v1  }
0x445: {  	[tilespmem:$0x1F6E0] =	vst v2;
	v2 =	vadd.s32 $0x57, v0;
	v1 =	vld [tilespmem:$0x6EE0];
	_ =	sdelay $0x4  }
0x446: {  	[tilespmem:v2+s14+$0x0] =	vst.idx.msk $0xffff, v1  }
0x447: {  	[tilespmem:$0x1F6F0] =	vst v2;
	v2 =	vadd.s32 $0x8D7, v0;
	v1 =	vld [tilespmem:$0x6EF0];
	_ =	sdelay $0x4  }
0x448: {  	[tilespmem:v2+s14+$0x0] =	vst.idx.msk $0xffff, v1  }
0x449: {  	[tilespmem:$0x1F700] =	vst v2;
	v2 =	vadd.s32 $0x58, v0;
	v1 =	vld [tilespmem:$0x6F00];
	_ =	sdelay $0x4  }
0x44a: {  	[tilespmem:v2+s14+$0x0] =	vst.idx.msk $0xffff, v1  }
0x44b: {  	[tilespmem:$0x1F710] =	vst v2;
	v2 =	vadd.s32 $0x8D8, v0;
	v1 =	vld [tilespmem:$0x6F10];
	_ =	sdelay $0x4  }
0x44c: {  	[tilespmem:v2+s14+$0x0] =	vst.idx.msk $0xffff, v1  }
0x44d: {  	[tilespmem:$0x1F720] =	vst v2;
	v2 =	vadd.s32 $0x59, v0;
	v1 =	vld [tilespmem:$0x6F20];
	_ =	sdelay $0x4  }
0x44e: {  	[tilespmem:v2+s14+$0x0] =	vst.idx.msk $0xffff, v1  }
0x44f: {  	[tilespmem:$0x1F730] =	vst v2;
	v2 =	vadd.s32 $0x8D9, v0;
	v1 =	vld [tilespmem:$0x6F30];
	_ =	sdelay $0x4  }
0x450: {  	[tilespmem:v2+s14+$0x0] =	vst.idx.msk $0xffff, v1  }
0x451: {  	[tilespmem:$0x1F740] =	vst v2;
	v2 =	vadd.s32 $0x5A, v0;
	v1 =	vld [tilespmem:$0x6F40];
	_ =	sdelay $0x4  }
0x452: {  	[tilespmem:v2+s14+$0x0] =	vst.idx.msk $0xffff, v1  }
0x453: {  	[tilespmem:$0x1F750] =	vst v2;
	v2 =	vadd.s32 $0x8DA, v0;
	v1 =	vld [tilespmem:$0x6F50];
	_ =	sdelay $0x4  }
0x454: {  	[tilespmem:v2+s14+$0x0] =	vst.idx.msk $0xffff, v1  }
0x455: {  	[tilespmem:$0x1F760] =	vst v2;
	v2 =	vadd.s32 $0x5B, v0;
	v1 =	vld [tilespmem:$0x6F60];
	_ =	sdelay $0x4  }
0x456: {  	[tilespmem:v2+s14+$0x0] =	vst.idx.msk $0xffff, v1  }
0x457: {  	[tilespmem:$0x1F770] =	vst v2;
	v2 =	vadd.s32 $0x8DB, v0;
	v1 =	vld [tilespmem:$0x6F70];
	_ =	sdelay $0x4  }
0x458: {  	[tilespmem:v2+s14+$0x0] =	vst.idx.msk $0xffff, v1  }
0x459: {  	[tilespmem:$0x1F780] =	vst v2;
	v2 =	vadd.s32 $0x5C, v0;
	v1 =	vld [tilespmem:$0x6F80];
	_ =	sdelay $0x4  }
0x45a: {  	[tilespmem:v2+s14+$0x0] =	vst.idx.msk $0xffff, v1  }
0x45b: {  	[tilespmem:$0x1F790] =	vst v2;
	v2 =	vadd.s32 $0x8DC, v0;
	v1 =	vld [tilespmem:$0x6F90];
	_ =	sdelay $0x4  }
0x45c: {  	[tilespmem:v2+s14+$0x0] =	vst.idx.msk $0xffff, v1  }
0x45d: {  	[tilespmem:$0x1F7A0] =	vst v2;
	v2 =	vadd.s32 $0x5D, v0;
	v1 =	vld [tilespmem:$0x6FA0];
	_ =	sdelay $0x4  }
0x45e: {  	[tilespmem:v2+s14+$0x0] =	vst.idx.msk $0xffff, v1  }
0x45f: {  	[tilespmem:$0x1F7B0] =	vst v2;
	v2 =	vadd.s32 $0x8DD, v0;
	v1 =	vld [tilespmem:$0x6FB0];
	_ =	sdelay $0x4  }
0x460: {  	[tilespmem:v2+s14+$0x0] =	vst.idx.msk $0xffff, v1  }
0x461: {  	[tilespmem:$0x1F7C0] =	vst v2;
	v2 =	vadd.s32 $0x5E, v0;
	v1 =	vld [tilespmem:$0x6FC0];
	_ =	sdelay $0x4  }
0x462: {  	[tilespmem:v2+s14+$0x0] =	vst.idx.msk $0xffff, v1  }
0x463: {  	[tilespmem:$0x1F7D0] =	vst v2;
	v2 =	vadd.s32 $0x8DE, v0;
	v1 =	vld [tilespmem:$0x6FD0];
	_ =	sdelay $0x4  }
0x464: {  	[tilespmem:v2+s14+$0x0] =	vst.idx.msk $0xffff, v1  }
0x465: {  	[tilespmem:$0x1F7E0] =	vst v2;
	v2 =	vadd.s32 $0x5F, v0;
	v1 =	vld [tilespmem:$0x6FE0];
	_ =	sdelay $0x4  }
0x466: {  	[tilespmem:v2+s14+$0x0] =	vst.idx.msk $0xffff, v1  }
0x467: {  	[tilespmem:$0x1F7F0] =	vst v2;
	v2 =	vadd.s32 $0x8DF, v0;
	v1 =	vld [tilespmem:$0x6FF0];
	_ =	sdelay $0x4  }
0x468: {  	[tilespmem:v2+s14+$0x0] =	vst.idx.msk $0xffff, v1  }
0x469: {  	[tilespmem:$0x1F800] =	vst v2;
	v2 =	vadd.s32 $0x60, v0;
	v1 =	vld [tilespmem:$0x7000];
	_ =	sdelay $0x4  }
0x46a: {  	[tilespmem:v2+s14+$0x0] =	vst.idx.msk $0xffff, v1  }
0x46b: {  	[tilespmem:$0x1F810] =	vst v2;
	v2 =	vadd.s32 $0x8E0, v0;
	v1 =	vld [tilespmem:$0x7010];
	_ =	sdelay $0x4  }
0x46c: {  	[tilespmem:v2+s14+$0x0] =	vst.idx.msk $0xffff, v1  }
0x46d: {  	[tilespmem:$0x1F820] =	vst v2;
	v2 =	vadd.s32 $0x61, v0;
	v1 =	vld [tilespmem:$0x7020];
	_ =	sdelay $0x4  }
0x46e: {  	[tilespmem:v2+s14+$0x0] =	vst.idx.msk $0xffff, v1  }
0x46f: {  	[tilespmem:$0x1F830] =	vst v2;
	v2 =	vadd.s32 $0x8E1, v0;
	v1 =	vld [tilespmem:$0x7030];
	_ =	sdelay $0x4  }
0x470: {  	[tilespmem:v2+s14+$0x0] =	vst.idx.msk $0xffff, v1  }
0x471: {  	[tilespmem:$0x1F840] =	vst v2;
	v2 =	vadd.s32 $0x62, v0;
	v1 =	vld [tilespmem:$0x7040];
	_ =	sdelay $0x4  }
0x472: {  	[tilespmem:v2+s14+$0x0] =	vst.idx.msk $0xffff, v1  }
0x473: {  	[tilespmem:$0x1F850] =	vst v2;
	v2 =	vadd.s32 $0x8E2, v0;
	v1 =	vld [tilespmem:$0x7050];
	_ =	sdelay $0x4  }
0x474: {  	[tilespmem:v2+s14+$0x0] =	vst.idx.msk $0xffff, v1  }
0x475: {  	[tilespmem:$0x1F860] =	vst v2;
	v2 =	vadd.s32 $0x63, v0;
	v1 =	vld [tilespmem:$0x7060];
	_ =	sdelay $0x4  }
0x476: {  	[tilespmem:v2+s14+$0x0] =	vst.idx.msk $0xffff, v1  }
0x477: {  	[tilespmem:$0x1F870] =	vst v2;
	v2 =	vadd.s32 $0x8E3, v0;
	v1 =	vld [tilespmem:$0x7070];
	_ =	sdelay $0x4  }
0x478: {  	[tilespmem:v2+s14+$0x0] =	vst.idx.msk $0xffff, v1  }
0x479: {  	[tilespmem:$0x1F880] =	vst v2;
	v2 =	vadd.s32 $0x64, v0;
	v1 =	vld [tilespmem:$0x7080];
	_ =	sdelay $0x4  }
0x47a: {  	[tilespmem:v2+s14+$0x0] =	vst.idx.msk $0xffff, v1  }
0x47b: {  	[tilespmem:$0x1F890] =	vst v2;
	v2 =	vadd.s32 $0x8E4, v0;
	v1 =	vld [tilespmem:$0x7090];
	_ =	sdelay $0x4  }
0x47c: {  	[tilespmem:v2+s14+$0x0] =	vst.idx.msk $0xffff, v1  }
0x47d: {  	[tilespmem:$0x1F8A0] =	vst v2;
	v2 =	vadd.s32 $0x65, v0;
	v1 =	vld [tilespmem:$0x70A0];
	_ =	sdelay $0x4  }
0x47e: {  	[tilespmem:v2+s14+$0x0] =	vst.idx.msk $0xffff, v1  }
0x47f: {  	[tilespmem:$0x1F8B0] =	vst v2;
	v2 =	vadd.s32 $0x8E5, v0;
	v1 =	vld [tilespmem:$0x70B0];
	_ =	sdelay $0x4  }
0x480: {  	[tilespmem:v2+s14+$0x0] =	vst.idx.msk $0xffff, v1  }
0x481: {  	[tilespmem:$0x1F8C0] =	vst v2;
	v2 =	vadd.s32 $0x66, v0;
	v1 =	vld [tilespmem:$0x70C0];
	_ =	sdelay $0x4  }
0x482: {  	[tilespmem:v2+s14+$0x0] =	vst.idx.msk $0xffff, v1  }
0x483: {  	[tilespmem:$0x1F8D0] =	vst v2;
	v2 =	vadd.s32 $0x8E6, v0;
	v1 =	vld [tilespmem:$0x70D0];
	_ =	sdelay $0x4  }
0x484: {  	[tilespmem:v2+s14+$0x0] =	vst.idx.msk $0xffff, v1  }
0x485: {  	[tilespmem:$0x1F8E0] =	vst v2;
	v2 =	vadd.s32 $0x67, v0;
	v1 =	vld [tilespmem:$0x70E0];
	_ =	sdelay $0x4  }
0x486: {  	[tilespmem:v2+s14+$0x0] =	vst.idx.msk $0xffff, v1  }
0x487: {  	[tilespmem:$0x1F8F0] =	vst v2;
	v2 =	vadd.s32 $0x8E7, v0;
	v1 =	vld [tilespmem:$0x70F0];
	_ =	sdelay $0x4  }
0x488: {  	[tilespmem:v2+s14+$0x0] =	vst.idx.msk $0xffff, v1  }
0x489: {  	[tilespmem:$0x1F900] =	vst v2;
	v2 =	vadd.s32 $0x68, v0;
	v1 =	vld [tilespmem:$0x7100];
	_ =	sdelay $0x4  }
0x48a: {  	[tilespmem:v2+s14+$0x0] =	vst.idx.msk $0xffff, v1  }
0x48b: {  	[tilespmem:$0x1F910] =	vst v2;
	v2 =	vadd.s32 $0x8E8, v0;
	v1 =	vld [tilespmem:$0x7110];
	_ =	sdelay $0x4  }
0x48c: {  	[tilespmem:v2+s14+$0x0] =	vst.idx.msk $0xffff, v1  }
0x48d: {  	[tilespmem:$0x1F920] =	vst v2;
	v2 =	vadd.s32 $0x69, v0;
	v1 =	vld [tilespmem:$0x7120];
	_ =	sdelay $0x4  }
0x48e: {  	[tilespmem:v2+s14+$0x0] =	vst.idx.msk $0xffff, v1  }
0x48f: {  	[tilespmem:$0x1F930] =	vst v2;
	v2 =	vadd.s32 $0x8E9, v0;
	v1 =	vld [tilespmem:$0x7130];
	_ =	sdelay $0x4  }
0x490: {  	[tilespmem:v2+s14+$0x0] =	vst.idx.msk $0xffff, v1  }
0x491: {  	[tilespmem:$0x1F940] =	vst v2;
	v2 =	vadd.s32 $0x6A, v0;
	v1 =	vld [tilespmem:$0x7140];
	_ =	sdelay $0x4  }
0x492: {  	[tilespmem:v2+s14+$0x0] =	vst.idx.msk $0xffff, v1  }
0x493: {  	[tilespmem:$0x1F950] =	vst v2;
	v2 =	vadd.s32 $0x8EA, v0;
	v1 =	vld [tilespmem:$0x7150];
	_ =	sdelay $0x4  }
0x494: {  	[tilespmem:v2+s14+$0x0] =	vst.idx.msk $0xffff, v1  }
0x495: {  	[tilespmem:$0x1F960] =	vst v2;
	v2 =	vadd.s32 $0x6B, v0;
	v1 =	vld [tilespmem:$0x7160];
	_ =	sdelay $0x4  }
0x496: {  	[tilespmem:v2+s14+$0x0] =	vst.idx.msk $0xffff, v1  }
0x497: {  	[tilespmem:$0x1F970] =	vst v2;
	v2 =	vadd.s32 $0x8EB, v0;
	v1 =	vld [tilespmem:$0x7170];
	_ =	sdelay $0x4  }
0x498: {  	[tilespmem:v2+s14+$0x0] =	vst.idx.msk $0xffff, v1  }
0x499: {  	[tilespmem:$0x1F980] =	vst v2;
	v2 =	vadd.s32 $0x6C, v0;
	v1 =	vld [tilespmem:$0x7180];
	_ =	sdelay $0x4  }
0x49a: {  	[tilespmem:v2+s14+$0x0] =	vst.idx.msk $0xffff, v1  }
0x49b: {  	[tilespmem:$0x1F990] =	vst v2;
	v2 =	vadd.s32 $0x8EC, v0;
	v1 =	vld [tilespmem:$0x7190];
	_ =	sdelay $0x4  }
0x49c: {  	[tilespmem:v2+s14+$0x0] =	vst.idx.msk $0xffff, v1  }
0x49d: {  	[tilespmem:$0x1F9A0] =	vst v2;
	v2 =	vadd.s32 $0x6D, v0;
	v1 =	vld [tilespmem:$0x71A0];
	_ =	sdelay $0x4  }
0x49e: {  	[tilespmem:v2+s14+$0x0] =	vst.idx.msk $0xffff, v1  }
0x49f: {  	[tilespmem:$0x1F9B0] =	vst v2;
	v2 =	vadd.s32 $0x8ED, v0;
	v1 =	vld [tilespmem:$0x71B0];
	_ =	sdelay $0x4  }
0x4a0: {  	[tilespmem:v2+s14+$0x0] =	vst.idx.msk $0xffff, v1  }
0x4a1: {  	[tilespmem:$0x1F9C0] =	vst v2;
	v2 =	vadd.s32 $0x6E, v0;
	v1 =	vld [tilespmem:$0x71C0];
	_ =	sdelay $0x4  }
0x4a2: {  	[tilespmem:v2+s14+$0x0] =	vst.idx.msk $0xffff, v1  }
0x4a3: {  	[tilespmem:$0x1F9D0] =	vst v2;
	v2 =	vadd.s32 $0x8EE, v0;
	v1 =	vld [tilespmem:$0x71D0];
	_ =	sdelay $0x4  }
0x4a4: {  	[tilespmem:v2+s14+$0x0] =	vst.idx.msk $0xffff, v1  }
0x4a5: {  	[tilespmem:$0x1F9E0] =	vst v2;
	v2 =	vadd.s32 $0x6F, v0;
	v1 =	vld [tilespmem:$0x71E0];
	_ =	sdelay $0x4  }
0x4a6: {  	[tilespmem:v2+s14+$0x0] =	vst.idx.msk $0xffff, v1  }
0x4a7: {  	[tilespmem:$0x1F9F0] =	vst v2;
	v2 =	vadd.s32 $0x8EF, v0;
	v1 =	vld [tilespmem:$0x71F0];
	_ =	sdelay $0x4  }
0x4a8: {  	[tilespmem:v2+s14+$0x0] =	vst.idx.msk $0xffff, v1  }
0x4a9: {  	[tilespmem:$0x1FA00] =	vst v2;
	v2 =	vadd.s32 $0x70, v0;
	v1 =	vld [tilespmem:$0x7200];
	_ =	sdelay $0x4  }
0x4aa: {  	[tilespmem:v2+s14+$0x0] =	vst.idx.msk $0xffff, v1  }
0x4ab: {  	[tilespmem:$0x1FA10] =	vst v2;
	v2 =	vadd.s32 $0x8F0, v0;
	v1 =	vld [tilespmem:$0x7210];
	_ =	sdelay $0x4  }
0x4ac: {  	[tilespmem:v2+s14+$0x0] =	vst.idx.msk $0xffff, v1  }
0x4ad: {  	[tilespmem:$0x1FA20] =	vst v2;
	v2 =	vadd.s32 $0x71, v0;
	v1 =	vld [tilespmem:$0x7220];
	_ =	sdelay $0x4  }
0x4ae: {  	[tilespmem:v2+s14+$0x0] =	vst.idx.msk $0xffff, v1  }
0x4af: {  	[tilespmem:$0x1FA30] =	vst v2;
	v2 =	vadd.s32 $0x8F1, v0;
	v1 =	vld [tilespmem:$0x7230];
	_ =	sdelay $0x4  }
0x4b0: {  	[tilespmem:v2+s14+$0x0] =	vst.idx.msk $0xffff, v1  }
0x4b1: {  	[tilespmem:$0x1FA40] =	vst v2;
	v2 =	vadd.s32 $0x72, v0;
	v1 =	vld [tilespmem:$0x7240];
	_ =	sdelay $0x4  }
0x4b2: {  	[tilespmem:v2+s14+$0x0] =	vst.idx.msk $0xffff, v1  }
0x4b3: {  	[tilespmem:$0x1FA50] =	vst v2;
	v2 =	vadd.s32 $0x8F2, v0;
	v1 =	vld [tilespmem:$0x7250];
	_ =	sdelay $0x4  }
0x4b4: {  	[tilespmem:v2+s14+$0x0] =	vst.idx.msk $0xffff, v1  }
0x4b5: {  	[tilespmem:$0x1FA60] =	vst v2;
	v2 =	vadd.s32 $0x73, v0;
	v1 =	vld [tilespmem:$0x7260];
	_ =	sdelay $0x4  }
0x4b6: {  	[tilespmem:v2+s14+$0x0] =	vst.idx.msk $0xffff, v1  }
0x4b7: {  	[tilespmem:$0x1FA70] =	vst v2;
	v2 =	vadd.s32 $0x8F3, v0;
	v1 =	vld [tilespmem:$0x7270];
	_ =	sdelay $0x4  }
0x4b8: {  	[tilespmem:v2+s14+$0x0] =	vst.idx.msk $0xffff, v1  }
0x4b9: {  	[tilespmem:$0x1FA80] =	vst v2;
	v2 =	vadd.s32 $0x74, v0;
	v1 =	vld [tilespmem:$0x7280];
	_ =	sdelay $0x4  }
0x4ba: {  	[tilespmem:v2+s14+$0x0] =	vst.idx.msk $0xffff, v1  }
0x4bb: {  	[tilespmem:$0x1FA90] =	vst v2;
	v2 =	vadd.s32 $0x8F4, v0;
	v1 =	vld [tilespmem:$0x7290];
	_ =	sdelay $0x4  }
0x4bc: {  	[tilespmem:v2+s14+$0x0] =	vst.idx.msk $0xffff, v1  }
0x4bd: {  	[tilespmem:$0x1FAA0] =	vst v2;
	v2 =	vadd.s32 $0x75, v0;
	v1 =	vld [tilespmem:$0x72A0];
	_ =	sdelay $0x4  }
0x4be: {  	[tilespmem:v2+s14+$0x0] =	vst.idx.msk $0xffff, v1  }
0x4bf: {  	[tilespmem:$0x1FAB0] =	vst v2;
	v2 =	vadd.s32 $0x8F5, v0;
	v1 =	vld [tilespmem:$0x72B0];
	_ =	sdelay $0x4  }
0x4c0: {  	[tilespmem:v2+s14+$0x0] =	vst.idx.msk $0xffff, v1  }
0x4c1: {  	[tilespmem:$0x1FAC0] =	vst v2;
	v2 =	vadd.s32 $0x76, v0;
	v1 =	vld [tilespmem:$0x72C0];
	_ =	sdelay $0x4  }
0x4c2: {  	[tilespmem:v2+s14+$0x0] =	vst.idx.msk $0xffff, v1  }
0x4c3: {  	[tilespmem:$0x1FAD0] =	vst v2;
	v2 =	vadd.s32 $0x8F6, v0;
	v1 =	vld [tilespmem:$0x72D0];
	_ =	sdelay $0x4  }
0x4c4: {  	[tilespmem:v2+s14+$0x0] =	vst.idx.msk $0xffff, v1  }
0x4c5: {  	[tilespmem:$0x1FAE0] =	vst v2;
	v2 =	vadd.s32 $0x77, v0;
	v1 =	vld [tilespmem:$0x72E0];
	_ =	sdelay $0x4  }
0x4c6: {  	[tilespmem:v2+s14+$0x0] =	vst.idx.msk $0xffff, v1  }
0x4c7: {  	[tilespmem:$0x1FAF0] =	vst v2;
	v2 =	vadd.s32 $0x8F7, v0;
	v1 =	vld [tilespmem:$0x72F0];
	_ =	sdelay $0x4  }
0x4c8: {  	[tilespmem:v2+s14+$0x0] =	vst.idx.msk $0xffff, v1  }
0x4c9: {  	[tilespmem:$0x1FB00] =	vst v2;
	v2 =	vadd.s32 $0x78, v0;
	v1 =	vld [tilespmem:$0x7300];
	_ =	sdelay $0x4  }
0x4ca: {  	[tilespmem:v2+s14+$0x0] =	vst.idx.msk $0xffff, v1  }
0x4cb: {  	[tilespmem:$0x1FB10] =	vst v2;
	v2 =	vadd.s32 $0x8F8, v0;
	v1 =	vld [tilespmem:$0x7310];
	_ =	sdelay $0x4  }
0x4cc: {  	[tilespmem:v2+s14+$0x0] =	vst.idx.msk $0xffff, v1  }
0x4cd: {  	[tilespmem:$0x1FB20] =	vst v2;
	v2 =	vadd.s32 $0x79, v0;
	v1 =	vld [tilespmem:$0x7320];
	_ =	sdelay $0x4  }
0x4ce: {  	[tilespmem:v2+s14+$0x0] =	vst.idx.msk $0xffff, v1  }
0x4cf: {  	[tilespmem:$0x1FB30] =	vst v2;
	v2 =	vadd.s32 $0x8F9, v0;
	v1 =	vld [tilespmem:$0x7330];
	_ =	sdelay $0x4  }
0x4d0: {  	[tilespmem:v2+s14+$0x0] =	vst.idx.msk $0xffff, v1  }
0x4d1: {  	[tilespmem:$0x1FB40] =	vst v2;
	v2 =	vadd.s32 $0x7A, v0;
	v1 =	vld [tilespmem:$0x7340];
	_ =	sdelay $0x4  }
0x4d2: {  	[tilespmem:v2+s14+$0x0] =	vst.idx.msk $0xffff, v1  }
0x4d3: {  	[tilespmem:$0x1FB50] =	vst v2;
	v2 =	vadd.s32 $0x8FA, v0;
	v1 =	vld [tilespmem:$0x7350];
	_ =	sdelay $0x4  }
0x4d4: {  	[tilespmem:v2+s14+$0x0] =	vst.idx.msk $0xffff, v1  }
0x4d5: {  	[tilespmem:$0x1FB60] =	vst v2;
	v2 =	vadd.s32 $0x7B, v0;
	v1 =	vld [tilespmem:$0x7360];
	_ =	sdelay $0x4  }
0x4d6: {  	[tilespmem:v2+s14+$0x0] =	vst.idx.msk $0xffff, v1  }
0x4d7: {  	[tilespmem:$0x1FB70] =	vst v2;
	v2 =	vadd.s32 $0x8FB, v0;
	v1 =	vld [tilespmem:$0x7370];
	_ =	sdelay $0x4  }
0x4d8: {  	[tilespmem:v2+s14+$0x0] =	vst.idx.msk $0xffff, v1  }
0x4d9: {  	[tilespmem:$0x1FB80] =	vst v2;
	v2 =	vadd.s32 $0x7C, v0;
	v1 =	vld [tilespmem:$0x7380];
	_ =	sdelay $0x4  }
0x4da: {  	[tilespmem:v2+s14+$0x0] =	vst.idx.msk $0xffff, v1  }
0x4db: {  	[tilespmem:$0x1FB90] =	vst v2;
	v2 =	vadd.s32 $0x8FC, v0;
	v1 =	vld [tilespmem:$0x7390];
	_ =	sdelay $0x4  }
0x4dc: {  	[tilespmem:v2+s14+$0x0] =	vst.idx.msk $0xffff, v1  }
0x4dd: {  	[tilespmem:$0x1FBA0] =	vst v2;
	v2 =	vadd.s32 $0x7D, v0;
	v1 =	vld [tilespmem:$0x73A0];
	_ =	sdelay $0x4  }
0x4de: {  	[tilespmem:v2+s14+$0x0] =	vst.idx.msk $0xffff, v1  }
0x4df: {  	[tilespmem:$0x1FBB0] =	vst v2;
	v2 =	vadd.s32 $0x8FD, v0;
	v1 =	vld [tilespmem:$0x73B0];
	_ =	sdelay $0x4  }
0x4e0: {  	[tilespmem:v2+s14+$0x0] =	vst.idx.msk $0xffff, v1  }
0x4e1: {  	[tilespmem:$0x1FBC0] =	vst v2;
	v2 =	vadd.s32 $0x7E, v0;
	v1 =	vld [tilespmem:$0x73C0];
	_ =	sdelay $0x4  }
0x4e2: {  	[tilespmem:v2+s14+$0x0] =	vst.idx.msk $0xffff, v1  }
0x4e3: {  	[tilespmem:$0x1FBD0] =	vst v2;
	v1 =	vadd.s32 $0x8FE, v0;
	v2 =	vld [tilespmem:$0x73D0];
	_ =	sdelay $0x4  }
0x4e4: {  	[tilespmem:v1+s14+$0x0] =	vst.idx.msk $0xffff, v2  }
0x4e5: {  	[tilespmem:$0x1FBE0] =	vst v1;
	v1 =	vadd.s32 $0x7F, v0;
	v3 =	vld [tilespmem:$0x73E0];
	_ =	sdelay $0x4  }
0x4e6: {  	[tilespmem:v1+s14+$0x0] =	vst.idx.msk $0xffff, v3  }
0x4e7: {  	[tilespmem:$0x1FBF0] =	vst v1;
	v1 =	vadd.s32 $0x8FF, v0;
	v63 =	vld [tilespmem:$0x73F0];
	_ =	sdelay $0x4  }
0x4e8: {  	[tilespmem:v1+s14+$0x0] =	vst.idx.msk $0xffff, v63  }
0x4e9: {  	[hbm4b:s1+s2] =	stream.linear.scatter [tilespmem:s14], [sflag:$0x4], $0x80, $0x38;
	[tilespmem:$0xA600] =	vst v63  }
0x4ea: {  	s6 =	simm.s32 $0x8488;
	s5 =	sadd.s32 $0x10, s1  }
0x4eb: {  	[hbm4b:s5+s2] =	stream.linear.scatter [tilespmem:s6], [sflag:$0x4], $0x80, $0x38;
	[tilespmem:$0xA600] =	vst v63  }
0x4ec: {  	s5 =	sadd.s32 $0x20, s1;
	s6 =	simm.s32 $0x8510  }
0x4ed: {  	[hbm4b:s5+s2] =	stream.linear.scatter [tilespmem:s6], [sflag:$0x4], $0x80, $0x38;
	[tilespmem:$0xA600] =	vst v63  }
0x4ee: {  	s5 =	sadd.s32 $0x30, s1;
	s6 =	simm.s32 $0x8598  }
0x4ef: {  	[hbm4b:s5+s2] =	stream.linear.scatter [tilespmem:s6], [sflag:$0x4], $0x80, $0x38;
	[tilespmem:$0xA600] =	vst v63  }
0x4f0: {  	s5 =	sadd.s32 $0x40, s1;
	s6 =	simm.s32 $0x8620  }
0x4f1: {  	[hbm4b:s5+s2] =	stream.linear.scatter [tilespmem:s6], [sflag:$0x4], $0x80, $0x38;
	[tilespmem:$0xA600] =	vst v63  }
0x4f2: {  	s5 =	sadd.s32 $0x50, s1;
	s6 =	simm.s32 $0x86A8  }
0x4f3: {  	[hbm4b:s5+s2] =	stream.linear.scatter [tilespmem:s6], [sflag:$0x4], $0x80, $0x38;
	[tilespmem:$0xA600] =	vst v63  }
0x4f4: {  	s5 =	sadd.s32 $0x60, s1;
	s6 =	simm.s32 $0x8730  }
0x4f5: {  	[hbm4b:s5+s2] =	stream.linear.scatter [tilespmem:s6], [sflag:$0x4], $0x80, $0x38;
	[tilespmem:$0xA600] =	vst v63  }
0x4f6: {  	s5 =	sadd.s32 $0x70, s1;
	s6 =	simm.s32 $0x87B8  }
0x4f7: {  	[hbm4b:s5+s2] =	stream.linear.scatter [tilespmem:s6], [sflag:$0x4], $0x80, $0x38;
	[tilespmem:$0xA600] =	vst v63  }
0x4f8: {  	s5 =	sadd.s32 $0x1000, s1;
	s6 =	simm.s32 $0x8840  }
0x4f9: {  	[hbm4b:s5+s2] =	stream.linear.scatter [tilespmem:s6], [sflag:$0x4], $0x80, $0x38;
	[tilespmem:$0xA600] =	vst v63  }
0x4fa: {  	s5 =	sadd.s32 $0x1010, s1;
	s6 =	simm.s32 $0x88C8  }
0x4fb: {  	[hbm4b:s5+s2] =	stream.linear.scatter [tilespmem:s6], [sflag:$0x4], $0x80, $0x38;
	[tilespmem:$0xA600] =	vst v63  }
0x4fc: {  	s5 =	sadd.s32 $0x1020, s1;
	s6 =	simm.s32 $0x8950  }
0x4fd: {  	[hbm4b:s5+s2] =	stream.linear.scatter [tilespmem:s6], [sflag:$0x4], $0x80, $0x38;
	[tilespmem:$0xA600] =	vst v63  }
0x4fe: {  	s5 =	sadd.s32 $0x1030, s1;
	s6 =	simm.s32 $0x89D8  }
0x4ff: {  	[hbm4b:s5+s2] =	stream.linear.scatter [tilespmem:s6], [sflag:$0x4], $0x80, $0x38;
	[tilespmem:$0xA600] =	vst v63  }
0x500: {  	s5 =	sadd.s32 $0x1040, s1;
	s6 =	simm.s32 $0x8A60  }
0x501: {  	[hbm4b:s5+s2] =	stream.linear.scatter [tilespmem:s6], [sflag:$0x4], $0x80, $0x38;
	[tilespmem:$0xA600] =	vst v63  }
0x502: {  	s5 =	sadd.s32 $0x1050, s1;
	s6 =	simm.s32 $0x8AE8  }
0x503: {  	[hbm4b:s5+s2] =	stream.linear.scatter [tilespmem:s6], [sflag:$0x4], $0x80, $0x38;
	[tilespmem:$0xA600] =	vst v63  }
0x504: {  	s5 =	sadd.s32 $0x1060, s1;
	s6 =	simm.s32 $0x8B70  }
0x505: {  	[hbm4b:s5+s2] =	stream.linear.scatter [tilespmem:s6], [sflag:$0x4], $0x80, $0x38;
	[tilespmem:$0xA600] =	vst v63  }
0x506: {  	s5 =	sadd.s32 $0x1070, s1;
	s6 =	simm.s32 $0x8BF8  }
0x507: {  	[hbm4b:s5+s2] =	stream.linear.scatter [tilespmem:s6], [sflag:$0x4], $0x80, $0x38;
	[tilespmem:$0xA600] =	vst v63  }
0x508: {  	s5 =	sadd.s32 $0x2000, s1;
	s6 =	simm.s32 $0x8C80  }
0x509: {  	[hbm4b:s5+s2] =	stream.linear.scatter [tilespmem:s6], [sflag:$0x4], $0x80, $0x38;
	[tilespmem:$0xA600] =	vst v63  }
0x50a: {  	s5 =	sadd.s32 $0x2010, s1;
	s6 =	simm.s32 $0x8D08  }
0x50b: {  	[hbm4b:s5+s2] =	stream.linear.scatter [tilespmem:s6], [sflag:$0x4], $0x80, $0x38;
	[tilespmem:$0xA600] =	vst v63  }
0x50c: {  	s5 =	sadd.s32 $0x2020, s1;
	s6 =	simm.s32 $0x8D90  }
0x50d: {  	[hbm4b:s5+s2] =	stream.linear.scatter [tilespmem:s6], [sflag:$0x4], $0x80, $0x38;
	[tilespmem:$0xA600] =	vst v63  }
0x50e: {  	s5 =	sadd.s32 $0x2030, s1;
	s6 =	simm.s32 $0x8E18  }
0x50f: {  	[hbm4b:s5+s2] =	stream.linear.scatter [tilespmem:s6], [sflag:$0x4], $0x80, $0x38;
	[tilespmem:$0xA600] =	vst v63  }
0x510: {  	s5 =	sadd.s32 $0x2040, s1;
	s6 =	simm.s32 $0x8EA0  }
0x511: {  	[hbm4b:s5+s2] =	stream.linear.scatter [tilespmem:s6], [sflag:$0x4], $0x80, $0x38;
	[tilespmem:$0xA600] =	vst v63  }
0x512: {  	s5 =	sadd.s32 $0x2050, s1;
	s6 =	simm.s32 $0x8F28  }
0x513: {  	[hbm4b:s5+s2] =	stream.linear.scatter [tilespmem:s6], [sflag:$0x4], $0x80, $0x38;
	[tilespmem:$0xA600] =	vst v63  }
0x514: {  	s5 =	sadd.s32 $0x2060, s1;
	s6 =	simm.s32 $0x8FB0  }
0x515: {  	[hbm4b:s5+s2] =	stream.linear.scatter [tilespmem:s6], [sflag:$0x4], $0x80, $0x38;
	[tilespmem:$0xA600] =	vst v63  }
0x516: {  	s5 =	sadd.s32 $0x2070, s1;
	s6 =	simm.s32 $0x9038  }
0x517: {  	[hbm4b:s5+s2] =	stream.linear.scatter [tilespmem:s6], [sflag:$0x4], $0x80, $0x38;
	[tilespmem:$0xA600] =	vst v63  }
0x518: {  	s5 =	sadd.s32 $0x3000, s1;
	s6 =	simm.s32 $0x90C0  }
0x519: {  	[hbm4b:s5+s2] =	stream.linear.scatter [tilespmem:s6], [sflag:$0x4], $0x80, $0x38;
	[tilespmem:$0xA600] =	vst v63  }
0x51a: {  	s5 =	sadd.s32 $0x3010, s1;
	s6 =	simm.s32 $0x9148  }
0x51b: {  	[hbm4b:s5+s2] =	stream.linear.scatter [tilespmem:s6], [sflag:$0x4], $0x80, $0x38;
	[tilespmem:$0xA600] =	vst v63  }
0x51c: {  	s5 =	sadd.s32 $0x3020, s1;
	s6 =	simm.s32 $0x91D0  }
0x51d: {  	[hbm4b:s5+s2] =	stream.linear.scatter [tilespmem:s6], [sflag:$0x4], $0x80, $0x38;
	[tilespmem:$0xA600] =	vst v63  }
0x51e: {  	s5 =	sadd.s32 $0x3030, s1;
	s6 =	simm.s32 $0x9258  }
0x51f: {  	[hbm4b:s5+s2] =	stream.linear.scatter [tilespmem:s6], [sflag:$0x4], $0x80, $0x38;
	[tilespmem:$0xA600] =	vst v63  }
0x520: {  	s5 =	sadd.s32 $0x3040, s1;
	s6 =	simm.s32 $0x92E0  }
0x521: {  	[hbm4b:s5+s2] =	stream.linear.scatter [tilespmem:s6], [sflag:$0x4], $0x80, $0x38;
	[tilespmem:$0xA600] =	vst v63  }
0x522: {  	p1 =	sne.s32 s9, $0x18C00;
	s5 =	sadd.s32 $0x3050, s1;
	s6 =	simm.s32 $0x9368  }
0x523: {  	[hbm4b:s5+s2] =	stream.linear.scatter [tilespmem:s6], [sflag:$0x4], $0x80, $0x38;
	[tilespmem:$0xA600] =	vst v63  }
.Ltmp4:
0x524: {  	_ = 	snop;
	(pc) =	sbr.rel @!p1 .LBB2_3-.Ltmp4, $4  }
0x525: {  	s5 =	sadd.s32 $0x3060, s1;
	s6 =	simm.s32 $0x93F0  }
0x526: {  	[hbm4b:s5+s2] =	stream.linear.scatter [tilespmem:s6], [sflag:$0x4], $0x80, $0x38;
	[tilespmem:$0xA600] =	vst v63  }
0x527: {  	[tilespmem:$0x1FC00] =	vst v1;
	s5 =	sadd.s32 $0x3070, s1;
	s6 =	simm.s32 $0x9478  }
0x528: {  	[hbm4b:s5+s2] =	stream.linear.scatter [tilespmem:s6], [sflag:$0x4], $0x80, $0x38;
	[tilespmem:$0xA600] =	vst v63  }
0x529: {  	s4 =	sadd.s32 $0x100, s4;
	s5 =	simm.s32 $0x6400  }
0x52a: {  	[tilespmem:s5], [sflag:$0x2] =	stream.indirect.gather [hbm4b:s3+s8], $0x20, s4, s8, $0xb8;
	[tilespmem:$0xA600] =	vst v63  }
.Ltmp5:
0x52b: {  	_ = 	snop;
	(pc) =	sbr.rel @!p0 .LBB2_5-.Ltmp5, $4  }
.Ltmp6:
0x52c: {  	_ = 	snop;
	(pc) =	sbr.rel @p0 .LBB2_6-.Ltmp6, $4  }
0x52d: {  	_ =	swait.ge [sflag:s20], $0x1000  }
0x52e: {  	[sflag:s20] =	ssyncset.done $0x0  }
0x52f: {  	[sflag:s20] =	ssyncadd.s32 $0xFFFFF000  }
0x530: {  	_ = 	snop  }
.LBB2_8:
0x531: {  	_ =	sfence.sel $0x180000  }
0x532: {  	[bflag:$0x0] =	sbarrier.arrive $0xFFFF  }
0x533: {  	_ =	strace $0x90000047  }
0x534: {  	s0 =	stileid.u32;
	[bflag:$0x2] =	sbarrier.arrive $0xFFFF  }
0x535: {  	p0 =	sne.s32 s0, $0x0;
	s0 =	rddreg [dreg:$0x2]  }
0x536: {  	s0 =	sadd.s32 @!p0 $0x100000, s0  }
0x537: {  	[sflag:s0] =	ssyncadd.tile.s32 @!p0 $0x1;
	_ =	shalt  }
.Lfunc_end2:
_tile_overlayer_lowered:
.L_overlay_start_2:
0x538: {  	(tag) =	ssettag $0x2  }
0x539: {  	s0 =	rddreg [dreg:$0x0];
	s2 =	stileid.u32  }
0x53a: {  	s1 =	rddreg [dreg:$0x1];
	p0 =	sne.s32 s2, $0x0  }
0x53b: {  	s3 =	rddreg [dreg:$0x2];
	[bflag:$0x3] =	sbarrier.arrive $0xFFFF;
	s2 =	simm.s32 @!p0 $0x1C06  }
0x53c: {  	[timem:s3], [sflag:s2] =	dma.local @!p0 [hbm:s0], s1  }
0x53d: {  	s0 =	simm.s32 @!p0 $0x6  }
0x53e: {  	_ =	swait.ge @!p0 [sflag:s0], s1  }
0x53f: {  	s1 =	ssub.s32 @!p0 $0x0, s1;
	[sflag:s0] =	ssyncset.done @!p0 $0x0  }
0x540: {  	[sflag:s0] =	ssyncadd.s32 @!p0 s1  }
0x541: {  	[bflag:$0x3] =	sbarrier.arrive $0xFFFF  }
0x542: {  	_ =	shalt  }

</sc_bundles>
